<compile_context>
chip_gen: v7x
topology: tpu7x:2x2x1
jax: 0.10.2.dev20260603
libtpu: 0.0.44.dev20260713+nightly
codegen_flags: <defaults>
</compile_context>

<pallas_src>
import jax
import jax.numpy as jnp
import numpy as np
from jax import lax
from jax.experimental import pallas as pl
from jax.experimental.pallas import tpu as pltpu
from jax.experimental.pallas import tpu_sc as plsc

N_NODES = 10000
NP = 10240
D_FEAT = 128
C = 16
E = 320000
CH = 128
NCH = 2560
RPS = NP // 16
K = 8

HOP_SPLIT = (88, 72)
DEG_SPLIT = (104, 56)

FR = N_NODES * C // 128
FP = NP * C // 128



def _make_deg_body(cnt0, cnt1):
    cmax = max(cnt0, cnt1)
    nr = cmax // K

    def body(e_hbm, ones_hbm, zeros_hbm, d_hbm, dst_v, obuf, acc, ssem):
        c = lax.axis_index("c")
        s = lax.axis_index("s")
        base = jnp.where(c == 0, s * cnt0, 16 * cnt0 + s * cnt1)
        nrc = jnp.where(c == 0, cnt0 // K, cnt1 // K)
        d1 = pltpu.async_copy(e_hbm.at[1, pl.ds(base, cmax)], dst_v, ssem)
        d2 = pltpu.async_copy(ones_hbm, obuf, ssem)
        d3 = pltpu.async_copy(zeros_hbm, acc.at[pl.ds(s * RPS, RPS)], ssem)
        d1.wait()
        d2.wait()
        d3.wait()
        plsc.subcore_barrier()

        def rnd(r, carry):
            @pl.when(r < nrc)
            def _():
                for m in range(K):
                    pltpu.async_copy(obuf, acc.at[dst_v.at[r * K + m]],
                                     ssem, add=True)

            @pl.when((r >= 1) & (r <= nrc))
            def _():
                for m in range(K):
                    pltpu.make_async_copy(ones_hbm, obuf, ssem).wait()
            return carry

        lax.fori_loop(0, nr, rnd, 0)

        @pl.when(nrc == nr)
        def _():
            for m in range(K):
                pltpu.make_async_copy(ones_hbm, obuf, ssem).wait()
        plsc.subcore_barrier()
        pltpu.sync_copy(acc.at[pl.ds(s * RPS, RPS)],
                        d_hbm.at[c, pl.ds(s * RPS, RPS)])

    return body


def _make_hop_body(cnt0, cnt1):
    cmax = max(cnt0, cnt1)
    nr = cmax // K

    def body(t_hbm, e_hbm, zeros_hbm, p_hbm, src_v, dst_v, gbuf, acc, tspm,
             gsem, ssem):
        c = lax.axis_index("c")
        s = lax.axis_index("s")
        base = jnp.where(c == 0, s * cnt0, 16 * cnt0 + s * cnt1)
        nrc = jnp.where(c == 0, cnt0 // K, cnt1 // K)
        d1 = pltpu.async_copy(e_hbm.at[0, pl.ds(base, cmax)], src_v, gsem)
        d2 = pltpu.async_copy(e_hbm.at[1, pl.ds(base, cmax)], dst_v, gsem)
        d3 = pltpu.async_copy(zeros_hbm, acc.at[pl.ds(s * RPS, RPS)], ssem)
        d4 = pltpu.async_copy(t_hbm.at[pl.ds(s * RPS, RPS)],
                              tspm.at[pl.ds(s * RPS, RPS)], ssem)
        d1.wait()
        d2.wait()
        d3.wait()
        d4.wait()
        plsc.subcore_barrier()

        for m in range(K):
            pltpu.async_copy(tspm.at[src_v.at[m]], gbuf.at[m], gsem)

        def rnd(r, carry):
            off = lax.rem(r, 2) * K
            noff = K - off

            @pl.when((r >= 1) & (r <= nrc))
            def _():
                for m in range(K):
                    pltpu.make_async_copy(zeros_hbm.at[pl.ds(0, CH)],
                                          gbuf.at[0], ssem).wait()

            @pl.when(r + 1 < nrc)
            def _():
                for m in range(K):
                    pltpu.async_copy(tspm.at[src_v.at[(r + 1) * K + m]],
                                     gbuf.at[noff + m], gsem)

            @pl.when(r < nrc)
            def _():
                for m in range(K):
                    pltpu.make_async_copy(zeros_hbm.at[pl.ds(0, CH)],
                                          gbuf.at[0], gsem).wait()
                    pltpu.async_copy(gbuf.at[off + m],
                                     acc.at[dst_v.at[r * K + m]],
                                     ssem, add=True)
            return carry

        lax.fori_loop(0, nr, rnd, 0)

        @pl.when(nrc == nr)
        def _():
            for m in range(K):
                pltpu.make_async_copy(zeros_hbm.at[pl.ds(0, CH)],
                                      gbuf.at[0], ssem).wait()
        plsc.subcore_barrier()
        pltpu.sync_copy(acc.at[pl.ds(s * RPS, RPS)],
                        p_hbm.at[c, pl.ds(s * RPS, RPS)])

    return body


_SC_PARAMS = pltpu.CompilerParams(use_tc_tiling_on_sc=False)


def _sc_deg(edges, ones_in, zeros_in):
    mesh = plsc.VectorSubcoreMesh(core_axis_name="c", subcore_axis_name="s")
    cmax = max(DEG_SPLIT)
    fn = pl.kernel(
        _make_deg_body(*DEG_SPLIT),
        out_type=jax.ShapeDtypeStruct((2, NP, C), jnp.float32),
        mesh=mesh,
        compiler_params=_SC_PARAMS,
        scratch_types=[
            pltpu.VMEM((cmax, CH), jnp.int32),
            pltpu.VMEM((CH, C), jnp.float32),
            pltpu.VMEM_SHARED((NP, C), jnp.float32),
            pltpu.SemaphoreType.DMA,
        ],
    )
    return fn(edges, ones_in, zeros_in)


def _sc_hop(t, edges, zeros_in):
    mesh = plsc.VectorSubcoreMesh(core_axis_name="c", subcore_axis_name="s")
    cmax = max(HOP_SPLIT)
    fn = pl.kernel(
        _make_hop_body(*HOP_SPLIT),
        out_type=jax.ShapeDtypeStruct((2, NP, C), jnp.float32),
        mesh=mesh,
        compiler_params=_SC_PARAMS,
        scratch_types=[
            pltpu.VMEM((cmax, CH), jnp.int32),
            pltpu.VMEM((cmax, CH), jnp.int32),
            pltpu.VMEM((2 * K, CH, C), jnp.float32),
            pltpu.VMEM_SHARED((NP, C), jnp.float32),
            pltpu.VMEM_SHARED((NP, C), jnp.float32),
            pltpu.SemaphoreType.DMA,
            pltpu.SemaphoreType.DMA,
        ],
    )
    return fn(t, edges, zeros_in)



def _tc_mm_kbody(xp_ref, wb_ref, z_ref):
    z_ref[...] = lax.dot_general(xp_ref[...], wb_ref[...],
                                 (((1,), (0,)), ((), ())),
                                 preferred_element_type=jnp.float32)


def _tc_mm(xp, wb):
    return pl.pallas_call(
        _tc_mm_kbody,
        out_shape=jax.ShapeDtypeStruct((FR, 128), jnp.float32),
    )(xp, wb)


def _tc1_kbody(z_ref, d_ref, t1_ref, dv_ref):
    deg = d_ref[0, :FR, :] + d_ref[1, :FR, :] + 1.0
    dv = lax.rsqrt(deg)
    zero_tail = jnp.zeros((FP - FR, 128), jnp.float32)
    dv_ref[:FR, :] = dv
    dv_ref[FR:, :] = zero_tail
    t1_ref[:FR, :] = dv * z_ref[...]
    t1_ref[FR:, :] = zero_tail


def _tc1(z, dpacked):
    return pl.pallas_call(
        _tc1_kbody,
        out_shape=[
            jax.ShapeDtypeStruct((FP, 128), jnp.float32),
            jax.ShapeDtypeStruct((FP, 128), jnp.float32),
        ],
    )(z, dpacked)


def _tc2_kbody(p_ref, t1_ref, dv_ref, o_ref):
    dv = dv_ref[...]
    o_ref[...] = dv * dv * (p_ref[0] + p_ref[1] + t1_ref[...])


def _tc2(p, t1p, dvp):
    return pl.pallas_call(
        _tc2_kbody,
        out_shape=jax.ShapeDtypeStruct((FP, 128), jnp.float32),
    )(p, t1p, dvp)


def _tc3_kbody(q_ref, t3_ref, dv_ref, b_ref, o_ref):
    o_ref[...] = (dv_ref[:FR, :]
                  * (q_ref[0, :FR, :] + q_ref[1, :FR, :] + t3_ref[:FR, :])
                  + b_ref[...])


def _tc3(q, t3p, dvp, bt):
    return pl.pallas_call(
        _tc3_kbody,
        out_shape=jax.ShapeDtypeStruct((FR, 128), jnp.float32),
    )(q, t3p, dvp, bt)



def kernel(x, edge_index, W, b):
    ei32 = edge_index.astype(jnp.int32)
    pad = jnp.full((2, NCH * CH - E), N_NODES, jnp.int32)
    edges = jnp.concatenate([ei32, pad], axis=1).reshape(2, NCH, CH)
    ones_in = np.ones((CH, C), np.float32)
    zeros_in = np.zeros((RPS, C), np.float32)

    xp = x.reshape(FR, 8 * D_FEAT)
    wb = jnp.kron(jnp.eye(8, dtype=jnp.float32), W.T)
    bt = jnp.tile(b, 8).reshape(1, 128)

    dparts = _sc_deg(edges, ones_in, zeros_in)
    zf = _tc_mm(xp, wb)
    t1f, dvf = _tc1(zf, dparts.reshape(2, FP, 128))
    p = _sc_hop(t1f.reshape(NP, C), edges, zeros_in)
    t3f = _tc2(p.reshape(2, FP, 128), t1f, dvf)
    q = _sc_hop(t3f.reshape(NP, C), edges, zeros_in)
    outf = _tc3(q.reshape(2, FP, 128), t3f, dvf, bt)
    return outf.reshape(N_NODES, C)

# --- scband reference (transcript-rebuilt; emitter-appended) ---
"""Pipeline reference for scband-sgc-61795989455225 (READ-ONLY COPY).

The authoritative reference and input builder live on the scoring server;
editing this copy changes nothing except your own understanding.
"""

import jax, jax.numpy as jnp
import numpy as np

N_NODES = 10000
N_EDGES = 320000
D_FEAT = 128
N_CLASSES = 16
K_HOPS = 2


def setup_inputs(seed: int = 0) -> dict:
    key = jax.random.key(seed)
    k1, k2, k3, k4 = jax.random.split(key, 4)
    x = jax.random.normal(k1, (N_NODES, D_FEAT), dtype=jnp.float32)
    edge_index = jax.random.randint(k2, (2, N_EDGES), 0, N_NODES, dtype=jnp.int64)
    # Linear layer params of SGConv (out = x_prop @ W.T + b), glorot-style init
    limit = float(np.sqrt(6.0 / (D_FEAT + N_CLASSES)))
    W = jax.random.uniform(k3, (N_CLASSES, D_FEAT), dtype=jnp.float32, minval=-limit, maxval=limit)
    b = jnp.zeros((N_CLASSES,), dtype=jnp.float32)
    return {"x": x, "edge_index": edge_index, "W": W, "b": b}


def reference(x, edge_index, W, b):
    # SGConv with K=2, cached gcn_norm (symmetric normalization with self-loops),
    # followed by a single linear layer. Dropout is not applied in forward
    # (the original module never calls F.dropout in forward).
    N = x.shape[0]
    src = edge_index[0]
    dst = edge_index[1]
    # add self-loops (gcn_norm default: add_self_loops=True, fill_value=1)
    loop = jnp.arange(N, dtype=edge_index.dtype)
    src = jnp.concatenate([src, loop])
    dst = jnp.concatenate([dst, loop])
    ones = jnp.ones(src.shape[0], dtype=x.dtype)
    deg = jnp.zeros((N,), dtype=x.dtype).at[dst].add(ones)
    deg_inv_sqrt = jnp.where(deg > 0, jax.lax.rsqrt(deg), 0.0)
    norm = deg_inv_sqrt[src] * deg_inv_sqrt[dst]
    h = x
    for _ in range(K_HOPS):
        msg = norm[:, None] * h[src]              # gather + scale
        h = jnp.zeros_like(h).at[dst].add(msg)    # scatter-add aggregation
    out = h @ W.T + b
    return out

if __name__ == "__main__":
    import jax
    _d = setup_inputs()
    print(jax.jit(kernel)(*tuple(_d.values())))

</pallas_src>

<mosaic_0001>
#map = affine_map<(d0, d1) -> (0, 0, 0)>
#map1 = affine_map<(d0, d1) -> (0, 0)>
module attributes {stable_mosaic.version = 14 : i64} {
  func.func @body(%arg0: i32, %arg1: i32, %arg2: memref<2x2560x128xi32, #tpu.memory_space<hbm>>, %arg3: memref<128x16xf32, #tpu.memory_space<hbm>>, %arg4: memref<640x16xf32, #tpu.memory_space<hbm>>, %arg5: memref<2x10240x16xf32, #tpu.memory_space<hbm>>, %arg6: memref<104x128xi32, #tpu.memory_space<vmem>>, %arg7: memref<128x16xf32, #tpu.memory_space<vmem>>, %arg8: memref<10240x16xf32, #tpu.memory_space<vmem_shared>>, %arg9: memref<!tpu.dma_semaphore, #tpu.memory_space<semaphore_mem>>) attributes {dimension_semantics = [#tpu.dimension_semantics<core_parallel>, #tpu.dimension_semantics<subcore_parallel>], iteration_bounds = array<i64: 2, 16>, scalar_prefetch = 0 : i64, scratch_operands = 4 : i64, tpu.core_type = #tpu.core_type<sc_vector_subcore>, window_params = [{transform_indices = #map}, {transform_indices = #map1}, {transform_indices = #map1}, {transform_indices = #map}]} {
    %eq3A = arith.constant 0 : i32
    %eq3A_0 = arith.cmpi eq, %arg0, %eq3A : i32
    %mul3A = arith.constant 104 : i32
    %mul3A_1 = arith.muli %arg1, %mul3A : i32
    %mul3A_2 = arith.constant 56 : i32
    %mul3A_3 = arith.muli %arg1, %mul3A_2 : i32
    %add3A = arith.constant 1664 : i32
    %add3A_4 = arith.addi %add3A, %mul3A_3 : i32
    %select_n3A = arith.select %eq3A_0, %mul3A_1, %add3A_4 : i32
    %eq3A_5 = arith.constant 0 : i32
    %eq3A_6 = arith.cmpi eq, %arg0, %eq3A_5 : i32
    %jit3A = arith.constant 13 : i32
    %jit3A_7 = arith.constant 7 : i32
    %select_n3A_8 = arith.select %eq3A_6, %jit3A, %jit3A_7 : i32
    %dma_start3A = arith.constant 1 : i32
    %dma_start3A_9 = arith.constant 0 : i32
    %dma_start3A_10 = tpu.memref_slice %arg2[%dma_start3A, %select_n3A, %dma_start3A_9] : memref<2x2560x128xi32, #tpu.memory_space<hbm>> -> memref<1x104x128xi32, #tpu.memory_space<hbm>>
    %dma_start3A_11 = tpu.memref_squeeze %dma_start3A_10 : memref<1x104x128xi32, #tpu.memory_space<hbm>> -> memref<104x128xi32, #tpu.memory_space<hbm>>
    %dma_start3A_12 = arith.constant 0 : i32
    %dma_start3A_13 = tpu.memref_slice %arg2[%dma_start3A, %select_n3A, %dma_start3A_12] : memref<2x2560x128xi32, #tpu.memory_space<hbm>> -> memref<1x104x128xi32, #tpu.memory_space<hbm>>
    %dma_start3A_14 = tpu.memref_squeeze %dma_start3A_13 : memref<1x104x128xi32, #tpu.memory_space<hbm>> -> memref<104x128xi32, #tpu.memory_space<hbm>>
    tpu.enqueue_dma source(%dma_start3A_14 : memref<104x128xi32, #tpu.memory_space<hbm>>) target(%arg6 : memref<104x128xi32, #tpu.memory_space<vmem>>) target_semaphore(%arg9 : memref<!tpu.dma_semaphore, #tpu.memory_space<semaphore_mem>>)
    tpu.enqueue_dma source(%arg3 : memref<128x16xf32, #tpu.memory_space<hbm>>) target(%arg7 : memref<128x16xf32, #tpu.memory_space<vmem>>) target_semaphore(%arg9 : memref<!tpu.dma_semaphore, #tpu.memory_space<semaphore_mem>>)
    %mul3A_15 = arith.constant 640 : i32
    %mul3A_16 = arith.muli %arg1, %mul3A_15 : i32
    %dma_start3A_17 = arith.constant 0 : i32
    %dma_start3A_18 = tpu.memref_slice %arg8[%mul3A_16, %dma_start3A_17] : memref<10240x16xf32, #tpu.memory_space<vmem_shared>> -> memref<640x16xf32, #tpu.memory_space<vmem_shared>>
    tpu.enqueue_dma source(%arg4 : memref<640x16xf32, #tpu.memory_space<hbm>>) target(%dma_start3A_18 : memref<640x16xf32, #tpu.memory_space<vmem_shared>>) target_semaphore(%arg9 : memref<!tpu.dma_semaphore, #tpu.memory_space<semaphore_mem>>)
    %dma_wait3A = arith.constant 1 : i32
    %dma_wait3A_19 = arith.constant 0 : i32
    %dma_wait3A_20 = tpu.memref_slice %arg2[%dma_wait3A, %select_n3A, %dma_wait3A_19] : memref<2x2560x128xi32, #tpu.memory_space<hbm>> -> memref<1x104x128xi32, #tpu.memory_space<hbm>>
    %dma_wait3A_21 = tpu.memref_squeeze %dma_wait3A_20 : memref<1x104x128xi32, #tpu.memory_space<hbm>> -> memref<104x128xi32, #tpu.memory_space<hbm>>
    %dma_wait3A_22 = arith.constant 0 : i32
    %dma_wait3A_23 = tpu.memref_slice %arg2[%dma_wait3A, %select_n3A, %dma_wait3A_22] : memref<2x2560x128xi32, #tpu.memory_space<hbm>> -> memref<1x104x128xi32, #tpu.memory_space<hbm>>
    %dma_wait3A_24 = tpu.memref_squeeze %dma_wait3A_23 : memref<1x104x128xi32, #tpu.memory_space<hbm>> -> memref<104x128xi32, #tpu.memory_space<hbm>>
    tpu.wait_dma2 semaphore(%arg9 : memref<!tpu.dma_semaphore, #tpu.memory_space<semaphore_mem>>) src(%dma_wait3A_24 : memref<104x128xi32, #tpu.memory_space<hbm>>) dst(%arg6 : memref<104x128xi32, #tpu.memory_space<vmem>>)
    tpu.wait_dma2 semaphore(%arg9 : memref<!tpu.dma_semaphore, #tpu.memory_space<semaphore_mem>>) src(%arg3 : memref<128x16xf32, #tpu.memory_space<hbm>>) dst(%arg7 : memref<128x16xf32, #tpu.memory_space<vmem>>)
    %dma_wait3A_25 = arith.constant 0 : i32
    %dma_wait3A_26 = tpu.memref_slice %arg8[%mul3A_16, %dma_wait3A_25] : memref<10240x16xf32, #tpu.memory_space<vmem_shared>> -> memref<640x16xf32, #tpu.memory_space<vmem_shared>>
    tpu.wait_dma2 semaphore(%arg9 : memref<!tpu.dma_semaphore, #tpu.memory_space<semaphore_mem>>) src(%arg4 : memref<640x16xf32, #tpu.memory_space<hbm>>) dst(%dma_wait3A_26 : memref<640x16xf32, #tpu.memory_space<vmem_shared>>)
    %barrier3A = arith.constant 0 : index
    tpu.barrier barrier_id(%barrier3A)
    %scan3A = arith.constant 0 : i32
    %scan3A_27 = arith.constant 0 : i32
    %scan3A_28 = arith.constant 13 : i32
    %scan3A_29 = arith.addi %scan3A_27, %scan3A_28 : i32
    %scan3A_30 = arith.constant 1 : i32
    scf.for %scan3A_40 = %scan3A_27 to %scan3A_29 step %scan3A_30  : i32 {
      %lt3A = arith.cmpi slt, %scan3A_40, %select_n3A_8 : i32
      %convert_element_type3A_41 = arith.extui %lt3A : i1 to i32
      %cond3A_42 = arith.constant 0 : i32
      %cond3A_43 = arith.cmpi ne, %convert_element_type3A_41, %cond3A_42 : i32
      scf.if %cond3A_43 {
        %mul3A_48 = arith.constant 8 : i32
        %mul3A_49 = arith.muli %scan3A_40, %mul3A_48 : i32
        %add3A_50 = arith.constant 0 : i32
        %add3A_51 = arith.addi %mul3A_49, %add3A_50 : i32
        %dma_start3A_52 = arith.constant 0 : i32
        %dma_start3A_53 = tpu.memref_slice %arg6[%add3A_51, %dma_start3A_52] : memref<104x128xi32, #tpu.memory_space<vmem>> -> memref<1x128xi32, #tpu.memory_space<vmem>>
        %dma_start3A_54 = tpu.memref_squeeze %dma_start3A_53 : memref<1x128xi32, #tpu.memory_space<vmem>> -> memref<128xi32, #tpu.memory_space<vmem>>
        %dma_start3A_55 = arith.constant 0 : i32
        %dma_start3A_56 = arith.constant 0 : i32
        %dma_start3A_57 = tpu.memref_slice %arg8[%dma_start3A_55, %dma_start3A_56] : memref<10240x16xf32, #tpu.memory_space<vmem_shared>> -> memref<10240x16xf32, #tpu.memory_space<vmem_shared>>
        tpu.enqueue_indirect_dma source(%arg7 : memref<128x16xf32, #tpu.memory_space<vmem>>) target(%dma_start3A_57 : memref<10240x16xf32, #tpu.memory_space<vmem_shared>>) offsets(%dma_start3A_54 : memref<128xi32, #tpu.memory_space<vmem>>) semaphore(%arg9 : memref<!tpu.dma_semaphore, #tpu.memory_space<semaphore_mem>>) {add = true}
        %mul3A_58 = arith.constant 8 : i32
        %mul3A_59 = arith.muli %scan3A_40, %mul3A_58 : i32
        %add3A_60 = arith.constant 1 : i32
        %add3A_61 = arith.addi %mul3A_59, %add3A_60 : i32
        %dma_start3A_62 = arith.constant 0 : i32
        %dma_start3A_63 = tpu.memref_slice %arg6[%add3A_61, %dma_start3A_62] : memref<104x128xi32, #tpu.memory_space<vmem>> -> memref<1x128xi32, #tpu.memory_space<vmem>>
        %dma_start3A_64 = tpu.memref_squeeze %dma_start3A_63 : memref<1x128xi32, #tpu.memory_space<vmem>> -> memref<128xi32, #tpu.memory_space<vmem>>
        %dma_start3A_65 = arith.constant 0 : i32
        %dma_start3A_66 = arith.constant 0 : i32
        %dma_start3A_67 = tpu.memref_slice %arg8[%dma_start3A_65, %dma_start3A_66] : memref<10240x16xf32, #tpu.memory_space<vmem_shared>> -> memref<10240x16xf32, #tpu.memory_space<vmem_shared>>
        tpu.enqueue_indirect_dma source(%arg7 : memref<128x16xf32, #tpu.memory_space<vmem>>) target(%dma_start3A_67 : memref<10240x16xf32, #tpu.memory_space<vmem_shared>>) offsets(%dma_start3A_64 : memref<128xi32, #tpu.memory_space<vmem>>) semaphore(%arg9 : memref<!tpu.dma_semaphore, #tpu.memory_space<semaphore_mem>>) {add = true}
        %mul3A_68 = arith.constant 8 : i32
        %mul3A_69 = arith.muli %scan3A_40, %mul3A_68 : i32
        %add3A_70 = arith.constant 2 : i32
        %add3A_71 = arith.addi %mul3A_69, %add3A_70 : i32
        %dma_start3A_72 = arith.constant 0 : i32
        %dma_start3A_73 = tpu.memref_slice %arg6[%add3A_71, %dma_start3A_72] : memref<104x128xi32, #tpu.memory_space<vmem>> -> memref<1x128xi32, #tpu.memory_space<vmem>>
        %dma_start3A_74 = tpu.memref_squeeze %dma_start3A_73 : memref<1x128xi32, #tpu.memory_space<vmem>> -> memref<128xi32, #tpu.memory_space<vmem>>
        %dma_start3A_75 = arith.constant 0 : i32
        %dma_start3A_76 = arith.constant 0 : i32
        %dma_start3A_77 = tpu.memref_slice %arg8[%dma_start3A_75, %dma_start3A_76] : memref<10240x16xf32, #tpu.memory_space<vmem_shared>> -> memref<10240x16xf32, #tpu.memory_space<vmem_shared>>
        tpu.enqueue_indirect_dma source(%arg7 : memref<128x16xf32, #tpu.memory_space<vmem>>) target(%dma_start3A_77 : memref<10240x16xf32, #tpu.memory_space<vmem_shared>>) offsets(%dma_start3A_74 : memref<128xi32, #tpu.memory_space<vmem>>) semaphore(%arg9 : memref<!tpu.dma_semaphore, #tpu.memory_space<semaphore_mem>>) {add = true}
        %mul3A_78 = arith.constant 8 : i32
        %mul3A_79 = arith.muli %scan3A_40, %mul3A_78 : i32
        %add3A_80 = arith.constant 3 : i32
        %add3A_81 = arith.addi %mul3A_79, %add3A_80 : i32
        %dma_start3A_82 = arith.constant 0 : i32
        %dma_start3A_83 = tpu.memref_slice %arg6[%add3A_81, %dma_start3A_82] : memref<104x128xi32, #tpu.memory_space<vmem>> -> memref<1x128xi32, #tpu.memory_space<vmem>>
        %dma_start3A_84 = tpu.memref_squeeze %dma_start3A_83 : memref<1x128xi32, #tpu.memory_space<vmem>> -> memref<128xi32, #tpu.memory_space<vmem>>
        %dma_start3A_85 = arith.constant 0 : i32
        %dma_start3A_86 = arith.constant 0 : i32
        %dma_start3A_87 = tpu.memref_slice %arg8[%dma_start3A_85, %dma_start3A_86] : memref<10240x16xf32, #tpu.memory_space<vmem_shared>> -> memref<10240x16xf32, #tpu.memory_space<vmem_shared>>
        tpu.enqueue_indirect_dma source(%arg7 : memref<128x16xf32, #tpu.memory_space<vmem>>) target(%dma_start3A_87 : memref<10240x16xf32, #tpu.memory_space<vmem_shared>>) offsets(%dma_start3A_84 : memref<128xi32, #tpu.memory_space<vmem>>) semaphore(%arg9 : memref<!tpu.dma_semaphore, #tpu.memory_space<semaphore_mem>>) {add = true}
        %mul3A_88 = arith.constant 8 : i32
        %mul3A_89 = arith.muli %scan3A_40, %mul3A_88 : i32
        %add3A_90 = arith.constant 4 : i32
        %add3A_91 = arith.addi %mul3A_89, %add3A_90 : i32
        %dma_start3A_92 = arith.constant 0 : i32
        %dma_start3A_93 = tpu.memref_slice %arg6[%add3A_91, %dma_start3A_92] : memref<104x128xi32, #tpu.memory_space<vmem>> -> memref<1x128xi32, #tpu.memory_space<vmem>>
        %dma_start3A_94 = tpu.memref_squeeze %dma_start3A_93 : memref<1x128xi32, #tpu.memory_space<vmem>> -> memref<128xi32, #tpu.memory_space<vmem>>
        %dma_start3A_95 = arith.constant 0 : i32
        %dma_start3A_96 = arith.constant 0 : i32
        %dma_start3A_97 = tpu.memref_slice %arg8[%dma_start3A_95, %dma_start3A_96] : memref<10240x16xf32, #tpu.memory_space<vmem_shared>> -> memref<10240x16xf32, #tpu.memory_space<vmem_shared>>
        tpu.enqueue_indirect_dma source(%arg7 : memref<128x16xf32, #tpu.memory_space<vmem>>) target(%dma_start3A_97 : memref<10240x16xf32, #tpu.memory_space<vmem_shared>>) offsets(%dma_start3A_94 : memref<128xi32, #tpu.memory_space<vmem>>) semaphore(%arg9 : memref<!tpu.dma_semaphore, #tpu.memory_space<semaphore_mem>>) {add = true}
        %mul3A_98 = arith.constant 8 : i32
        %mul3A_99 = arith.muli %scan3A_40, %mul3A_98 : i32
        %add3A_100 = arith.constant 5 : i32
        %add3A_101 = arith.addi %mul3A_99, %add3A_100 : i32
        %dma_start3A_102 = arith.constant 0 : i32
        %dma_start3A_103 = tpu.memref_slice %arg6[%add3A_101, %dma_start3A_102] : memref<104x128xi32, #tpu.memory_space<vmem>> -> memref<1x128xi32, #tpu.memory_space<vmem>>
        %dma_start3A_104 = tpu.memref_squeeze %dma_start3A_103 : memref<1x128xi32, #tpu.memory_space<vmem>> -> memref<128xi32, #tpu.memory_space<vmem>>
        %dma_start3A_105 = arith.constant 0 : i32
        %dma_start3A_106 = arith.constant 0 : i32
        %dma_start3A_107 = tpu.memref_slice %arg8[%dma_start3A_105, %dma_start3A_106] : memref<10240x16xf32, #tpu.memory_space<vmem_shared>> -> memref<10240x16xf32, #tpu.memory_space<vmem_shared>>
        tpu.enqueue_indirect_dma source(%arg7 : memref<128x16xf32, #tpu.memory_space<vmem>>) target(%dma_start3A_107 : memref<10240x16xf32, #tpu.memory_space<vmem_shared>>) offsets(%dma_start3A_104 : memref<128xi32, #tpu.memory_space<vmem>>) semaphore(%arg9 : memref<!tpu.dma_semaphore, #tpu.memory_space<semaphore_mem>>) {add = true}
        %mul3A_108 = arith.constant 8 : i32
        %mul3A_109 = arith.muli %scan3A_40, %mul3A_108 : i32
        %add3A_110 = arith.constant 6 : i32
        %add3A_111 = arith.addi %mul3A_109, %add3A_110 : i32
        %dma_start3A_112 = arith.constant 0 : i32
        %dma_start3A_113 = tpu.memref_slice %arg6[%add3A_111, %dma_start3A_112] : memref<104x128xi32, #tpu.memory_space<vmem>> -> memref<1x128xi32, #tpu.memory_space<vmem>>
        %dma_start3A_114 = tpu.memref_squeeze %dma_start3A_113 : memref<1x128xi32, #tpu.memory_space<vmem>> -> memref<128xi32, #tpu.memory_space<vmem>>
        %dma_start3A_115 = arith.constant 0 : i32
        %dma_start3A_116 = arith.constant 0 : i32
        %dma_start3A_117 = tpu.memref_slice %arg8[%dma_start3A_115, %dma_start3A_116] : memref<10240x16xf32, #tpu.memory_space<vmem_shared>> -> memref<10240x16xf32, #tpu.memory_space<vmem_shared>>
        tpu.enqueue_indirect_dma source(%arg7 : memref<128x16xf32, #tpu.memory_space<vmem>>) target(%dma_start3A_117 : memref<10240x16xf32, #tpu.memory_space<vmem_shared>>) offsets(%dma_start3A_114 : memref<128xi32, #tpu.memory_space<vmem>>) semaphore(%arg9 : memref<!tpu.dma_semaphore, #tpu.memory_space<semaphore_mem>>) {add = true}
        %mul3A_118 = arith.constant 8 : i32
        %mul3A_119 = arith.muli %scan3A_40, %mul3A_118 : i32
        %add3A_120 = arith.constant 7 : i32
        %add3A_121 = arith.addi %mul3A_119, %add3A_120 : i32
        %dma_start3A_122 = arith.constant 0 : i32
        %dma_start3A_123 = tpu.memref_slice %arg6[%add3A_121, %dma_start3A_122] : memref<104x128xi32, #tpu.memory_space<vmem>> -> memref<1x128xi32, #tpu.memory_space<vmem>>
        %dma_start3A_124 = tpu.memref_squeeze %dma_start3A_123 : memref<1x128xi32, #tpu.memory_space<vmem>> -> memref<128xi32, #tpu.memory_space<vmem>>
        %dma_start3A_125 = arith.constant 0 : i32
        %dma_start3A_126 = arith.constant 0 : i32
        %dma_start3A_127 = tpu.memref_slice %arg8[%dma_start3A_125, %dma_start3A_126] : memref<10240x16xf32, #tpu.memory_space<vmem_shared>> -> memref<10240x16xf32, #tpu.memory_space<vmem_shared>>
        tpu.enqueue_indirect_dma source(%arg7 : memref<128x16xf32, #tpu.memory_space<vmem>>) target(%dma_start3A_127 : memref<10240x16xf32, #tpu.memory_space<vmem_shared>>) offsets(%dma_start3A_124 : memref<128xi32, #tpu.memory_space<vmem>>) semaphore(%arg9 : memref<!tpu.dma_semaphore, #tpu.memory_space<semaphore_mem>>) {add = true}
      } else {
      }
      %ge3A = arith.constant 1 : i32
      %ge3A_44 = arith.cmpi sge, %scan3A_40, %ge3A : i32
      %le3A = arith.cmpi sle, %scan3A_40, %select_n3A_8 : i32
      %and3A = arith.andi %ge3A_44, %le3A : i1
      %convert_element_type3A_45 = arith.extui %and3A : i1 to i32
      %cond3A_46 = arith.constant 0 : i32
      %cond3A_47 = arith.cmpi ne, %convert_element_type3A_45, %cond3A_46 : i32
      scf.if %cond3A_47 {
        tpu.wait_dma2 semaphore(%arg9 : memref<!tpu.dma_semaphore, #tpu.memory_space<semaphore_mem>>) src(%arg3 : memref<128x16xf32, #tpu.memory_space<hbm>>) dst(%arg7 : memref<128x16xf32, #tpu.memory_space<vmem>>)
        tpu.wait_dma2 semaphore(%arg9 : memref<!tpu.dma_semaphore, #tpu.memory_space<semaphore_mem>>) src(%arg3 : memref<128x16xf32, #tpu.memory_space<hbm>>) dst(%arg7 : memref<128x16xf32, #tpu.memory_space<vmem>>)
        tpu.wait_dma2 semaphore(%arg9 : memref<!tpu.dma_semaphore, #tpu.memory_space<semaphore_mem>>) src(%arg3 : memref<128x16xf32, #tpu.memory_space<hbm>>) dst(%arg7 : memref<128x16xf32, #tpu.memory_space<vmem>>)
        tpu.wait_dma2 semaphore(%arg9 : memref<!tpu.dma_semaphore, #tpu.memory_space<semaphore_mem>>) src(%arg3 : memref<128x16xf32, #tpu.memory_space<hbm>>) dst(%arg7 : memref<128x16xf32, #tpu.memory_space<vmem>>)
        tpu.wait_dma2 semaphore(%arg9 : memref<!tpu.dma_semaphore, #tpu.memory_space<semaphore_mem>>) src(%arg3 : memref<128x16xf32, #tpu.memory_space<hbm>>) dst(%arg7 : memref<128x16xf32, #tpu.memory_space<vmem>>)
        tpu.wait_dma2 semaphore(%arg9 : memref<!tpu.dma_semaphore, #tpu.memory_space<semaphore_mem>>) src(%arg3 : memref<128x16xf32, #tpu.memory_space<hbm>>) dst(%arg7 : memref<128x16xf32, #tpu.memory_space<vmem>>)
        tpu.wait_dma2 semaphore(%arg9 : memref<!tpu.dma_semaphore, #tpu.memory_space<semaphore_mem>>) src(%arg3 : memref<128x16xf32, #tpu.memory_space<hbm>>) dst(%arg7 : memref<128x16xf32, #tpu.memory_space<vmem>>)
        tpu.wait_dma2 semaphore(%arg9 : memref<!tpu.dma_semaphore, #tpu.memory_space<semaphore_mem>>) src(%arg3 : memref<128x16xf32, #tpu.memory_space<hbm>>) dst(%arg7 : memref<128x16xf32, #tpu.memory_space<vmem>>)
      } else {
      }
    }
    %scan3A_31 = arith.constant 13 : i32
    %eq3A_32 = arith.constant 13 : i32
    %eq3A_33 = arith.cmpi eq, %select_n3A_8, %eq3A_32 : i32
    %convert_element_type3A = arith.extui %eq3A_33 : i1 to i32
    %cond3A = arith.constant 0 : i32
    %cond3A_34 = arith.cmpi ne, %convert_element_type3A, %cond3A : i32
    scf.if %cond3A_34 {
      tpu.wait_dma2 semaphore(%arg9 : memref<!tpu.dma_semaphore, #tpu.memory_space<semaphore_mem>>) src(%arg3 : memref<128x16xf32, #tpu.memory_space<hbm>>) dst(%arg7 : memref<128x16xf32, #tpu.memory_space<vmem>>)
      tpu.wait_dma2 semaphore(%arg9 : memref<!tpu.dma_semaphore, #tpu.memory_space<semaphore_mem>>) src(%arg3 : memref<128x16xf32, #tpu.memory_space<hbm>>) dst(%arg7 : memref<128x16xf32, #tpu.memory_space<vmem>>)
      tpu.wait_dma2 semaphore(%arg9 : memref<!tpu.dma_semaphore, #tpu.memory_space<semaphore_mem>>) src(%arg3 : memref<128x16xf32, #tpu.memory_space<hbm>>) dst(%arg7 : memref<128x16xf32, #tpu.memory_space<vmem>>)
      tpu.wait_dma2 semaphore(%arg9 : memref<!tpu.dma_semaphore, #tpu.memory_space<semaphore_mem>>) src(%arg3 : memref<128x16xf32, #tpu.memory_space<hbm>>) dst(%arg7 : memref<128x16xf32, #tpu.memory_space<vmem>>)
      tpu.wait_dma2 semaphore(%arg9 : memref<!tpu.dma_semaphore, #tpu.memory_space<semaphore_mem>>) src(%arg3 : memref<128x16xf32, #tpu.memory_space<hbm>>) dst(%arg7 : memref<128x16xf32, #tpu.memory_space<vmem>>)
      tpu.wait_dma2 semaphore(%arg9 : memref<!tpu.dma_semaphore, #tpu.memory_space<semaphore_mem>>) src(%arg3 : memref<128x16xf32, #tpu.memory_space<hbm>>) dst(%arg7 : memref<128x16xf32, #tpu.memory_space<vmem>>)
      tpu.wait_dma2 semaphore(%arg9 : memref<!tpu.dma_semaphore, #tpu.memory_space<semaphore_mem>>) src(%arg3 : memref<128x16xf32, #tpu.memory_space<hbm>>) dst(%arg7 : memref<128x16xf32, #tpu.memory_space<vmem>>)
      tpu.wait_dma2 semaphore(%arg9 : memref<!tpu.dma_semaphore, #tpu.memory_space<semaphore_mem>>) src(%arg3 : memref<128x16xf32, #tpu.memory_space<hbm>>) dst(%arg7 : memref<128x16xf32, #tpu.memory_space<vmem>>)
    } else {
    }
    %barrier3A_35 = arith.constant 0 : index
    tpu.barrier barrier_id(%barrier3A_35)
    %mul3A_36 = arith.constant 640 : i32
    %mul3A_37 = arith.muli %arg1, %mul3A_36 : i32
    %mul3A_38 = arith.constant 640 : i32
    %mul3A_39 = arith.muli %arg1, %mul3A_38 : i32
    "tpu.region"() ({
      %run_scoped3A = tpu.sem_alloc : memref<!tpu.dma_semaphore, #tpu.memory_space<semaphore_mem>>
      %dma_start3A_40 = arith.constant 0 : i32
      %dma_start3A_41 = tpu.memref_slice %arg5[%arg0, %mul3A_39, %dma_start3A_40] : memref<2x10240x16xf32, #tpu.memory_space<hbm>> -> memref<1x640x16xf32, #tpu.memory_space<hbm>>
      %dma_start3A_42 = tpu.memref_squeeze %dma_start3A_41 : memref<1x640x16xf32, #tpu.memory_space<hbm>> -> memref<640x16xf32, #tpu.memory_space<hbm>>
      %dma_start3A_43 = arith.constant 0 : i32
      %dma_start3A_44 = tpu.memref_slice %arg8[%mul3A_37, %dma_start3A_43] : memref<10240x16xf32, #tpu.memory_space<vmem_shared>> -> memref<640x16xf32, #tpu.memory_space<vmem_shared>>
      tpu.enqueue_dma source(%dma_start3A_44 : memref<640x16xf32, #tpu.memory_space<vmem_shared>>) target(%dma_start3A_42 : memref<640x16xf32, #tpu.memory_space<hbm>>) target_semaphore(%run_scoped3A : memref<!tpu.dma_semaphore, #tpu.memory_space<semaphore_mem>>)
      %dma_wait3A_45 = arith.constant 0 : i32
      %dma_wait3A_46 = tpu.memref_slice %arg5[%arg0, %mul3A_39, %dma_wait3A_45] : memref<2x10240x16xf32, #tpu.memory_space<hbm>> -> memref<1x640x16xf32, #tpu.memory_space<hbm>>
      %dma_wait3A_47 = tpu.memref_squeeze %dma_wait3A_46 : memref<1x640x16xf32, #tpu.memory_space<hbm>> -> memref<640x16xf32, #tpu.memory_space<hbm>>
      %dma_wait3A_48 = arith.constant 0 : i32
      %dma_wait3A_49 = tpu.memref_slice %arg8[%mul3A_37, %dma_wait3A_48] : memref<10240x16xf32, #tpu.memory_space<vmem_shared>> -> memref<640x16xf32, #tpu.memory_space<vmem_shared>>
      tpu.wait_dma2 semaphore(%run_scoped3A : memref<!tpu.dma_semaphore, #tpu.memory_space<semaphore_mem>>) src(%dma_wait3A_49 : memref<640x16xf32, #tpu.memory_space<vmem_shared>>) dst(%dma_wait3A_47 : memref<640x16xf32, #tpu.memory_space<hbm>>)
      tpu.yield
    }) : () -> ()
    return
  }
}

#map = affine_map<(d0, d1) -> (0, 0)>
#map1 = affine_map<(d0, d1) -> (0, 0, 0)>
module attributes {stable_mosaic.version = 14 : i64} {
  func.func @body(%arg0: i32, %arg1: i32, %arg2: memref<10240x16xf32, #tpu.memory_space<hbm>>, %arg3: memref<2x2560x128xi32, #tpu.memory_space<hbm>>, %arg4: memref<640x16xf32, #tpu.memory_space<hbm>>, %arg5: memref<2x10240x16xf32, #tpu.memory_space<hbm>>, %arg6: memref<88x128xi32, #tpu.memory_space<vmem>>, %arg7: memref<88x128xi32, #tpu.memory_space<vmem>>, %arg8: memref<16x128x16xf32, #tpu.memory_space<vmem>>, %arg9: memref<10240x16xf32, #tpu.memory_space<vmem_shared>>, %arg10: memref<10240x16xf32, #tpu.memory_space<vmem_shared>>, %arg11: memref<!tpu.dma_semaphore, #tpu.memory_space<semaphore_mem>>, %arg12: memref<!tpu.dma_semaphore, #tpu.memory_space<semaphore_mem>>) attributes {dimension_semantics = [#tpu.dimension_semantics<core_parallel>, #tpu.dimension_semantics<subcore_parallel>], iteration_bounds = array<i64: 2, 16>, scalar_prefetch = 0 : i64, scratch_operands = 7 : i64, tpu.core_type = #tpu.core_type<sc_vector_subcore>, window_params = [{transform_indices = #map}, {transform_indices = #map1}, {transform_indices = #map}, {transform_indices = #map1}]} {
    %eq3A = arith.constant 0 : i32
    %eq3A_0 = arith.cmpi eq, %arg0, %eq3A : i32
    %mul3A = arith.constant 88 : i32
    %mul3A_1 = arith.muli %arg1, %mul3A : i32
    %mul3A_2 = arith.constant 72 : i32
    %mul3A_3 = arith.muli %arg1, %mul3A_2 : i32
    %add3A = arith.constant 1408 : i32
    %add3A_4 = arith.addi %add3A, %mul3A_3 : i32
    %select_n3A = arith.select %eq3A_0, %mul3A_1, %add3A_4 : i32
    %eq3A_5 = arith.constant 0 : i32
    %eq3A_6 = arith.cmpi eq, %arg0, %eq3A_5 : i32
    %jit3A = arith.constant 11 : i32
    %jit3A_7 = arith.constant 9 : i32
    %select_n3A_8 = arith.select %eq3A_6, %jit3A, %jit3A_7 : i32
    %dma_start3A = arith.constant 0 : i32
    %dma_start3A_9 = arith.constant 0 : i32
    %dma_start3A_10 = tpu.memref_slice %arg3[%dma_start3A, %select_n3A, %dma_start3A_9] : memref<2x2560x128xi32, #tpu.memory_space<hbm>> -> memref<1x88x128xi32, #tpu.memory_space<hbm>>
    %dma_start3A_11 = tpu.memref_squeeze %dma_start3A_10 : memref<1x88x128xi32, #tpu.memory_space<hbm>> -> memref<88x128xi32, #tpu.memory_space<hbm>>
    %dma_start3A_12 = arith.constant 0 : i32
    %dma_start3A_13 = tpu.memref_slice %arg3[%dma_start3A, %select_n3A, %dma_start3A_12] : memref<2x2560x128xi32, #tpu.memory_space<hbm>> -> memref<1x88x128xi32, #tpu.memory_space<hbm>>
    %dma_start3A_14 = tpu.memref_squeeze %dma_start3A_13 : memref<1x88x128xi32, #tpu.memory_space<hbm>> -> memref<88x128xi32, #tpu.memory_space<hbm>>
    tpu.enqueue_dma source(%dma_start3A_14 : memref<88x128xi32, #tpu.memory_space<hbm>>) target(%arg6 : memref<88x128xi32, #tpu.memory_space<vmem>>) target_semaphore(%arg11 : memref<!tpu.dma_semaphore, #tpu.memory_space<semaphore_mem>>)
    %dma_start3A_15 = arith.constant 1 : i32
    %dma_start3A_16 = arith.constant 0 : i32
    %dma_start3A_17 = tpu.memref_slice %arg3[%dma_start3A_15, %select_n3A, %dma_start3A_16] : memref<2x2560x128xi32, #tpu.memory_space<hbm>> -> memref<1x88x128xi32, #tpu.memory_space<hbm>>
    %dma_start3A_18 = tpu.memref_squeeze %dma_start3A_17 : memref<1x88x128xi32, #tpu.memory_space<hbm>> -> memref<88x128xi32, #tpu.memory_space<hbm>>
    %dma_start3A_19 = arith.constant 0 : i32
    %dma_start3A_20 = tpu.memref_slice %arg3[%dma_start3A_15, %select_n3A, %dma_start3A_19] : memref<2x2560x128xi32, #tpu.memory_space<hbm>> -> memref<1x88x128xi32, #tpu.memory_space<hbm>>
    %dma_start3A_21 = tpu.memref_squeeze %dma_start3A_20 : memref<1x88x128xi32, #tpu.memory_space<hbm>> -> memref<88x128xi32, #tpu.memory_space<hbm>>
    tpu.enqueue_dma source(%dma_start3A_21 : memref<88x128xi32, #tpu.memory_space<hbm>>) target(%arg7 : memref<88x128xi32, #tpu.memory_space<vmem>>) target_semaphore(%arg11 : memref<!tpu.dma_semaphore, #tpu.memory_space<semaphore_mem>>)
    %mul3A_22 = arith.constant 640 : i32
    %mul3A_23 = arith.muli %arg1, %mul3A_22 : i32
    %dma_start3A_24 = arith.constant 0 : i32
    %dma_start3A_25 = tpu.memref_slice %arg9[%mul3A_23, %dma_start3A_24] : memref<10240x16xf32, #tpu.memory_space<vmem_shared>> -> memref<640x16xf32, #tpu.memory_space<vmem_shared>>
    tpu.enqueue_dma source(%arg4 : memref<640x16xf32, #tpu.memory_space<hbm>>) target(%dma_start3A_25 : memref<640x16xf32, #tpu.memory_space<vmem_shared>>) target_semaphore(%arg12 : memref<!tpu.dma_semaphore, #tpu.memory_space<semaphore_mem>>)
    %mul3A_26 = arith.constant 640 : i32
    %mul3A_27 = arith.muli %arg1, %mul3A_26 : i32
    %mul3A_28 = arith.constant 640 : i32
    %mul3A_29 = arith.muli %arg1, %mul3A_28 : i32
    %dma_start3A_30 = arith.constant 0 : i32
    %dma_start3A_31 = tpu.memref_slice %arg10[%mul3A_29, %dma_start3A_30] : memref<10240x16xf32, #tpu.memory_space<vmem_shared>> -> memref<640x16xf32, #tpu.memory_space<vmem_shared>>
    %dma_start3A_32 = arith.constant 0 : i32
    %dma_start3A_33 = tpu.memref_slice %arg2[%mul3A_27, %dma_start3A_32] : memref<10240x16xf32, #tpu.memory_space<hbm>> -> memref<640x16xf32, #tpu.memory_space<hbm>>
    tpu.enqueue_dma source(%dma_start3A_33 : memref<640x16xf32, #tpu.memory_space<hbm>>) target(%dma_start3A_31 : memref<640x16xf32, #tpu.memory_space<vmem_shared>>) target_semaphore(%arg12 : memref<!tpu.dma_semaphore, #tpu.memory_space<semaphore_mem>>)
    %dma_wait3A = arith.constant 0 : i32
    %dma_wait3A_34 = arith.constant 0 : i32
    %dma_wait3A_35 = tpu.memref_slice %arg3[%dma_wait3A, %select_n3A, %dma_wait3A_34] : memref<2x2560x128xi32, #tpu.memory_space<hbm>> -> memref<1x88x128xi32, #tpu.memory_space<hbm>>
    %dma_wait3A_36 = tpu.memref_squeeze %dma_wait3A_35 : memref<1x88x128xi32, #tpu.memory_space<hbm>> -> memref<88x128xi32, #tpu.memory_space<hbm>>
    %dma_wait3A_37 = arith.constant 0 : i32
    %dma_wait3A_38 = tpu.memref_slice %arg3[%dma_wait3A, %select_n3A, %dma_wait3A_37] : memref<2x2560x128xi32, #tpu.memory_space<hbm>> -> memref<1x88x128xi32, #tpu.memory_space<hbm>>
    %dma_wait3A_39 = tpu.memref_squeeze %dma_wait3A_38 : memref<1x88x128xi32, #tpu.memory_space<hbm>> -> memref<88x128xi32, #tpu.memory_space<hbm>>
    tpu.wait_dma2 semaphore(%arg11 : memref<!tpu.dma_semaphore, #tpu.memory_space<semaphore_mem>>) src(%dma_wait3A_39 : memref<88x128xi32, #tpu.memory_space<hbm>>) dst(%arg6 : memref<88x128xi32, #tpu.memory_space<vmem>>)
    %dma_wait3A_40 = arith.constant 1 : i32
    %dma_wait3A_41 = arith.constant 0 : i32
    %dma_wait3A_42 = tpu.memref_slice %arg3[%dma_wait3A_40, %select_n3A, %dma_wait3A_41] : memref<2x2560x128xi32, #tpu.memory_space<hbm>> -> memref<1x88x128xi32, #tpu.memory_space<hbm>>
    %dma_wait3A_43 = tpu.memref_squeeze %dma_wait3A_42 : memref<1x88x128xi32, #tpu.memory_space<hbm>> -> memref<88x128xi32, #tpu.memory_space<hbm>>
    %dma_wait3A_44 = arith.constant 0 : i32
    %dma_wait3A_45 = tpu.memref_slice %arg3[%dma_wait3A_40, %select_n3A, %dma_wait3A_44] : memref<2x2560x128xi32, #tpu.memory_space<hbm>> -> memref<1x88x128xi32, #tpu.memory_space<hbm>>
    %dma_wait3A_46 = tpu.memref_squeeze %dma_wait3A_45 : memref<1x88x128xi32, #tpu.memory_space<hbm>> -> memref<88x128xi32, #tpu.memory_space<hbm>>
    tpu.wait_dma2 semaphore(%arg11 : memref<!tpu.dma_semaphore, #tpu.memory_space<semaphore_mem>>) src(%dma_wait3A_46 : memref<88x128xi32, #tpu.memory_space<hbm>>) dst(%arg7 : memref<88x128xi32, #tpu.memory_space<vmem>>)
    %dma_wait3A_47 = arith.constant 0 : i32
    %dma_wait3A_48 = tpu.memref_slice %arg9[%mul3A_23, %dma_wait3A_47] : memref<10240x16xf32, #tpu.memory_space<vmem_shared>> -> memref<640x16xf32, #tpu.memory_space<vmem_shared>>
    tpu.wait_dma2 semaphore(%arg12 : memref<!tpu.dma_semaphore, #tpu.memory_space<semaphore_mem>>) src(%arg4 : memref<640x16xf32, #tpu.memory_space<hbm>>) dst(%dma_wait3A_48 : memref<640x16xf32, #tpu.memory_space<vmem_shared>>)
    %dma_wait3A_49 = arith.constant 0 : i32
    %dma_wait3A_50 = tpu.memref_slice %arg10[%mul3A_29, %dma_wait3A_49] : memref<10240x16xf32, #tpu.memory_space<vmem_shared>> -> memref<640x16xf32, #tpu.memory_space<vmem_shared>>
    %dma_wait3A_51 = arith.constant 0 : i32
    %dma_wait3A_52 = tpu.memref_slice %arg2[%mul3A_27, %dma_wait3A_51] : memref<10240x16xf32, #tpu.memory_space<hbm>> -> memref<640x16xf32, #tpu.memory_space<hbm>>
    tpu.wait_dma2 semaphore(%arg12 : memref<!tpu.dma_semaphore, #tpu.memory_space<semaphore_mem>>) src(%dma_wait3A_52 : memref<640x16xf32, #tpu.memory_space<hbm>>) dst(%dma_wait3A_50 : memref<640x16xf32, #tpu.memory_space<vmem_shared>>)
    %barrier3A = arith.constant 0 : index
    tpu.barrier barrier_id(%barrier3A)
    %dma_start3A_53 = arith.constant 0 : i32
    %dma_start3A_54 = arith.constant 0 : i32
    %dma_start3A_55 = arith.constant 0 : i32
    %dma_start3A_56 = arith.constant 0 : i32
    %dma_start3A_57 = tpu.memref_slice %arg8[%dma_start3A_54, %dma_start3A_55, %dma_start3A_56] : memref<16x128x16xf32, #tpu.memory_space<vmem>> -> memref<1x128x16xf32, #tpu.memory_space<vmem>>
    %dma_start3A_58 = tpu.memref_squeeze %dma_start3A_57 : memref<1x128x16xf32, #tpu.memory_space<vmem>> -> memref<128x16xf32, #tpu.memory_space<vmem>>
    %dma_start3A_59 = arith.constant 0 : i32
    %dma_start3A_60 = tpu.memref_slice %arg6[%dma_start3A_53, %dma_start3A_59] : memref<88x128xi32, #tpu.memory_space<vmem>> -> memref<1x128xi32, #tpu.memory_space<vmem>>
    %dma_start3A_61 = tpu.memref_squeeze %dma_start3A_60 : memref<1x128xi32, #tpu.memory_space<vmem>> -> memref<128xi32, #tpu.memory_space<vmem>>
    %dma_start3A_62 = arith.constant 0 : i32
    %dma_start3A_63 = arith.constant 0 : i32
    %dma_start3A_64 = tpu.memref_slice %arg10[%dma_start3A_62, %dma_start3A_63] : memref<10240x16xf32, #tpu.memory_space<vmem_shared>> -> memref<10240x16xf32, #tpu.memory_space<vmem_shared>>
    tpu.enqueue_indirect_dma source(%dma_start3A_64 : memref<10240x16xf32, #tpu.memory_space<vmem_shared>>) target(%dma_start3A_58 : memref<128x16xf32, #tpu.memory_space<vmem>>) offsets(%dma_start3A_61 : memref<128xi32, #tpu.memory_space<vmem>>) semaphore(%arg11 : memref<!tpu.dma_semaphore, #tpu.memory_space<semaphore_mem>>)
    %dma_start3A_65 = arith.constant 1 : i32
    %dma_start3A_66 = arith.constant 1 : i32
    %dma_start3A_67 = arith.constant 0 : i32
    %dma_start3A_68 = arith.constant 0 : i32
    %dma_start3A_69 = tpu.memref_slice %arg8[%dma_start3A_66, %dma_start3A_67, %dma_start3A_68] : memref<16x128x16xf32, #tpu.memory_space<vmem>> -> memref<1x128x16xf32, #tpu.memory_space<vmem>>
    %dma_start3A_70 = tpu.memref_squeeze %dma_start3A_69 : memref<1x128x16xf32, #tpu.memory_space<vmem>> -> memref<128x16xf32, #tpu.memory_space<vmem>>
    %dma_start3A_71 = arith.constant 0 : i32
    %dma_start3A_72 = tpu.memref_slice %arg6[%dma_start3A_65, %dma_start3A_71] : memref<88x128xi32, #tpu.memory_space<vmem>> -> memref<1x128xi32, #tpu.memory_space<vmem>>
    %dma_start3A_73 = tpu.memref_squeeze %dma_start3A_72 : memref<1x128xi32, #tpu.memory_space<vmem>> -> memref<128xi32, #tpu.memory_space<vmem>>
    %dma_start3A_74 = arith.constant 0 : i32
    %dma_start3A_75 = arith.constant 0 : i32
    %dma_start3A_76 = tpu.memref_slice %arg10[%dma_start3A_74, %dma_start3A_75] : memref<10240x16xf32, #tpu.memory_space<vmem_shared>> -> memref<10240x16xf32, #tpu.memory_space<vmem_shared>>
    tpu.enqueue_indirect_dma source(%dma_start3A_76 : memref<10240x16xf32, #tpu.memory_space<vmem_shared>>) target(%dma_start3A_70 : memref<128x16xf32, #tpu.memory_space<vmem>>) offsets(%dma_start3A_73 : memref<128xi32, #tpu.memory_space<vmem>>) semaphore(%arg11 : memref<!tpu.dma_semaphore, #tpu.memory_space<semaphore_mem>>)
    %dma_start3A_77 = arith.constant 2 : i32
    %dma_start3A_78 = arith.constant 2 : i32
    %dma_start3A_79 = arith.constant 0 : i32
    %dma_start3A_80 = arith.constant 0 : i32
    %dma_start3A_81 = tpu.memref_slice %arg8[%dma_start3A_78, %dma_start3A_79, %dma_start3A_80] : memref<16x128x16xf32, #tpu.memory_space<vmem>> -> memref<1x128x16xf32, #tpu.memory_space<vmem>>
    %dma_start3A_82 = tpu.memref_squeeze %dma_start3A_81 : memref<1x128x16xf32, #tpu.memory_space<vmem>> -> memref<128x16xf32, #tpu.memory_space<vmem>>
    %dma_start3A_83 = arith.constant 0 : i32
    %dma_start3A_84 = tpu.memref_slice %arg6[%dma_start3A_77, %dma_start3A_83] : memref<88x128xi32, #tpu.memory_space<vmem>> -> memref<1x128xi32, #tpu.memory_space<vmem>>
    %dma_start3A_85 = tpu.memref_squeeze %dma_start3A_84 : memref<1x128xi32, #tpu.memory_space<vmem>> -> memref<128xi32, #tpu.memory_space<vmem>>
    %dma_start3A_86 = arith.constant 0 : i32
    %dma_start3A_87 = arith.constant 0 : i32
    %dma_start3A_88 = tpu.memref_slice %arg10[%dma_start3A_86, %dma_start3A_87] : memref<10240x16xf32, #tpu.memory_space<vmem_shared>> -> memref<10240x16xf32, #tpu.memory_space<vmem_shared>>
    tpu.enqueue_indirect_dma source(%dma_start3A_88 : memref<10240x16xf32, #tpu.memory_space<vmem_shared>>) target(%dma_start3A_82 : memref<128x16xf32, #tpu.memory_space<vmem>>) offsets(%dma_start3A_85 : memref<128xi32, #tpu.memory_space<vmem>>) semaphore(%arg11 : memref<!tpu.dma_semaphore, #tpu.memory_space<semaphore_mem>>)
    %dma_start3A_89 = arith.constant 3 : i32
    %dma_start3A_90 = arith.constant 3 : i32
    %dma_start3A_91 = arith.constant 0 : i32
    %dma_start3A_92 = arith.constant 0 : i32
    %dma_start3A_93 = tpu.memref_slice %arg8[%dma_start3A_90, %dma_start3A_91, %dma_start3A_92] : memref<16x128x16xf32, #tpu.memory_space<vmem>> -> memref<1x128x16xf32, #tpu.memory_space<vmem>>
    %dma_start3A_94 = tpu.memref_squeeze %dma_start3A_93 : memref<1x128x16xf32, #tpu.memory_space<vmem>> -> memref<128x16xf32, #tpu.memory_space<vmem>>
    %dma_start3A_95 = arith.constant 0 : i32
    %dma_start3A_96 = tpu.memref_slice %arg6[%dma_start3A_89, %dma_start3A_95] : memref<88x128xi32, #tpu.memory_space<vmem>> -> memref<1x128xi32, #tpu.memory_space<vmem>>
    %dma_start3A_97 = tpu.memref_squeeze %dma_start3A_96 : memref<1x128xi32, #tpu.memory_space<vmem>> -> memref<128xi32, #tpu.memory_space<vmem>>
    %dma_start3A_98 = arith.constant 0 : i32
    %dma_start3A_99 = arith.constant 0 : i32
    %dma_start3A_100 = tpu.memref_slice %arg10[%dma_start3A_98, %dma_start3A_99] : memref<10240x16xf32, #tpu.memory_space<vmem_shared>> -> memref<10240x16xf32, #tpu.memory_space<vmem_shared>>
    tpu.enqueue_indirect_dma source(%dma_start3A_100 : memref<10240x16xf32, #tpu.memory_space<vmem_shared>>) target(%dma_start3A_94 : memref<128x16xf32, #tpu.memory_space<vmem>>) offsets(%dma_start3A_97 : memref<128xi32, #tpu.memory_space<vmem>>) semaphore(%arg11 : memref<!tpu.dma_semaphore, #tpu.memory_space<semaphore_mem>>)
    %dma_start3A_101 = arith.constant 4 : i32
    %dma_start3A_102 = arith.constant 4 : i32
    %dma_start3A_103 = arith.constant 0 : i32
    %dma_start3A_104 = arith.constant 0 : i32
    %dma_start3A_105 = tpu.memref_slice %arg8[%dma_start3A_102, %dma_start3A_103, %dma_start3A_104] : memref<16x128x16xf32, #tpu.memory_space<vmem>> -> memref<1x128x16xf32, #tpu.memory_space<vmem>>
    %dma_start3A_106 = tpu.memref_squeeze %dma_start3A_105 : memref<1x128x16xf32, #tpu.memory_space<vmem>> -> memref<128x16xf32, #tpu.memory_space<vmem>>
    %dma_start3A_107 = arith.constant 0 : i32
    %dma_start3A_108 = tpu.memref_slice %arg6[%dma_start3A_101, %dma_start3A_107] : memref<88x128xi32, #tpu.memory_space<vmem>> -> memref<1x128xi32, #tpu.memory_space<vmem>>
    %dma_start3A_109 = tpu.memref_squeeze %dma_start3A_108 : memref<1x128xi32, #tpu.memory_space<vmem>> -> memref<128xi32, #tpu.memory_space<vmem>>
    %dma_start3A_110 = arith.constant 0 : i32
    %dma_start3A_111 = arith.constant 0 : i32
    %dma_start3A_112 = tpu.memref_slice %arg10[%dma_start3A_110, %dma_start3A_111] : memref<10240x16xf32, #tpu.memory_space<vmem_shared>> -> memref<10240x16xf32, #tpu.memory_space<vmem_shared>>
    tpu.enqueue_indirect_dma source(%dma_start3A_112 : memref<10240x16xf32, #tpu.memory_space<vmem_shared>>) target(%dma_start3A_106 : memref<128x16xf32, #tpu.memory_space<vmem>>) offsets(%dma_start3A_109 : memref<128xi32, #tpu.memory_space<vmem>>) semaphore(%arg11 : memref<!tpu.dma_semaphore, #tpu.memory_space<semaphore_mem>>)
    %dma_start3A_113 = arith.constant 5 : i32
    %dma_start3A_114 = arith.constant 5 : i32
    %dma_start3A_115 = arith.constant 0 : i32
    %dma_start3A_116 = arith.constant 0 : i32
    %dma_start3A_117 = tpu.memref_slice %arg8[%dma_start3A_114, %dma_start3A_115, %dma_start3A_116] : memref<16x128x16xf32, #tpu.memory_space<vmem>> -> memref<1x128x16xf32, #tpu.memory_space<vmem>>
    %dma_start3A_118 = tpu.memref_squeeze %dma_start3A_117 : memref<1x128x16xf32, #tpu.memory_space<vmem>> -> memref<128x16xf32, #tpu.memory_space<vmem>>
    %dma_start3A_119 = arith.constant 0 : i32
    %dma_start3A_120 = tpu.memref_slice %arg6[%dma_start3A_113, %dma_start3A_119] : memref<88x128xi32, #tpu.memory_space<vmem>> -> memref<1x128xi32, #tpu.memory_space<vmem>>
    %dma_start3A_121 = tpu.memref_squeeze %dma_start3A_120 : memref<1x128xi32, #tpu.memory_space<vmem>> -> memref<128xi32, #tpu.memory_space<vmem>>
    %dma_start3A_122 = arith.constant 0 : i32
    %dma_start3A_123 = arith.constant 0 : i32
    %dma_start3A_124 = tpu.memref_slice %arg10[%dma_start3A_122, %dma_start3A_123] : memref<10240x16xf32, #tpu.memory_space<vmem_shared>> -> memref<10240x16xf32, #tpu.memory_space<vmem_shared>>
    tpu.enqueue_indirect_dma source(%dma_start3A_124 : memref<10240x16xf32, #tpu.memory_space<vmem_shared>>) target(%dma_start3A_118 : memref<128x16xf32, #tpu.memory_space<vmem>>) offsets(%dma_start3A_121 : memref<128xi32, #tpu.memory_space<vmem>>) semaphore(%arg11 : memref<!tpu.dma_semaphore, #tpu.memory_space<semaphore_mem>>)
    %dma_start3A_125 = arith.constant 6 : i32
    %dma_start3A_126 = arith.constant 6 : i32
    %dma_start3A_127 = arith.constant 0 : i32
    %dma_start3A_128 = arith.constant 0 : i32
    %dma_start3A_129 = tpu.memref_slice %arg8[%dma_start3A_126, %dma_start3A_127, %dma_start3A_128] : memref<16x128x16xf32, #tpu.memory_space<vmem>> -> memref<1x128x16xf32, #tpu.memory_space<vmem>>
    %dma_start3A_130 = tpu.memref_squeeze %dma_start3A_129 : memref<1x128x16xf32, #tpu.memory_space<vmem>> -> memref<128x16xf32, #tpu.memory_space<vmem>>
    %dma_start3A_131 = arith.constant 0 : i32
    %dma_start3A_132 = tpu.memref_slice %arg6[%dma_start3A_125, %dma_start3A_131] : memref<88x128xi32, #tpu.memory_space<vmem>> -> memref<1x128xi32, #tpu.memory_space<vmem>>
    %dma_start3A_133 = tpu.memref_squeeze %dma_start3A_132 : memref<1x128xi32, #tpu.memory_space<vmem>> -> memref<128xi32, #tpu.memory_space<vmem>>
    %dma_start3A_134 = arith.constant 0 : i32
    %dma_start3A_135 = arith.constant 0 : i32
    %dma_start3A_136 = tpu.memref_slice %arg10[%dma_start3A_134, %dma_start3A_135] : memref<10240x16xf32, #tpu.memory_space<vmem_shared>> -> memref<10240x16xf32, #tpu.memory_space<vmem_shared>>
    tpu.enqueue_indirect_dma source(%dma_start3A_136 : memref<10240x16xf32, #tpu.memory_space<vmem_shared>>) target(%dma_start3A_130 : memref<128x16xf32, #tpu.memory_space<vmem>>) offsets(%dma_start3A_133 : memref<128xi32, #tpu.memory_space<vmem>>) semaphore(%arg11 : memref<!tpu.dma_semaphore, #tpu.memory_space<semaphore_mem>>)
    %dma_start3A_137 = arith.constant 7 : i32
    %dma_start3A_138 = arith.constant 7 : i32
    %dma_start3A_139 = arith.constant 0 : i32
    %dma_start3A_140 = arith.constant 0 : i32
    %dma_start3A_141 = tpu.memref_slice %arg8[%dma_start3A_138, %dma_start3A_139, %dma_start3A_140] : memref<16x128x16xf32, #tpu.memory_space<vmem>> -> memref<1x128x16xf32, #tpu.memory_space<vmem>>
    %dma_start3A_142 = tpu.memref_squeeze %dma_start3A_141 : memref<1x128x16xf32, #tpu.memory_space<vmem>> -> memref<128x16xf32, #tpu.memory_space<vmem>>
    %dma_start3A_143 = arith.constant 0 : i32
    %dma_start3A_144 = tpu.memref_slice %arg6[%dma_start3A_137, %dma_start3A_143] : memref<88x128xi32, #tpu.memory_space<vmem>> -> memref<1x128xi32, #tpu.memory_space<vmem>>
    %dma_start3A_145 = tpu.memref_squeeze %dma_start3A_144 : memref<1x128xi32, #tpu.memory_space<vmem>> -> memref<128xi32, #tpu.memory_space<vmem>>
    %dma_start3A_146 = arith.constant 0 : i32
    %dma_start3A_147 = arith.constant 0 : i32
    %dma_start3A_148 = tpu.memref_slice %arg10[%dma_start3A_146, %dma_start3A_147] : memref<10240x16xf32, #tpu.memory_space<vmem_shared>> -> memref<10240x16xf32, #tpu.memory_space<vmem_shared>>
    tpu.enqueue_indirect_dma source(%dma_start3A_148 : memref<10240x16xf32, #tpu.memory_space<vmem_shared>>) target(%dma_start3A_142 : memref<128x16xf32, #tpu.memory_space<vmem>>) offsets(%dma_start3A_145 : memref<128xi32, #tpu.memory_space<vmem>>) semaphore(%arg11 : memref<!tpu.dma_semaphore, #tpu.memory_space<semaphore_mem>>)
    %scan3A = arith.constant 0 : i32
    %scan3A_149 = arith.constant 0 : i32
    %scan3A_150 = arith.constant 11 : i32
    %scan3A_151 = arith.addi %scan3A_149, %scan3A_150 : i32
    %scan3A_152 = arith.constant 1 : i32
    scf.for %scan3A_162 = %scan3A_149 to %scan3A_151 step %scan3A_152  : i32 {
      %rem3A = arith.constant 2 : i32
      %rem3A_163 = arith.remsi %scan3A_162, %rem3A : i32
      %mul3A_164 = arith.constant 8 : i32
      %mul3A_165 = arith.muli %rem3A_163, %mul3A_164 : i32
      %sub3A = arith.constant 8 : i32
      %sub3A_166 = arith.subi %sub3A, %mul3A_165 : i32
      %ge3A = arith.constant 1 : i32
      %ge3A_167 = arith.cmpi sge, %scan3A_162, %ge3A : i32
      %le3A = arith.cmpi sle, %scan3A_162, %select_n3A_8 : i32
      %and3A = arith.andi %ge3A_167, %le3A : i1
      %convert_element_type3A_168 = arith.extui %and3A : i1 to i32
      %cond3A_169 = arith.constant 0 : i32
      %cond3A_170 = arith.cmpi ne, %convert_element_type3A_168, %cond3A_169 : i32
      scf.if %cond3A_170 {
        %dma_wait3A_180 = arith.constant 0 : i32
        %dma_wait3A_181 = arith.constant 0 : i32
        %dma_wait3A_182 = arith.constant 0 : i32
        %dma_wait3A_183 = tpu.memref_slice %arg8[%dma_wait3A_180, %dma_wait3A_181, %dma_wait3A_182] : memref<16x128x16xf32, #tpu.memory_space<vmem>> -> memref<1x128x16xf32, #tpu.memory_space<vmem>>
        %dma_wait3A_184 = tpu.memref_squeeze %dma_wait3A_183 : memref<1x128x16xf32, #tpu.memory_space<vmem>> -> memref<128x16xf32, #tpu.memory_space<vmem>>
        %dma_wait3A_185 = arith.constant 0 : i32
        %dma_wait3A_186 = arith.constant 0 : i32
        %dma_wait3A_187 = tpu.memref_slice %arg4[%dma_wait3A_185, %dma_wait3A_186] : memref<640x16xf32, #tpu.memory_space<hbm>> -> memref<128x16xf32, #tpu.memory_space<hbm>>
        %dma_wait3A_188 = arith.constant 0 : i32
        %dma_wait3A_189 = arith.constant 0 : i32
        %dma_wait3A_190 = tpu.memref_slice %arg8[%dma_wait3A_180, %dma_wait3A_188, %dma_wait3A_189] : memref<16x128x16xf32, #tpu.memory_space<vmem>> -> memref<1x128x16xf32, #tpu.memory_space<vmem>>
        %dma_wait3A_191 = tpu.memref_squeeze %dma_wait3A_190 : memref<1x128x16xf32, #tpu.memory_space<vmem>> -> memref<128x16xf32, #tpu.memory_space<vmem>>
        %dma_wait3A_192 = arith.constant 0 : i32
        %dma_wait3A_193 = arith.constant 0 : i32
        %dma_wait3A_194 = tpu.memref_slice %arg4[%dma_wait3A_192, %dma_wait3A_193] : memref<640x16xf32, #tpu.memory_space<hbm>> -> memref<128x16xf32, #tpu.memory_space<hbm>>
        tpu.wait_dma2 semaphore(%arg12 : memref<!tpu.dma_semaphore, #tpu.memory_space<semaphore_mem>>) src(%dma_wait3A_194 : memref<128x16xf32, #tpu.memory_space<hbm>>) dst(%dma_wait3A_191 : memref<128x16xf32, #tpu.memory_space<vmem>>)
        %dma_wait3A_195 = arith.constant 0 : i32
        %dma_wait3A_196 = arith.constant 0 : i32
        %dma_wait3A_197 = arith.constant 0 : i32
        %dma_wait3A_198 = tpu.memref_slice %arg8[%dma_wait3A_195, %dma_wait3A_196, %dma_wait3A_197] : memref<16x128x16xf32, #tpu.memory_space<vmem>> -> memref<1x128x16xf32, #tpu.memory_space<vmem>>
        %dma_wait3A_199 = tpu.memref_squeeze %dma_wait3A_198 : memref<1x128x16xf32, #tpu.memory_space<vmem>> -> memref<128x16xf32, #tpu.memory_space<vmem>>
        %dma_wait3A_200 = arith.constant 0 : i32
        %dma_wait3A_201 = arith.constant 0 : i32
        %dma_wait3A_202 = tpu.memref_slice %arg4[%dma_wait3A_200, %dma_wait3A_201] : memref<640x16xf32, #tpu.memory_space<hbm>> -> memref<128x16xf32, #tpu.memory_space<hbm>>
        %dma_wait3A_203 = arith.constant 0 : i32
        %dma_wait3A_204 = arith.constant 0 : i32
        %dma_wait3A_205 = tpu.memref_slice %arg8[%dma_wait3A_195, %dma_wait3A_203, %dma_wait3A_204] : memref<16x128x16xf32, #tpu.memory_space<vmem>> -> memref<1x128x16xf32, #tpu.memory_space<vmem>>
        %dma_wait3A_206 = tpu.memref_squeeze %dma_wait3A_205 : memref<1x128x16xf32, #tpu.memory_space<vmem>> -> memref<128x16xf32, #tpu.memory_space<vmem>>
        %dma_wait3A_207 = arith.constant 0 : i32
        %dma_wait3A_208 = arith.constant 0 : i32
        %dma_wait3A_209 = tpu.memref_slice %arg4[%dma_wait3A_207, %dma_wait3A_208] : memref<640x16xf32, #tpu.memory_space<hbm>> -> memref<128x16xf32, #tpu.memory_space<hbm>>
        tpu.wait_dma2 semaphore(%arg12 : memref<!tpu.dma_semaphore, #tpu.memory_space<semaphore_mem>>) src(%dma_wait3A_209 : memref<128x16xf32, #tpu.memory_space<hbm>>) dst(%dma_wait3A_206 : memref<128x16xf32, #tpu.memory_space<vmem>>)
        %dma_wait3A_210 = arith.constant 0 : i32
        %dma_wait3A_211 = arith.constant 0 : i32
        %dma_wait3A_212 = arith.constant 0 : i32
        %dma_wait3A_213 = tpu.memref_slice %arg8[%dma_wait3A_210, %dma_wait3A_211, %dma_wait3A_212] : memref<16x128x16xf32, #tpu.memory_space<vmem>> -> memref<1x128x16xf32, #tpu.memory_space<vmem>>
        %dma_wait3A_214 = tpu.memref_squeeze %dma_wait3A_213 : memref<1x128x16xf32, #tpu.memory_space<vmem>> -> memref<128x16xf32, #tpu.memory_space<vmem>>
        %dma_wait3A_215 = arith.constant 0 : i32
        %dma_wait3A_216 = arith.constant 0 : i32
        %dma_wait3A_217 = tpu.memref_slice %arg4[%dma_wait3A_215, %dma_wait3A_216] : memref<640x16xf32, #tpu.memory_space<hbm>> -> memref<128x16xf32, #tpu.memory_space<hbm>>
        %dma_wait3A_218 = arith.constant 0 : i32
        %dma_wait3A_219 = arith.constant 0 : i32
        %dma_wait3A_220 = tpu.memref_slice %arg8[%dma_wait3A_210, %dma_wait3A_218, %dma_wait3A_219] : memref<16x128x16xf32, #tpu.memory_space<vmem>> -> memref<1x128x16xf32, #tpu.memory_space<vmem>>
        %dma_wait3A_221 = tpu.memref_squeeze %dma_wait3A_220 : memref<1x128x16xf32, #tpu.memory_space<vmem>> -> memref<128x16xf32, #tpu.memory_space<vmem>>
        %dma_wait3A_222 = arith.constant 0 : i32
        %dma_wait3A_223 = arith.constant 0 : i32
        %dma_wait3A_224 = tpu.memref_slice %arg4[%dma_wait3A_222, %dma_wait3A_223] : memref<640x16xf32, #tpu.memory_space<hbm>> -> memref<128x16xf32, #tpu.memory_space<hbm>>
        tpu.wait_dma2 semaphore(%arg12 : memref<!tpu.dma_semaphore, #tpu.memory_space<semaphore_mem>>) src(%dma_wait3A_224 : memref<128x16xf32, #tpu.memory_space<hbm>>) dst(%dma_wait3A_221 : memref<128x16xf32, #tpu.memory_space<vmem>>)
        %dma_wait3A_225 = arith.constant 0 : i32
        %dma_wait3A_226 = arith.constant 0 : i32
        %dma_wait3A_227 = arith.constant 0 : i32
        %dma_wait3A_228 = tpu.memref_slice %arg8[%dma_wait3A_225, %dma_wait3A_226, %dma_wait3A_227] : memref<16x128x16xf32, #tpu.memory_space<vmem>> -> memref<1x128x16xf32, #tpu.memory_space<vmem>>
        %dma_wait3A_229 = tpu.memref_squeeze %dma_wait3A_228 : memref<1x128x16xf32, #tpu.memory_space<vmem>> -> memref<128x16xf32, #tpu.memory_space<vmem>>
        %dma_wait3A_230 = arith.constant 0 : i32
        %dma_wait3A_231 = arith.constant 0 : i32
        %dma_wait3A_232 = tpu.memref_slice %arg4[%dma_wait3A_230, %dma_wait3A_231] : memref<640x16xf32, #tpu.memory_space<hbm>> -> memref<128x16xf32, #tpu.memory_space<hbm>>
        %dma_wait3A_233 = arith.constant 0 : i32
        %dma_wait3A_234 = arith.constant 0 : i32
        %dma_wait3A_235 = tpu.memref_slice %arg8[%dma_wait3A_225, %dma_wait3A_233, %dma_wait3A_234] : memref<16x128x16xf32, #tpu.memory_space<vmem>> -> memref<1x128x16xf32, #tpu.memory_space<vmem>>
        %dma_wait3A_236 = tpu.memref_squeeze %dma_wait3A_235 : memref<1x128x16xf32, #tpu.memory_space<vmem>> -> memref<128x16xf32, #tpu.memory_space<vmem>>
        %dma_wait3A_237 = arith.constant 0 : i32
        %dma_wait3A_238 = arith.constant 0 : i32
        %dma_wait3A_239 = tpu.memref_slice %arg4[%dma_wait3A_237, %dma_wait3A_238] : memref<640x16xf32, #tpu.memory_space<hbm>> -> memref<128x16xf32, #tpu.memory_space<hbm>>
        tpu.wait_dma2 semaphore(%arg12 : memref<!tpu.dma_semaphore, #tpu.memory_space<semaphore_mem>>) src(%dma_wait3A_239 : memref<128x16xf32, #tpu.memory_space<hbm>>) dst(%dma_wait3A_236 : memref<128x16xf32, #tpu.memory_space<vmem>>)
        %dma_wait3A_240 = arith.constant 0 : i32
        %dma_wait3A_241 = arith.constant 0 : i32
        %dma_wait3A_242 = arith.constant 0 : i32
        %dma_wait3A_243 = tpu.memref_slice %arg8[%dma_wait3A_240, %dma_wait3A_241, %dma_wait3A_242] : memref<16x128x16xf32, #tpu.memory_space<vmem>> -> memref<1x128x16xf32, #tpu.memory_space<vmem>>
        %dma_wait3A_244 = tpu.memref_squeeze %dma_wait3A_243 : memref<1x128x16xf32, #tpu.memory_space<vmem>> -> memref<128x16xf32, #tpu.memory_space<vmem>>
        %dma_wait3A_245 = arith.constant 0 : i32
        %dma_wait3A_246 = arith.constant 0 : i32
        %dma_wait3A_247 = tpu.memref_slice %arg4[%dma_wait3A_245, %dma_wait3A_246] : memref<640x16xf32, #tpu.memory_space<hbm>> -> memref<128x16xf32, #tpu.memory_space<hbm>>
        %dma_wait3A_248 = arith.constant 0 : i32
        %dma_wait3A_249 = arith.constant 0 : i32
        %dma_wait3A_250 = tpu.memref_slice %arg8[%dma_wait3A_240, %dma_wait3A_248, %dma_wait3A_249] : memref<16x128x16xf32, #tpu.memory_space<vmem>> -> memref<1x128x16xf32, #tpu.memory_space<vmem>>
        %dma_wait3A_251 = tpu.memref_squeeze %dma_wait3A_250 : memref<1x128x16xf32, #tpu.memory_space<vmem>> -> memref<128x16xf32, #tpu.memory_space<vmem>>
        %dma_wait3A_252 = arith.constant 0 : i32
        %dma_wait3A_253 = arith.constant 0 : i32
        %dma_wait3A_254 = tpu.memref_slice %arg4[%dma_wait3A_252, %dma_wait3A_253] : memref<640x16xf32, #tpu.memory_space<hbm>> -> memref<128x16xf32, #tpu.memory_space<hbm>>
        tpu.wait_dma2 semaphore(%arg12 : memref<!tpu.dma_semaphore, #tpu.memory_space<semaphore_mem>>) src(%dma_wait3A_254 : memref<128x16xf32, #tpu.memory_space<hbm>>) dst(%dma_wait3A_251 : memref<128x16xf32, #tpu.memory_space<vmem>>)
        %dma_wait3A_255 = arith.constant 0 : i32
        %dma_wait3A_256 = arith.constant 0 : i32
        %dma_wait3A_257 = arith.constant 0 : i32
        %dma_wait3A_258 = tpu.memref_slice %arg8[%dma_wait3A_255, %dma_wait3A_256, %dma_wait3A_257] : memref<16x128x16xf32, #tpu.memory_space<vmem>> -> memref<1x128x16xf32, #tpu.memory_space<vmem>>
        %dma_wait3A_259 = tpu.memref_squeeze %dma_wait3A_258 : memref<1x128x16xf32, #tpu.memory_space<vmem>> -> memref<128x16xf32, #tpu.memory_space<vmem>>
        %dma_wait3A_260 = arith.constant 0 : i32
        %dma_wait3A_261 = arith.constant 0 : i32
        %dma_wait3A_262 = tpu.memref_slice %arg4[%dma_wait3A_260, %dma_wait3A_261] : memref<640x16xf32, #tpu.memory_space<hbm>> -> memref<128x16xf32, #tpu.memory_space<hbm>>
        %dma_wait3A_263 = arith.constant 0 : i32
        %dma_wait3A_264 = arith.constant 0 : i32
        %dma_wait3A_265 = tpu.memref_slice %arg8[%dma_wait3A_255, %dma_wait3A_263, %dma_wait3A_264] : memref<16x128x16xf32, #tpu.memory_space<vmem>> -> memref<1x128x16xf32, #tpu.memory_space<vmem>>
        %dma_wait3A_266 = tpu.memref_squeeze %dma_wait3A_265 : memref<1x128x16xf32, #tpu.memory_space<vmem>> -> memref<128x16xf32, #tpu.memory_space<vmem>>
        %dma_wait3A_267 = arith.constant 0 : i32
        %dma_wait3A_268 = arith.constant 0 : i32
        %dma_wait3A_269 = tpu.memref_slice %arg4[%dma_wait3A_267, %dma_wait3A_268] : memref<640x16xf32, #tpu.memory_space<hbm>> -> memref<128x16xf32, #tpu.memory_space<hbm>>
        tpu.wait_dma2 semaphore(%arg12 : memref<!tpu.dma_semaphore, #tpu.memory_space<semaphore_mem>>) src(%dma_wait3A_269 : memref<128x16xf32, #tpu.memory_space<hbm>>) dst(%dma_wait3A_266 : memref<128x16xf32, #tpu.memory_space<vmem>>)
        %dma_wait3A_270 = arith.constant 0 : i32
        %dma_wait3A_271 = arith.constant 0 : i32
        %dma_wait3A_272 = arith.constant 0 : i32
        %dma_wait3A_273 = tpu.memref_slice %arg8[%dma_wait3A_270, %dma_wait3A_271, %dma_wait3A_272] : memref<16x128x16xf32, #tpu.memory_space<vmem>> -> memref<1x128x16xf32, #tpu.memory_space<vmem>>
        %dma_wait3A_274 = tpu.memref_squeeze %dma_wait3A_273 : memref<1x128x16xf32, #tpu.memory_space<vmem>> -> memref<128x16xf32, #tpu.memory_space<vmem>>
        %dma_wait3A_275 = arith.constant 0 : i32
        %dma_wait3A_276 = arith.constant 0 : i32
        %dma_wait3A_277 = tpu.memref_slice %arg4[%dma_wait3A_275, %dma_wait3A_276] : memref<640x16xf32, #tpu.memory_space<hbm>> -> memref<128x16xf32, #tpu.memory_space<hbm>>
        %dma_wait3A_278 = arith.constant 0 : i32
        %dma_wait3A_279 = arith.constant 0 : i32
        %dma_wait3A_280 = tpu.memref_slice %arg8[%dma_wait3A_270, %dma_wait3A_278, %dma_wait3A_279] : memref<16x128x16xf32, #tpu.memory_space<vmem>> -> memref<1x128x16xf32, #tpu.memory_space<vmem>>
        %dma_wait3A_281 = tpu.memref_squeeze %dma_wait3A_280 : memref<1x128x16xf32, #tpu.memory_space<vmem>> -> memref<128x16xf32, #tpu.memory_space<vmem>>
        %dma_wait3A_282 = arith.constant 0 : i32
        %dma_wait3A_283 = arith.constant 0 : i32
        %dma_wait3A_284 = tpu.memref_slice %arg4[%dma_wait3A_282, %dma_wait3A_283] : memref<640x16xf32, #tpu.memory_space<hbm>> -> memref<128x16xf32, #tpu.memory_space<hbm>>
        tpu.wait_dma2 semaphore(%arg12 : memref<!tpu.dma_semaphore, #tpu.memory_space<semaphore_mem>>) src(%dma_wait3A_284 : memref<128x16xf32, #tpu.memory_space<hbm>>) dst(%dma_wait3A_281 : memref<128x16xf32, #tpu.memory_space<vmem>>)
        %dma_wait3A_285 = arith.constant 0 : i32
        %dma_wait3A_286 = arith.constant 0 : i32
        %dma_wait3A_287 = arith.constant 0 : i32
        %dma_wait3A_288 = tpu.memref_slice %arg8[%dma_wait3A_285, %dma_wait3A_286, %dma_wait3A_287] : memref<16x128x16xf32, #tpu.memory_space<vmem>> -> memref<1x128x16xf32, #tpu.memory_space<vmem>>
        %dma_wait3A_289 = tpu.memref_squeeze %dma_wait3A_288 : memref<1x128x16xf32, #tpu.memory_space<vmem>> -> memref<128x16xf32, #tpu.memory_space<vmem>>
        %dma_wait3A_290 = arith.constant 0 : i32
        %dma_wait3A_291 = arith.constant 0 : i32
        %dma_wait3A_292 = tpu.memref_slice %arg4[%dma_wait3A_290, %dma_wait3A_291] : memref<640x16xf32, #tpu.memory_space<hbm>> -> memref<128x16xf32, #tpu.memory_space<hbm>>
        %dma_wait3A_293 = arith.constant 0 : i32
        %dma_wait3A_294 = arith.constant 0 : i32
        %dma_wait3A_295 = tpu.memref_slice %arg8[%dma_wait3A_285, %dma_wait3A_293, %dma_wait3A_294] : memref<16x128x16xf32, #tpu.memory_space<vmem>> -> memref<1x128x16xf32, #tpu.memory_space<vmem>>
        %dma_wait3A_296 = tpu.memref_squeeze %dma_wait3A_295 : memref<1x128x16xf32, #tpu.memory_space<vmem>> -> memref<128x16xf32, #tpu.memory_space<vmem>>
        %dma_wait3A_297 = arith.constant 0 : i32
        %dma_wait3A_298 = arith.constant 0 : i32
        %dma_wait3A_299 = tpu.memref_slice %arg4[%dma_wait3A_297, %dma_wait3A_298] : memref<640x16xf32, #tpu.memory_space<hbm>> -> memref<128x16xf32, #tpu.memory_space<hbm>>
        tpu.wait_dma2 semaphore(%arg12 : memref<!tpu.dma_semaphore, #tpu.memory_space<semaphore_mem>>) src(%dma_wait3A_299 : memref<128x16xf32, #tpu.memory_space<hbm>>) dst(%dma_wait3A_296 : memref<128x16xf32, #tpu.memory_space<vmem>>)
      } else {
      }
      %add3A_171 = arith.constant 1 : i32
      %add3A_172 = arith.addi %scan3A_162, %add3A_171 : i32
      %lt3A = arith.cmpi slt, %add3A_172, %select_n3A_8 : i32
      %convert_element_type3A_173 = arith.extui %lt3A : i1 to i32
      %cond3A_174 = arith.constant 0 : i32
      %cond3A_175 = arith.cmpi ne, %convert_element_type3A_173, %cond3A_174 : i32
      scf.if %cond3A_175 {
        %add3A_180 = arith.constant 1 : i32
        %add3A_181 = arith.addi %scan3A_162, %add3A_180 : i32
        %mul3A_182 = arith.constant 8 : i32
        %mul3A_183 = arith.muli %add3A_181, %mul3A_182 : i32
        %add3A_184 = arith.constant 0 : i32
        %add3A_185 = arith.addi %mul3A_183, %add3A_184 : i32
        %add3A_186 = arith.constant 0 : i32
        %add3A_187 = arith.addi %sub3A_166, %add3A_186 : i32
        %dma_start3A_188 = arith.constant 0 : i32
        %dma_start3A_189 = arith.constant 0 : i32
        %dma_start3A_190 = tpu.memref_slice %arg8[%add3A_187, %dma_start3A_188, %dma_start3A_189] : memref<16x128x16xf32, #tpu.memory_space<vmem>> -> memref<1x128x16xf32, #tpu.memory_space<vmem>>
        %dma_start3A_191 = tpu.memref_squeeze %dma_start3A_190 : memref<1x128x16xf32, #tpu.memory_space<vmem>> -> memref<128x16xf32, #tpu.memory_space<vmem>>
        %dma_start3A_192 = arith.constant 0 : i32
        %dma_start3A_193 = tpu.memref_slice %arg6[%add3A_185, %dma_start3A_192] : memref<88x128xi32, #tpu.memory_space<vmem>> -> memref<1x128xi32, #tpu.memory_space<vmem>>
        %dma_start3A_194 = tpu.memref_squeeze %dma_start3A_193 : memref<1x128xi32, #tpu.memory_space<vmem>> -> memref<128xi32, #tpu.memory_space<vmem>>
        %dma_start3A_195 = arith.constant 0 : i32
        %dma_start3A_196 = arith.constant 0 : i32
        %dma_start3A_197 = tpu.memref_slice %arg10[%dma_start3A_195, %dma_start3A_196] : memref<10240x16xf32, #tpu.memory_space<vmem_shared>> -> memref<10240x16xf32, #tpu.memory_space<vmem_shared>>
        tpu.enqueue_indirect_dma source(%dma_start3A_197 : memref<10240x16xf32, #tpu.memory_space<vmem_shared>>) target(%dma_start3A_191 : memref<128x16xf32, #tpu.memory_space<vmem>>) offsets(%dma_start3A_194 : memref<128xi32, #tpu.memory_space<vmem>>) semaphore(%arg11 : memref<!tpu.dma_semaphore, #tpu.memory_space<semaphore_mem>>)
        %add3A_198 = arith.constant 1 : i32
        %add3A_199 = arith.addi %scan3A_162, %add3A_198 : i32
        %mul3A_200 = arith.constant 8 : i32
        %mul3A_201 = arith.muli %add3A_199, %mul3A_200 : i32
        %add3A_202 = arith.constant 1 : i32
        %add3A_203 = arith.addi %mul3A_201, %add3A_202 : i32
        %add3A_204 = arith.constant 1 : i32
        %add3A_205 = arith.addi %sub3A_166, %add3A_204 : i32
        %dma_start3A_206 = arith.constant 0 : i32
        %dma_start3A_207 = arith.constant 0 : i32
        %dma_start3A_208 = tpu.memref_slice %arg8[%add3A_205, %dma_start3A_206, %dma_start3A_207] : memref<16x128x16xf32, #tpu.memory_space<vmem>> -> memref<1x128x16xf32, #tpu.memory_space<vmem>>
        %dma_start3A_209 = tpu.memref_squeeze %dma_start3A_208 : memref<1x128x16xf32, #tpu.memory_space<vmem>> -> memref<128x16xf32, #tpu.memory_space<vmem>>
        %dma_start3A_210 = arith.constant 0 : i32
        %dma_start3A_211 = tpu.memref_slice %arg6[%add3A_203, %dma_start3A_210] : memref<88x128xi32, #tpu.memory_space<vmem>> -> memref<1x128xi32, #tpu.memory_space<vmem>>
        %dma_start3A_212 = tpu.memref_squeeze %dma_start3A_211 : memref<1x128xi32, #tpu.memory_space<vmem>> -> memref<128xi32, #tpu.memory_space<vmem>>
        %dma_start3A_213 = arith.constant 0 : i32
        %dma_start3A_214 = arith.constant 0 : i32
        %dma_start3A_215 = tpu.memref_slice %arg10[%dma_start3A_213, %dma_start3A_214] : memref<10240x16xf32, #tpu.memory_space<vmem_shared>> -> memref<10240x16xf32, #tpu.memory_space<vmem_shared>>
        tpu.enqueue_indirect_dma source(%dma_start3A_215 : memref<10240x16xf32, #tpu.memory_space<vmem_shared>>) target(%dma_start3A_209 : memref<128x16xf32, #tpu.memory_space<vmem>>) offsets(%dma_start3A_212 : memref<128xi32, #tpu.memory_space<vmem>>) semaphore(%arg11 : memref<!tpu.dma_semaphore, #tpu.memory_space<semaphore_mem>>)
        %add3A_216 = arith.constant 1 : i32
        %add3A_217 = arith.addi %scan3A_162, %add3A_216 : i32
        %mul3A_218 = arith.constant 8 : i32
        %mul3A_219 = arith.muli %add3A_217, %mul3A_218 : i32
        %add3A_220 = arith.constant 2 : i32
        %add3A_221 = arith.addi %mul3A_219, %add3A_220 : i32
        %add3A_222 = arith.constant 2 : i32
        %add3A_223 = arith.addi %sub3A_166, %add3A_222 : i32
        %dma_start3A_224 = arith.constant 0 : i32
        %dma_start3A_225 = arith.constant 0 : i32
        %dma_start3A_226 = tpu.memref_slice %arg8[%add3A_223, %dma_start3A_224, %dma_start3A_225] : memref<16x128x16xf32, #tpu.memory_space<vmem>> -> memref<1x128x16xf32, #tpu.memory_space<vmem>>
        %dma_start3A_227 = tpu.memref_squeeze %dma_start3A_226 : memref<1x128x16xf32, #tpu.memory_space<vmem>> -> memref<128x16xf32, #tpu.memory_space<vmem>>
        %dma_start3A_228 = arith.constant 0 : i32
        %dma_start3A_229 = tpu.memref_slice %arg6[%add3A_221, %dma_start3A_228] : memref<88x128xi32, #tpu.memory_space<vmem>> -> memref<1x128xi32, #tpu.memory_space<vmem>>
        %dma_start3A_230 = tpu.memref_squeeze %dma_start3A_229 : memref<1x128xi32, #tpu.memory_space<vmem>> -> memref<128xi32, #tpu.memory_space<vmem>>
        %dma_start3A_231 = arith.constant 0 : i32
        %dma_start3A_232 = arith.constant 0 : i32
        %dma_start3A_233 = tpu.memref_slice %arg10[%dma_start3A_231, %dma_start3A_232] : memref<10240x16xf32, #tpu.memory_space<vmem_shared>> -> memref<10240x16xf32, #tpu.memory_space<vmem_shared>>
        tpu.enqueue_indirect_dma source(%dma_start3A_233 : memref<10240x16xf32, #tpu.memory_space<vmem_shared>>) target(%dma_start3A_227 : memref<128x16xf32, #tpu.memory_space<vmem>>) offsets(%dma_start3A_230 : memref<128xi32, #tpu.memory_space<vmem>>) semaphore(%arg11 : memref<!tpu.dma_semaphore, #tpu.memory_space<semaphore_mem>>)
        %add3A_234 = arith.constant 1 : i32
        %add3A_235 = arith.addi %scan3A_162, %add3A_234 : i32
        %mul3A_236 = arith.constant 8 : i32
        %mul3A_237 = arith.muli %add3A_235, %mul3A_236 : i32
        %add3A_238 = arith.constant 3 : i32
        %add3A_239 = arith.addi %mul3A_237, %add3A_238 : i32
        %add3A_240 = arith.constant 3 : i32
        %add3A_241 = arith.addi %sub3A_166, %add3A_240 : i32
        %dma_start3A_242 = arith.constant 0 : i32
        %dma_start3A_243 = arith.constant 0 : i32
        %dma_start3A_244 = tpu.memref_slice %arg8[%add3A_241, %dma_start3A_242, %dma_start3A_243] : memref<16x128x16xf32, #tpu.memory_space<vmem>> -> memref<1x128x16xf32, #tpu.memory_space<vmem>>
        %dma_start3A_245 = tpu.memref_squeeze %dma_start3A_244 : memref<1x128x16xf32, #tpu.memory_space<vmem>> -> memref<128x16xf32, #tpu.memory_space<vmem>>
        %dma_start3A_246 = arith.constant 0 : i32
        %dma_start3A_247 = tpu.memref_slice %arg6[%add3A_239, %dma_start3A_246] : memref<88x128xi32, #tpu.memory_space<vmem>> -> memref<1x128xi32, #tpu.memory_space<vmem>>
        %dma_start3A_248 = tpu.memref_squeeze %dma_start3A_247 : memref<1x128xi32, #tpu.memory_space<vmem>> -> memref<128xi32, #tpu.memory_space<vmem>>
        %dma_start3A_249 = arith.constant 0 : i32
        %dma_start3A_250 = arith.constant 0 : i32
        %dma_start3A_251 = tpu.memref_slice %arg10[%dma_start3A_249, %dma_start3A_250] : memref<10240x16xf32, #tpu.memory_space<vmem_shared>> -> memref<10240x16xf32, #tpu.memory_space<vmem_shared>>
        tpu.enqueue_indirect_dma source(%dma_start3A_251 : memref<10240x16xf32, #tpu.memory_space<vmem_shared>>) target(%dma_start3A_245 : memref<128x16xf32, #tpu.memory_space<vmem>>) offsets(%dma_start3A_248 : memref<128xi32, #tpu.memory_space<vmem>>) semaphore(%arg11 : memref<!tpu.dma_semaphore, #tpu.memory_space<semaphore_mem>>)
        %add3A_252 = arith.constant 1 : i32
        %add3A_253 = arith.addi %scan3A_162, %add3A_252 : i32
        %mul3A_254 = arith.constant 8 : i32
        %mul3A_255 = arith.muli %add3A_253, %mul3A_254 : i32
        %add3A_256 = arith.constant 4 : i32
        %add3A_257 = arith.addi %mul3A_255, %add3A_256 : i32
        %add3A_258 = arith.constant 4 : i32
        %add3A_259 = arith.addi %sub3A_166, %add3A_258 : i32
        %dma_start3A_260 = arith.constant 0 : i32
        %dma_start3A_261 = arith.constant 0 : i32
        %dma_start3A_262 = tpu.memref_slice %arg8[%add3A_259, %dma_start3A_260, %dma_start3A_261] : memref<16x128x16xf32, #tpu.memory_space<vmem>> -> memref<1x128x16xf32, #tpu.memory_space<vmem>>
        %dma_start3A_263 = tpu.memref_squeeze %dma_start3A_262 : memref<1x128x16xf32, #tpu.memory_space<vmem>> -> memref<128x16xf32, #tpu.memory_space<vmem>>
        %dma_start3A_264 = arith.constant 0 : i32
        %dma_start3A_265 = tpu.memref_slice %arg6[%add3A_257, %dma_start3A_264] : memref<88x128xi32, #tpu.memory_space<vmem>> -> memref<1x128xi32, #tpu.memory_space<vmem>>
        %dma_start3A_266 = tpu.memref_squeeze %dma_start3A_265 : memref<1x128xi32, #tpu.memory_space<vmem>> -> memref<128xi32, #tpu.memory_space<vmem>>
        %dma_start3A_267 = arith.constant 0 : i32
        %dma_start3A_268 = arith.constant 0 : i32
        %dma_start3A_269 = tpu.memref_slice %arg10[%dma_start3A_267, %dma_start3A_268] : memref<10240x16xf32, #tpu.memory_space<vmem_shared>> -> memref<10240x16xf32, #tpu.memory_space<vmem_shared>>
        tpu.enqueue_indirect_dma source(%dma_start3A_269 : memref<10240x16xf32, #tpu.memory_space<vmem_shared>>) target(%dma_start3A_263 : memref<128x16xf32, #tpu.memory_space<vmem>>) offsets(%dma_start3A_266 : memref<128xi32, #tpu.memory_space<vmem>>) semaphore(%arg11 : memref<!tpu.dma_semaphore, #tpu.memory_space<semaphore_mem>>)
        %add3A_270 = arith.constant 1 : i32
        %add3A_271 = arith.addi %scan3A_162, %add3A_270 : i32
        %mul3A_272 = arith.constant 8 : i32
        %mul3A_273 = arith.muli %add3A_271, %mul3A_272 : i32
        %add3A_274 = arith.constant 5 : i32
        %add3A_275 = arith.addi %mul3A_273, %add3A_274 : i32
        %add3A_276 = arith.constant 5 : i32
        %add3A_277 = arith.addi %sub3A_166, %add3A_276 : i32
        %dma_start3A_278 = arith.constant 0 : i32
        %dma_start3A_279 = arith.constant 0 : i32
        %dma_start3A_280 = tpu.memref_slice %arg8[%add3A_277, %dma_start3A_278, %dma_start3A_279] : memref<16x128x16xf32, #tpu.memory_space<vmem>> -> memref<1x128x16xf32, #tpu.memory_space<vmem>>
        %dma_start3A_281 = tpu.memref_squeeze %dma_start3A_280 : memref<1x128x16xf32, #tpu.memory_space<vmem>> -> memref<128x16xf32, #tpu.memory_space<vmem>>
        %dma_start3A_282 = arith.constant 0 : i32
        %dma_start3A_283 = tpu.memref_slice %arg6[%add3A_275, %dma_start3A_282] : memref<88x128xi32, #tpu.memory_space<vmem>> -> memref<1x128xi32, #tpu.memory_space<vmem>>
        %dma_start3A_284 = tpu.memref_squeeze %dma_start3A_283 : memref<1x128xi32, #tpu.memory_space<vmem>> -> memref<128xi32, #tpu.memory_space<vmem>>
        %dma_start3A_285 = arith.constant 0 : i32
        %dma_start3A_286 = arith.constant 0 : i32
        %dma_start3A_287 = tpu.memref_slice %arg10[%dma_start3A_285, %dma_start3A_286] : memref<10240x16xf32, #tpu.memory_space<vmem_shared>> -> memref<10240x16xf32, #tpu.memory_space<vmem_shared>>
        tpu.enqueue_indirect_dma source(%dma_start3A_287 : memref<10240x16xf32, #tpu.memory_space<vmem_shared>>) target(%dma_start3A_281 : memref<128x16xf32, #tpu.memory_space<vmem>>) offsets(%dma_start3A_284 : memref<128xi32, #tpu.memory_space<vmem>>) semaphore(%arg11 : memref<!tpu.dma_semaphore, #tpu.memory_space<semaphore_mem>>)
        %add3A_288 = arith.constant 1 : i32
        %add3A_289 = arith.addi %scan3A_162, %add3A_288 : i32
        %mul3A_290 = arith.constant 8 : i32
        %mul3A_291 = arith.muli %add3A_289, %mul3A_290 : i32
        %add3A_292 = arith.constant 6 : i32
        %add3A_293 = arith.addi %mul3A_291, %add3A_292 : i32
        %add3A_294 = arith.constant 6 : i32
        %add3A_295 = arith.addi %sub3A_166, %add3A_294 : i32
        %dma_start3A_296 = arith.constant 0 : i32
        %dma_start3A_297 = arith.constant 0 : i32
        %dma_start3A_298 = tpu.memref_slice %arg8[%add3A_295, %dma_start3A_296, %dma_start3A_297] : memref<16x128x16xf32, #tpu.memory_space<vmem>> -> memref<1x128x16xf32, #tpu.memory_space<vmem>>
        %dma_start3A_299 = tpu.memref_squeeze %dma_start3A_298 : memref<1x128x16xf32, #tpu.memory_space<vmem>> -> memref<128x16xf32, #tpu.memory_space<vmem>>
        %dma_start3A_300 = arith.constant 0 : i32
        %dma_start3A_301 = tpu.memref_slice %arg6[%add3A_293, %dma_start3A_300] : memref<88x128xi32, #tpu.memory_space<vmem>> -> memref<1x128xi32, #tpu.memory_space<vmem>>
        %dma_start3A_302 = tpu.memref_squeeze %dma_start3A_301 : memref<1x128xi32, #tpu.memory_space<vmem>> -> memref<128xi32, #tpu.memory_space<vmem>>
        %dma_start3A_303 = arith.constant 0 : i32
        %dma_start3A_304 = arith.constant 0 : i32
        %dma_start3A_305 = tpu.memref_slice %arg10[%dma_start3A_303, %dma_start3A_304] : memref<10240x16xf32, #tpu.memory_space<vmem_shared>> -> memref<10240x16xf32, #tpu.memory_space<vmem_shared>>
        tpu.enqueue_indirect_dma source(%dma_start3A_305 : memref<10240x16xf32, #tpu.memory_space<vmem_shared>>) target(%dma_start3A_299 : memref<128x16xf32, #tpu.memory_space<vmem>>) offsets(%dma_start3A_302 : memref<128xi32, #tpu.memory_space<vmem>>) semaphore(%arg11 : memref<!tpu.dma_semaphore, #tpu.memory_space<semaphore_mem>>)
        %add3A_306 = arith.constant 1 : i32
        %add3A_307 = arith.addi %scan3A_162, %add3A_306 : i32
        %mul3A_308 = arith.constant 8 : i32
        %mul3A_309 = arith.muli %add3A_307, %mul3A_308 : i32
        %add3A_310 = arith.constant 7 : i32
        %add3A_311 = arith.addi %mul3A_309, %add3A_310 : i32
        %add3A_312 = arith.constant 7 : i32
        %add3A_313 = arith.addi %sub3A_166, %add3A_312 : i32
        %dma_start3A_314 = arith.constant 0 : i32
        %dma_start3A_315 = arith.constant 0 : i32
        %dma_start3A_316 = tpu.memref_slice %arg8[%add3A_313, %dma_start3A_314, %dma_start3A_315] : memref<16x128x16xf32, #tpu.memory_space<vmem>> -> memref<1x128x16xf32, #tpu.memory_space<vmem>>
        %dma_start3A_317 = tpu.memref_squeeze %dma_start3A_316 : memref<1x128x16xf32, #tpu.memory_space<vmem>> -> memref<128x16xf32, #tpu.memory_space<vmem>>
        %dma_start3A_318 = arith.constant 0 : i32
        %dma_start3A_319 = tpu.memref_slice %arg6[%add3A_311, %dma_start3A_318] : memref<88x128xi32, #tpu.memory_space<vmem>> -> memref<1x128xi32, #tpu.memory_space<vmem>>
        %dma_start3A_320 = tpu.memref_squeeze %dma_start3A_319 : memref<1x128xi32, #tpu.memory_space<vmem>> -> memref<128xi32, #tpu.memory_space<vmem>>
        %dma_start3A_321 = arith.constant 0 : i32
        %dma_start3A_322 = arith.constant 0 : i32
        %dma_start3A_323 = tpu.memref_slice %arg10[%dma_start3A_321, %dma_start3A_322] : memref<10240x16xf32, #tpu.memory_space<vmem_shared>> -> memref<10240x16xf32, #tpu.memory_space<vmem_shared>>
        tpu.enqueue_indirect_dma source(%dma_start3A_323 : memref<10240x16xf32, #tpu.memory_space<vmem_shared>>) target(%dma_start3A_317 : memref<128x16xf32, #tpu.memory_space<vmem>>) offsets(%dma_start3A_320 : memref<128xi32, #tpu.memory_space<vmem>>) semaphore(%arg11 : memref<!tpu.dma_semaphore, #tpu.memory_space<semaphore_mem>>)
      } else {
      }
      %lt3A_176 = arith.cmpi slt, %scan3A_162, %select_n3A_8 : i32
      %convert_element_type3A_177 = arith.extui %lt3A_176 : i1 to i32
      %cond3A_178 = arith.constant 0 : i32
      %cond3A_179 = arith.cmpi ne, %convert_element_type3A_177, %cond3A_178 : i32
      scf.if %cond3A_179 {
        %dma_wait3A_180 = arith.constant 0 : i32
        %dma_wait3A_181 = arith.constant 0 : i32
        %dma_wait3A_182 = arith.constant 0 : i32
        %dma_wait3A_183 = tpu.memref_slice %arg8[%dma_wait3A_180, %dma_wait3A_181, %dma_wait3A_182] : memref<16x128x16xf32, #tpu.memory_space<vmem>> -> memref<1x128x16xf32, #tpu.memory_space<vmem>>
        %dma_wait3A_184 = tpu.memref_squeeze %dma_wait3A_183 : memref<1x128x16xf32, #tpu.memory_space<vmem>> -> memref<128x16xf32, #tpu.memory_space<vmem>>
        %dma_wait3A_185 = arith.constant 0 : i32
        %dma_wait3A_186 = arith.constant 0 : i32
        %dma_wait3A_187 = tpu.memref_slice %arg4[%dma_wait3A_185, %dma_wait3A_186] : memref<640x16xf32, #tpu.memory_space<hbm>> -> memref<128x16xf32, #tpu.memory_space<hbm>>
        %dma_wait3A_188 = arith.constant 0 : i32
        %dma_wait3A_189 = arith.constant 0 : i32
        %dma_wait3A_190 = tpu.memref_slice %arg8[%dma_wait3A_180, %dma_wait3A_188, %dma_wait3A_189] : memref<16x128x16xf32, #tpu.memory_space<vmem>> -> memref<1x128x16xf32, #tpu.memory_space<vmem>>
        %dma_wait3A_191 = tpu.memref_squeeze %dma_wait3A_190 : memref<1x128x16xf32, #tpu.memory_space<vmem>> -> memref<128x16xf32, #tpu.memory_space<vmem>>
        %dma_wait3A_192 = arith.constant 0 : i32
        %dma_wait3A_193 = arith.constant 0 : i32
        %dma_wait3A_194 = tpu.memref_slice %arg4[%dma_wait3A_192, %dma_wait3A_193] : memref<640x16xf32, #tpu.memory_space<hbm>> -> memref<128x16xf32, #tpu.memory_space<hbm>>
        tpu.wait_dma2 semaphore(%arg11 : memref<!tpu.dma_semaphore, #tpu.memory_space<semaphore_mem>>) src(%dma_wait3A_194 : memref<128x16xf32, #tpu.memory_space<hbm>>) dst(%dma_wait3A_191 : memref<128x16xf32, #tpu.memory_space<vmem>>)
        %add3A_195 = arith.constant 0 : i32
        %add3A_196 = arith.addi %mul3A_165, %add3A_195 : i32
        %mul3A_197 = arith.constant 8 : i32
        %mul3A_198 = arith.muli %scan3A_162, %mul3A_197 : i32
        %add3A_199 = arith.constant 0 : i32
        %add3A_200 = arith.addi %mul3A_198, %add3A_199 : i32
        %dma_start3A_201 = arith.constant 0 : i32
        %dma_start3A_202 = arith.constant 0 : i32
        %dma_start3A_203 = tpu.memref_slice %arg8[%add3A_196, %dma_start3A_201, %dma_start3A_202] : memref<16x128x16xf32, #tpu.memory_space<vmem>> -> memref<1x128x16xf32, #tpu.memory_space<vmem>>
        %dma_start3A_204 = tpu.memref_squeeze %dma_start3A_203 : memref<1x128x16xf32, #tpu.memory_space<vmem>> -> memref<128x16xf32, #tpu.memory_space<vmem>>
        %dma_start3A_205 = arith.constant 0 : i32
        %dma_start3A_206 = tpu.memref_slice %arg7[%add3A_200, %dma_start3A_205] : memref<88x128xi32, #tpu.memory_space<vmem>> -> memref<1x128xi32, #tpu.memory_space<vmem>>
        %dma_start3A_207 = tpu.memref_squeeze %dma_start3A_206 : memref<1x128xi32, #tpu.memory_space<vmem>> -> memref<128xi32, #tpu.memory_space<vmem>>
        %dma_start3A_208 = arith.constant 0 : i32
        %dma_start3A_209 = arith.constant 0 : i32
        %dma_start3A_210 = tpu.memref_slice %arg9[%dma_start3A_208, %dma_start3A_209] : memref<10240x16xf32, #tpu.memory_space<vmem_shared>> -> memref<10240x16xf32, #tpu.memory_space<vmem_shared>>
        tpu.enqueue_indirect_dma source(%dma_start3A_204 : memref<128x16xf32, #tpu.memory_space<vmem>>) target(%dma_start3A_210 : memref<10240x16xf32, #tpu.memory_space<vmem_shared>>) offsets(%dma_start3A_207 : memref<128xi32, #tpu.memory_space<vmem>>) semaphore(%arg12 : memref<!tpu.dma_semaphore, #tpu.memory_space<semaphore_mem>>) {add = true}
        %dma_wait3A_211 = arith.constant 0 : i32
        %dma_wait3A_212 = arith.constant 0 : i32
        %dma_wait3A_213 = arith.constant 0 : i32
        %dma_wait3A_214 = tpu.memref_slice %arg8[%dma_wait3A_211, %dma_wait3A_212, %dma_wait3A_213] : memref<16x128x16xf32, #tpu.memory_space<vmem>> -> memref<1x128x16xf32, #tpu.memory_space<vmem>>
        %dma_wait3A_215 = tpu.memref_squeeze %dma_wait3A_214 : memref<1x128x16xf32, #tpu.memory_space<vmem>> -> memref<128x16xf32, #tpu.memory_space<vmem>>
        %dma_wait3A_216 = arith.constant 0 : i32
        %dma_wait3A_217 = arith.constant 0 : i32
        %dma_wait3A_218 = tpu.memref_slice %arg4[%dma_wait3A_216, %dma_wait3A_217] : memref<640x16xf32, #tpu.memory_space<hbm>> -> memref<128x16xf32, #tpu.memory_space<hbm>>
        %dma_wait3A_219 = arith.constant 0 : i32
        %dma_wait3A_220 = arith.constant 0 : i32
        %dma_wait3A_221 = tpu.memref_slice %arg8[%dma_wait3A_211, %dma_wait3A_219, %dma_wait3A_220] : memref<16x128x16xf32, #tpu.memory_space<vmem>> -> memref<1x128x16xf32, #tpu.memory_space<vmem>>
        %dma_wait3A_222 = tpu.memref_squeeze %dma_wait3A_221 : memref<1x128x16xf32, #tpu.memory_space<vmem>> -> memref<128x16xf32, #tpu.memory_space<vmem>>
        %dma_wait3A_223 = arith.constant 0 : i32
        %dma_wait3A_224 = arith.constant 0 : i32
        %dma_wait3A_225 = tpu.memref_slice %arg4[%dma_wait3A_223, %dma_wait3A_224] : memref<640x16xf32, #tpu.memory_space<hbm>> -> memref<128x16xf32, #tpu.memory_space<hbm>>
        tpu.wait_dma2 semaphore(%arg11 : memref<!tpu.dma_semaphore, #tpu.memory_space<semaphore_mem>>) src(%dma_wait3A_225 : memref<128x16xf32, #tpu.memory_space<hbm>>) dst(%dma_wait3A_222 : memref<128x16xf32, #tpu.memory_space<vmem>>)
        %add3A_226 = arith.constant 1 : i32
        %add3A_227 = arith.addi %mul3A_165, %add3A_226 : i32
        %mul3A_228 = arith.constant 8 : i32
        %mul3A_229 = arith.muli %scan3A_162, %mul3A_228 : i32
        %add3A_230 = arith.constant 1 : i32
        %add3A_231 = arith.addi %mul3A_229, %add3A_230 : i32
        %dma_start3A_232 = arith.constant 0 : i32
        %dma_start3A_233 = arith.constant 0 : i32
        %dma_start3A_234 = tpu.memref_slice %arg8[%add3A_227, %dma_start3A_232, %dma_start3A_233] : memref<16x128x16xf32, #tpu.memory_space<vmem>> -> memref<1x128x16xf32, #tpu.memory_space<vmem>>
        %dma_start3A_235 = tpu.memref_squeeze %dma_start3A_234 : memref<1x128x16xf32, #tpu.memory_space<vmem>> -> memref<128x16xf32, #tpu.memory_space<vmem>>
        %dma_start3A_236 = arith.constant 0 : i32
        %dma_start3A_237 = tpu.memref_slice %arg7[%add3A_231, %dma_start3A_236] : memref<88x128xi32, #tpu.memory_space<vmem>> -> memref<1x128xi32, #tpu.memory_space<vmem>>
        %dma_start3A_238 = tpu.memref_squeeze %dma_start3A_237 : memref<1x128xi32, #tpu.memory_space<vmem>> -> memref<128xi32, #tpu.memory_space<vmem>>
        %dma_start3A_239 = arith.constant 0 : i32
        %dma_start3A_240 = arith.constant 0 : i32
        %dma_start3A_241 = tpu.memref_slice %arg9[%dma_start3A_239, %dma_start3A_240] : memref<10240x16xf32, #tpu.memory_space<vmem_shared>> -> memref<10240x16xf32, #tpu.memory_space<vmem_shared>>
        tpu.enqueue_indirect_dma source(%dma_start3A_235 : memref<128x16xf32, #tpu.memory_space<vmem>>) target(%dma_start3A_241 : memref<10240x16xf32, #tpu.memory_space<vmem_shared>>) offsets(%dma_start3A_238 : memref<128xi32, #tpu.memory_space<vmem>>) semaphore(%arg12 : memref<!tpu.dma_semaphore, #tpu.memory_space<semaphore_mem>>) {add = true}
        %dma_wait3A_242 = arith.constant 0 : i32
        %dma_wait3A_243 = arith.constant 0 : i32
        %dma_wait3A_244 = arith.constant 0 : i32
        %dma_wait3A_245 = tpu.memref_slice %arg8[%dma_wait3A_242, %dma_wait3A_243, %dma_wait3A_244] : memref<16x128x16xf32, #tpu.memory_space<vmem>> -> memref<1x128x16xf32, #tpu.memory_space<vmem>>
        %dma_wait3A_246 = tpu.memref_squeeze %dma_wait3A_245 : memref<1x128x16xf32, #tpu.memory_space<vmem>> -> memref<128x16xf32, #tpu.memory_space<vmem>>
        %dma_wait3A_247 = arith.constant 0 : i32
        %dma_wait3A_248 = arith.constant 0 : i32
        %dma_wait3A_249 = tpu.memref_slice %arg4[%dma_wait3A_247, %dma_wait3A_248] : memref<640x16xf32, #tpu.memory_space<hbm>> -> memref<128x16xf32, #tpu.memory_space<hbm>>
        %dma_wait3A_250 = arith.constant 0 : i32
        %dma_wait3A_251 = arith.constant 0 : i32
        %dma_wait3A_252 = tpu.memref_slice %arg8[%dma_wait3A_242, %dma_wait3A_250, %dma_wait3A_251] : memref<16x128x16xf32, #tpu.memory_space<vmem>> -> memref<1x128x16xf32, #tpu.memory_space<vmem>>
        %dma_wait3A_253 = tpu.memref_squeeze %dma_wait3A_252 : memref<1x128x16xf32, #tpu.memory_space<vmem>> -> memref<128x16xf32, #tpu.memory_space<vmem>>
        %dma_wait3A_254 = arith.constant 0 : i32
        %dma_wait3A_255 = arith.constant 0 : i32
        %dma_wait3A_256 = tpu.memref_slice %arg4[%dma_wait3A_254, %dma_wait3A_255] : memref<640x16xf32, #tpu.memory_space<hbm>> -> memref<128x16xf32, #tpu.memory_space<hbm>>
        tpu.wait_dma2 semaphore(%arg11 : memref<!tpu.dma_semaphore, #tpu.memory_space<semaphore_mem>>) src(%dma_wait3A_256 : memref<128x16xf32, #tpu.memory_space<hbm>>) dst(%dma_wait3A_253 : memref<128x16xf32, #tpu.memory_space<vmem>>)
        %add3A_257 = arith.constant 2 : i32
        %add3A_258 = arith.addi %mul3A_165, %add3A_257 : i32
        %mul3A_259 = arith.constant 8 : i32
        %mul3A_260 = arith.muli %scan3A_162, %mul3A_259 : i32
        %add3A_261 = arith.constant 2 : i32
        %add3A_262 = arith.addi %mul3A_260, %add3A_261 : i32
        %dma_start3A_263 = arith.constant 0 : i32
        %dma_start3A_264 = arith.constant 0 : i32
        %dma_start3A_265 = tpu.memref_slice %arg8[%add3A_258, %dma_start3A_263, %dma_start3A_264] : memref<16x128x16xf32, #tpu.memory_space<vmem>> -> memref<1x128x16xf32, #tpu.memory_space<vmem>>
        %dma_start3A_266 = tpu.memref_squeeze %dma_start3A_265 : memref<1x128x16xf32, #tpu.memory_space<vmem>> -> memref<128x16xf32, #tpu.memory_space<vmem>>
        %dma_start3A_267 = arith.constant 0 : i32
        %dma_start3A_268 = tpu.memref_slice %arg7[%add3A_262, %dma_start3A_267] : memref<88x128xi32, #tpu.memory_space<vmem>> -> memref<1x128xi32, #tpu.memory_space<vmem>>
        %dma_start3A_269 = tpu.memref_squeeze %dma_start3A_268 : memref<1x128xi32, #tpu.memory_space<vmem>> -> memref<128xi32, #tpu.memory_space<vmem>>
        %dma_start3A_270 = arith.constant 0 : i32
        %dma_start3A_271 = arith.constant 0 : i32
        %dma_start3A_272 = tpu.memref_slice %arg9[%dma_start3A_270, %dma_start3A_271] : memref<10240x16xf32, #tpu.memory_space<vmem_shared>> -> memref<10240x16xf32, #tpu.memory_space<vmem_shared>>
        tpu.enqueue_indirect_dma source(%dma_start3A_266 : memref<128x16xf32, #tpu.memory_space<vmem>>) target(%dma_start3A_272 : memref<10240x16xf32, #tpu.memory_space<vmem_shared>>) offsets(%dma_start3A_269 : memref<128xi32, #tpu.memory_space<vmem>>) semaphore(%arg12 : memref<!tpu.dma_semaphore, #tpu.memory_space<semaphore_mem>>) {add = true}
        %dma_wait3A_273 = arith.constant 0 : i32
        %dma_wait3A_274 = arith.constant 0 : i32
        %dma_wait3A_275 = arith.constant 0 : i32
        %dma_wait3A_276 = tpu.memref_slice %arg8[%dma_wait3A_273, %dma_wait3A_274, %dma_wait3A_275] : memref<16x128x16xf32, #tpu.memory_space<vmem>> -> memref<1x128x16xf32, #tpu.memory_space<vmem>>
        %dma_wait3A_277 = tpu.memref_squeeze %dma_wait3A_276 : memref<1x128x16xf32, #tpu.memory_space<vmem>> -> memref<128x16xf32, #tpu.memory_space<vmem>>
        %dma_wait3A_278 = arith.constant 0 : i32
        %dma_wait3A_279 = arith.constant 0 : i32
        %dma_wait3A_280 = tpu.memref_slice %arg4[%dma_wait3A_278, %dma_wait3A_279] : memref<640x16xf32, #tpu.memory_space<hbm>> -> memref<128x16xf32, #tpu.memory_space<hbm>>
        %dma_wait3A_281 = arith.constant 0 : i32
        %dma_wait3A_282 = arith.constant 0 : i32
        %dma_wait3A_283 = tpu.memref_slice %arg8[%dma_wait3A_273, %dma_wait3A_281, %dma_wait3A_282] : memref<16x128x16xf32, #tpu.memory_space<vmem>> -> memref<1x128x16xf32, #tpu.memory_space<vmem>>
        %dma_wait3A_284 = tpu.memref_squeeze %dma_wait3A_283 : memref<1x128x16xf32, #tpu.memory_space<vmem>> -> memref<128x16xf32, #tpu.memory_space<vmem>>
        %dma_wait3A_285 = arith.constant 0 : i32
        %dma_wait3A_286 = arith.constant 0 : i32
        %dma_wait3A_287 = tpu.memref_slice %arg4[%dma_wait3A_285, %dma_wait3A_286] : memref<640x16xf32, #tpu.memory_space<hbm>> -> memref<128x16xf32, #tpu.memory_space<hbm>>
        tpu.wait_dma2 semaphore(%arg11 : memref<!tpu.dma_semaphore, #tpu.memory_space<semaphore_mem>>) src(%dma_wait3A_287 : memref<128x16xf32, #tpu.memory_space<hbm>>) dst(%dma_wait3A_284 : memref<128x16xf32, #tpu.memory_space<vmem>>)
        %add3A_288 = arith.constant 3 : i32
        %add3A_289 = arith.addi %mul3A_165, %add3A_288 : i32
        %mul3A_290 = arith.constant 8 : i32
        %mul3A_291 = arith.muli %scan3A_162, %mul3A_290 : i32
        %add3A_292 = arith.constant 3 : i32
        %add3A_293 = arith.addi %mul3A_291, %add3A_292 : i32
        %dma_start3A_294 = arith.constant 0 : i32
        %dma_start3A_295 = arith.constant 0 : i32
        %dma_start3A_296 = tpu.memref_slice %arg8[%add3A_289, %dma_start3A_294, %dma_start3A_295] : memref<16x128x16xf32, #tpu.memory_space<vmem>> -> memref<1x128x16xf32, #tpu.memory_space<vmem>>
        %dma_start3A_297 = tpu.memref_squeeze %dma_start3A_296 : memref<1x128x16xf32, #tpu.memory_space<vmem>> -> memref<128x16xf32, #tpu.memory_space<vmem>>
        %dma_start3A_298 = arith.constant 0 : i32
        %dma_start3A_299 = tpu.memref_slice %arg7[%add3A_293, %dma_start3A_298] : memref<88x128xi32, #tpu.memory_space<vmem>> -> memref<1x128xi32, #tpu.memory_space<vmem>>
        %dma_start3A_300 = tpu.memref_squeeze %dma_start3A_299 : memref<1x128xi32, #tpu.memory_space<vmem>> -> memref<128xi32, #tpu.memory_space<vmem>>
        %dma_start3A_301 = arith.constant 0 : i32
        %dma_start3A_302 = arith.constant 0 : i32
        %dma_start3A_303 = tpu.memref_slice %arg9[%dma_start3A_301, %dma_start3A_302] : memref<10240x16xf32, #tpu.memory_space<vmem_shared>> -> memref<10240x16xf32, #tpu.memory_space<vmem_shared>>
        tpu.enqueue_indirect_dma source(%dma_start3A_297 : memref<128x16xf32, #tpu.memory_space<vmem>>) target(%dma_start3A_303 : memref<10240x16xf32, #tpu.memory_space<vmem_shared>>) offsets(%dma_start3A_300 : memref<128xi32, #tpu.memory_space<vmem>>) semaphore(%arg12 : memref<!tpu.dma_semaphore, #tpu.memory_space<semaphore_mem>>) {add = true}
        %dma_wait3A_304 = arith.constant 0 : i32
        %dma_wait3A_305 = arith.constant 0 : i32
        %dma_wait3A_306 = arith.constant 0 : i32
        %dma_wait3A_307 = tpu.memref_slice %arg8[%dma_wait3A_304, %dma_wait3A_305, %dma_wait3A_306] : memref<16x128x16xf32, #tpu.memory_space<vmem>> -> memref<1x128x16xf32, #tpu.memory_space<vmem>>
        %dma_wait3A_308 = tpu.memref_squeeze %dma_wait3A_307 : memref<1x128x16xf32, #tpu.memory_space<vmem>> -> memref<128x16xf32, #tpu.memory_space<vmem>>
        %dma_wait3A_309 = arith.constant 0 : i32
        %dma_wait3A_310 = arith.constant 0 : i32
        %dma_wait3A_311 = tpu.memref_slice %arg4[%dma_wait3A_309, %dma_wait3A_310] : memref<640x16xf32, #tpu.memory_space<hbm>> -> memref<128x16xf32, #tpu.memory_space<hbm>>
        %dma_wait3A_312 = arith.constant 0 : i32
        %dma_wait3A_313 = arith.constant 0 : i32
        %dma_wait3A_314 = tpu.memref_slice %arg8[%dma_wait3A_304, %dma_wait3A_312, %dma_wait3A_313] : memref<16x128x16xf32, #tpu.memory_space<vmem>> -> memref<1x128x16xf32, #tpu.memory_space<vmem>>
        %dma_wait3A_315 = tpu.memref_squeeze %dma_wait3A_314 : memref<1x128x16xf32, #tpu.memory_space<vmem>> -> memref<128x16xf32, #tpu.memory_space<vmem>>
        %dma_wait3A_316 = arith.constant 0 : i32
        %dma_wait3A_317 = arith.constant 0 : i32
        %dma_wait3A_318 = tpu.memref_slice %arg4[%dma_wait3A_316, %dma_wait3A_317] : memref<640x16xf32, #tpu.memory_space<hbm>> -> memref<128x16xf32, #tpu.memory_space<hbm>>
        tpu.wait_dma2 semaphore(%arg11 : memref<!tpu.dma_semaphore, #tpu.memory_space<semaphore_mem>>) src(%dma_wait3A_318 : memref<128x16xf32, #tpu.memory_space<hbm>>) dst(%dma_wait3A_315 : memref<128x16xf32, #tpu.memory_space<vmem>>)
        %add3A_319 = arith.constant 4 : i32
        %add3A_320 = arith.addi %mul3A_165, %add3A_319 : i32
        %mul3A_321 = arith.constant 8 : i32
        %mul3A_322 = arith.muli %scan3A_162, %mul3A_321 : i32
        %add3A_323 = arith.constant 4 : i32
        %add3A_324 = arith.addi %mul3A_322, %add3A_323 : i32
        %dma_start3A_325 = arith.constant 0 : i32
        %dma_start3A_326 = arith.constant 0 : i32
        %dma_start3A_327 = tpu.memref_slice %arg8[%add3A_320, %dma_start3A_325, %dma_start3A_326] : memref<16x128x16xf32, #tpu.memory_space<vmem>> -> memref<1x128x16xf32, #tpu.memory_space<vmem>>
        %dma_start3A_328 = tpu.memref_squeeze %dma_start3A_327 : memref<1x128x16xf32, #tpu.memory_space<vmem>> -> memref<128x16xf32, #tpu.memory_space<vmem>>
        %dma_start3A_329 = arith.constant 0 : i32
        %dma_start3A_330 = tpu.memref_slice %arg7[%add3A_324, %dma_start3A_329] : memref<88x128xi32, #tpu.memory_space<vmem>> -> memref<1x128xi32, #tpu.memory_space<vmem>>
        %dma_start3A_331 = tpu.memref_squeeze %dma_start3A_330 : memref<1x128xi32, #tpu.memory_space<vmem>> -> memref<128xi32, #tpu.memory_space<vmem>>
        %dma_start3A_332 = arith.constant 0 : i32
        %dma_start3A_333 = arith.constant 0 : i32
        %dma_start3A_334 = tpu.memref_slice %arg9[%dma_start3A_332, %dma_start3A_333] : memref<10240x16xf32, #tpu.memory_space<vmem_shared>> -> memref<10240x16xf32, #tpu.memory_space<vmem_shared>>
        tpu.enqueue_indirect_dma source(%dma_start3A_328 : memref<128x16xf32, #tpu.memory_space<vmem>>) target(%dma_start3A_334 : memref<10240x16xf32, #tpu.memory_space<vmem_shared>>) offsets(%dma_start3A_331 : memref<128xi32, #tpu.memory_space<vmem>>) semaphore(%arg12 : memref<!tpu.dma_semaphore, #tpu.memory_space<semaphore_mem>>) {add = true}
        %dma_wait3A_335 = arith.constant 0 : i32
        %dma_wait3A_336 = arith.constant 0 : i32
        %dma_wait3A_337 = arith.constant 0 : i32
        %dma_wait3A_338 = tpu.memref_slice %arg8[%dma_wait3A_335, %dma_wait3A_336, %dma_wait3A_337] : memref<16x128x16xf32, #tpu.memory_space<vmem>> -> memref<1x128x16xf32, #tpu.memory_space<vmem>>
        %dma_wait3A_339 = tpu.memref_squeeze %dma_wait3A_338 : memref<1x128x16xf32, #tpu.memory_space<vmem>> -> memref<128x16xf32, #tpu.memory_space<vmem>>
        %dma_wait3A_340 = arith.constant 0 : i32
        %dma_wait3A_341 = arith.constant 0 : i32
        %dma_wait3A_342 = tpu.memref_slice %arg4[%dma_wait3A_340, %dma_wait3A_341] : memref<640x16xf32, #tpu.memory_space<hbm>> -> memref<128x16xf32, #tpu.memory_space<hbm>>
        %dma_wait3A_343 = arith.constant 0 : i32
        %dma_wait3A_344 = arith.constant 0 : i32
        %dma_wait3A_345 = tpu.memref_slice %arg8[%dma_wait3A_335, %dma_wait3A_343, %dma_wait3A_344] : memref<16x128x16xf32, #tpu.memory_space<vmem>> -> memref<1x128x16xf32, #tpu.memory_space<vmem>>
        %dma_wait3A_346 = tpu.memref_squeeze %dma_wait3A_345 : memref<1x128x16xf32, #tpu.memory_space<vmem>> -> memref<128x16xf32, #tpu.memory_space<vmem>>
        %dma_wait3A_347 = arith.constant 0 : i32
        %dma_wait3A_348 = arith.constant 0 : i32
        %dma_wait3A_349 = tpu.memref_slice %arg4[%dma_wait3A_347, %dma_wait3A_348] : memref<640x16xf32, #tpu.memory_space<hbm>> -> memref<128x16xf32, #tpu.memory_space<hbm>>
        tpu.wait_dma2 semaphore(%arg11 : memref<!tpu.dma_semaphore, #tpu.memory_space<semaphore_mem>>) src(%dma_wait3A_349 : memref<128x16xf32, #tpu.memory_space<hbm>>) dst(%dma_wait3A_346 : memref<128x16xf32, #tpu.memory_space<vmem>>)
        %add3A_350 = arith.constant 5 : i32
        %add3A_351 = arith.addi %mul3A_165, %add3A_350 : i32
        %mul3A_352 = arith.constant 8 : i32
        %mul3A_353 = arith.muli %scan3A_162, %mul3A_352 : i32
        %add3A_354 = arith.constant 5 : i32
        %add3A_355 = arith.addi %mul3A_353, %add3A_354 : i32
        %dma_start3A_356 = arith.constant 0 : i32
        %dma_start3A_357 = arith.constant 0 : i32
        %dma_start3A_358 = tpu.memref_slice %arg8[%add3A_351, %dma_start3A_356, %dma_start3A_357] : memref<16x128x16xf32, #tpu.memory_space<vmem>> -> memref<1x128x16xf32, #tpu.memory_space<vmem>>
        %dma_start3A_359 = tpu.memref_squeeze %dma_start3A_358 : memref<1x128x16xf32, #tpu.memory_space<vmem>> -> memref<128x16xf32, #tpu.memory_space<vmem>>
        %dma_start3A_360 = arith.constant 0 : i32
        %dma_start3A_361 = tpu.memref_slice %arg7[%add3A_355, %dma_start3A_360] : memref<88x128xi32, #tpu.memory_space<vmem>> -> memref<1x128xi32, #tpu.memory_space<vmem>>
        %dma_start3A_362 = tpu.memref_squeeze %dma_start3A_361 : memref<1x128xi32, #tpu.memory_space<vmem>> -> memref<128xi32, #tpu.memory_space<vmem>>
        %dma_start3A_363 = arith.constant 0 : i32
        %dma_start3A_364 = arith.constant 0 : i32
        %dma_start3A_365 = tpu.memref_slice %arg9[%dma_start3A_363, %dma_start3A_364] : memref<10240x16xf32, #tpu.memory_space<vmem_shared>> -> memref<10240x16xf32, #tpu.memory_space<vmem_shared>>
        tpu.enqueue_indirect_dma source(%dma_start3A_359 : memref<128x16xf32, #tpu.memory_space<vmem>>) target(%dma_start3A_365 : memref<10240x16xf32, #tpu.memory_space<vmem_shared>>) offsets(%dma_start3A_362 : memref<128xi32, #tpu.memory_space<vmem>>) semaphore(%arg12 : memref<!tpu.dma_semaphore, #tpu.memory_space<semaphore_mem>>) {add = true}
        %dma_wait3A_366 = arith.constant 0 : i32
        %dma_wait3A_367 = arith.constant 0 : i32
        %dma_wait3A_368 = arith.constant 0 : i32
        %dma_wait3A_369 = tpu.memref_slice %arg8[%dma_wait3A_366, %dma_wait3A_367, %dma_wait3A_368] : memref<16x128x16xf32, #tpu.memory_space<vmem>> -> memref<1x128x16xf32, #tpu.memory_space<vmem>>
        %dma_wait3A_370 = tpu.memref_squeeze %dma_wait3A_369 : memref<1x128x16xf32, #tpu.memory_space<vmem>> -> memref<128x16xf32, #tpu.memory_space<vmem>>
        %dma_wait3A_371 = arith.constant 0 : i32
        %dma_wait3A_372 = arith.constant 0 : i32
        %dma_wait3A_373 = tpu.memref_slice %arg4[%dma_wait3A_371, %dma_wait3A_372] : memref<640x16xf32, #tpu.memory_space<hbm>> -> memref<128x16xf32, #tpu.memory_space<hbm>>
        %dma_wait3A_374 = arith.constant 0 : i32
        %dma_wait3A_375 = arith.constant 0 : i32
        %dma_wait3A_376 = tpu.memref_slice %arg8[%dma_wait3A_366, %dma_wait3A_374, %dma_wait3A_375] : memref<16x128x16xf32, #tpu.memory_space<vmem>> -> memref<1x128x16xf32, #tpu.memory_space<vmem>>
        %dma_wait3A_377 = tpu.memref_squeeze %dma_wait3A_376 : memref<1x128x16xf32, #tpu.memory_space<vmem>> -> memref<128x16xf32, #tpu.memory_space<vmem>>
        %dma_wait3A_378 = arith.constant 0 : i32
        %dma_wait3A_379 = arith.constant 0 : i32
        %dma_wait3A_380 = tpu.memref_slice %arg4[%dma_wait3A_378, %dma_wait3A_379] : memref<640x16xf32, #tpu.memory_space<hbm>> -> memref<128x16xf32, #tpu.memory_space<hbm>>
        tpu.wait_dma2 semaphore(%arg11 : memref<!tpu.dma_semaphore, #tpu.memory_space<semaphore_mem>>) src(%dma_wait3A_380 : memref<128x16xf32, #tpu.memory_space<hbm>>) dst(%dma_wait3A_377 : memref<128x16xf32, #tpu.memory_space<vmem>>)
        %add3A_381 = arith.constant 6 : i32
        %add3A_382 = arith.addi %mul3A_165, %add3A_381 : i32
        %mul3A_383 = arith.constant 8 : i32
        %mul3A_384 = arith.muli %scan3A_162, %mul3A_383 : i32
        %add3A_385 = arith.constant 6 : i32
        %add3A_386 = arith.addi %mul3A_384, %add3A_385 : i32
        %dma_start3A_387 = arith.constant 0 : i32
        %dma_start3A_388 = arith.constant 0 : i32
        %dma_start3A_389 = tpu.memref_slice %arg8[%add3A_382, %dma_start3A_387, %dma_start3A_388] : memref<16x128x16xf32, #tpu.memory_space<vmem>> -> memref<1x128x16xf32, #tpu.memory_space<vmem>>
        %dma_start3A_390 = tpu.memref_squeeze %dma_start3A_389 : memref<1x128x16xf32, #tpu.memory_space<vmem>> -> memref<128x16xf32, #tpu.memory_space<vmem>>
        %dma_start3A_391 = arith.constant 0 : i32
        %dma_start3A_392 = tpu.memref_slice %arg7[%add3A_386, %dma_start3A_391] : memref<88x128xi32, #tpu.memory_space<vmem>> -> memref<1x128xi32, #tpu.memory_space<vmem>>
        %dma_start3A_393 = tpu.memref_squeeze %dma_start3A_392 : memref<1x128xi32, #tpu.memory_space<vmem>> -> memref<128xi32, #tpu.memory_space<vmem>>
        %dma_start3A_394 = arith.constant 0 : i32
        %dma_start3A_395 = arith.constant 0 : i32
        %dma_start3A_396 = tpu.memref_slice %arg9[%dma_start3A_394, %dma_start3A_395] : memref<10240x16xf32, #tpu.memory_space<vmem_shared>> -> memref<10240x16xf32, #tpu.memory_space<vmem_shared>>
        tpu.enqueue_indirect_dma source(%dma_start3A_390 : memref<128x16xf32, #tpu.memory_space<vmem>>) target(%dma_start3A_396 : memref<10240x16xf32, #tpu.memory_space<vmem_shared>>) offsets(%dma_start3A_393 : memref<128xi32, #tpu.memory_space<vmem>>) semaphore(%arg12 : memref<!tpu.dma_semaphore, #tpu.memory_space<semaphore_mem>>) {add = true}
        %dma_wait3A_397 = arith.constant 0 : i32
        %dma_wait3A_398 = arith.constant 0 : i32
        %dma_wait3A_399 = arith.constant 0 : i32
        %dma_wait3A_400 = tpu.memref_slice %arg8[%dma_wait3A_397, %dma_wait3A_398, %dma_wait3A_399] : memref<16x128x16xf32, #tpu.memory_space<vmem>> -> memref<1x128x16xf32, #tpu.memory_space<vmem>>
        %dma_wait3A_401 = tpu.memref_squeeze %dma_wait3A_400 : memref<1x128x16xf32, #tpu.memory_space<vmem>> -> memref<128x16xf32, #tpu.memory_space<vmem>>
        %dma_wait3A_402 = arith.constant 0 : i32
        %dma_wait3A_403 = arith.constant 0 : i32
        %dma_wait3A_404 = tpu.memref_slice %arg4[%dma_wait3A_402, %dma_wait3A_403] : memref<640x16xf32, #tpu.memory_space<hbm>> -> memref<128x16xf32, #tpu.memory_space<hbm>>
        %dma_wait3A_405 = arith.constant 0 : i32
        %dma_wait3A_406 = arith.constant 0 : i32
        %dma_wait3A_407 = tpu.memref_slice %arg8[%dma_wait3A_397, %dma_wait3A_405, %dma_wait3A_406] : memref<16x128x16xf32, #tpu.memory_space<vmem>> -> memref<1x128x16xf32, #tpu.memory_space<vmem>>
        %dma_wait3A_408 = tpu.memref_squeeze %dma_wait3A_407 : memref<1x128x16xf32, #tpu.memory_space<vmem>> -> memref<128x16xf32, #tpu.memory_space<vmem>>
        %dma_wait3A_409 = arith.constant 0 : i32
        %dma_wait3A_410 = arith.constant 0 : i32
        %dma_wait3A_411 = tpu.memref_slice %arg4[%dma_wait3A_409, %dma_wait3A_410] : memref<640x16xf32, #tpu.memory_space<hbm>> -> memref<128x16xf32, #tpu.memory_space<hbm>>
        tpu.wait_dma2 semaphore(%arg11 : memref<!tpu.dma_semaphore, #tpu.memory_space<semaphore_mem>>) src(%dma_wait3A_411 : memref<128x16xf32, #tpu.memory_space<hbm>>) dst(%dma_wait3A_408 : memref<128x16xf32, #tpu.memory_space<vmem>>)
        %add3A_412 = arith.constant 7 : i32
        %add3A_413 = arith.addi %mul3A_165, %add3A_412 : i32
        %mul3A_414 = arith.constant 8 : i32
        %mul3A_415 = arith.muli %scan3A_162, %mul3A_414 : i32
        %add3A_416 = arith.constant 7 : i32
        %add3A_417 = arith.addi %mul3A_415, %add3A_416 : i32
        %dma_start3A_418 = arith.constant 0 : i32
        %dma_start3A_419 = arith.constant 0 : i32
        %dma_start3A_420 = tpu.memref_slice %arg8[%add3A_413, %dma_start3A_418, %dma_start3A_419] : memref<16x128x16xf32, #tpu.memory_space<vmem>> -> memref<1x128x16xf32, #tpu.memory_space<vmem>>
        %dma_start3A_421 = tpu.memref_squeeze %dma_start3A_420 : memref<1x128x16xf32, #tpu.memory_space<vmem>> -> memref<128x16xf32, #tpu.memory_space<vmem>>
        %dma_start3A_422 = arith.constant 0 : i32
        %dma_start3A_423 = tpu.memref_slice %arg7[%add3A_417, %dma_start3A_422] : memref<88x128xi32, #tpu.memory_space<vmem>> -> memref<1x128xi32, #tpu.memory_space<vmem>>
        %dma_start3A_424 = tpu.memref_squeeze %dma_start3A_423 : memref<1x128xi32, #tpu.memory_space<vmem>> -> memref<128xi32, #tpu.memory_space<vmem>>
        %dma_start3A_425 = arith.constant 0 : i32
        %dma_start3A_426 = arith.constant 0 : i32
        %dma_start3A_427 = tpu.memref_slice %arg9[%dma_start3A_425, %dma_start3A_426] : memref<10240x16xf32, #tpu.memory_space<vmem_shared>> -> memref<10240x16xf32, #tpu.memory_space<vmem_shared>>
        tpu.enqueue_indirect_dma source(%dma_start3A_421 : memref<128x16xf32, #tpu.memory_space<vmem>>) target(%dma_start3A_427 : memref<10240x16xf32, #tpu.memory_space<vmem_shared>>) offsets(%dma_start3A_424 : memref<128xi32, #tpu.memory_space<vmem>>) semaphore(%arg12 : memref<!tpu.dma_semaphore, #tpu.memory_space<semaphore_mem>>) {add = true}
      } else {
      }
    }
    %scan3A_153 = arith.constant 11 : i32
    %eq3A_154 = arith.constant 11 : i32
    %eq3A_155 = arith.cmpi eq, %select_n3A_8, %eq3A_154 : i32
    %convert_element_type3A = arith.extui %eq3A_155 : i1 to i32
    %cond3A = arith.constant 0 : i32
    %cond3A_156 = arith.cmpi ne, %convert_element_type3A, %cond3A : i32
    scf.if %cond3A_156 {
      %dma_wait3A_162 = arith.constant 0 : i32
      %dma_wait3A_163 = arith.constant 0 : i32
      %dma_wait3A_164 = arith.constant 0 : i32
      %dma_wait3A_165 = tpu.memref_slice %arg8[%dma_wait3A_162, %dma_wait3A_163, %dma_wait3A_164] : memref<16x128x16xf32, #tpu.memory_space<vmem>> -> memref<1x128x16xf32, #tpu.memory_space<vmem>>
      %dma_wait3A_166 = tpu.memref_squeeze %dma_wait3A_165 : memref<1x128x16xf32, #tpu.memory_space<vmem>> -> memref<128x16xf32, #tpu.memory_space<vmem>>
      %dma_wait3A_167 = arith.constant 0 : i32
      %dma_wait3A_168 = arith.constant 0 : i32
      %dma_wait3A_169 = tpu.memref_slice %arg4[%dma_wait3A_167, %dma_wait3A_168] : memref<640x16xf32, #tpu.memory_space<hbm>> -> memref<128x16xf32, #tpu.memory_space<hbm>>
      %dma_wait3A_170 = arith.constant 0 : i32
      %dma_wait3A_171 = arith.constant 0 : i32
      %dma_wait3A_172 = tpu.memref_slice %arg8[%dma_wait3A_162, %dma_wait3A_170, %dma_wait3A_171] : memref<16x128x16xf32, #tpu.memory_space<vmem>> -> memref<1x128x16xf32, #tpu.memory_space<vmem>>
      %dma_wait3A_173 = tpu.memref_squeeze %dma_wait3A_172 : memref<1x128x16xf32, #tpu.memory_space<vmem>> -> memref<128x16xf32, #tpu.memory_space<vmem>>
      %dma_wait3A_174 = arith.constant 0 : i32
      %dma_wait3A_175 = arith.constant 0 : i32
      %dma_wait3A_176 = tpu.memref_slice %arg4[%dma_wait3A_174, %dma_wait3A_175] : memref<640x16xf32, #tpu.memory_space<hbm>> -> memref<128x16xf32, #tpu.memory_space<hbm>>
      tpu.wait_dma2 semaphore(%arg12 : memref<!tpu.dma_semaphore, #tpu.memory_space<semaphore_mem>>) src(%dma_wait3A_176 : memref<128x16xf32, #tpu.memory_space<hbm>>) dst(%dma_wait3A_173 : memref<128x16xf32, #tpu.memory_space<vmem>>)
      %dma_wait3A_177 = arith.constant 0 : i32
      %dma_wait3A_178 = arith.constant 0 : i32
      %dma_wait3A_179 = arith.constant 0 : i32
      %dma_wait3A_180 = tpu.memref_slice %arg8[%dma_wait3A_177, %dma_wait3A_178, %dma_wait3A_179] : memref<16x128x16xf32, #tpu.memory_space<vmem>> -> memref<1x128x16xf32, #tpu.memory_space<vmem>>
      %dma_wait3A_181 = tpu.memref_squeeze %dma_wait3A_180 : memref<1x128x16xf32, #tpu.memory_space<vmem>> -> memref<128x16xf32, #tpu.memory_space<vmem>>
      %dma_wait3A_182 = arith.constant 0 : i32
      %dma_wait3A_183 = arith.constant 0 : i32
      %dma_wait3A_184 = tpu.memref_slice %arg4[%dma_wait3A_182, %dma_wait3A_183] : memref<640x16xf32, #tpu.memory_space<hbm>> -> memref<128x16xf32, #tpu.memory_space<hbm>>
      %dma_wait3A_185 = arith.constant 0 : i32
      %dma_wait3A_186 = arith.constant 0 : i32
      %dma_wait3A_187 = tpu.memref_slice %arg8[%dma_wait3A_177, %dma_wait3A_185, %dma_wait3A_186] : memref<16x128x16xf32, #tpu.memory_space<vmem>> -> memref<1x128x16xf32, #tpu.memory_space<vmem>>
      %dma_wait3A_188 = tpu.memref_squeeze %dma_wait3A_187 : memref<1x128x16xf32, #tpu.memory_space<vmem>> -> memref<128x16xf32, #tpu.memory_space<vmem>>
      %dma_wait3A_189 = arith.constant 0 : i32
      %dma_wait3A_190 = arith.constant 0 : i32
      %dma_wait3A_191 = tpu.memref_slice %arg4[%dma_wait3A_189, %dma_wait3A_190] : memref<640x16xf32, #tpu.memory_space<hbm>> -> memref<128x16xf32, #tpu.memory_space<hbm>>
      tpu.wait_dma2 semaphore(%arg12 : memref<!tpu.dma_semaphore, #tpu.memory_space<semaphore_mem>>) src(%dma_wait3A_191 : memref<128x16xf32, #tpu.memory_space<hbm>>) dst(%dma_wait3A_188 : memref<128x16xf32, #tpu.memory_space<vmem>>)
      %dma_wait3A_192 = arith.constant 0 : i32
      %dma_wait3A_193 = arith.constant 0 : i32
      %dma_wait3A_194 = arith.constant 0 : i32
      %dma_wait3A_195 = tpu.memref_slice %arg8[%dma_wait3A_192, %dma_wait3A_193, %dma_wait3A_194] : memref<16x128x16xf32, #tpu.memory_space<vmem>> -> memref<1x128x16xf32, #tpu.memory_space<vmem>>
      %dma_wait3A_196 = tpu.memref_squeeze %dma_wait3A_195 : memref<1x128x16xf32, #tpu.memory_space<vmem>> -> memref<128x16xf32, #tpu.memory_space<vmem>>
      %dma_wait3A_197 = arith.constant 0 : i32
      %dma_wait3A_198 = arith.constant 0 : i32
      %dma_wait3A_199 = tpu.memref_slice %arg4[%dma_wait3A_197, %dma_wait3A_198] : memref<640x16xf32, #tpu.memory_space<hbm>> -> memref<128x16xf32, #tpu.memory_space<hbm>>
      %dma_wait3A_200 = arith.constant 0 : i32
      %dma_wait3A_201 = arith.constant 0 : i32
      %dma_wait3A_202 = tpu.memref_slice %arg8[%dma_wait3A_192, %dma_wait3A_200, %dma_wait3A_201] : memref<16x128x16xf32, #tpu.memory_space<vmem>> -> memref<1x128x16xf32, #tpu.memory_space<vmem>>
      %dma_wait3A_203 = tpu.memref_squeeze %dma_wait3A_202 : memref<1x128x16xf32, #tpu.memory_space<vmem>> -> memref<128x16xf32, #tpu.memory_space<vmem>>
      %dma_wait3A_204 = arith.constant 0 : i32
      %dma_wait3A_205 = arith.constant 0 : i32
      %dma_wait3A_206 = tpu.memref_slice %arg4[%dma_wait3A_204, %dma_wait3A_205] : memref<640x16xf32, #tpu.memory_space<hbm>> -> memref<128x16xf32, #tpu.memory_space<hbm>>
      tpu.wait_dma2 semaphore(%arg12 : memref<!tpu.dma_semaphore, #tpu.memory_space<semaphore_mem>>) src(%dma_wait3A_206 : memref<128x16xf32, #tpu.memory_space<hbm>>) dst(%dma_wait3A_203 : memref<128x16xf32, #tpu.memory_space<vmem>>)
      %dma_wait3A_207 = arith.constant 0 : i32
      %dma_wait3A_208 = arith.constant 0 : i32
      %dma_wait3A_209 = arith.constant 0 : i32
      %dma_wait3A_210 = tpu.memref_slice %arg8[%dma_wait3A_207, %dma_wait3A_208, %dma_wait3A_209] : memref<16x128x16xf32, #tpu.memory_space<vmem>> -> memref<1x128x16xf32, #tpu.memory_space<vmem>>
      %dma_wait3A_211 = tpu.memref_squeeze %dma_wait3A_210 : memref<1x128x16xf32, #tpu.memory_space<vmem>> -> memref<128x16xf32, #tpu.memory_space<vmem>>
      %dma_wait3A_212 = arith.constant 0 : i32
      %dma_wait3A_213 = arith.constant 0 : i32
      %dma_wait3A_214 = tpu.memref_slice %arg4[%dma_wait3A_212, %dma_wait3A_213] : memref<640x16xf32, #tpu.memory_space<hbm>> -> memref<128x16xf32, #tpu.memory_space<hbm>>
      %dma_wait3A_215 = arith.constant 0 : i32
      %dma_wait3A_216 = arith.constant 0 : i32
      %dma_wait3A_217 = tpu.memref_slice %arg8[%dma_wait3A_207, %dma_wait3A_215, %dma_wait3A_216] : memref<16x128x16xf32, #tpu.memory_space<vmem>> -> memref<1x128x16xf32, #tpu.memory_space<vmem>>
      %dma_wait3A_218 = tpu.memref_squeeze %dma_wait3A_217 : memref<1x128x16xf32, #tpu.memory_space<vmem>> -> memref<128x16xf32, #tpu.memory_space<vmem>>
      %dma_wait3A_219 = arith.constant 0 : i32
      %dma_wait3A_220 = arith.constant 0 : i32
      %dma_wait3A_221 = tpu.memref_slice %arg4[%dma_wait3A_219, %dma_wait3A_220] : memref<640x16xf32, #tpu.memory_space<hbm>> -> memref<128x16xf32, #tpu.memory_space<hbm>>
      tpu.wait_dma2 semaphore(%arg12 : memref<!tpu.dma_semaphore, #tpu.memory_space<semaphore_mem>>) src(%dma_wait3A_221 : memref<128x16xf32, #tpu.memory_space<hbm>>) dst(%dma_wait3A_218 : memref<128x16xf32, #tpu.memory_space<vmem>>)
      %dma_wait3A_222 = arith.constant 0 : i32
      %dma_wait3A_223 = arith.constant 0 : i32
      %dma_wait3A_224 = arith.constant 0 : i32
      %dma_wait3A_225 = tpu.memref_slice %arg8[%dma_wait3A_222, %dma_wait3A_223, %dma_wait3A_224] : memref<16x128x16xf32, #tpu.memory_space<vmem>> -> memref<1x128x16xf32, #tpu.memory_space<vmem>>
      %dma_wait3A_226 = tpu.memref_squeeze %dma_wait3A_225 : memref<1x128x16xf32, #tpu.memory_space<vmem>> -> memref<128x16xf32, #tpu.memory_space<vmem>>
      %dma_wait3A_227 = arith.constant 0 : i32
      %dma_wait3A_228 = arith.constant 0 : i32
      %dma_wait3A_229 = tpu.memref_slice %arg4[%dma_wait3A_227, %dma_wait3A_228] : memref<640x16xf32, #tpu.memory_space<hbm>> -> memref<128x16xf32, #tpu.memory_space<hbm>>
      %dma_wait3A_230 = arith.constant 0 : i32
      %dma_wait3A_231 = arith.constant 0 : i32
      %dma_wait3A_232 = tpu.memref_slice %arg8[%dma_wait3A_222, %dma_wait3A_230, %dma_wait3A_231] : memref<16x128x16xf32, #tpu.memory_space<vmem>> -> memref<1x128x16xf32, #tpu.memory_space<vmem>>
      %dma_wait3A_233 = tpu.memref_squeeze %dma_wait3A_232 : memref<1x128x16xf32, #tpu.memory_space<vmem>> -> memref<128x16xf32, #tpu.memory_space<vmem>>
      %dma_wait3A_234 = arith.constant 0 : i32
      %dma_wait3A_235 = arith.constant 0 : i32
      %dma_wait3A_236 = tpu.memref_slice %arg4[%dma_wait3A_234, %dma_wait3A_235] : memref<640x16xf32, #tpu.memory_space<hbm>> -> memref<128x16xf32, #tpu.memory_space<hbm>>
      tpu.wait_dma2 semaphore(%arg12 : memref<!tpu.dma_semaphore, #tpu.memory_space<semaphore_mem>>) src(%dma_wait3A_236 : memref<128x16xf32, #tpu.memory_space<hbm>>) dst(%dma_wait3A_233 : memref<128x16xf32, #tpu.memory_space<vmem>>)
      %dma_wait3A_237 = arith.constant 0 : i32
      %dma_wait3A_238 = arith.constant 0 : i32
      %dma_wait3A_239 = arith.constant 0 : i32
      %dma_wait3A_240 = tpu.memref_slice %arg8[%dma_wait3A_237, %dma_wait3A_238, %dma_wait3A_239] : memref<16x128x16xf32, #tpu.memory_space<vmem>> -> memref<1x128x16xf32, #tpu.memory_space<vmem>>
      %dma_wait3A_241 = tpu.memref_squeeze %dma_wait3A_240 : memref<1x128x16xf32, #tpu.memory_space<vmem>> -> memref<128x16xf32, #tpu.memory_space<vmem>>
      %dma_wait3A_242 = arith.constant 0 : i32
      %dma_wait3A_243 = arith.constant 0 : i32
      %dma_wait3A_244 = tpu.memref_slice %arg4[%dma_wait3A_242, %dma_wait3A_243] : memref<640x16xf32, #tpu.memory_space<hbm>> -> memref<128x16xf32, #tpu.memory_space<hbm>>
      %dma_wait3A_245 = arith.constant 0 : i32
      %dma_wait3A_246 = arith.constant 0 : i32
      %dma_wait3A_247 = tpu.memref_slice %arg8[%dma_wait3A_237, %dma_wait3A_245, %dma_wait3A_246] : memref<16x128x16xf32, #tpu.memory_space<vmem>> -> memref<1x128x16xf32, #tpu.memory_space<vmem>>
      %dma_wait3A_248 = tpu.memref_squeeze %dma_wait3A_247 : memref<1x128x16xf32, #tpu.memory_space<vmem>> -> memref<128x16xf32, #tpu.memory_space<vmem>>
      %dma_wait3A_249 = arith.constant 0 : i32
      %dma_wait3A_250 = arith.constant 0 : i32
      %dma_wait3A_251 = tpu.memref_slice %arg4[%dma_wait3A_249, %dma_wait3A_250] : memref<640x16xf32, #tpu.memory_space<hbm>> -> memref<128x16xf32, #tpu.memory_space<hbm>>
      tpu.wait_dma2 semaphore(%arg12 : memref<!tpu.dma_semaphore, #tpu.memory_space<semaphore_mem>>) src(%dma_wait3A_251 : memref<128x16xf32, #tpu.memory_space<hbm>>) dst(%dma_wait3A_248 : memref<128x16xf32, #tpu.memory_space<vmem>>)
      %dma_wait3A_252 = arith.constant 0 : i32
      %dma_wait3A_253 = arith.constant 0 : i32
      %dma_wait3A_254 = arith.constant 0 : i32
      %dma_wait3A_255 = tpu.memref_slice %arg8[%dma_wait3A_252, %dma_wait3A_253, %dma_wait3A_254] : memref<16x128x16xf32, #tpu.memory_space<vmem>> -> memref<1x128x16xf32, #tpu.memory_space<vmem>>
      %dma_wait3A_256 = tpu.memref_squeeze %dma_wait3A_255 : memref<1x128x16xf32, #tpu.memory_space<vmem>> -> memref<128x16xf32, #tpu.memory_space<vmem>>
      %dma_wait3A_257 = arith.constant 0 : i32
      %dma_wait3A_258 = arith.constant 0 : i32
      %dma_wait3A_259 = tpu.memref_slice %arg4[%dma_wait3A_257, %dma_wait3A_258] : memref<640x16xf32, #tpu.memory_space<hbm>> -> memref<128x16xf32, #tpu.memory_space<hbm>>
      %dma_wait3A_260 = arith.constant 0 : i32
      %dma_wait3A_261 = arith.constant 0 : i32
      %dma_wait3A_262 = tpu.memref_slice %arg8[%dma_wait3A_252, %dma_wait3A_260, %dma_wait3A_261] : memref<16x128x16xf32, #tpu.memory_space<vmem>> -> memref<1x128x16xf32, #tpu.memory_space<vmem>>
      %dma_wait3A_263 = tpu.memref_squeeze %dma_wait3A_262 : memref<1x128x16xf32, #tpu.memory_space<vmem>> -> memref<128x16xf32, #tpu.memory_space<vmem>>
      %dma_wait3A_264 = arith.constant 0 : i32
      %dma_wait3A_265 = arith.constant 0 : i32
      %dma_wait3A_266 = tpu.memref_slice %arg4[%dma_wait3A_264, %dma_wait3A_265] : memref<640x16xf32, #tpu.memory_space<hbm>> -> memref<128x16xf32, #tpu.memory_space<hbm>>
      tpu.wait_dma2 semaphore(%arg12 : memref<!tpu.dma_semaphore, #tpu.memory_space<semaphore_mem>>) src(%dma_wait3A_266 : memref<128x16xf32, #tpu.memory_space<hbm>>) dst(%dma_wait3A_263 : memref<128x16xf32, #tpu.memory_space<vmem>>)
      %dma_wait3A_267 = arith.constant 0 : i32
      %dma_wait3A_268 = arith.constant 0 : i32
      %dma_wait3A_269 = arith.constant 0 : i32
      %dma_wait3A_270 = tpu.memref_slice %arg8[%dma_wait3A_267, %dma_wait3A_268, %dma_wait3A_269] : memref<16x128x16xf32, #tpu.memory_space<vmem>> -> memref<1x128x16xf32, #tpu.memory_space<vmem>>
      %dma_wait3A_271 = tpu.memref_squeeze %dma_wait3A_270 : memref<1x128x16xf32, #tpu.memory_space<vmem>> -> memref<128x16xf32, #tpu.memory_space<vmem>>
      %dma_wait3A_272 = arith.constant 0 : i32
      %dma_wait3A_273 = arith.constant 0 : i32
      %dma_wait3A_274 = tpu.memref_slice %arg4[%dma_wait3A_272, %dma_wait3A_273] : memref<640x16xf32, #tpu.memory_space<hbm>> -> memref<128x16xf32, #tpu.memory_space<hbm>>
      %dma_wait3A_275 = arith.constant 0 : i32
      %dma_wait3A_276 = arith.constant 0 : i32
      %dma_wait3A_277 = tpu.memref_slice %arg8[%dma_wait3A_267, %dma_wait3A_275, %dma_wait3A_276] : memref<16x128x16xf32, #tpu.memory_space<vmem>> -> memref<1x128x16xf32, #tpu.memory_space<vmem>>
      %dma_wait3A_278 = tpu.memref_squeeze %dma_wait3A_277 : memref<1x128x16xf32, #tpu.memory_space<vmem>> -> memref<128x16xf32, #tpu.memory_space<vmem>>
      %dma_wait3A_279 = arith.constant 0 : i32
      %dma_wait3A_280 = arith.constant 0 : i32
      %dma_wait3A_281 = tpu.memref_slice %arg4[%dma_wait3A_279, %dma_wait3A_280] : memref<640x16xf32, #tpu.memory_space<hbm>> -> memref<128x16xf32, #tpu.memory_space<hbm>>
      tpu.wait_dma2 semaphore(%arg12 : memref<!tpu.dma_semaphore, #tpu.memory_space<semaphore_mem>>) src(%dma_wait3A_281 : memref<128x16xf32, #tpu.memory_space<hbm>>) dst(%dma_wait3A_278 : memref<128x16xf32, #tpu.memory_space<vmem>>)
    } else {
    }
    %barrier3A_157 = arith.constant 0 : index
    tpu.barrier barrier_id(%barrier3A_157)
    %mul3A_158 = arith.constant 640 : i32
    %mul3A_159 = arith.muli %arg1, %mul3A_158 : i32
    %mul3A_160 = arith.constant 640 : i32
    %mul3A_161 = arith.muli %arg1, %mul3A_160 : i32
    "tpu.region"() ({
      %run_scoped3A = tpu.sem_alloc : memref<!tpu.dma_semaphore, #tpu.memory_space<semaphore_mem>>
      %dma_start3A_162 = arith.constant 0 : i32
      %dma_start3A_163 = tpu.memref_slice %arg5[%arg0, %mul3A_161, %dma_start3A_162] : memref<2x10240x16xf32, #tpu.memory_space<hbm>> -> memref<1x640x16xf32, #tpu.memory_space<hbm>>
      %dma_start3A_164 = tpu.memref_squeeze %dma_start3A_163 : memref<1x640x16xf32, #tpu.memory_space<hbm>> -> memref<640x16xf32, #tpu.memory_space<hbm>>
      %dma_start3A_165 = arith.constant 0 : i32
      %dma_start3A_166 = tpu.memref_slice %arg9[%mul3A_159, %dma_start3A_165] : memref<10240x16xf32, #tpu.memory_space<vmem_shared>> -> memref<640x16xf32, #tpu.memory_space<vmem_shared>>
      tpu.enqueue_dma source(%dma_start3A_166 : memref<640x16xf32, #tpu.memory_space<vmem_shared>>) target(%dma_start3A_164 : memref<640x16xf32, #tpu.memory_space<hbm>>) target_semaphore(%run_scoped3A : memref<!tpu.dma_semaphore, #tpu.memory_space<semaphore_mem>>)
      %dma_wait3A_167 = arith.constant 0 : i32
      %dma_wait3A_168 = tpu.memref_slice %arg5[%arg0, %mul3A_161, %dma_wait3A_167] : memref<2x10240x16xf32, #tpu.memory_space<hbm>> -> memref<1x640x16xf32, #tpu.memory_space<hbm>>
      %dma_wait3A_169 = tpu.memref_squeeze %dma_wait3A_168 : memref<1x640x16xf32, #tpu.memory_space<hbm>> -> memref<640x16xf32, #tpu.memory_space<hbm>>
      %dma_wait3A_170 = arith.constant 0 : i32
      %dma_wait3A_171 = tpu.memref_slice %arg9[%mul3A_159, %dma_wait3A_170] : memref<10240x16xf32, #tpu.memory_space<vmem_shared>> -> memref<640x16xf32, #tpu.memory_space<vmem_shared>>
      tpu.wait_dma2 semaphore(%run_scoped3A : memref<!tpu.dma_semaphore, #tpu.memory_space<semaphore_mem>>) src(%dma_wait3A_171 : memref<640x16xf32, #tpu.memory_space<vmem_shared>>) dst(%dma_wait3A_169 : memref<640x16xf32, #tpu.memory_space<hbm>>)
      tpu.yield
    }) : () -> ()
    return
  }
}

#map = affine_map<(d0, d1) -> (0, 0)>
#map1 = affine_map<(d0, d1) -> (0, 0, 0)>
module attributes {stable_mosaic.version = 14 : i64} {
  func.func @body(%arg0: i32, %arg1: i32, %arg2: memref<10240x16xf32, #tpu.memory_space<hbm>>, %arg3: memref<2x2560x128xi32, #tpu.memory_space<hbm>>, %arg4: memref<640x16xf32, #tpu.memory_space<hbm>>, %arg5: memref<2x10240x16xf32, #tpu.memory_space<hbm>>, %arg6: memref<88x128xi32, #tpu.memory_space<vmem>>, %arg7: memref<88x128xi32, #tpu.memory_space<vmem>>, %arg8: memref<16x128x16xf32, #tpu.memory_space<vmem>>, %arg9: memref<10240x16xf32, #tpu.memory_space<vmem_shared>>, %arg10: memref<10240x16xf32, #tpu.memory_space<vmem_shared>>, %arg11: memref<!tpu.dma_semaphore, #tpu.memory_space<semaphore_mem>>, %arg12: memref<!tpu.dma_semaphore, #tpu.memory_space<semaphore_mem>>) attributes {dimension_semantics = [#tpu.dimension_semantics<core_parallel>, #tpu.dimension_semantics<subcore_parallel>], iteration_bounds = array<i64: 2, 16>, scalar_prefetch = 0 : i64, scratch_operands = 7 : i64, tpu.core_type = #tpu.core_type<sc_vector_subcore>, window_params = [{transform_indices = #map}, {transform_indices = #map1}, {transform_indices = #map}, {transform_indices = #map1}]} {
    %eq3A = arith.constant 0 : i32
    %eq3A_0 = arith.cmpi eq, %arg0, %eq3A : i32
    %mul3A = arith.constant 88 : i32
    %mul3A_1 = arith.muli %arg1, %mul3A : i32
    %mul3A_2 = arith.constant 72 : i32
    %mul3A_3 = arith.muli %arg1, %mul3A_2 : i32
    %add3A = arith.constant 1408 : i32
    %add3A_4 = arith.addi %add3A, %mul3A_3 : i32
    %select_n3A = arith.select %eq3A_0, %mul3A_1, %add3A_4 : i32
    %eq3A_5 = arith.constant 0 : i32
    %eq3A_6 = arith.cmpi eq, %arg0, %eq3A_5 : i32
    %jit3A = arith.constant 11 : i32
    %jit3A_7 = arith.constant 9 : i32
    %select_n3A_8 = arith.select %eq3A_6, %jit3A, %jit3A_7 : i32
    %dma_start3A = arith.constant 0 : i32
    %dma_start3A_9 = arith.constant 0 : i32
    %dma_start3A_10 = tpu.memref_slice %arg3[%dma_start3A, %select_n3A, %dma_start3A_9] : memref<2x2560x128xi32, #tpu.memory_space<hbm>> -> memref<1x88x128xi32, #tpu.memory_space<hbm>>
    %dma_start3A_11 = tpu.memref_squeeze %dma_start3A_10 : memref<1x88x128xi32, #tpu.memory_space<hbm>> -> memref<88x128xi32, #tpu.memory_space<hbm>>
    %dma_start3A_12 = arith.constant 0 : i32
    %dma_start3A_13 = tpu.memref_slice %arg3[%dma_start3A, %select_n3A, %dma_start3A_12] : memref<2x2560x128xi32, #tpu.memory_space<hbm>> -> memref<1x88x128xi32, #tpu.memory_space<hbm>>
    %dma_start3A_14 = tpu.memref_squeeze %dma_start3A_13 : memref<1x88x128xi32, #tpu.memory_space<hbm>> -> memref<88x128xi32, #tpu.memory_space<hbm>>
    tpu.enqueue_dma source(%dma_start3A_14 : memref<88x128xi32, #tpu.memory_space<hbm>>) target(%arg6 : memref<88x128xi32, #tpu.memory_space<vmem>>) target_semaphore(%arg11 : memref<!tpu.dma_semaphore, #tpu.memory_space<semaphore_mem>>)
    %dma_start3A_15 = arith.constant 1 : i32
    %dma_start3A_16 = arith.constant 0 : i32
    %dma_start3A_17 = tpu.memref_slice %arg3[%dma_start3A_15, %select_n3A, %dma_start3A_16] : memref<2x2560x128xi32, #tpu.memory_space<hbm>> -> memref<1x88x128xi32, #tpu.memory_space<hbm>>
    %dma_start3A_18 = tpu.memref_squeeze %dma_start3A_17 : memref<1x88x128xi32, #tpu.memory_space<hbm>> -> memref<88x128xi32, #tpu.memory_space<hbm>>
    %dma_start3A_19 = arith.constant 0 : i32
    %dma_start3A_20 = tpu.memref_slice %arg3[%dma_start3A_15, %select_n3A, %dma_start3A_19] : memref<2x2560x128xi32, #tpu.memory_space<hbm>> -> memref<1x88x128xi32, #tpu.memory_space<hbm>>
    %dma_start3A_21 = tpu.memref_squeeze %dma_start3A_20 : memref<1x88x128xi32, #tpu.memory_space<hbm>> -> memref<88x128xi32, #tpu.memory_space<hbm>>
    tpu.enqueue_dma source(%dma_start3A_21 : memref<88x128xi32, #tpu.memory_space<hbm>>) target(%arg7 : memref<88x128xi32, #tpu.memory_space<vmem>>) target_semaphore(%arg11 : memref<!tpu.dma_semaphore, #tpu.memory_space<semaphore_mem>>)
    %mul3A_22 = arith.constant 640 : i32
    %mul3A_23 = arith.muli %arg1, %mul3A_22 : i32
    %dma_start3A_24 = arith.constant 0 : i32
    %dma_start3A_25 = tpu.memref_slice %arg9[%mul3A_23, %dma_start3A_24] : memref<10240x16xf32, #tpu.memory_space<vmem_shared>> -> memref<640x16xf32, #tpu.memory_space<vmem_shared>>
    tpu.enqueue_dma source(%arg4 : memref<640x16xf32, #tpu.memory_space<hbm>>) target(%dma_start3A_25 : memref<640x16xf32, #tpu.memory_space<vmem_shared>>) target_semaphore(%arg12 : memref<!tpu.dma_semaphore, #tpu.memory_space<semaphore_mem>>)
    %mul3A_26 = arith.constant 640 : i32
    %mul3A_27 = arith.muli %arg1, %mul3A_26 : i32
    %mul3A_28 = arith.constant 640 : i32
    %mul3A_29 = arith.muli %arg1, %mul3A_28 : i32
    %dma_start3A_30 = arith.constant 0 : i32
    %dma_start3A_31 = tpu.memref_slice %arg10[%mul3A_29, %dma_start3A_30] : memref<10240x16xf32, #tpu.memory_space<vmem_shared>> -> memref<640x16xf32, #tpu.memory_space<vmem_shared>>
    %dma_start3A_32 = arith.constant 0 : i32
    %dma_start3A_33 = tpu.memref_slice %arg2[%mul3A_27, %dma_start3A_32] : memref<10240x16xf32, #tpu.memory_space<hbm>> -> memref<640x16xf32, #tpu.memory_space<hbm>>
    tpu.enqueue_dma source(%dma_start3A_33 : memref<640x16xf32, #tpu.memory_space<hbm>>) target(%dma_start3A_31 : memref<640x16xf32, #tpu.memory_space<vmem_shared>>) target_semaphore(%arg12 : memref<!tpu.dma_semaphore, #tpu.memory_space<semaphore_mem>>)
    %dma_wait3A = arith.constant 0 : i32
    %dma_wait3A_34 = arith.constant 0 : i32
    %dma_wait3A_35 = tpu.memref_slice %arg3[%dma_wait3A, %select_n3A, %dma_wait3A_34] : memref<2x2560x128xi32, #tpu.memory_space<hbm>> -> memref<1x88x128xi32, #tpu.memory_space<hbm>>
    %dma_wait3A_36 = tpu.memref_squeeze %dma_wait3A_35 : memref<1x88x128xi32, #tpu.memory_space<hbm>> -> memref<88x128xi32, #tpu.memory_space<hbm>>
    %dma_wait3A_37 = arith.constant 0 : i32
    %dma_wait3A_38 = tpu.memref_slice %arg3[%dma_wait3A, %select_n3A, %dma_wait3A_37] : memref<2x2560x128xi32, #tpu.memory_space<hbm>> -> memref<1x88x128xi32, #tpu.memory_space<hbm>>
    %dma_wait3A_39 = tpu.memref_squeeze %dma_wait3A_38 : memref<1x88x128xi32, #tpu.memory_space<hbm>> -> memref<88x128xi32, #tpu.memory_space<hbm>>
    tpu.wait_dma2 semaphore(%arg11 : memref<!tpu.dma_semaphore, #tpu.memory_space<semaphore_mem>>) src(%dma_wait3A_39 : memref<88x128xi32, #tpu.memory_space<hbm>>) dst(%arg6 : memref<88x128xi32, #tpu.memory_space<vmem>>)
    %dma_wait3A_40 = arith.constant 1 : i32
    %dma_wait3A_41 = arith.constant 0 : i32
    %dma_wait3A_42 = tpu.memref_slice %arg3[%dma_wait3A_40, %select_n3A, %dma_wait3A_41] : memref<2x2560x128xi32, #tpu.memory_space<hbm>> -> memref<1x88x128xi32, #tpu.memory_space<hbm>>
    %dma_wait3A_43 = tpu.memref_squeeze %dma_wait3A_42 : memref<1x88x128xi32, #tpu.memory_space<hbm>> -> memref<88x128xi32, #tpu.memory_space<hbm>>
    %dma_wait3A_44 = arith.constant 0 : i32
    %dma_wait3A_45 = tpu.memref_slice %arg3[%dma_wait3A_40, %select_n3A, %dma_wait3A_44] : memref<2x2560x128xi32, #tpu.memory_space<hbm>> -> memref<1x88x128xi32, #tpu.memory_space<hbm>>
    %dma_wait3A_46 = tpu.memref_squeeze %dma_wait3A_45 : memref<1x88x128xi32, #tpu.memory_space<hbm>> -> memref<88x128xi32, #tpu.memory_space<hbm>>
    tpu.wait_dma2 semaphore(%arg11 : memref<!tpu.dma_semaphore, #tpu.memory_space<semaphore_mem>>) src(%dma_wait3A_46 : memref<88x128xi32, #tpu.memory_space<hbm>>) dst(%arg7 : memref<88x128xi32, #tpu.memory_space<vmem>>)
    %dma_wait3A_47 = arith.constant 0 : i32
    %dma_wait3A_48 = tpu.memref_slice %arg9[%mul3A_23, %dma_wait3A_47] : memref<10240x16xf32, #tpu.memory_space<vmem_shared>> -> memref<640x16xf32, #tpu.memory_space<vmem_shared>>
    tpu.wait_dma2 semaphore(%arg12 : memref<!tpu.dma_semaphore, #tpu.memory_space<semaphore_mem>>) src(%arg4 : memref<640x16xf32, #tpu.memory_space<hbm>>) dst(%dma_wait3A_48 : memref<640x16xf32, #tpu.memory_space<vmem_shared>>)
    %dma_wait3A_49 = arith.constant 0 : i32
    %dma_wait3A_50 = tpu.memref_slice %arg10[%mul3A_29, %dma_wait3A_49] : memref<10240x16xf32, #tpu.memory_space<vmem_shared>> -> memref<640x16xf32, #tpu.memory_space<vmem_shared>>
    %dma_wait3A_51 = arith.constant 0 : i32
    %dma_wait3A_52 = tpu.memref_slice %arg2[%mul3A_27, %dma_wait3A_51] : memref<10240x16xf32, #tpu.memory_space<hbm>> -> memref<640x16xf32, #tpu.memory_space<hbm>>
    tpu.wait_dma2 semaphore(%arg12 : memref<!tpu.dma_semaphore, #tpu.memory_space<semaphore_mem>>) src(%dma_wait3A_52 : memref<640x16xf32, #tpu.memory_space<hbm>>) dst(%dma_wait3A_50 : memref<640x16xf32, #tpu.memory_space<vmem_shared>>)
    %barrier3A = arith.constant 0 : index
    tpu.barrier barrier_id(%barrier3A)
    %dma_start3A_53 = arith.constant 0 : i32
    %dma_start3A_54 = arith.constant 0 : i32
    %dma_start3A_55 = arith.constant 0 : i32
    %dma_start3A_56 = arith.constant 0 : i32
    %dma_start3A_57 = tpu.memref_slice %arg8[%dma_start3A_54, %dma_start3A_55, %dma_start3A_56] : memref<16x128x16xf32, #tpu.memory_space<vmem>> -> memref<1x128x16xf32, #tpu.memory_space<vmem>>
    %dma_start3A_58 = tpu.memref_squeeze %dma_start3A_57 : memref<1x128x16xf32, #tpu.memory_space<vmem>> -> memref<128x16xf32, #tpu.memory_space<vmem>>
    %dma_start3A_59 = arith.constant 0 : i32
    %dma_start3A_60 = tpu.memref_slice %arg6[%dma_start3A_53, %dma_start3A_59] : memref<88x128xi32, #tpu.memory_space<vmem>> -> memref<1x128xi32, #tpu.memory_space<vmem>>
    %dma_start3A_61 = tpu.memref_squeeze %dma_start3A_60 : memref<1x128xi32, #tpu.memory_space<vmem>> -> memref<128xi32, #tpu.memory_space<vmem>>
    %dma_start3A_62 = arith.constant 0 : i32
    %dma_start3A_63 = arith.constant 0 : i32
    %dma_start3A_64 = tpu.memref_slice %arg10[%dma_start3A_62, %dma_start3A_63] : memref<10240x16xf32, #tpu.memory_space<vmem_shared>> -> memref<10240x16xf32, #tpu.memory_space<vmem_shared>>
    tpu.enqueue_indirect_dma source(%dma_start3A_64 : memref<10240x16xf32, #tpu.memory_space<vmem_shared>>) target(%dma_start3A_58 : memref<128x16xf32, #tpu.memory_space<vmem>>) offsets(%dma_start3A_61 : memref<128xi32, #tpu.memory_space<vmem>>) semaphore(%arg11 : memref<!tpu.dma_semaphore, #tpu.memory_space<semaphore_mem>>)
    %dma_start3A_65 = arith.constant 1 : i32
    %dma_start3A_66 = arith.constant 1 : i32
    %dma_start3A_67 = arith.constant 0 : i32
    %dma_start3A_68 = arith.constant 0 : i32
    %dma_start3A_69 = tpu.memref_slice %arg8[%dma_start3A_66, %dma_start3A_67, %dma_start3A_68] : memref<16x128x16xf32, #tpu.memory_space<vmem>> -> memref<1x128x16xf32, #tpu.memory_space<vmem>>
    %dma_start3A_70 = tpu.memref_squeeze %dma_start3A_69 : memref<1x128x16xf32, #tpu.memory_space<vmem>> -> memref<128x16xf32, #tpu.memory_space<vmem>>
    %dma_start3A_71 = arith.constant 0 : i32
    %dma_start3A_72 = tpu.memref_slice %arg6[%dma_start3A_65, %dma_start3A_71] : memref<88x128xi32, #tpu.memory_space<vmem>> -> memref<1x128xi32, #tpu.memory_space<vmem>>
    %dma_start3A_73 = tpu.memref_squeeze %dma_start3A_72 : memref<1x128xi32, #tpu.memory_space<vmem>> -> memref<128xi32, #tpu.memory_space<vmem>>
    %dma_start3A_74 = arith.constant 0 : i32
    %dma_start3A_75 = arith.constant 0 : i32
    %dma_start3A_76 = tpu.memref_slice %arg10[%dma_start3A_74, %dma_start3A_75] : memref<10240x16xf32, #tpu.memory_space<vmem_shared>> -> memref<10240x16xf32, #tpu.memory_space<vmem_shared>>
    tpu.enqueue_indirect_dma source(%dma_start3A_76 : memref<10240x16xf32, #tpu.memory_space<vmem_shared>>) target(%dma_start3A_70 : memref<128x16xf32, #tpu.memory_space<vmem>>) offsets(%dma_start3A_73 : memref<128xi32, #tpu.memory_space<vmem>>) semaphore(%arg11 : memref<!tpu.dma_semaphore, #tpu.memory_space<semaphore_mem>>)
    %dma_start3A_77 = arith.constant 2 : i32
    %dma_start3A_78 = arith.constant 2 : i32
    %dma_start3A_79 = arith.constant 0 : i32
    %dma_start3A_80 = arith.constant 0 : i32
    %dma_start3A_81 = tpu.memref_slice %arg8[%dma_start3A_78, %dma_start3A_79, %dma_start3A_80] : memref<16x128x16xf32, #tpu.memory_space<vmem>> -> memref<1x128x16xf32, #tpu.memory_space<vmem>>
    %dma_start3A_82 = tpu.memref_squeeze %dma_start3A_81 : memref<1x128x16xf32, #tpu.memory_space<vmem>> -> memref<128x16xf32, #tpu.memory_space<vmem>>
    %dma_start3A_83 = arith.constant 0 : i32
    %dma_start3A_84 = tpu.memref_slice %arg6[%dma_start3A_77, %dma_start3A_83] : memref<88x128xi32, #tpu.memory_space<vmem>> -> memref<1x128xi32, #tpu.memory_space<vmem>>
    %dma_start3A_85 = tpu.memref_squeeze %dma_start3A_84 : memref<1x128xi32, #tpu.memory_space<vmem>> -> memref<128xi32, #tpu.memory_space<vmem>>
    %dma_start3A_86 = arith.constant 0 : i32
    %dma_start3A_87 = arith.constant 0 : i32
    %dma_start3A_88 = tpu.memref_slice %arg10[%dma_start3A_86, %dma_start3A_87] : memref<10240x16xf32, #tpu.memory_space<vmem_shared>> -> memref<10240x16xf32, #tpu.memory_space<vmem_shared>>
    tpu.enqueue_indirect_dma source(%dma_start3A_88 : memref<10240x16xf32, #tpu.memory_space<vmem_shared>>) target(%dma_start3A_82 : memref<128x16xf32, #tpu.memory_space<vmem>>) offsets(%dma_start3A_85 : memref<128xi32, #tpu.memory_space<vmem>>) semaphore(%arg11 : memref<!tpu.dma_semaphore, #tpu.memory_space<semaphore_mem>>)
    %dma_start3A_89 = arith.constant 3 : i32
    %dma_start3A_90 = arith.constant 3 : i32
    %dma_start3A_91 = arith.constant 0 : i32
    %dma_start3A_92 = arith.constant 0 : i32
    %dma_start3A_93 = tpu.memref_slice %arg8[%dma_start3A_90, %dma_start3A_91, %dma_start3A_92] : memref<16x128x16xf32, #tpu.memory_space<vmem>> -> memref<1x128x16xf32, #tpu.memory_space<vmem>>
    %dma_start3A_94 = tpu.memref_squeeze %dma_start3A_93 : memref<1x128x16xf32, #tpu.memory_space<vmem>> -> memref<128x16xf32, #tpu.memory_space<vmem>>
    %dma_start3A_95 = arith.constant 0 : i32
    %dma_start3A_96 = tpu.memref_slice %arg6[%dma_start3A_89, %dma_start3A_95] : memref<88x128xi32, #tpu.memory_space<vmem>> -> memref<1x128xi32, #tpu.memory_space<vmem>>
    %dma_start3A_97 = tpu.memref_squeeze %dma_start3A_96 : memref<1x128xi32, #tpu.memory_space<vmem>> -> memref<128xi32, #tpu.memory_space<vmem>>
    %dma_start3A_98 = arith.constant 0 : i32
    %dma_start3A_99 = arith.constant 0 : i32
    %dma_start3A_100 = tpu.memref_slice %arg10[%dma_start3A_98, %dma_start3A_99] : memref<10240x16xf32, #tpu.memory_space<vmem_shared>> -> memref<10240x16xf32, #tpu.memory_space<vmem_shared>>
    tpu.enqueue_indirect_dma source(%dma_start3A_100 : memref<10240x16xf32, #tpu.memory_space<vmem_shared>>) target(%dma_start3A_94 : memref<128x16xf32, #tpu.memory_space<vmem>>) offsets(%dma_start3A_97 : memref<128xi32, #tpu.memory_space<vmem>>) semaphore(%arg11 : memref<!tpu.dma_semaphore, #tpu.memory_space<semaphore_mem>>)
    %dma_start3A_101 = arith.constant 4 : i32
    %dma_start3A_102 = arith.constant 4 : i32
    %dma_start3A_103 = arith.constant 0 : i32
    %dma_start3A_104 = arith.constant 0 : i32
    %dma_start3A_105 = tpu.memref_slice %arg8[%dma_start3A_102, %dma_start3A_103, %dma_start3A_104] : memref<16x128x16xf32, #tpu.memory_space<vmem>> -> memref<1x128x16xf32, #tpu.memory_space<vmem>>
    %dma_start3A_106 = tpu.memref_squeeze %dma_start3A_105 : memref<1x128x16xf32, #tpu.memory_space<vmem>> -> memref<128x16xf32, #tpu.memory_space<vmem>>
    %dma_start3A_107 = arith.constant 0 : i32
    %dma_start3A_108 = tpu.memref_slice %arg6[%dma_start3A_101, %dma_start3A_107] : memref<88x128xi32, #tpu.memory_space<vmem>> -> memref<1x128xi32, #tpu.memory_space<vmem>>
    %dma_start3A_109 = tpu.memref_squeeze %dma_start3A_108 : memref<1x128xi32, #tpu.memory_space<vmem>> -> memref<128xi32, #tpu.memory_space<vmem>>
    %dma_start3A_110 = arith.constant 0 : i32
    %dma_start3A_111 = arith.constant 0 : i32
    %dma_start3A_112 = tpu.memref_slice %arg10[%dma_start3A_110, %dma_start3A_111] : memref<10240x16xf32, #tpu.memory_space<vmem_shared>> -> memref<10240x16xf32, #tpu.memory_space<vmem_shared>>
    tpu.enqueue_indirect_dma source(%dma_start3A_112 : memref<10240x16xf32, #tpu.memory_space<vmem_shared>>) target(%dma_start3A_106 : memref<128x16xf32, #tpu.memory_space<vmem>>) offsets(%dma_start3A_109 : memref<128xi32, #tpu.memory_space<vmem>>) semaphore(%arg11 : memref<!tpu.dma_semaphore, #tpu.memory_space<semaphore_mem>>)
    %dma_start3A_113 = arith.constant 5 : i32
    %dma_start3A_114 = arith.constant 5 : i32
    %dma_start3A_115 = arith.constant 0 : i32
    %dma_start3A_116 = arith.constant 0 : i32
    %dma_start3A_117 = tpu.memref_slice %arg8[%dma_start3A_114, %dma_start3A_115, %dma_start3A_116] : memref<16x128x16xf32, #tpu.memory_space<vmem>> -> memref<1x128x16xf32, #tpu.memory_space<vmem>>
    %dma_start3A_118 = tpu.memref_squeeze %dma_start3A_117 : memref<1x128x16xf32, #tpu.memory_space<vmem>> -> memref<128x16xf32, #tpu.memory_space<vmem>>
    %dma_start3A_119 = arith.constant 0 : i32
    %dma_start3A_120 = tpu.memref_slice %arg6[%dma_start3A_113, %dma_start3A_119] : memref<88x128xi32, #tpu.memory_space<vmem>> -> memref<1x128xi32, #tpu.memory_space<vmem>>
    %dma_start3A_121 = tpu.memref_squeeze %dma_start3A_120 : memref<1x128xi32, #tpu.memory_space<vmem>> -> memref<128xi32, #tpu.memory_space<vmem>>
    %dma_start3A_122 = arith.constant 0 : i32
    %dma_start3A_123 = arith.constant 0 : i32
    %dma_start3A_124 = tpu.memref_slice %arg10[%dma_start3A_122, %dma_start3A_123] : memref<10240x16xf32, #tpu.memory_space<vmem_shared>> -> memref<10240x16xf32, #tpu.memory_space<vmem_shared>>
    tpu.enqueue_indirect_dma source(%dma_start3A_124 : memref<10240x16xf32, #tpu.memory_space<vmem_shared>>) target(%dma_start3A_118 : memref<128x16xf32, #tpu.memory_space<vmem>>) offsets(%dma_start3A_121 : memref<128xi32, #tpu.memory_space<vmem>>) semaphore(%arg11 : memref<!tpu.dma_semaphore, #tpu.memory_space<semaphore_mem>>)
    %dma_start3A_125 = arith.constant 6 : i32
    %dma_start3A_126 = arith.constant 6 : i32
    %dma_start3A_127 = arith.constant 0 : i32
    %dma_start3A_128 = arith.constant 0 : i32
    %dma_start3A_129 = tpu.memref_slice %arg8[%dma_start3A_126, %dma_start3A_127, %dma_start3A_128] : memref<16x128x16xf32, #tpu.memory_space<vmem>> -> memref<1x128x16xf32, #tpu.memory_space<vmem>>
    %dma_start3A_130 = tpu.memref_squeeze %dma_start3A_129 : memref<1x128x16xf32, #tpu.memory_space<vmem>> -> memref<128x16xf32, #tpu.memory_space<vmem>>
    %dma_start3A_131 = arith.constant 0 : i32
    %dma_start3A_132 = tpu.memref_slice %arg6[%dma_start3A_125, %dma_start3A_131] : memref<88x128xi32, #tpu.memory_space<vmem>> -> memref<1x128xi32, #tpu.memory_space<vmem>>
    %dma_start3A_133 = tpu.memref_squeeze %dma_start3A_132 : memref<1x128xi32, #tpu.memory_space<vmem>> -> memref<128xi32, #tpu.memory_space<vmem>>
    %dma_start3A_134 = arith.constant 0 : i32
    %dma_start3A_135 = arith.constant 0 : i32
    %dma_start3A_136 = tpu.memref_slice %arg10[%dma_start3A_134, %dma_start3A_135] : memref<10240x16xf32, #tpu.memory_space<vmem_shared>> -> memref<10240x16xf32, #tpu.memory_space<vmem_shared>>
    tpu.enqueue_indirect_dma source(%dma_start3A_136 : memref<10240x16xf32, #tpu.memory_space<vmem_shared>>) target(%dma_start3A_130 : memref<128x16xf32, #tpu.memory_space<vmem>>) offsets(%dma_start3A_133 : memref<128xi32, #tpu.memory_space<vmem>>) semaphore(%arg11 : memref<!tpu.dma_semaphore, #tpu.memory_space<semaphore_mem>>)
    %dma_start3A_137 = arith.constant 7 : i32
    %dma_start3A_138 = arith.constant 7 : i32
    %dma_start3A_139 = arith.constant 0 : i32
    %dma_start3A_140 = arith.constant 0 : i32
    %dma_start3A_141 = tpu.memref_slice %arg8[%dma_start3A_138, %dma_start3A_139, %dma_start3A_140] : memref<16x128x16xf32, #tpu.memory_space<vmem>> -> memref<1x128x16xf32, #tpu.memory_space<vmem>>
    %dma_start3A_142 = tpu.memref_squeeze %dma_start3A_141 : memref<1x128x16xf32, #tpu.memory_space<vmem>> -> memref<128x16xf32, #tpu.memory_space<vmem>>
    %dma_start3A_143 = arith.constant 0 : i32
    %dma_start3A_144 = tpu.memref_slice %arg6[%dma_start3A_137, %dma_start3A_143] : memref<88x128xi32, #tpu.memory_space<vmem>> -> memref<1x128xi32, #tpu.memory_space<vmem>>
    %dma_start3A_145 = tpu.memref_squeeze %dma_start3A_144 : memref<1x128xi32, #tpu.memory_space<vmem>> -> memref<128xi32, #tpu.memory_space<vmem>>
    %dma_start3A_146 = arith.constant 0 : i32
    %dma_start3A_147 = arith.constant 0 : i32
    %dma_start3A_148 = tpu.memref_slice %arg10[%dma_start3A_146, %dma_start3A_147] : memref<10240x16xf32, #tpu.memory_space<vmem_shared>> -> memref<10240x16xf32, #tpu.memory_space<vmem_shared>>
    tpu.enqueue_indirect_dma source(%dma_start3A_148 : memref<10240x16xf32, #tpu.memory_space<vmem_shared>>) target(%dma_start3A_142 : memref<128x16xf32, #tpu.memory_space<vmem>>) offsets(%dma_start3A_145 : memref<128xi32, #tpu.memory_space<vmem>>) semaphore(%arg11 : memref<!tpu.dma_semaphore, #tpu.memory_space<semaphore_mem>>)
    %scan3A = arith.constant 0 : i32
    %scan3A_149 = arith.constant 0 : i32
    %scan3A_150 = arith.constant 11 : i32
    %scan3A_151 = arith.addi %scan3A_149, %scan3A_150 : i32
    %scan3A_152 = arith.constant 1 : i32
    scf.for %scan3A_162 = %scan3A_149 to %scan3A_151 step %scan3A_152  : i32 {
      %rem3A = arith.constant 2 : i32
      %rem3A_163 = arith.remsi %scan3A_162, %rem3A : i32
      %mul3A_164 = arith.constant 8 : i32
      %mul3A_165 = arith.muli %rem3A_163, %mul3A_164 : i32
      %sub3A = arith.constant 8 : i32
      %sub3A_166 = arith.subi %sub3A, %mul3A_165 : i32
      %ge3A = arith.constant 1 : i32
      %ge3A_167 = arith.cmpi sge, %scan3A_162, %ge3A : i32
      %le3A = arith.cmpi sle, %scan3A_162, %select_n3A_8 : i32
      %and3A = arith.andi %ge3A_167, %le3A : i1
      %convert_element_type3A_168 = arith.extui %and3A : i1 to i32
      %cond3A_169 = arith.constant 0 : i32
      %cond3A_170 = arith.cmpi ne, %convert_element_type3A_168, %cond3A_169 : i32
      scf.if %cond3A_170 {
        %dma_wait3A_180 = arith.constant 0 : i32
        %dma_wait3A_181 = arith.constant 0 : i32
        %dma_wait3A_182 = arith.constant 0 : i32
        %dma_wait3A_183 = tpu.memref_slice %arg8[%dma_wait3A_180, %dma_wait3A_181, %dma_wait3A_182] : memref<16x128x16xf32, #tpu.memory_space<vmem>> -> memref<1x128x16xf32, #tpu.memory_space<vmem>>
        %dma_wait3A_184 = tpu.memref_squeeze %dma_wait3A_183 : memref<1x128x16xf32, #tpu.memory_space<vmem>> -> memref<128x16xf32, #tpu.memory_space<vmem>>
        %dma_wait3A_185 = arith.constant 0 : i32
        %dma_wait3A_186 = arith.constant 0 : i32
        %dma_wait3A_187 = tpu.memref_slice %arg4[%dma_wait3A_185, %dma_wait3A_186] : memref<640x16xf32, #tpu.memory_space<hbm>> -> memref<128x16xf32, #tpu.memory_space<hbm>>
        %dma_wait3A_188 = arith.constant 0 : i32
        %dma_wait3A_189 = arith.constant 0 : i32
        %dma_wait3A_190 = tpu.memref_slice %arg8[%dma_wait3A_180, %dma_wait3A_188, %dma_wait3A_189] : memref<16x128x16xf32, #tpu.memory_space<vmem>> -> memref<1x128x16xf32, #tpu.memory_space<vmem>>
        %dma_wait3A_191 = tpu.memref_squeeze %dma_wait3A_190 : memref<1x128x16xf32, #tpu.memory_space<vmem>> -> memref<128x16xf32, #tpu.memory_space<vmem>>
        %dma_wait3A_192 = arith.constant 0 : i32
        %dma_wait3A_193 = arith.constant 0 : i32
        %dma_wait3A_194 = tpu.memref_slice %arg4[%dma_wait3A_192, %dma_wait3A_193] : memref<640x16xf32, #tpu.memory_space<hbm>> -> memref<128x16xf32, #tpu.memory_space<hbm>>
        tpu.wait_dma2 semaphore(%arg12 : memref<!tpu.dma_semaphore, #tpu.memory_space<semaphore_mem>>) src(%dma_wait3A_194 : memref<128x16xf32, #tpu.memory_space<hbm>>) dst(%dma_wait3A_191 : memref<128x16xf32, #tpu.memory_space<vmem>>)
        %dma_wait3A_195 = arith.constant 0 : i32
        %dma_wait3A_196 = arith.constant 0 : i32
        %dma_wait3A_197 = arith.constant 0 : i32
        %dma_wait3A_198 = tpu.memref_slice %arg8[%dma_wait3A_195, %dma_wait3A_196, %dma_wait3A_197] : memref<16x128x16xf32, #tpu.memory_space<vmem>> -> memref<1x128x16xf32, #tpu.memory_space<vmem>>
        %dma_wait3A_199 = tpu.memref_squeeze %dma_wait3A_198 : memref<1x128x16xf32, #tpu.memory_space<vmem>> -> memref<128x16xf32, #tpu.memory_space<vmem>>
        %dma_wait3A_200 = arith.constant 0 : i32
        %dma_wait3A_201 = arith.constant 0 : i32
        %dma_wait3A_202 = tpu.memref_slice %arg4[%dma_wait3A_200, %dma_wait3A_201] : memref<640x16xf32, #tpu.memory_space<hbm>> -> memref<128x16xf32, #tpu.memory_space<hbm>>
        %dma_wait3A_203 = arith.constant 0 : i32
        %dma_wait3A_204 = arith.constant 0 : i32
        %dma_wait3A_205 = tpu.memref_slice %arg8[%dma_wait3A_195, %dma_wait3A_203, %dma_wait3A_204] : memref<16x128x16xf32, #tpu.memory_space<vmem>> -> memref<1x128x16xf32, #tpu.memory_space<vmem>>
        %dma_wait3A_206 = tpu.memref_squeeze %dma_wait3A_205 : memref<1x128x16xf32, #tpu.memory_space<vmem>> -> memref<128x16xf32, #tpu.memory_space<vmem>>
        %dma_wait3A_207 = arith.constant 0 : i32
        %dma_wait3A_208 = arith.constant 0 : i32
        %dma_wait3A_209 = tpu.memref_slice %arg4[%dma_wait3A_207, %dma_wait3A_208] : memref<640x16xf32, #tpu.memory_space<hbm>> -> memref<128x16xf32, #tpu.memory_space<hbm>>
        tpu.wait_dma2 semaphore(%arg12 : memref<!tpu.dma_semaphore, #tpu.memory_space<semaphore_mem>>) src(%dma_wait3A_209 : memref<128x16xf32, #tpu.memory_space<hbm>>) dst(%dma_wait3A_206 : memref<128x16xf32, #tpu.memory_space<vmem>>)
        %dma_wait3A_210 = arith.constant 0 : i32
        %dma_wait3A_211 = arith.constant 0 : i32
        %dma_wait3A_212 = arith.constant 0 : i32
        %dma_wait3A_213 = tpu.memref_slice %arg8[%dma_wait3A_210, %dma_wait3A_211, %dma_wait3A_212] : memref<16x128x16xf32, #tpu.memory_space<vmem>> -> memref<1x128x16xf32, #tpu.memory_space<vmem>>
        %dma_wait3A_214 = tpu.memref_squeeze %dma_wait3A_213 : memref<1x128x16xf32, #tpu.memory_space<vmem>> -> memref<128x16xf32, #tpu.memory_space<vmem>>
        %dma_wait3A_215 = arith.constant 0 : i32
        %dma_wait3A_216 = arith.constant 0 : i32
        %dma_wait3A_217 = tpu.memref_slice %arg4[%dma_wait3A_215, %dma_wait3A_216] : memref<640x16xf32, #tpu.memory_space<hbm>> -> memref<128x16xf32, #tpu.memory_space<hbm>>
        %dma_wait3A_218 = arith.constant 0 : i32
        %dma_wait3A_219 = arith.constant 0 : i32
        %dma_wait3A_220 = tpu.memref_slice %arg8[%dma_wait3A_210, %dma_wait3A_218, %dma_wait3A_219] : memref<16x128x16xf32, #tpu.memory_space<vmem>> -> memref<1x128x16xf32, #tpu.memory_space<vmem>>
        %dma_wait3A_221 = tpu.memref_squeeze %dma_wait3A_220 : memref<1x128x16xf32, #tpu.memory_space<vmem>> -> memref<128x16xf32, #tpu.memory_space<vmem>>
        %dma_wait3A_222 = arith.constant 0 : i32
        %dma_wait3A_223 = arith.constant 0 : i32
        %dma_wait3A_224 = tpu.memref_slice %arg4[%dma_wait3A_222, %dma_wait3A_223] : memref<640x16xf32, #tpu.memory_space<hbm>> -> memref<128x16xf32, #tpu.memory_space<hbm>>
        tpu.wait_dma2 semaphore(%arg12 : memref<!tpu.dma_semaphore, #tpu.memory_space<semaphore_mem>>) src(%dma_wait3A_224 : memref<128x16xf32, #tpu.memory_space<hbm>>) dst(%dma_wait3A_221 : memref<128x16xf32, #tpu.memory_space<vmem>>)
        %dma_wait3A_225 = arith.constant 0 : i32
        %dma_wait3A_226 = arith.constant 0 : i32
        %dma_wait3A_227 = arith.constant 0 : i32
        %dma_wait3A_228 = tpu.memref_slice %arg8[%dma_wait3A_225, %dma_wait3A_226, %dma_wait3A_227] : memref<16x128x16xf32, #tpu.memory_space<vmem>> -> memref<1x128x16xf32, #tpu.memory_space<vmem>>
        %dma_wait3A_229 = tpu.memref_squeeze %dma_wait3A_228 : memref<1x128x16xf32, #tpu.memory_space<vmem>> -> memref<128x16xf32, #tpu.memory_space<vmem>>
        %dma_wait3A_230 = arith.constant 0 : i32
        %dma_wait3A_231 = arith.constant 0 : i32
        %dma_wait3A_232 = tpu.memref_slice %arg4[%dma_wait3A_230, %dma_wait3A_231] : memref<640x16xf32, #tpu.memory_space<hbm>> -> memref<128x16xf32, #tpu.memory_space<hbm>>
        %dma_wait3A_233 = arith.constant 0 : i32
        %dma_wait3A_234 = arith.constant 0 : i32
        %dma_wait3A_235 = tpu.memref_slice %arg8[%dma_wait3A_225, %dma_wait3A_233, %dma_wait3A_234] : memref<16x128x16xf32, #tpu.memory_space<vmem>> -> memref<1x128x16xf32, #tpu.memory_space<vmem>>
        %dma_wait3A_236 = tpu.memref_squeeze %dma_wait3A_235 : memref<1x128x16xf32, #tpu.memory_space<vmem>> -> memref<128x16xf32, #tpu.memory_space<vmem>>
        %dma_wait3A_237 = arith.constant 0 : i32
        %dma_wait3A_238 = arith.constant 0 : i32
        %dma_wait3A_239 = tpu.memref_slice %arg4[%dma_wait3A_237, %dma_wait3A_238] : memref<640x16xf32, #tpu.memory_space<hbm>> -> memref<128x16xf32, #tpu.memory_space<hbm>>
        tpu.wait_dma2 semaphore(%arg12 : memref<!tpu.dma_semaphore, #tpu.memory_space<semaphore_mem>>) src(%dma_wait3A_239 : memref<128x16xf32, #tpu.memory_space<hbm>>) dst(%dma_wait3A_236 : memref<128x16xf32, #tpu.memory_space<vmem>>)
        %dma_wait3A_240 = arith.constant 0 : i32
        %dma_wait3A_241 = arith.constant 0 : i32
        %dma_wait3A_242 = arith.constant 0 : i32
        %dma_wait3A_243 = tpu.memref_slice %arg8[%dma_wait3A_240, %dma_wait3A_241, %dma_wait3A_242] : memref<16x128x16xf32, #tpu.memory_space<vmem>> -> memref<1x128x16xf32, #tpu.memory_space<vmem>>
        %dma_wait3A_244 = tpu.memref_squeeze %dma_wait3A_243 : memref<1x128x16xf32, #tpu.memory_space<vmem>> -> memref<128x16xf32, #tpu.memory_space<vmem>>
        %dma_wait3A_245 = arith.constant 0 : i32
        %dma_wait3A_246 = arith.constant 0 : i32
        %dma_wait3A_247 = tpu.memref_slice %arg4[%dma_wait3A_245, %dma_wait3A_246] : memref<640x16xf32, #tpu.memory_space<hbm>> -> memref<128x16xf32, #tpu.memory_space<hbm>>
        %dma_wait3A_248 = arith.constant 0 : i32
        %dma_wait3A_249 = arith.constant 0 : i32
        %dma_wait3A_250 = tpu.memref_slice %arg8[%dma_wait3A_240, %dma_wait3A_248, %dma_wait3A_249] : memref<16x128x16xf32, #tpu.memory_space<vmem>> -> memref<1x128x16xf32, #tpu.memory_space<vmem>>
        %dma_wait3A_251 = tpu.memref_squeeze %dma_wait3A_250 : memref<1x128x16xf32, #tpu.memory_space<vmem>> -> memref<128x16xf32, #tpu.memory_space<vmem>>
        %dma_wait3A_252 = arith.constant 0 : i32
        %dma_wait3A_253 = arith.constant 0 : i32
        %dma_wait3A_254 = tpu.memref_slice %arg4[%dma_wait3A_252, %dma_wait3A_253] : memref<640x16xf32, #tpu.memory_space<hbm>> -> memref<128x16xf32, #tpu.memory_space<hbm>>
        tpu.wait_dma2 semaphore(%arg12 : memref<!tpu.dma_semaphore, #tpu.memory_space<semaphore_mem>>) src(%dma_wait3A_254 : memref<128x16xf32, #tpu.memory_space<hbm>>) dst(%dma_wait3A_251 : memref<128x16xf32, #tpu.memory_space<vmem>>)
        %dma_wait3A_255 = arith.constant 0 : i32
        %dma_wait3A_256 = arith.constant 0 : i32
        %dma_wait3A_257 = arith.constant 0 : i32
        %dma_wait3A_258 = tpu.memref_slice %arg8[%dma_wait3A_255, %dma_wait3A_256, %dma_wait3A_257] : memref<16x128x16xf32, #tpu.memory_space<vmem>> -> memref<1x128x16xf32, #tpu.memory_space<vmem>>
        %dma_wait3A_259 = tpu.memref_squeeze %dma_wait3A_258 : memref<1x128x16xf32, #tpu.memory_space<vmem>> -> memref<128x16xf32, #tpu.memory_space<vmem>>
        %dma_wait3A_260 = arith.constant 0 : i32
        %dma_wait3A_261 = arith.constant 0 : i32
        %dma_wait3A_262 = tpu.memref_slice %arg4[%dma_wait3A_260, %dma_wait3A_261] : memref<640x16xf32, #tpu.memory_space<hbm>> -> memref<128x16xf32, #tpu.memory_space<hbm>>
        %dma_wait3A_263 = arith.constant 0 : i32
        %dma_wait3A_264 = arith.constant 0 : i32
        %dma_wait3A_265 = tpu.memref_slice %arg8[%dma_wait3A_255, %dma_wait3A_263, %dma_wait3A_264] : memref<16x128x16xf32, #tpu.memory_space<vmem>> -> memref<1x128x16xf32, #tpu.memory_space<vmem>>
        %dma_wait3A_266 = tpu.memref_squeeze %dma_wait3A_265 : memref<1x128x16xf32, #tpu.memory_space<vmem>> -> memref<128x16xf32, #tpu.memory_space<vmem>>
        %dma_wait3A_267 = arith.constant 0 : i32
        %dma_wait3A_268 = arith.constant 0 : i32
        %dma_wait3A_269 = tpu.memref_slice %arg4[%dma_wait3A_267, %dma_wait3A_268] : memref<640x16xf32, #tpu.memory_space<hbm>> -> memref<128x16xf32, #tpu.memory_space<hbm>>
        tpu.wait_dma2 semaphore(%arg12 : memref<!tpu.dma_semaphore, #tpu.memory_space<semaphore_mem>>) src(%dma_wait3A_269 : memref<128x16xf32, #tpu.memory_space<hbm>>) dst(%dma_wait3A_266 : memref<128x16xf32, #tpu.memory_space<vmem>>)
        %dma_wait3A_270 = arith.constant 0 : i32
        %dma_wait3A_271 = arith.constant 0 : i32
        %dma_wait3A_272 = arith.constant 0 : i32
        %dma_wait3A_273 = tpu.memref_slice %arg8[%dma_wait3A_270, %dma_wait3A_271, %dma_wait3A_272] : memref<16x128x16xf32, #tpu.memory_space<vmem>> -> memref<1x128x16xf32, #tpu.memory_space<vmem>>
        %dma_wait3A_274 = tpu.memref_squeeze %dma_wait3A_273 : memref<1x128x16xf32, #tpu.memory_space<vmem>> -> memref<128x16xf32, #tpu.memory_space<vmem>>
        %dma_wait3A_275 = arith.constant 0 : i32
        %dma_wait3A_276 = arith.constant 0 : i32
        %dma_wait3A_277 = tpu.memref_slice %arg4[%dma_wait3A_275, %dma_wait3A_276] : memref<640x16xf32, #tpu.memory_space<hbm>> -> memref<128x16xf32, #tpu.memory_space<hbm>>
        %dma_wait3A_278 = arith.constant 0 : i32
        %dma_wait3A_279 = arith.constant 0 : i32
        %dma_wait3A_280 = tpu.memref_slice %arg8[%dma_wait3A_270, %dma_wait3A_278, %dma_wait3A_279] : memref<16x128x16xf32, #tpu.memory_space<vmem>> -> memref<1x128x16xf32, #tpu.memory_space<vmem>>
        %dma_wait3A_281 = tpu.memref_squeeze %dma_wait3A_280 : memref<1x128x16xf32, #tpu.memory_space<vmem>> -> memref<128x16xf32, #tpu.memory_space<vmem>>
        %dma_wait3A_282 = arith.constant 0 : i32
        %dma_wait3A_283 = arith.constant 0 : i32
        %dma_wait3A_284 = tpu.memref_slice %arg4[%dma_wait3A_282, %dma_wait3A_283] : memref<640x16xf32, #tpu.memory_space<hbm>> -> memref<128x16xf32, #tpu.memory_space<hbm>>
        tpu.wait_dma2 semaphore(%arg12 : memref<!tpu.dma_semaphore, #tpu.memory_space<semaphore_mem>>) src(%dma_wait3A_284 : memref<128x16xf32, #tpu.memory_space<hbm>>) dst(%dma_wait3A_281 : memref<128x16xf32, #tpu.memory_space<vmem>>)
        %dma_wait3A_285 = arith.constant 0 : i32
        %dma_wait3A_286 = arith.constant 0 : i32
        %dma_wait3A_287 = arith.constant 0 : i32
        %dma_wait3A_288 = tpu.memref_slice %arg8[%dma_wait3A_285, %dma_wait3A_286, %dma_wait3A_287] : memref<16x128x16xf32, #tpu.memory_space<vmem>> -> memref<1x128x16xf32, #tpu.memory_space<vmem>>
        %dma_wait3A_289 = tpu.memref_squeeze %dma_wait3A_288 : memref<1x128x16xf32, #tpu.memory_space<vmem>> -> memref<128x16xf32, #tpu.memory_space<vmem>>
        %dma_wait3A_290 = arith.constant 0 : i32
        %dma_wait3A_291 = arith.constant 0 : i32
        %dma_wait3A_292 = tpu.memref_slice %arg4[%dma_wait3A_290, %dma_wait3A_291] : memref<640x16xf32, #tpu.memory_space<hbm>> -> memref<128x16xf32, #tpu.memory_space<hbm>>
        %dma_wait3A_293 = arith.constant 0 : i32
        %dma_wait3A_294 = arith.constant 0 : i32
        %dma_wait3A_295 = tpu.memref_slice %arg8[%dma_wait3A_285, %dma_wait3A_293, %dma_wait3A_294] : memref<16x128x16xf32, #tpu.memory_space<vmem>> -> memref<1x128x16xf32, #tpu.memory_space<vmem>>
        %dma_wait3A_296 = tpu.memref_squeeze %dma_wait3A_295 : memref<1x128x16xf32, #tpu.memory_space<vmem>> -> memref<128x16xf32, #tpu.memory_space<vmem>>
        %dma_wait3A_297 = arith.constant 0 : i32
        %dma_wait3A_298 = arith.constant 0 : i32
        %dma_wait3A_299 = tpu.memref_slice %arg4[%dma_wait3A_297, %dma_wait3A_298] : memref<640x16xf32, #tpu.memory_space<hbm>> -> memref<128x16xf32, #tpu.memory_space<hbm>>
        tpu.wait_dma2 semaphore(%arg12 : memref<!tpu.dma_semaphore, #tpu.memory_space<semaphore_mem>>) src(%dma_wait3A_299 : memref<128x16xf32, #tpu.memory_space<hbm>>) dst(%dma_wait3A_296 : memref<128x16xf32, #tpu.memory_space<vmem>>)
      } else {
      }
      %add3A_171 = arith.constant 1 : i32
      %add3A_172 = arith.addi %scan3A_162, %add3A_171 : i32
      %lt3A = arith.cmpi slt, %add3A_172, %select_n3A_8 : i32
      %convert_element_type3A_173 = arith.extui %lt3A : i1 to i32
      %cond3A_174 = arith.constant 0 : i32
      %cond3A_175 = arith.cmpi ne, %convert_element_type3A_173, %cond3A_174 : i32
      scf.if %cond3A_175 {
        %add3A_180 = arith.constant 1 : i32
        %add3A_181 = arith.addi %scan3A_162, %add3A_180 : i32
        %mul3A_182 = arith.constant 8 : i32
        %mul3A_183 = arith.muli %add3A_181, %mul3A_182 : i32
        %add3A_184 = arith.constant 0 : i32
        %add3A_185 = arith.addi %mul3A_183, %add3A_184 : i32
        %add3A_186 = arith.constant 0 : i32
        %add3A_187 = arith.addi %sub3A_166, %add3A_186 : i32
        %dma_start3A_188 = arith.constant 0 : i32
        %dma_start3A_189 = arith.constant 0 : i32
        %dma_start3A_190 = tpu.memref_slice %arg8[%add3A_187, %dma_start3A_188, %dma_start3A_189] : memref<16x128x16xf32, #tpu.memory_space<vmem>> -> memref<1x128x16xf32, #tpu.memory_space<vmem>>
        %dma_start3A_191 = tpu.memref_squeeze %dma_start3A_190 : memref<1x128x16xf32, #tpu.memory_space<vmem>> -> memref<128x16xf32, #tpu.memory_space<vmem>>
        %dma_start3A_192 = arith.constant 0 : i32
        %dma_start3A_193 = tpu.memref_slice %arg6[%add3A_185, %dma_start3A_192] : memref<88x128xi32, #tpu.memory_space<vmem>> -> memref<1x128xi32, #tpu.memory_space<vmem>>
        %dma_start3A_194 = tpu.memref_squeeze %dma_start3A_193 : memref<1x128xi32, #tpu.memory_space<vmem>> -> memref<128xi32, #tpu.memory_space<vmem>>
        %dma_start3A_195 = arith.constant 0 : i32
        %dma_start3A_196 = arith.constant 0 : i32
        %dma_start3A_197 = tpu.memref_slice %arg10[%dma_start3A_195, %dma_start3A_196] : memref<10240x16xf32, #tpu.memory_space<vmem_shared>> -> memref<10240x16xf32, #tpu.memory_space<vmem_shared>>
        tpu.enqueue_indirect_dma source(%dma_start3A_197 : memref<10240x16xf32, #tpu.memory_space<vmem_shared>>) target(%dma_start3A_191 : memref<128x16xf32, #tpu.memory_space<vmem>>) offsets(%dma_start3A_194 : memref<128xi32, #tpu.memory_space<vmem>>) semaphore(%arg11 : memref<!tpu.dma_semaphore, #tpu.memory_space<semaphore_mem>>)
        %add3A_198 = arith.constant 1 : i32
        %add3A_199 = arith.addi %scan3A_162, %add3A_198 : i32
        %mul3A_200 = arith.constant 8 : i32
        %mul3A_201 = arith.muli %add3A_199, %mul3A_200 : i32
        %add3A_202 = arith.constant 1 : i32
        %add3A_203 = arith.addi %mul3A_201, %add3A_202 : i32
        %add3A_204 = arith.constant 1 : i32
        %add3A_205 = arith.addi %sub3A_166, %add3A_204 : i32
        %dma_start3A_206 = arith.constant 0 : i32
        %dma_start3A_207 = arith.constant 0 : i32
        %dma_start3A_208 = tpu.memref_slice %arg8[%add3A_205, %dma_start3A_206, %dma_start3A_207] : memref<16x128x16xf32, #tpu.memory_space<vmem>> -> memref<1x128x16xf32, #tpu.memory_space<vmem>>
        %dma_start3A_209 = tpu.memref_squeeze %dma_start3A_208 : memref<1x128x16xf32, #tpu.memory_space<vmem>> -> memref<128x16xf32, #tpu.memory_space<vmem>>
        %dma_start3A_210 = arith.constant 0 : i32
        %dma_start3A_211 = tpu.memref_slice %arg6[%add3A_203, %dma_start3A_210] : memref<88x128xi32, #tpu.memory_space<vmem>> -> memref<1x128xi32, #tpu.memory_space<vmem>>
        %dma_start3A_212 = tpu.memref_squeeze %dma_start3A_211 : memref<1x128xi32, #tpu.memory_space<vmem>> -> memref<128xi32, #tpu.memory_space<vmem>>
        %dma_start3A_213 = arith.constant 0 : i32
        %dma_start3A_214 = arith.constant 0 : i32
        %dma_start3A_215 = tpu.memref_slice %arg10[%dma_start3A_213, %dma_start3A_214] : memref<10240x16xf32, #tpu.memory_space<vmem_shared>> -> memref<10240x16xf32, #tpu.memory_space<vmem_shared>>
        tpu.enqueue_indirect_dma source(%dma_start3A_215 : memref<10240x16xf32, #tpu.memory_space<vmem_shared>>) target(%dma_start3A_209 : memref<128x16xf32, #tpu.memory_space<vmem>>) offsets(%dma_start3A_212 : memref<128xi32, #tpu.memory_space<vmem>>) semaphore(%arg11 : memref<!tpu.dma_semaphore, #tpu.memory_space<semaphore_mem>>)
        %add3A_216 = arith.constant 1 : i32
        %add3A_217 = arith.addi %scan3A_162, %add3A_216 : i32
        %mul3A_218 = arith.constant 8 : i32
        %mul3A_219 = arith.muli %add3A_217, %mul3A_218 : i32
        %add3A_220 = arith.constant 2 : i32
        %add3A_221 = arith.addi %mul3A_219, %add3A_220 : i32
        %add3A_222 = arith.constant 2 : i32
        %add3A_223 = arith.addi %sub3A_166, %add3A_222 : i32
        %dma_start3A_224 = arith.constant 0 : i32
        %dma_start3A_225 = arith.constant 0 : i32
        %dma_start3A_226 = tpu.memref_slice %arg8[%add3A_223, %dma_start3A_224, %dma_start3A_225] : memref<16x128x16xf32, #tpu.memory_space<vmem>> -> memref<1x128x16xf32, #tpu.memory_space<vmem>>
        %dma_start3A_227 = tpu.memref_squeeze %dma_start3A_226 : memref<1x128x16xf32, #tpu.memory_space<vmem>> -> memref<128x16xf32, #tpu.memory_space<vmem>>
        %dma_start3A_228 = arith.constant 0 : i32
        %dma_start3A_229 = tpu.memref_slice %arg6[%add3A_221, %dma_start3A_228] : memref<88x128xi32, #tpu.memory_space<vmem>> -> memref<1x128xi32, #tpu.memory_space<vmem>>
        %dma_start3A_230 = tpu.memref_squeeze %dma_start3A_229 : memref<1x128xi32, #tpu.memory_space<vmem>> -> memref<128xi32, #tpu.memory_space<vmem>>
        %dma_start3A_231 = arith.constant 0 : i32
        %dma_start3A_232 = arith.constant 0 : i32
        %dma_start3A_233 = tpu.memref_slice %arg10[%dma_start3A_231, %dma_start3A_232] : memref<10240x16xf32, #tpu.memory_space<vmem_shared>> -> memref<10240x16xf32, #tpu.memory_space<vmem_shared>>
        tpu.enqueue_indirect_dma source(%dma_start3A_233 : memref<10240x16xf32, #tpu.memory_space<vmem_shared>>) target(%dma_start3A_227 : memref<128x16xf32, #tpu.memory_space<vmem>>) offsets(%dma_start3A_230 : memref<128xi32, #tpu.memory_space<vmem>>) semaphore(%arg11 : memref<!tpu.dma_semaphore, #tpu.memory_space<semaphore_mem>>)
        %add3A_234 = arith.constant 1 : i32
        %add3A_235 = arith.addi %scan3A_162, %add3A_234 : i32
        %mul3A_236 = arith.constant 8 : i32
        %mul3A_237 = arith.muli %add3A_235, %mul3A_236 : i32
        %add3A_238 = arith.constant 3 : i32
        %add3A_239 = arith.addi %mul3A_237, %add3A_238 : i32
        %add3A_240 = arith.constant 3 : i32
        %add3A_241 = arith.addi %sub3A_166, %add3A_240 : i32
        %dma_start3A_242 = arith.constant 0 : i32
        %dma_start3A_243 = arith.constant 0 : i32
        %dma_start3A_244 = tpu.memref_slice %arg8[%add3A_241, %dma_start3A_242, %dma_start3A_243] : memref<16x128x16xf32, #tpu.memory_space<vmem>> -> memref<1x128x16xf32, #tpu.memory_space<vmem>>
        %dma_start3A_245 = tpu.memref_squeeze %dma_start3A_244 : memref<1x128x16xf32, #tpu.memory_space<vmem>> -> memref<128x16xf32, #tpu.memory_space<vmem>>
        %dma_start3A_246 = arith.constant 0 : i32
        %dma_start3A_247 = tpu.memref_slice %arg6[%add3A_239, %dma_start3A_246] : memref<88x128xi32, #tpu.memory_space<vmem>> -> memref<1x128xi32, #tpu.memory_space<vmem>>
        %dma_start3A_248 = tpu.memref_squeeze %dma_start3A_247 : memref<1x128xi32, #tpu.memory_space<vmem>> -> memref<128xi32, #tpu.memory_space<vmem>>
        %dma_start3A_249 = arith.constant 0 : i32
        %dma_start3A_250 = arith.constant 0 : i32
        %dma_start3A_251 = tpu.memref_slice %arg10[%dma_start3A_249, %dma_start3A_250] : memref<10240x16xf32, #tpu.memory_space<vmem_shared>> -> memref<10240x16xf32, #tpu.memory_space<vmem_shared>>
        tpu.enqueue_indirect_dma source(%dma_start3A_251 : memref<10240x16xf32, #tpu.memory_space<vmem_shared>>) target(%dma_start3A_245 : memref<128x16xf32, #tpu.memory_space<vmem>>) offsets(%dma_start3A_248 : memref<128xi32, #tpu.memory_space<vmem>>) semaphore(%arg11 : memref<!tpu.dma_semaphore, #tpu.memory_space<semaphore_mem>>)
        %add3A_252 = arith.constant 1 : i32
        %add3A_253 = arith.addi %scan3A_162, %add3A_252 : i32
        %mul3A_254 = arith.constant 8 : i32
        %mul3A_255 = arith.muli %add3A_253, %mul3A_254 : i32
        %add3A_256 = arith.constant 4 : i32
        %add3A_257 = arith.addi %mul3A_255, %add3A_256 : i32
        %add3A_258 = arith.constant 4 : i32
        %add3A_259 = arith.addi %sub3A_166, %add3A_258 : i32
        %dma_start3A_260 = arith.constant 0 : i32
        %dma_start3A_261 = arith.constant 0 : i32
        %dma_start3A_262 = tpu.memref_slice %arg8[%add3A_259, %dma_start3A_260, %dma_start3A_261] : memref<16x128x16xf32, #tpu.memory_space<vmem>> -> memref<1x128x16xf32, #tpu.memory_space<vmem>>
        %dma_start3A_263 = tpu.memref_squeeze %dma_start3A_262 : memref<1x128x16xf32, #tpu.memory_space<vmem>> -> memref<128x16xf32, #tpu.memory_space<vmem>>
        %dma_start3A_264 = arith.constant 0 : i32
        %dma_start3A_265 = tpu.memref_slice %arg6[%add3A_257, %dma_start3A_264] : memref<88x128xi32, #tpu.memory_space<vmem>> -> memref<1x128xi32, #tpu.memory_space<vmem>>
        %dma_start3A_266 = tpu.memref_squeeze %dma_start3A_265 : memref<1x128xi32, #tpu.memory_space<vmem>> -> memref<128xi32, #tpu.memory_space<vmem>>
        %dma_start3A_267 = arith.constant 0 : i32
        %dma_start3A_268 = arith.constant 0 : i32
        %dma_start3A_269 = tpu.memref_slice %arg10[%dma_start3A_267, %dma_start3A_268] : memref<10240x16xf32, #tpu.memory_space<vmem_shared>> -> memref<10240x16xf32, #tpu.memory_space<vmem_shared>>
        tpu.enqueue_indirect_dma source(%dma_start3A_269 : memref<10240x16xf32, #tpu.memory_space<vmem_shared>>) target(%dma_start3A_263 : memref<128x16xf32, #tpu.memory_space<vmem>>) offsets(%dma_start3A_266 : memref<128xi32, #tpu.memory_space<vmem>>) semaphore(%arg11 : memref<!tpu.dma_semaphore, #tpu.memory_space<semaphore_mem>>)
        %add3A_270 = arith.constant 1 : i32
        %add3A_271 = arith.addi %scan3A_162, %add3A_270 : i32
        %mul3A_272 = arith.constant 8 : i32
        %mul3A_273 = arith.muli %add3A_271, %mul3A_272 : i32
        %add3A_274 = arith.constant 5 : i32
        %add3A_275 = arith.addi %mul3A_273, %add3A_274 : i32
        %add3A_276 = arith.constant 5 : i32
        %add3A_277 = arith.addi %sub3A_166, %add3A_276 : i32
        %dma_start3A_278 = arith.constant 0 : i32
        %dma_start3A_279 = arith.constant 0 : i32
        %dma_start3A_280 = tpu.memref_slice %arg8[%add3A_277, %dma_start3A_278, %dma_start3A_279] : memref<16x128x16xf32, #tpu.memory_space<vmem>> -> memref<1x128x16xf32, #tpu.memory_space<vmem>>
        %dma_start3A_281 = tpu.memref_squeeze %dma_start3A_280 : memref<1x128x16xf32, #tpu.memory_space<vmem>> -> memref<128x16xf32, #tpu.memory_space<vmem>>
        %dma_start3A_282 = arith.constant 0 : i32
        %dma_start3A_283 = tpu.memref_slice %arg6[%add3A_275, %dma_start3A_282] : memref<88x128xi32, #tpu.memory_space<vmem>> -> memref<1x128xi32, #tpu.memory_space<vmem>>
        %dma_start3A_284 = tpu.memref_squeeze %dma_start3A_283 : memref<1x128xi32, #tpu.memory_space<vmem>> -> memref<128xi32, #tpu.memory_space<vmem>>
        %dma_start3A_285 = arith.constant 0 : i32
        %dma_start3A_286 = arith.constant 0 : i32
        %dma_start3A_287 = tpu.memref_slice %arg10[%dma_start3A_285, %dma_start3A_286] : memref<10240x16xf32, #tpu.memory_space<vmem_shared>> -> memref<10240x16xf32, #tpu.memory_space<vmem_shared>>
        tpu.enqueue_indirect_dma source(%dma_start3A_287 : memref<10240x16xf32, #tpu.memory_space<vmem_shared>>) target(%dma_start3A_281 : memref<128x16xf32, #tpu.memory_space<vmem>>) offsets(%dma_start3A_284 : memref<128xi32, #tpu.memory_space<vmem>>) semaphore(%arg11 : memref<!tpu.dma_semaphore, #tpu.memory_space<semaphore_mem>>)
        %add3A_288 = arith.constant 1 : i32
        %add3A_289 = arith.addi %scan3A_162, %add3A_288 : i32
        %mul3A_290 = arith.constant 8 : i32
        %mul3A_291 = arith.muli %add3A_289, %mul3A_290 : i32
        %add3A_292 = arith.constant 6 : i32
        %add3A_293 = arith.addi %mul3A_291, %add3A_292 : i32
        %add3A_294 = arith.constant 6 : i32
        %add3A_295 = arith.addi %sub3A_166, %add3A_294 : i32
        %dma_start3A_296 = arith.constant 0 : i32
        %dma_start3A_297 = arith.constant 0 : i32
        %dma_start3A_298 = tpu.memref_slice %arg8[%add3A_295, %dma_start3A_296, %dma_start3A_297] : memref<16x128x16xf32, #tpu.memory_space<vmem>> -> memref<1x128x16xf32, #tpu.memory_space<vmem>>
        %dma_start3A_299 = tpu.memref_squeeze %dma_start3A_298 : memref<1x128x16xf32, #tpu.memory_space<vmem>> -> memref<128x16xf32, #tpu.memory_space<vmem>>
        %dma_start3A_300 = arith.constant 0 : i32
        %dma_start3A_301 = tpu.memref_slice %arg6[%add3A_293, %dma_start3A_300] : memref<88x128xi32, #tpu.memory_space<vmem>> -> memref<1x128xi32, #tpu.memory_space<vmem>>
        %dma_start3A_302 = tpu.memref_squeeze %dma_start3A_301 : memref<1x128xi32, #tpu.memory_space<vmem>> -> memref<128xi32, #tpu.memory_space<vmem>>
        %dma_start3A_303 = arith.constant 0 : i32
        %dma_start3A_304 = arith.constant 0 : i32
        %dma_start3A_305 = tpu.memref_slice %arg10[%dma_start3A_303, %dma_start3A_304] : memref<10240x16xf32, #tpu.memory_space<vmem_shared>> -> memref<10240x16xf32, #tpu.memory_space<vmem_shared>>
        tpu.enqueue_indirect_dma source(%dma_start3A_305 : memref<10240x16xf32, #tpu.memory_space<vmem_shared>>) target(%dma_start3A_299 : memref<128x16xf32, #tpu.memory_space<vmem>>) offsets(%dma_start3A_302 : memref<128xi32, #tpu.memory_space<vmem>>) semaphore(%arg11 : memref<!tpu.dma_semaphore, #tpu.memory_space<semaphore_mem>>)
        %add3A_306 = arith.constant 1 : i32
        %add3A_307 = arith.addi %scan3A_162, %add3A_306 : i32
        %mul3A_308 = arith.constant 8 : i32
        %mul3A_309 = arith.muli %add3A_307, %mul3A_308 : i32
        %add3A_310 = arith.constant 7 : i32
        %add3A_311 = arith.addi %mul3A_309, %add3A_310 : i32
        %add3A_312 = arith.constant 7 : i32
        %add3A_313 = arith.addi %sub3A_166, %add3A_312 : i32
        %dma_start3A_314 = arith.constant 0 : i32
        %dma_start3A_315 = arith.constant 0 : i32
        %dma_start3A_316 = tpu.memref_slice %arg8[%add3A_313, %dma_start3A_314, %dma_start3A_315] : memref<16x128x16xf32, #tpu.memory_space<vmem>> -> memref<1x128x16xf32, #tpu.memory_space<vmem>>
        %dma_start3A_317 = tpu.memref_squeeze %dma_start3A_316 : memref<1x128x16xf32, #tpu.memory_space<vmem>> -> memref<128x16xf32, #tpu.memory_space<vmem>>
        %dma_start3A_318 = arith.constant 0 : i32
        %dma_start3A_319 = tpu.memref_slice %arg6[%add3A_311, %dma_start3A_318] : memref<88x128xi32, #tpu.memory_space<vmem>> -> memref<1x128xi32, #tpu.memory_space<vmem>>
        %dma_start3A_320 = tpu.memref_squeeze %dma_start3A_319 : memref<1x128xi32, #tpu.memory_space<vmem>> -> memref<128xi32, #tpu.memory_space<vmem>>
        %dma_start3A_321 = arith.constant 0 : i32
        %dma_start3A_322 = arith.constant 0 : i32
        %dma_start3A_323 = tpu.memref_slice %arg10[%dma_start3A_321, %dma_start3A_322] : memref<10240x16xf32, #tpu.memory_space<vmem_shared>> -> memref<10240x16xf32, #tpu.memory_space<vmem_shared>>
        tpu.enqueue_indirect_dma source(%dma_start3A_323 : memref<10240x16xf32, #tpu.memory_space<vmem_shared>>) target(%dma_start3A_317 : memref<128x16xf32, #tpu.memory_space<vmem>>) offsets(%dma_start3A_320 : memref<128xi32, #tpu.memory_space<vmem>>) semaphore(%arg11 : memref<!tpu.dma_semaphore, #tpu.memory_space<semaphore_mem>>)
      } else {
      }
      %lt3A_176 = arith.cmpi slt, %scan3A_162, %select_n3A_8 : i32
      %convert_element_type3A_177 = arith.extui %lt3A_176 : i1 to i32
      %cond3A_178 = arith.constant 0 : i32
      %cond3A_179 = arith.cmpi ne, %convert_element_type3A_177, %cond3A_178 : i32
      scf.if %cond3A_179 {
        %dma_wait3A_180 = arith.constant 0 : i32
        %dma_wait3A_181 = arith.constant 0 : i32
        %dma_wait3A_182 = arith.constant 0 : i32
        %dma_wait3A_183 = tpu.memref_slice %arg8[%dma_wait3A_180, %dma_wait3A_181, %dma_wait3A_182] : memref<16x128x16xf32, #tpu.memory_space<vmem>> -> memref<1x128x16xf32, #tpu.memory_space<vmem>>
        %dma_wait3A_184 = tpu.memref_squeeze %dma_wait3A_183 : memref<1x128x16xf32, #tpu.memory_space<vmem>> -> memref<128x16xf32, #tpu.memory_space<vmem>>
        %dma_wait3A_185 = arith.constant 0 : i32
        %dma_wait3A_186 = arith.constant 0 : i32
        %dma_wait3A_187 = tpu.memref_slice %arg4[%dma_wait3A_185, %dma_wait3A_186] : memref<640x16xf32, #tpu.memory_space<hbm>> -> memref<128x16xf32, #tpu.memory_space<hbm>>
        %dma_wait3A_188 = arith.constant 0 : i32
        %dma_wait3A_189 = arith.constant 0 : i32
        %dma_wait3A_190 = tpu.memref_slice %arg8[%dma_wait3A_180, %dma_wait3A_188, %dma_wait3A_189] : memref<16x128x16xf32, #tpu.memory_space<vmem>> -> memref<1x128x16xf32, #tpu.memory_space<vmem>>
        %dma_wait3A_191 = tpu.memref_squeeze %dma_wait3A_190 : memref<1x128x16xf32, #tpu.memory_space<vmem>> -> memref<128x16xf32, #tpu.memory_space<vmem>>
        %dma_wait3A_192 = arith.constant 0 : i32
        %dma_wait3A_193 = arith.constant 0 : i32
        %dma_wait3A_194 = tpu.memref_slice %arg4[%dma_wait3A_192, %dma_wait3A_193] : memref<640x16xf32, #tpu.memory_space<hbm>> -> memref<128x16xf32, #tpu.memory_space<hbm>>
        tpu.wait_dma2 semaphore(%arg11 : memref<!tpu.dma_semaphore, #tpu.memory_space<semaphore_mem>>) src(%dma_wait3A_194 : memref<128x16xf32, #tpu.memory_space<hbm>>) dst(%dma_wait3A_191 : memref<128x16xf32, #tpu.memory_space<vmem>>)
        %add3A_195 = arith.constant 0 : i32
        %add3A_196 = arith.addi %mul3A_165, %add3A_195 : i32
        %mul3A_197 = arith.constant 8 : i32
        %mul3A_198 = arith.muli %scan3A_162, %mul3A_197 : i32
        %add3A_199 = arith.constant 0 : i32
        %add3A_200 = arith.addi %mul3A_198, %add3A_199 : i32
        %dma_start3A_201 = arith.constant 0 : i32
        %dma_start3A_202 = arith.constant 0 : i32
        %dma_start3A_203 = tpu.memref_slice %arg8[%add3A_196, %dma_start3A_201, %dma_start3A_202] : memref<16x128x16xf32, #tpu.memory_space<vmem>> -> memref<1x128x16xf32, #tpu.memory_space<vmem>>
        %dma_start3A_204 = tpu.memref_squeeze %dma_start3A_203 : memref<1x128x16xf32, #tpu.memory_space<vmem>> -> memref<128x16xf32, #tpu.memory_space<vmem>>
        %dma_start3A_205 = arith.constant 0 : i32
        %dma_start3A_206 = tpu.memref_slice %arg7[%add3A_200, %dma_start3A_205] : memref<88x128xi32, #tpu.memory_space<vmem>> -> memref<1x128xi32, #tpu.memory_space<vmem>>
        %dma_start3A_207 = tpu.memref_squeeze %dma_start3A_206 : memref<1x128xi32, #tpu.memory_space<vmem>> -> memref<128xi32, #tpu.memory_space<vmem>>
        %dma_start3A_208 = arith.constant 0 : i32
        %dma_start3A_209 = arith.constant 0 : i32
        %dma_start3A_210 = tpu.memref_slice %arg9[%dma_start3A_208, %dma_start3A_209] : memref<10240x16xf32, #tpu.memory_space<vmem_shared>> -> memref<10240x16xf32, #tpu.memory_space<vmem_shared>>
        tpu.enqueue_indirect_dma source(%dma_start3A_204 : memref<128x16xf32, #tpu.memory_space<vmem>>) target(%dma_start3A_210 : memref<10240x16xf32, #tpu.memory_space<vmem_shared>>) offsets(%dma_start3A_207 : memref<128xi32, #tpu.memory_space<vmem>>) semaphore(%arg12 : memref<!tpu.dma_semaphore, #tpu.memory_space<semaphore_mem>>) {add = true}
        %dma_wait3A_211 = arith.constant 0 : i32
        %dma_wait3A_212 = arith.constant 0 : i32
        %dma_wait3A_213 = arith.constant 0 : i32
        %dma_wait3A_214 = tpu.memref_slice %arg8[%dma_wait3A_211, %dma_wait3A_212, %dma_wait3A_213] : memref<16x128x16xf32, #tpu.memory_space<vmem>> -> memref<1x128x16xf32, #tpu.memory_space<vmem>>
        %dma_wait3A_215 = tpu.memref_squeeze %dma_wait3A_214 : memref<1x128x16xf32, #tpu.memory_space<vmem>> -> memref<128x16xf32, #tpu.memory_space<vmem>>
        %dma_wait3A_216 = arith.constant 0 : i32
        %dma_wait3A_217 = arith.constant 0 : i32
        %dma_wait3A_218 = tpu.memref_slice %arg4[%dma_wait3A_216, %dma_wait3A_217] : memref<640x16xf32, #tpu.memory_space<hbm>> -> memref<128x16xf32, #tpu.memory_space<hbm>>
        %dma_wait3A_219 = arith.constant 0 : i32
        %dma_wait3A_220 = arith.constant 0 : i32
        %dma_wait3A_221 = tpu.memref_slice %arg8[%dma_wait3A_211, %dma_wait3A_219, %dma_wait3A_220] : memref<16x128x16xf32, #tpu.memory_space<vmem>> -> memref<1x128x16xf32, #tpu.memory_space<vmem>>
        %dma_wait3A_222 = tpu.memref_squeeze %dma_wait3A_221 : memref<1x128x16xf32, #tpu.memory_space<vmem>> -> memref<128x16xf32, #tpu.memory_space<vmem>>
        %dma_wait3A_223 = arith.constant 0 : i32
        %dma_wait3A_224 = arith.constant 0 : i32
        %dma_wait3A_225 = tpu.memref_slice %arg4[%dma_wait3A_223, %dma_wait3A_224] : memref<640x16xf32, #tpu.memory_space<hbm>> -> memref<128x16xf32, #tpu.memory_space<hbm>>
        tpu.wait_dma2 semaphore(%arg11 : memref<!tpu.dma_semaphore, #tpu.memory_space<semaphore_mem>>) src(%dma_wait3A_225 : memref<128x16xf32, #tpu.memory_space<hbm>>) dst(%dma_wait3A_222 : memref<128x16xf32, #tpu.memory_space<vmem>>)
        %add3A_226 = arith.constant 1 : i32
        %add3A_227 = arith.addi %mul3A_165, %add3A_226 : i32
        %mul3A_228 = arith.constant 8 : i32
        %mul3A_229 = arith.muli %scan3A_162, %mul3A_228 : i32
        %add3A_230 = arith.constant 1 : i32
        %add3A_231 = arith.addi %mul3A_229, %add3A_230 : i32
        %dma_start3A_232 = arith.constant 0 : i32
        %dma_start3A_233 = arith.constant 0 : i32
        %dma_start3A_234 = tpu.memref_slice %arg8[%add3A_227, %dma_start3A_232, %dma_start3A_233] : memref<16x128x16xf32, #tpu.memory_space<vmem>> -> memref<1x128x16xf32, #tpu.memory_space<vmem>>
        %dma_start3A_235 = tpu.memref_squeeze %dma_start3A_234 : memref<1x128x16xf32, #tpu.memory_space<vmem>> -> memref<128x16xf32, #tpu.memory_space<vmem>>
        %dma_start3A_236 = arith.constant 0 : i32
        %dma_start3A_237 = tpu.memref_slice %arg7[%add3A_231, %dma_start3A_236] : memref<88x128xi32, #tpu.memory_space<vmem>> -> memref<1x128xi32, #tpu.memory_space<vmem>>
        %dma_start3A_238 = tpu.memref_squeeze %dma_start3A_237 : memref<1x128xi32, #tpu.memory_space<vmem>> -> memref<128xi32, #tpu.memory_space<vmem>>
        %dma_start3A_239 = arith.constant 0 : i32
        %dma_start3A_240 = arith.constant 0 : i32
        %dma_start3A_241 = tpu.memref_slice %arg9[%dma_start3A_239, %dma_start3A_240] : memref<10240x16xf32, #tpu.memory_space<vmem_shared>> -> memref<10240x16xf32, #tpu.memory_space<vmem_shared>>
        tpu.enqueue_indirect_dma source(%dma_start3A_235 : memref<128x16xf32, #tpu.memory_space<vmem>>) target(%dma_start3A_241 : memref<10240x16xf32, #tpu.memory_space<vmem_shared>>) offsets(%dma_start3A_238 : memref<128xi32, #tpu.memory_space<vmem>>) semaphore(%arg12 : memref<!tpu.dma_semaphore, #tpu.memory_space<semaphore_mem>>) {add = true}
        %dma_wait3A_242 = arith.constant 0 : i32
        %dma_wait3A_243 = arith.constant 0 : i32
        %dma_wait3A_244 = arith.constant 0 : i32
        %dma_wait3A_245 = tpu.memref_slice %arg8[%dma_wait3A_242, %dma_wait3A_243, %dma_wait3A_244] : memref<16x128x16xf32, #tpu.memory_space<vmem>> -> memref<1x128x16xf32, #tpu.memory_space<vmem>>
        %dma_wait3A_246 = tpu.memref_squeeze %dma_wait3A_245 : memref<1x128x16xf32, #tpu.memory_space<vmem>> -> memref<128x16xf32, #tpu.memory_space<vmem>>
        %dma_wait3A_247 = arith.constant 0 : i32
        %dma_wait3A_248 = arith.constant 0 : i32
        %dma_wait3A_249 = tpu.memref_slice %arg4[%dma_wait3A_247, %dma_wait3A_248] : memref<640x16xf32, #tpu.memory_space<hbm>> -> memref<128x16xf32, #tpu.memory_space<hbm>>
        %dma_wait3A_250 = arith.constant 0 : i32
        %dma_wait3A_251 = arith.constant 0 : i32
        %dma_wait3A_252 = tpu.memref_slice %arg8[%dma_wait3A_242, %dma_wait3A_250, %dma_wait3A_251] : memref<16x128x16xf32, #tpu.memory_space<vmem>> -> memref<1x128x16xf32, #tpu.memory_space<vmem>>
        %dma_wait3A_253 = tpu.memref_squeeze %dma_wait3A_252 : memref<1x128x16xf32, #tpu.memory_space<vmem>> -> memref<128x16xf32, #tpu.memory_space<vmem>>
        %dma_wait3A_254 = arith.constant 0 : i32
        %dma_wait3A_255 = arith.constant 0 : i32
        %dma_wait3A_256 = tpu.memref_slice %arg4[%dma_wait3A_254, %dma_wait3A_255] : memref<640x16xf32, #tpu.memory_space<hbm>> -> memref<128x16xf32, #tpu.memory_space<hbm>>
        tpu.wait_dma2 semaphore(%arg11 : memref<!tpu.dma_semaphore, #tpu.memory_space<semaphore_mem>>) src(%dma_wait3A_256 : memref<128x16xf32, #tpu.memory_space<hbm>>) dst(%dma_wait3A_253 : memref<128x16xf32, #tpu.memory_space<vmem>>)
        %add3A_257 = arith.constant 2 : i32
        %add3A_258 = arith.addi %mul3A_165, %add3A_257 : i32
        %mul3A_259 = arith.constant 8 : i32
        %mul3A_260 = arith.muli %scan3A_162, %mul3A_259 : i32
        %add3A_261 = arith.constant 2 : i32
        %add3A_262 = arith.addi %mul3A_260, %add3A_261 : i32
        %dma_start3A_263 = arith.constant 0 : i32
        %dma_start3A_264 = arith.constant 0 : i32
        %dma_start3A_265 = tpu.memref_slice %arg8[%add3A_258, %dma_start3A_263, %dma_start3A_264] : memref<16x128x16xf32, #tpu.memory_space<vmem>> -> memref<1x128x16xf32, #tpu.memory_space<vmem>>
        %dma_start3A_266 = tpu.memref_squeeze %dma_start3A_265 : memref<1x128x16xf32, #tpu.memory_space<vmem>> -> memref<128x16xf32, #tpu.memory_space<vmem>>
        %dma_start3A_267 = arith.constant 0 : i32
        %dma_start3A_268 = tpu.memref_slice %arg7[%add3A_262, %dma_start3A_267] : memref<88x128xi32, #tpu.memory_space<vmem>> -> memref<1x128xi32, #tpu.memory_space<vmem>>
        %dma_start3A_269 = tpu.memref_squeeze %dma_start3A_268 : memref<1x128xi32, #tpu.memory_space<vmem>> -> memref<128xi32, #tpu.memory_space<vmem>>
        %dma_start3A_270 = arith.constant 0 : i32
        %dma_start3A_271 = arith.constant 0 : i32
        %dma_start3A_272 = tpu.memref_slice %arg9[%dma_start3A_270, %dma_start3A_271] : memref<10240x16xf32, #tpu.memory_space<vmem_shared>> -> memref<10240x16xf32, #tpu.memory_space<vmem_shared>>
        tpu.enqueue_indirect_dma source(%dma_start3A_266 : memref<128x16xf32, #tpu.memory_space<vmem>>) target(%dma_start3A_272 : memref<10240x16xf32, #tpu.memory_space<vmem_shared>>) offsets(%dma_start3A_269 : memref<128xi32, #tpu.memory_space<vmem>>) semaphore(%arg12 : memref<!tpu.dma_semaphore, #tpu.memory_space<semaphore_mem>>) {add = true}
        %dma_wait3A_273 = arith.constant 0 : i32
        %dma_wait3A_274 = arith.constant 0 : i32
        %dma_wait3A_275 = arith.constant 0 : i32
        %dma_wait3A_276 = tpu.memref_slice %arg8[%dma_wait3A_273, %dma_wait3A_274, %dma_wait3A_275] : memref<16x128x16xf32, #tpu.memory_space<vmem>> -> memref<1x128x16xf32, #tpu.memory_space<vmem>>
        %dma_wait3A_277 = tpu.memref_squeeze %dma_wait3A_276 : memref<1x128x16xf32, #tpu.memory_space<vmem>> -> memref<128x16xf32, #tpu.memory_space<vmem>>
        %dma_wait3A_278 = arith.constant 0 : i32
        %dma_wait3A_279 = arith.constant 0 : i32
        %dma_wait3A_280 = tpu.memref_slice %arg4[%dma_wait3A_278, %dma_wait3A_279] : memref<640x16xf32, #tpu.memory_space<hbm>> -> memref<128x16xf32, #tpu.memory_space<hbm>>
        %dma_wait3A_281 = arith.constant 0 : i32
        %dma_wait3A_282 = arith.constant 0 : i32
        %dma_wait3A_283 = tpu.memref_slice %arg8[%dma_wait3A_273, %dma_wait3A_281, %dma_wait3A_282] : memref<16x128x16xf32, #tpu.memory_space<vmem>> -> memref<1x128x16xf32, #tpu.memory_space<vmem>>
        %dma_wait3A_284 = tpu.memref_squeeze %dma_wait3A_283 : memref<1x128x16xf32, #tpu.memory_space<vmem>> -> memref<128x16xf32, #tpu.memory_space<vmem>>
        %dma_wait3A_285 = arith.constant 0 : i32
        %dma_wait3A_286 = arith.constant 0 : i32
        %dma_wait3A_287 = tpu.memref_slice %arg4[%dma_wait3A_285, %dma_wait3A_286] : memref<640x16xf32, #tpu.memory_space<hbm>> -> memref<128x16xf32, #tpu.memory_space<hbm>>
        tpu.wait_dma2 semaphore(%arg11 : memref<!tpu.dma_semaphore, #tpu.memory_space<semaphore_mem>>) src(%dma_wait3A_287 : memref<128x16xf32, #tpu.memory_space<hbm>>) dst(%dma_wait3A_284 : memref<128x16xf32, #tpu.memory_space<vmem>>)
        %add3A_288 = arith.constant 3 : i32
        %add3A_289 = arith.addi %mul3A_165, %add3A_288 : i32
        %mul3A_290 = arith.constant 8 : i32
        %mul3A_291 = arith.muli %scan3A_162, %mul3A_290 : i32
        %add3A_292 = arith.constant 3 : i32
        %add3A_293 = arith.addi %mul3A_291, %add3A_292 : i32
        %dma_start3A_294 = arith.constant 0 : i32
        %dma_start3A_295 = arith.constant 0 : i32
        %dma_start3A_296 = tpu.memref_slice %arg8[%add3A_289, %dma_start3A_294, %dma_start3A_295] : memref<16x128x16xf32, #tpu.memory_space<vmem>> -> memref<1x128x16xf32, #tpu.memory_space<vmem>>
        %dma_start3A_297 = tpu.memref_squeeze %dma_start3A_296 : memref<1x128x16xf32, #tpu.memory_space<vmem>> -> memref<128x16xf32, #tpu.memory_space<vmem>>
        %dma_start3A_298 = arith.constant 0 : i32
        %dma_start3A_299 = tpu.memref_slice %arg7[%add3A_293, %dma_start3A_298] : memref<88x128xi32, #tpu.memory_space<vmem>> -> memref<1x128xi32, #tpu.memory_space<vmem>>
        %dma_start3A_300 = tpu.memref_squeeze %dma_start3A_299 : memref<1x128xi32, #tpu.memory_space<vmem>> -> memref<128xi32, #tpu.memory_space<vmem>>
        %dma_start3A_301 = arith.constant 0 : i32
        %dma_start3A_302 = arith.constant 0 : i32
        %dma_start3A_303 = tpu.memref_slice %arg9[%dma_start3A_301, %dma_start3A_302] : memref<10240x16xf32, #tpu.memory_space<vmem_shared>> -> memref<10240x16xf32, #tpu.memory_space<vmem_shared>>
        tpu.enqueue_indirect_dma source(%dma_start3A_297 : memref<128x16xf32, #tpu.memory_space<vmem>>) target(%dma_start3A_303 : memref<10240x16xf32, #tpu.memory_space<vmem_shared>>) offsets(%dma_start3A_300 : memref<128xi32, #tpu.memory_space<vmem>>) semaphore(%arg12 : memref<!tpu.dma_semaphore, #tpu.memory_space<semaphore_mem>>) {add = true}
        %dma_wait3A_304 = arith.constant 0 : i32
        %dma_wait3A_305 = arith.constant 0 : i32
        %dma_wait3A_306 = arith.constant 0 : i32
        %dma_wait3A_307 = tpu.memref_slice %arg8[%dma_wait3A_304, %dma_wait3A_305, %dma_wait3A_306] : memref<16x128x16xf32, #tpu.memory_space<vmem>> -> memref<1x128x16xf32, #tpu.memory_space<vmem>>
        %dma_wait3A_308 = tpu.memref_squeeze %dma_wait3A_307 : memref<1x128x16xf32, #tpu.memory_space<vmem>> -> memref<128x16xf32, #tpu.memory_space<vmem>>
        %dma_wait3A_309 = arith.constant 0 : i32
        %dma_wait3A_310 = arith.constant 0 : i32
        %dma_wait3A_311 = tpu.memref_slice %arg4[%dma_wait3A_309, %dma_wait3A_310] : memref<640x16xf32, #tpu.memory_space<hbm>> -> memref<128x16xf32, #tpu.memory_space<hbm>>
        %dma_wait3A_312 = arith.constant 0 : i32
        %dma_wait3A_313 = arith.constant 0 : i32
        %dma_wait3A_314 = tpu.memref_slice %arg8[%dma_wait3A_304, %dma_wait3A_312, %dma_wait3A_313] : memref<16x128x16xf32, #tpu.memory_space<vmem>> -> memref<1x128x16xf32, #tpu.memory_space<vmem>>
        %dma_wait3A_315 = tpu.memref_squeeze %dma_wait3A_314 : memref<1x128x16xf32, #tpu.memory_space<vmem>> -> memref<128x16xf32, #tpu.memory_space<vmem>>
        %dma_wait3A_316 = arith.constant 0 : i32
        %dma_wait3A_317 = arith.constant 0 : i32
        %dma_wait3A_318 = tpu.memref_slice %arg4[%dma_wait3A_316, %dma_wait3A_317] : memref<640x16xf32, #tpu.memory_space<hbm>> -> memref<128x16xf32, #tpu.memory_space<hbm>>
        tpu.wait_dma2 semaphore(%arg11 : memref<!tpu.dma_semaphore, #tpu.memory_space<semaphore_mem>>) src(%dma_wait3A_318 : memref<128x16xf32, #tpu.memory_space<hbm>>) dst(%dma_wait3A_315 : memref<128x16xf32, #tpu.memory_space<vmem>>)
        %add3A_319 = arith.constant 4 : i32
        %add3A_320 = arith.addi %mul3A_165, %add3A_319 : i32
        %mul3A_321 = arith.constant 8 : i32
        %mul3A_322 = arith.muli %scan3A_162, %mul3A_321 : i32
        %add3A_323 = arith.constant 4 : i32
        %add3A_324 = arith.addi %mul3A_322, %add3A_323 : i32
        %dma_start3A_325 = arith.constant 0 : i32
        %dma_start3A_326 = arith.constant 0 : i32
        %dma_start3A_327 = tpu.memref_slice %arg8[%add3A_320, %dma_start3A_325, %dma_start3A_326] : memref<16x128x16xf32, #tpu.memory_space<vmem>> -> memref<1x128x16xf32, #tpu.memory_space<vmem>>
        %dma_start3A_328 = tpu.memref_squeeze %dma_start3A_327 : memref<1x128x16xf32, #tpu.memory_space<vmem>> -> memref<128x16xf32, #tpu.memory_space<vmem>>
        %dma_start3A_329 = arith.constant 0 : i32
        %dma_start3A_330 = tpu.memref_slice %arg7[%add3A_324, %dma_start3A_329] : memref<88x128xi32, #tpu.memory_space<vmem>> -> memref<1x128xi32, #tpu.memory_space<vmem>>
        %dma_start3A_331 = tpu.memref_squeeze %dma_start3A_330 : memref<1x128xi32, #tpu.memory_space<vmem>> -> memref<128xi32, #tpu.memory_space<vmem>>
        %dma_start3A_332 = arith.constant 0 : i32
        %dma_start3A_333 = arith.constant 0 : i32
        %dma_start3A_334 = tpu.memref_slice %arg9[%dma_start3A_332, %dma_start3A_333] : memref<10240x16xf32, #tpu.memory_space<vmem_shared>> -> memref<10240x16xf32, #tpu.memory_space<vmem_shared>>
        tpu.enqueue_indirect_dma source(%dma_start3A_328 : memref<128x16xf32, #tpu.memory_space<vmem>>) target(%dma_start3A_334 : memref<10240x16xf32, #tpu.memory_space<vmem_shared>>) offsets(%dma_start3A_331 : memref<128xi32, #tpu.memory_space<vmem>>) semaphore(%arg12 : memref<!tpu.dma_semaphore, #tpu.memory_space<semaphore_mem>>) {add = true}
        %dma_wait3A_335 = arith.constant 0 : i32
        %dma_wait3A_336 = arith.constant 0 : i32
        %dma_wait3A_337 = arith.constant 0 : i32
        %dma_wait3A_338 = tpu.memref_slice %arg8[%dma_wait3A_335, %dma_wait3A_336, %dma_wait3A_337] : memref<16x128x16xf32, #tpu.memory_space<vmem>> -> memref<1x128x16xf32, #tpu.memory_space<vmem>>
        %dma_wait3A_339 = tpu.memref_squeeze %dma_wait3A_338 : memref<1x128x16xf32, #tpu.memory_space<vmem>> -> memref<128x16xf32, #tpu.memory_space<vmem>>
        %dma_wait3A_340 = arith.constant 0 : i32
        %dma_wait3A_341 = arith.constant 0 : i32
        %dma_wait3A_342 = tpu.memref_slice %arg4[%dma_wait3A_340, %dma_wait3A_341] : memref<640x16xf32, #tpu.memory_space<hbm>> -> memref<128x16xf32, #tpu.memory_space<hbm>>
        %dma_wait3A_343 = arith.constant 0 : i32
        %dma_wait3A_344 = arith.constant 0 : i32
        %dma_wait3A_345 = tpu.memref_slice %arg8[%dma_wait3A_335, %dma_wait3A_343, %dma_wait3A_344] : memref<16x128x16xf32, #tpu.memory_space<vmem>> -> memref<1x128x16xf32, #tpu.memory_space<vmem>>
        %dma_wait3A_346 = tpu.memref_squeeze %dma_wait3A_345 : memref<1x128x16xf32, #tpu.memory_space<vmem>> -> memref<128x16xf32, #tpu.memory_space<vmem>>
        %dma_wait3A_347 = arith.constant 0 : i32
        %dma_wait3A_348 = arith.constant 0 : i32
        %dma_wait3A_349 = tpu.memref_slice %arg4[%dma_wait3A_347, %dma_wait3A_348] : memref<640x16xf32, #tpu.memory_space<hbm>> -> memref<128x16xf32, #tpu.memory_space<hbm>>
        tpu.wait_dma2 semaphore(%arg11 : memref<!tpu.dma_semaphore, #tpu.memory_space<semaphore_mem>>) src(%dma_wait3A_349 : memref<128x16xf32, #tpu.memory_space<hbm>>) dst(%dma_wait3A_346 : memref<128x16xf32, #tpu.memory_space<vmem>>)
        %add3A_350 = arith.constant 5 : i32
        %add3A_351 = arith.addi %mul3A_165, %add3A_350 : i32
        %mul3A_352 = arith.constant 8 : i32
        %mul3A_353 = arith.muli %scan3A_162, %mul3A_352 : i32
        %add3A_354 = arith.constant 5 : i32
        %add3A_355 = arith.addi %mul3A_353, %add3A_354 : i32
        %dma_start3A_356 = arith.constant 0 : i32
        %dma_start3A_357 = arith.constant 0 : i32
        %dma_start3A_358 = tpu.memref_slice %arg8[%add3A_351, %dma_start3A_356, %dma_start3A_357] : memref<16x128x16xf32, #tpu.memory_space<vmem>> -> memref<1x128x16xf32, #tpu.memory_space<vmem>>
        %dma_start3A_359 = tpu.memref_squeeze %dma_start3A_358 : memref<1x128x16xf32, #tpu.memory_space<vmem>> -> memref<128x16xf32, #tpu.memory_space<vmem>>
        %dma_start3A_360 = arith.constant 0 : i32
        %dma_start3A_361 = tpu.memref_slice %arg7[%add3A_355, %dma_start3A_360] : memref<88x128xi32, #tpu.memory_space<vmem>> -> memref<1x128xi32, #tpu.memory_space<vmem>>
        %dma_start3A_362 = tpu.memref_squeeze %dma_start3A_361 : memref<1x128xi32, #tpu.memory_space<vmem>> -> memref<128xi32, #tpu.memory_space<vmem>>
        %dma_start3A_363 = arith.constant 0 : i32
        %dma_start3A_364 = arith.constant 0 : i32
        %dma_start3A_365 = tpu.memref_slice %arg9[%dma_start3A_363, %dma_start3A_364] : memref<10240x16xf32, #tpu.memory_space<vmem_shared>> -> memref<10240x16xf32, #tpu.memory_space<vmem_shared>>
        tpu.enqueue_indirect_dma source(%dma_start3A_359 : memref<128x16xf32, #tpu.memory_space<vmem>>) target(%dma_start3A_365 : memref<10240x16xf32, #tpu.memory_space<vmem_shared>>) offsets(%dma_start3A_362 : memref<128xi32, #tpu.memory_space<vmem>>) semaphore(%arg12 : memref<!tpu.dma_semaphore, #tpu.memory_space<semaphore_mem>>) {add = true}
        %dma_wait3A_366 = arith.constant 0 : i32
        %dma_wait3A_367 = arith.constant 0 : i32
        %dma_wait3A_368 = arith.constant 0 : i32
        %dma_wait3A_369 = tpu.memref_slice %arg8[%dma_wait3A_366, %dma_wait3A_367, %dma_wait3A_368] : memref<16x128x16xf32, #tpu.memory_space<vmem>> -> memref<1x128x16xf32, #tpu.memory_space<vmem>>
        %dma_wait3A_370 = tpu.memref_squeeze %dma_wait3A_369 : memref<1x128x16xf32, #tpu.memory_space<vmem>> -> memref<128x16xf32, #tpu.memory_space<vmem>>
        %dma_wait3A_371 = arith.constant 0 : i32
        %dma_wait3A_372 = arith.constant 0 : i32
        %dma_wait3A_373 = tpu.memref_slice %arg4[%dma_wait3A_371, %dma_wait3A_372] : memref<640x16xf32, #tpu.memory_space<hbm>> -> memref<128x16xf32, #tpu.memory_space<hbm>>
        %dma_wait3A_374 = arith.constant 0 : i32
        %dma_wait3A_375 = arith.constant 0 : i32
        %dma_wait3A_376 = tpu.memref_slice %arg8[%dma_wait3A_366, %dma_wait3A_374, %dma_wait3A_375] : memref<16x128x16xf32, #tpu.memory_space<vmem>> -> memref<1x128x16xf32, #tpu.memory_space<vmem>>
        %dma_wait3A_377 = tpu.memref_squeeze %dma_wait3A_376 : memref<1x128x16xf32, #tpu.memory_space<vmem>> -> memref<128x16xf32, #tpu.memory_space<vmem>>
        %dma_wait3A_378 = arith.constant 0 : i32
        %dma_wait3A_379 = arith.constant 0 : i32
        %dma_wait3A_380 = tpu.memref_slice %arg4[%dma_wait3A_378, %dma_wait3A_379] : memref<640x16xf32, #tpu.memory_space<hbm>> -> memref<128x16xf32, #tpu.memory_space<hbm>>
        tpu.wait_dma2 semaphore(%arg11 : memref<!tpu.dma_semaphore, #tpu.memory_space<semaphore_mem>>) src(%dma_wait3A_380 : memref<128x16xf32, #tpu.memory_space<hbm>>) dst(%dma_wait3A_377 : memref<128x16xf32, #tpu.memory_space<vmem>>)
        %add3A_381 = arith.constant 6 : i32
        %add3A_382 = arith.addi %mul3A_165, %add3A_381 : i32
        %mul3A_383 = arith.constant 8 : i32
        %mul3A_384 = arith.muli %scan3A_162, %mul3A_383 : i32
        %add3A_385 = arith.constant 6 : i32
        %add3A_386 = arith.addi %mul3A_384, %add3A_385 : i32
        %dma_start3A_387 = arith.constant 0 : i32
        %dma_start3A_388 = arith.constant 0 : i32
        %dma_start3A_389 = tpu.memref_slice %arg8[%add3A_382, %dma_start3A_387, %dma_start3A_388] : memref<16x128x16xf32, #tpu.memory_space<vmem>> -> memref<1x128x16xf32, #tpu.memory_space<vmem>>
        %dma_start3A_390 = tpu.memref_squeeze %dma_start3A_389 : memref<1x128x16xf32, #tpu.memory_space<vmem>> -> memref<128x16xf32, #tpu.memory_space<vmem>>
        %dma_start3A_391 = arith.constant 0 : i32
        %dma_start3A_392 = tpu.memref_slice %arg7[%add3A_386, %dma_start3A_391] : memref<88x128xi32, #tpu.memory_space<vmem>> -> memref<1x128xi32, #tpu.memory_space<vmem>>
        %dma_start3A_393 = tpu.memref_squeeze %dma_start3A_392 : memref<1x128xi32, #tpu.memory_space<vmem>> -> memref<128xi32, #tpu.memory_space<vmem>>
        %dma_start3A_394 = arith.constant 0 : i32
        %dma_start3A_395 = arith.constant 0 : i32
        %dma_start3A_396 = tpu.memref_slice %arg9[%dma_start3A_394, %dma_start3A_395] : memref<10240x16xf32, #tpu.memory_space<vmem_shared>> -> memref<10240x16xf32, #tpu.memory_space<vmem_shared>>
        tpu.enqueue_indirect_dma source(%dma_start3A_390 : memref<128x16xf32, #tpu.memory_space<vmem>>) target(%dma_start3A_396 : memref<10240x16xf32, #tpu.memory_space<vmem_shared>>) offsets(%dma_start3A_393 : memref<128xi32, #tpu.memory_space<vmem>>) semaphore(%arg12 : memref<!tpu.dma_semaphore, #tpu.memory_space<semaphore_mem>>) {add = true}
        %dma_wait3A_397 = arith.constant 0 : i32
        %dma_wait3A_398 = arith.constant 0 : i32
        %dma_wait3A_399 = arith.constant 0 : i32
        %dma_wait3A_400 = tpu.memref_slice %arg8[%dma_wait3A_397, %dma_wait3A_398, %dma_wait3A_399] : memref<16x128x16xf32, #tpu.memory_space<vmem>> -> memref<1x128x16xf32, #tpu.memory_space<vmem>>
        %dma_wait3A_401 = tpu.memref_squeeze %dma_wait3A_400 : memref<1x128x16xf32, #tpu.memory_space<vmem>> -> memref<128x16xf32, #tpu.memory_space<vmem>>
        %dma_wait3A_402 = arith.constant 0 : i32
        %dma_wait3A_403 = arith.constant 0 : i32
        %dma_wait3A_404 = tpu.memref_slice %arg4[%dma_wait3A_402, %dma_wait3A_403] : memref<640x16xf32, #tpu.memory_space<hbm>> -> memref<128x16xf32, #tpu.memory_space<hbm>>
        %dma_wait3A_405 = arith.constant 0 : i32
        %dma_wait3A_406 = arith.constant 0 : i32
        %dma_wait3A_407 = tpu.memref_slice %arg8[%dma_wait3A_397, %dma_wait3A_405, %dma_wait3A_406] : memref<16x128x16xf32, #tpu.memory_space<vmem>> -> memref<1x128x16xf32, #tpu.memory_space<vmem>>
        %dma_wait3A_408 = tpu.memref_squeeze %dma_wait3A_407 : memref<1x128x16xf32, #tpu.memory_space<vmem>> -> memref<128x16xf32, #tpu.memory_space<vmem>>
        %dma_wait3A_409 = arith.constant 0 : i32
        %dma_wait3A_410 = arith.constant 0 : i32
        %dma_wait3A_411 = tpu.memref_slice %arg4[%dma_wait3A_409, %dma_wait3A_410] : memref<640x16xf32, #tpu.memory_space<hbm>> -> memref<128x16xf32, #tpu.memory_space<hbm>>
        tpu.wait_dma2 semaphore(%arg11 : memref<!tpu.dma_semaphore, #tpu.memory_space<semaphore_mem>>) src(%dma_wait3A_411 : memref<128x16xf32, #tpu.memory_space<hbm>>) dst(%dma_wait3A_408 : memref<128x16xf32, #tpu.memory_space<vmem>>)
        %add3A_412 = arith.constant 7 : i32
        %add3A_413 = arith.addi %mul3A_165, %add3A_412 : i32
        %mul3A_414 = arith.constant 8 : i32
        %mul3A_415 = arith.muli %scan3A_162, %mul3A_414 : i32
        %add3A_416 = arith.constant 7 : i32
        %add3A_417 = arith.addi %mul3A_415, %add3A_416 : i32
        %dma_start3A_418 = arith.constant 0 : i32
        %dma_start3A_419 = arith.constant 0 : i32
        %dma_start3A_420 = tpu.memref_slice %arg8[%add3A_413, %dma_start3A_418, %dma_start3A_419] : memref<16x128x16xf32, #tpu.memory_space<vmem>> -> memref<1x128x16xf32, #tpu.memory_space<vmem>>
        %dma_start3A_421 = tpu.memref_squeeze %dma_start3A_420 : memref<1x128x16xf32, #tpu.memory_space<vmem>> -> memref<128x16xf32, #tpu.memory_space<vmem>>
        %dma_start3A_422 = arith.constant 0 : i32
        %dma_start3A_423 = tpu.memref_slice %arg7[%add3A_417, %dma_start3A_422] : memref<88x128xi32, #tpu.memory_space<vmem>> -> memref<1x128xi32, #tpu.memory_space<vmem>>
        %dma_start3A_424 = tpu.memref_squeeze %dma_start3A_423 : memref<1x128xi32, #tpu.memory_space<vmem>> -> memref<128xi32, #tpu.memory_space<vmem>>
        %dma_start3A_425 = arith.constant 0 : i32
        %dma_start3A_426 = arith.constant 0 : i32
        %dma_start3A_427 = tpu.memref_slice %arg9[%dma_start3A_425, %dma_start3A_426] : memref<10240x16xf32, #tpu.memory_space<vmem_shared>> -> memref<10240x16xf32, #tpu.memory_space<vmem_shared>>
        tpu.enqueue_indirect_dma source(%dma_start3A_421 : memref<128x16xf32, #tpu.memory_space<vmem>>) target(%dma_start3A_427 : memref<10240x16xf32, #tpu.memory_space<vmem_shared>>) offsets(%dma_start3A_424 : memref<128xi32, #tpu.memory_space<vmem>>) semaphore(%arg12 : memref<!tpu.dma_semaphore, #tpu.memory_space<semaphore_mem>>) {add = true}
      } else {
      }
    }
    %scan3A_153 = arith.constant 11 : i32
    %eq3A_154 = arith.constant 11 : i32
    %eq3A_155 = arith.cmpi eq, %select_n3A_8, %eq3A_154 : i32
    %convert_element_type3A = arith.extui %eq3A_155 : i1 to i32
    %cond3A = arith.constant 0 : i32
    %cond3A_156 = arith.cmpi ne, %convert_element_type3A, %cond3A : i32
    scf.if %cond3A_156 {
      %dma_wait3A_162 = arith.constant 0 : i32
      %dma_wait3A_163 = arith.constant 0 : i32
      %dma_wait3A_164 = arith.constant 0 : i32
      %dma_wait3A_165 = tpu.memref_slice %arg8[%dma_wait3A_162, %dma_wait3A_163, %dma_wait3A_164] : memref<16x128x16xf32, #tpu.memory_space<vmem>> -> memref<1x128x16xf32, #tpu.memory_space<vmem>>
      %dma_wait3A_166 = tpu.memref_squeeze %dma_wait3A_165 : memref<1x128x16xf32, #tpu.memory_space<vmem>> -> memref<128x16xf32, #tpu.memory_space<vmem>>
      %dma_wait3A_167 = arith.constant 0 : i32
      %dma_wait3A_168 = arith.constant 0 : i32
      %dma_wait3A_169 = tpu.memref_slice %arg4[%dma_wait3A_167, %dma_wait3A_168] : memref<640x16xf32, #tpu.memory_space<hbm>> -> memref<128x16xf32, #tpu.memory_space<hbm>>
      %dma_wait3A_170 = arith.constant 0 : i32
      %dma_wait3A_171 = arith.constant 0 : i32
      %dma_wait3A_172 = tpu.memref_slice %arg8[%dma_wait3A_162, %dma_wait3A_170, %dma_wait3A_171] : memref<16x128x16xf32, #tpu.memory_space<vmem>> -> memref<1x128x16xf32, #tpu.memory_space<vmem>>
      %dma_wait3A_173 = tpu.memref_squeeze %dma_wait3A_172 : memref<1x128x16xf32, #tpu.memory_space<vmem>> -> memref<128x16xf32, #tpu.memory_space<vmem>>
      %dma_wait3A_174 = arith.constant 0 : i32
      %dma_wait3A_175 = arith.constant 0 : i32
      %dma_wait3A_176 = tpu.memref_slice %arg4[%dma_wait3A_174, %dma_wait3A_175] : memref<640x16xf32, #tpu.memory_space<hbm>> -> memref<128x16xf32, #tpu.memory_space<hbm>>
      tpu.wait_dma2 semaphore(%arg12 : memref<!tpu.dma_semaphore, #tpu.memory_space<semaphore_mem>>) src(%dma_wait3A_176 : memref<128x16xf32, #tpu.memory_space<hbm>>) dst(%dma_wait3A_173 : memref<128x16xf32, #tpu.memory_space<vmem>>)
      %dma_wait3A_177 = arith.constant 0 : i32
      %dma_wait3A_178 = arith.constant 0 : i32
      %dma_wait3A_179 = arith.constant 0 : i32
      %dma_wait3A_180 = tpu.memref_slice %arg8[%dma_wait3A_177, %dma_wait3A_178, %dma_wait3A_179] : memref<16x128x16xf32, #tpu.memory_space<vmem>> -> memref<1x128x16xf32, #tpu.memory_space<vmem>>
      %dma_wait3A_181 = tpu.memref_squeeze %dma_wait3A_180 : memref<1x128x16xf32, #tpu.memory_space<vmem>> -> memref<128x16xf32, #tpu.memory_space<vmem>>
      %dma_wait3A_182 = arith.constant 0 : i32
      %dma_wait3A_183 = arith.constant 0 : i32
      %dma_wait3A_184 = tpu.memref_slice %arg4[%dma_wait3A_182, %dma_wait3A_183] : memref<640x16xf32, #tpu.memory_space<hbm>> -> memref<128x16xf32, #tpu.memory_space<hbm>>
      %dma_wait3A_185 = arith.constant 0 : i32
      %dma_wait3A_186 = arith.constant 0 : i32
      %dma_wait3A_187 = tpu.memref_slice %arg8[%dma_wait3A_177, %dma_wait3A_185, %dma_wait3A_186] : memref<16x128x16xf32, #tpu.memory_space<vmem>> -> memref<1x128x16xf32, #tpu.memory_space<vmem>>
      %dma_wait3A_188 = tpu.memref_squeeze %dma_wait3A_187 : memref<1x128x16xf32, #tpu.memory_space<vmem>> -> memref<128x16xf32, #tpu.memory_space<vmem>>
      %dma_wait3A_189 = arith.constant 0 : i32
      %dma_wait3A_190 = arith.constant 0 : i32
      %dma_wait3A_191 = tpu.memref_slice %arg4[%dma_wait3A_189, %dma_wait3A_190] : memref<640x16xf32, #tpu.memory_space<hbm>> -> memref<128x16xf32, #tpu.memory_space<hbm>>
      tpu.wait_dma2 semaphore(%arg12 : memref<!tpu.dma_semaphore, #tpu.memory_space<semaphore_mem>>) src(%dma_wait3A_191 : memref<128x16xf32, #tpu.memory_space<hbm>>) dst(%dma_wait3A_188 : memref<128x16xf32, #tpu.memory_space<vmem>>)
      %dma_wait3A_192 = arith.constant 0 : i32
      %dma_wait3A_193 = arith.constant 0 : i32
      %dma_wait3A_194 = arith.constant 0 : i32
      %dma_wait3A_195 = tpu.memref_slice %arg8[%dma_wait3A_192, %dma_wait3A_193, %dma_wait3A_194] : memref<16x128x16xf32, #tpu.memory_space<vmem>> -> memref<1x128x16xf32, #tpu.memory_space<vmem>>
      %dma_wait3A_196 = tpu.memref_squeeze %dma_wait3A_195 : memref<1x128x16xf32, #tpu.memory_space<vmem>> -> memref<128x16xf32, #tpu.memory_space<vmem>>
      %dma_wait3A_197 = arith.constant 0 : i32
      %dma_wait3A_198 = arith.constant 0 : i32
      %dma_wait3A_199 = tpu.memref_slice %arg4[%dma_wait3A_197, %dma_wait3A_198] : memref<640x16xf32, #tpu.memory_space<hbm>> -> memref<128x16xf32, #tpu.memory_space<hbm>>
      %dma_wait3A_200 = arith.constant 0 : i32
      %dma_wait3A_201 = arith.constant 0 : i32
      %dma_wait3A_202 = tpu.memref_slice %arg8[%dma_wait3A_192, %dma_wait3A_200, %dma_wait3A_201] : memref<16x128x16xf32, #tpu.memory_space<vmem>> -> memref<1x128x16xf32, #tpu.memory_space<vmem>>
      %dma_wait3A_203 = tpu.memref_squeeze %dma_wait3A_202 : memref<1x128x16xf32, #tpu.memory_space<vmem>> -> memref<128x16xf32, #tpu.memory_space<vmem>>
      %dma_wait3A_204 = arith.constant 0 : i32
      %dma_wait3A_205 = arith.constant 0 : i32
      %dma_wait3A_206 = tpu.memref_slice %arg4[%dma_wait3A_204, %dma_wait3A_205] : memref<640x16xf32, #tpu.memory_space<hbm>> -> memref<128x16xf32, #tpu.memory_space<hbm>>
      tpu.wait_dma2 semaphore(%arg12 : memref<!tpu.dma_semaphore, #tpu.memory_space<semaphore_mem>>) src(%dma_wait3A_206 : memref<128x16xf32, #tpu.memory_space<hbm>>) dst(%dma_wait3A_203 : memref<128x16xf32, #tpu.memory_space<vmem>>)
      %dma_wait3A_207 = arith.constant 0 : i32
      %dma_wait3A_208 = arith.constant 0 : i32
      %dma_wait3A_209 = arith.constant 0 : i32
      %dma_wait3A_210 = tpu.memref_slice %arg8[%dma_wait3A_207, %dma_wait3A_208, %dma_wait3A_209] : memref<16x128x16xf32, #tpu.memory_space<vmem>> -> memref<1x128x16xf32, #tpu.memory_space<vmem>>
      %dma_wait3A_211 = tpu.memref_squeeze %dma_wait3A_210 : memref<1x128x16xf32, #tpu.memory_space<vmem>> -> memref<128x16xf32, #tpu.memory_space<vmem>>
      %dma_wait3A_212 = arith.constant 0 : i32
      %dma_wait3A_213 = arith.constant 0 : i32
      %dma_wait3A_214 = tpu.memref_slice %arg4[%dma_wait3A_212, %dma_wait3A_213] : memref<640x16xf32, #tpu.memory_space<hbm>> -> memref<128x16xf32, #tpu.memory_space<hbm>>
      %dma_wait3A_215 = arith.constant 0 : i32
      %dma_wait3A_216 = arith.constant 0 : i32
      %dma_wait3A_217 = tpu.memref_slice %arg8[%dma_wait3A_207, %dma_wait3A_215, %dma_wait3A_216] : memref<16x128x16xf32, #tpu.memory_space<vmem>> -> memref<1x128x16xf32, #tpu.memory_space<vmem>>
      %dma_wait3A_218 = tpu.memref_squeeze %dma_wait3A_217 : memref<1x128x16xf32, #tpu.memory_space<vmem>> -> memref<128x16xf32, #tpu.memory_space<vmem>>
      %dma_wait3A_219 = arith.constant 0 : i32
      %dma_wait3A_220 = arith.constant 0 : i32
      %dma_wait3A_221 = tpu.memref_slice %arg4[%dma_wait3A_219, %dma_wait3A_220] : memref<640x16xf32, #tpu.memory_space<hbm>> -> memref<128x16xf32, #tpu.memory_space<hbm>>
      tpu.wait_dma2 semaphore(%arg12 : memref<!tpu.dma_semaphore, #tpu.memory_space<semaphore_mem>>) src(%dma_wait3A_221 : memref<128x16xf32, #tpu.memory_space<hbm>>) dst(%dma_wait3A_218 : memref<128x16xf32, #tpu.memory_space<vmem>>)
      %dma_wait3A_222 = arith.constant 0 : i32
      %dma_wait3A_223 = arith.constant 0 : i32
      %dma_wait3A_224 = arith.constant 0 : i32
      %dma_wait3A_225 = tpu.memref_slice %arg8[%dma_wait3A_222, %dma_wait3A_223, %dma_wait3A_224] : memref<16x128x16xf32, #tpu.memory_space<vmem>> -> memref<1x128x16xf32, #tpu.memory_space<vmem>>
      %dma_wait3A_226 = tpu.memref_squeeze %dma_wait3A_225 : memref<1x128x16xf32, #tpu.memory_space<vmem>> -> memref<128x16xf32, #tpu.memory_space<vmem>>
      %dma_wait3A_227 = arith.constant 0 : i32
      %dma_wait3A_228 = arith.constant 0 : i32
      %dma_wait3A_229 = tpu.memref_slice %arg4[%dma_wait3A_227, %dma_wait3A_228] : memref<640x16xf32, #tpu.memory_space<hbm>> -> memref<128x16xf32, #tpu.memory_space<hbm>>
      %dma_wait3A_230 = arith.constant 0 : i32
      %dma_wait3A_231 = arith.constant 0 : i32
      %dma_wait3A_232 = tpu.memref_slice %arg8[%dma_wait3A_222, %dma_wait3A_230, %dma_wait3A_231] : memref<16x128x16xf32, #tpu.memory_space<vmem>> -> memref<1x128x16xf32, #tpu.memory_space<vmem>>
      %dma_wait3A_233 = tpu.memref_squeeze %dma_wait3A_232 : memref<1x128x16xf32, #tpu.memory_space<vmem>> -> memref<128x16xf32, #tpu.memory_space<vmem>>
      %dma_wait3A_234 = arith.constant 0 : i32
      %dma_wait3A_235 = arith.constant 0 : i32
      %dma_wait3A_236 = tpu.memref_slice %arg4[%dma_wait3A_234, %dma_wait3A_235] : memref<640x16xf32, #tpu.memory_space<hbm>> -> memref<128x16xf32, #tpu.memory_space<hbm>>
      tpu.wait_dma2 semaphore(%arg12 : memref<!tpu.dma_semaphore, #tpu.memory_space<semaphore_mem>>) src(%dma_wait3A_236 : memref<128x16xf32, #tpu.memory_space<hbm>>) dst(%dma_wait3A_233 : memref<128x16xf32, #tpu.memory_space<vmem>>)
      %dma_wait3A_237 = arith.constant 0 : i32
      %dma_wait3A_238 = arith.constant 0 : i32
      %dma_wait3A_239 = arith.constant 0 : i32
      %dma_wait3A_240 = tpu.memref_slice %arg8[%dma_wait3A_237, %dma_wait3A_238, %dma_wait3A_239] : memref<16x128x16xf32, #tpu.memory_space<vmem>> -> memref<1x128x16xf32, #tpu.memory_space<vmem>>
      %dma_wait3A_241 = tpu.memref_squeeze %dma_wait3A_240 : memref<1x128x16xf32, #tpu.memory_space<vmem>> -> memref<128x16xf32, #tpu.memory_space<vmem>>
      %dma_wait3A_242 = arith.constant 0 : i32
      %dma_wait3A_243 = arith.constant 0 : i32
      %dma_wait3A_244 = tpu.memref_slice %arg4[%dma_wait3A_242, %dma_wait3A_243] : memref<640x16xf32, #tpu.memory_space<hbm>> -> memref<128x16xf32, #tpu.memory_space<hbm>>
      %dma_wait3A_245 = arith.constant 0 : i32
      %dma_wait3A_246 = arith.constant 0 : i32
      %dma_wait3A_247 = tpu.memref_slice %arg8[%dma_wait3A_237, %dma_wait3A_245, %dma_wait3A_246] : memref<16x128x16xf32, #tpu.memory_space<vmem>> -> memref<1x128x16xf32, #tpu.memory_space<vmem>>
      %dma_wait3A_248 = tpu.memref_squeeze %dma_wait3A_247 : memref<1x128x16xf32, #tpu.memory_space<vmem>> -> memref<128x16xf32, #tpu.memory_space<vmem>>
      %dma_wait3A_249 = arith.constant 0 : i32
      %dma_wait3A_250 = arith.constant 0 : i32
      %dma_wait3A_251 = tpu.memref_slice %arg4[%dma_wait3A_249, %dma_wait3A_250] : memref<640x16xf32, #tpu.memory_space<hbm>> -> memref<128x16xf32, #tpu.memory_space<hbm>>
      tpu.wait_dma2 semaphore(%arg12 : memref<!tpu.dma_semaphore, #tpu.memory_space<semaphore_mem>>) src(%dma_wait3A_251 : memref<128x16xf32, #tpu.memory_space<hbm>>) dst(%dma_wait3A_248 : memref<128x16xf32, #tpu.memory_space<vmem>>)
      %dma_wait3A_252 = arith.constant 0 : i32
      %dma_wait3A_253 = arith.constant 0 : i32
      %dma_wait3A_254 = arith.constant 0 : i32
      %dma_wait3A_255 = tpu.memref_slice %arg8[%dma_wait3A_252, %dma_wait3A_253, %dma_wait3A_254] : memref<16x128x16xf32, #tpu.memory_space<vmem>> -> memref<1x128x16xf32, #tpu.memory_space<vmem>>
      %dma_wait3A_256 = tpu.memref_squeeze %dma_wait3A_255 : memref<1x128x16xf32, #tpu.memory_space<vmem>> -> memref<128x16xf32, #tpu.memory_space<vmem>>
      %dma_wait3A_257 = arith.constant 0 : i32
      %dma_wait3A_258 = arith.constant 0 : i32
      %dma_wait3A_259 = tpu.memref_slice %arg4[%dma_wait3A_257, %dma_wait3A_258] : memref<640x16xf32, #tpu.memory_space<hbm>> -> memref<128x16xf32, #tpu.memory_space<hbm>>
      %dma_wait3A_260 = arith.constant 0 : i32
      %dma_wait3A_261 = arith.constant 0 : i32
      %dma_wait3A_262 = tpu.memref_slice %arg8[%dma_wait3A_252, %dma_wait3A_260, %dma_wait3A_261] : memref<16x128x16xf32, #tpu.memory_space<vmem>> -> memref<1x128x16xf32, #tpu.memory_space<vmem>>
      %dma_wait3A_263 = tpu.memref_squeeze %dma_wait3A_262 : memref<1x128x16xf32, #tpu.memory_space<vmem>> -> memref<128x16xf32, #tpu.memory_space<vmem>>
      %dma_wait3A_264 = arith.constant 0 : i32
      %dma_wait3A_265 = arith.constant 0 : i32
      %dma_wait3A_266 = tpu.memref_slice %arg4[%dma_wait3A_264, %dma_wait3A_265] : memref<640x16xf32, #tpu.memory_space<hbm>> -> memref<128x16xf32, #tpu.memory_space<hbm>>
      tpu.wait_dma2 semaphore(%arg12 : memref<!tpu.dma_semaphore, #tpu.memory_space<semaphore_mem>>) src(%dma_wait3A_266 : memref<128x16xf32, #tpu.memory_space<hbm>>) dst(%dma_wait3A_263 : memref<128x16xf32, #tpu.memory_space<vmem>>)
      %dma_wait3A_267 = arith.constant 0 : i32
      %dma_wait3A_268 = arith.constant 0 : i32
      %dma_wait3A_269 = arith.constant 0 : i32
      %dma_wait3A_270 = tpu.memref_slice %arg8[%dma_wait3A_267, %dma_wait3A_268, %dma_wait3A_269] : memref<16x128x16xf32, #tpu.memory_space<vmem>> -> memref<1x128x16xf32, #tpu.memory_space<vmem>>
      %dma_wait3A_271 = tpu.memref_squeeze %dma_wait3A_270 : memref<1x128x16xf32, #tpu.memory_space<vmem>> -> memref<128x16xf32, #tpu.memory_space<vmem>>
      %dma_wait3A_272 = arith.constant 0 : i32
      %dma_wait3A_273 = arith.constant 0 : i32
      %dma_wait3A_274 = tpu.memref_slice %arg4[%dma_wait3A_272, %dma_wait3A_273] : memref<640x16xf32, #tpu.memory_space<hbm>> -> memref<128x16xf32, #tpu.memory_space<hbm>>
      %dma_wait3A_275 = arith.constant 0 : i32
      %dma_wait3A_276 = arith.constant 0 : i32
      %dma_wait3A_277 = tpu.memref_slice %arg8[%dma_wait3A_267, %dma_wait3A_275, %dma_wait3A_276] : memref<16x128x16xf32, #tpu.memory_space<vmem>> -> memref<1x128x16xf32, #tpu.memory_space<vmem>>
      %dma_wait3A_278 = tpu.memref_squeeze %dma_wait3A_277 : memref<1x128x16xf32, #tpu.memory_space<vmem>> -> memref<128x16xf32, #tpu.memory_space<vmem>>
      %dma_wait3A_279 = arith.constant 0 : i32
      %dma_wait3A_280 = arith.constant 0 : i32
      %dma_wait3A_281 = tpu.memref_slice %arg4[%dma_wait3A_279, %dma_wait3A_280] : memref<640x16xf32, #tpu.memory_space<hbm>> -> memref<128x16xf32, #tpu.memory_space<hbm>>
      tpu.wait_dma2 semaphore(%arg12 : memref<!tpu.dma_semaphore, #tpu.memory_space<semaphore_mem>>) src(%dma_wait3A_281 : memref<128x16xf32, #tpu.memory_space<hbm>>) dst(%dma_wait3A_278 : memref<128x16xf32, #tpu.memory_space<vmem>>)
    } else {
    }
    %barrier3A_157 = arith.constant 0 : index
    tpu.barrier barrier_id(%barrier3A_157)
    %mul3A_158 = arith.constant 640 : i32
    %mul3A_159 = arith.muli %arg1, %mul3A_158 : i32
    %mul3A_160 = arith.constant 640 : i32
    %mul3A_161 = arith.muli %arg1, %mul3A_160 : i32
    "tpu.region"() ({
      %run_scoped3A = tpu.sem_alloc : memref<!tpu.dma_semaphore, #tpu.memory_space<semaphore_mem>>
      %dma_start3A_162 = arith.constant 0 : i32
      %dma_start3A_163 = tpu.memref_slice %arg5[%arg0, %mul3A_161, %dma_start3A_162] : memref<2x10240x16xf32, #tpu.memory_space<hbm>> -> memref<1x640x16xf32, #tpu.memory_space<hbm>>
      %dma_start3A_164 = tpu.memref_squeeze %dma_start3A_163 : memref<1x640x16xf32, #tpu.memory_space<hbm>> -> memref<640x16xf32, #tpu.memory_space<hbm>>
      %dma_start3A_165 = arith.constant 0 : i32
      %dma_start3A_166 = tpu.memref_slice %arg9[%mul3A_159, %dma_start3A_165] : memref<10240x16xf32, #tpu.memory_space<vmem_shared>> -> memref<640x16xf32, #tpu.memory_space<vmem_shared>>
      tpu.enqueue_dma source(%dma_start3A_166 : memref<640x16xf32, #tpu.memory_space<vmem_shared>>) target(%dma_start3A_164 : memref<640x16xf32, #tpu.memory_space<hbm>>) target_semaphore(%run_scoped3A : memref<!tpu.dma_semaphore, #tpu.memory_space<semaphore_mem>>)
      %dma_wait3A_167 = arith.constant 0 : i32
      %dma_wait3A_168 = tpu.memref_slice %arg5[%arg0, %mul3A_161, %dma_wait3A_167] : memref<2x10240x16xf32, #tpu.memory_space<hbm>> -> memref<1x640x16xf32, #tpu.memory_space<hbm>>
      %dma_wait3A_169 = tpu.memref_squeeze %dma_wait3A_168 : memref<1x640x16xf32, #tpu.memory_space<hbm>> -> memref<640x16xf32, #tpu.memory_space<hbm>>
      %dma_wait3A_170 = arith.constant 0 : i32
      %dma_wait3A_171 = tpu.memref_slice %arg9[%mul3A_159, %dma_wait3A_170] : memref<10240x16xf32, #tpu.memory_space<vmem_shared>> -> memref<640x16xf32, #tpu.memory_space<vmem_shared>>
      tpu.wait_dma2 semaphore(%run_scoped3A : memref<!tpu.dma_semaphore, #tpu.memory_space<semaphore_mem>>) src(%dma_wait3A_171 : memref<640x16xf32, #tpu.memory_space<vmem_shared>>) dst(%dma_wait3A_169 : memref<640x16xf32, #tpu.memory_space<hbm>>)
      tpu.yield
    }) : () -> ()
    return
  }
}

module attributes {stable_mosaic.version = 14 : i64} {
  func.func @_tc_mm_kbody(%arg0: memref<1250x1024xf32, #tpu.memory_space<vmem>>, %arg1: memref<1024x128xf32, #tpu.memory_space<vmem>>, %arg2: memref<1250x128xf32, #tpu.memory_space<vmem>>) attributes {dimension_semantics = [], scalar_prefetch = 0 : i64, scratch_operands = 0 : i64, tpu.core_type = #tpu.core_type<tc>} {
    %get3A = arith.constant 0 : index
    %get3A_0 = arith.constant 0 : index
    %get3A_1 = vector.load %arg0[%get3A, %get3A_0] : memref<1250x1024xf32, #tpu.memory_space<vmem>>, vector<1250x1024xf32>
    %get3A_2 = arith.constant 0 : index
    %get3A_3 = arith.constant 0 : index
    %get3A_4 = vector.load %arg1[%get3A_2, %get3A_3] : memref<1024x128xf32, #tpu.memory_space<vmem>>, vector<1024x128xf32>
    %dot_general3A = arith.constant dense<0.000000e+00> : vector<1250x128xf32>
    %dot_general3A_5 = tpu.matmul %get3A_1, %get3A_4, %dot_general3A {dimension_numbers = #tpu.dot_dimension_numbers<[1], [0], [0], [1], [0, 0, 1, 1], [], []>, transpose_lhs_hint = false} : vector<1250x1024xf32>, vector<1024x128xf32>, vector<1250x128xf32> -> vector<1250x128xf32>
    %swap3A = arith.constant 0 : index
    %swap3A_6 = arith.constant 0 : index
    %swap3A_7 = vector.load %arg2[%swap3A, %swap3A_6] : memref<1250x128xf32, #tpu.memory_space<vmem>>, vector<1250x128xf32>
    tpu.vector_store %arg2[%swap3A, %swap3A_6], %dot_general3A_5 {strides = array<i32>} : memref<1250x128xf32, #tpu.memory_space<vmem>>, vector<1250x128xf32>,
    return
  }
}

module attributes {stable_mosaic.version = 14 : i64} {
  func.func @_tc1_kbody(%arg0: memref<1250x128xf32, #tpu.memory_space<vmem>>, %arg1: memref<2x1280x128xf32, #tpu.memory_space<vmem>>, %arg2: memref<1280x128xf32, #tpu.memory_space<vmem>>, %arg3: memref<1280x128xf32, #tpu.memory_space<vmem>>) attributes {dimension_semantics = [], scalar_prefetch = 0 : i64, scratch_operands = 0 : i64, tpu.core_type = #tpu.core_type<tc>} {
    %get3A = arith.constant 0 : index
    %get3A_0 = arith.constant 0 : index
    %get3A_1 = arith.constant 0 : index
    %get3A_2 = vector.load %arg1[%get3A, %get3A_0, %get3A_1] : memref<2x1280x128xf32, #tpu.memory_space<vmem>>, vector<1x1250x128xf32>
    %get3A_3 = vector.shape_cast %get3A_2 : vector<1x1250x128xf32> to vector<1250x128xf32>
    %get3A_4 = arith.constant 1 : index
    %get3A_5 = arith.constant 0 : index
    %get3A_6 = arith.constant 0 : index
    %get3A_7 = vector.load %arg1[%get3A_4, %get3A_5, %get3A_6] : memref<2x1280x128xf32, #tpu.memory_space<vmem>>, vector<1x1250x128xf32>
    %get3A_8 = vector.shape_cast %get3A_7 : vector<1x1250x128xf32> to vector<1250x128xf32>
    %add3A = arith.addf %get3A_3, %get3A_8 : vector<1250x128xf32>
    %add3A_9 = arith.constant 1.000000e+00 : f32
    %add3A_10 = vector.broadcast %add3A_9 : f32 to vector<1250x128xf32>
    %add3A_11 = arith.addf %add3A, %add3A_10 : vector<1250x128xf32>
    %rsqrt3A = math.rsqrt %add3A_11 : vector<1250x128xf32>
    %broadcast_in_dim3A = arith.constant 0.000000e+00 : f32
    %broadcast_in_dim3A_12 = vector.broadcast %broadcast_in_dim3A : f32 to vector<30x128xf32>
    %swap3A = arith.constant 0 : index
    %swap3A_13 = arith.constant 0 : index
    %swap3A_14 = vector.load %arg3[%swap3A, %swap3A_13] : memref<1280x128xf32, #tpu.memory_space<vmem>>, vector<1250x128xf32>
    tpu.vector_store %arg3[%swap3A, %swap3A_13], %rsqrt3A {strides = array<i32>} : memref<1280x128xf32, #tpu.memory_space<vmem>>, vector<1250x128xf32>,
    %swap3A_15 = arith.constant 1250 : index
    %swap3A_16 = arith.constant 0 : index
    %swap3A_17 = vector.load %arg3[%swap3A_15, %swap3A_16] : memref<1280x128xf32, #tpu.memory_space<vmem>>, vector<30x128xf32>
    tpu.vector_store %arg3[%swap3A_15, %swap3A_16], %broadcast_in_dim3A_12 {strides = array<i32>} : memref<1280x128xf32, #tpu.memory_space<vmem>>, vector<30x128xf32>,
    %get3A_18 = arith.constant 0 : index
    %get3A_19 = arith.constant 0 : index
    %get3A_20 = vector.load %arg0[%get3A_18, %get3A_19] : memref<1250x128xf32, #tpu.memory_space<vmem>>, vector<1250x128xf32>
    %mul3A = arith.mulf %rsqrt3A, %get3A_20 : vector<1250x128xf32>
    %swap3A_21 = arith.constant 0 : index
    %swap3A_22 = arith.constant 0 : index
    %swap3A_23 = vector.load %arg2[%swap3A_21, %swap3A_22] : memref<1280x128xf32, #tpu.memory_space<vmem>>, vector<1250x128xf32>
    tpu.vector_store %arg2[%swap3A_21, %swap3A_22], %mul3A {strides = array<i32>} : memref<1280x128xf32, #tpu.memory_space<vmem>>, vector<1250x128xf32>,
    %swap3A_24 = arith.constant 1250 : index
    %swap3A_25 = arith.constant 0 : index
    %swap3A_26 = vector.load %arg2[%swap3A_24, %swap3A_25] : memref<1280x128xf32, #tpu.memory_space<vmem>>, vector<30x128xf32>
    tpu.vector_store %arg2[%swap3A_24, %swap3A_25], %broadcast_in_dim3A_12 {strides = array<i32>} : memref<1280x128xf32, #tpu.memory_space<vmem>>, vector<30x128xf32>,
    return
  }
}

module attributes {stable_mosaic.version = 14 : i64} {
  func.func @_tc2_kbody(%arg0: memref<2x1280x128xf32, #tpu.memory_space<vmem>>, %arg1: memref<1280x128xf32, #tpu.memory_space<vmem>>, %arg2: memref<1280x128xf32, #tpu.memory_space<vmem>>, %arg3: memref<1280x128xf32, #tpu.memory_space<vmem>>) attributes {dimension_semantics = [], scalar_prefetch = 0 : i64, scratch_operands = 0 : i64, tpu.core_type = #tpu.core_type<tc>} {
    %get3A = arith.constant 0 : index
    %get3A_0 = arith.constant 0 : index
    %get3A_1 = vector.load %arg2[%get3A, %get3A_0] : memref<1280x128xf32, #tpu.memory_space<vmem>>, vector<1280x128xf32>
    %mul3A = arith.mulf %get3A_1, %get3A_1 : vector<1280x128xf32>
    %get3A_2 = arith.constant 0 : index
    %get3A_3 = arith.constant 0 : index
    %get3A_4 = arith.constant 0 : index
    %get3A_5 = vector.load %arg0[%get3A_2, %get3A_3, %get3A_4] : memref<2x1280x128xf32, #tpu.memory_space<vmem>>, vector<1x1280x128xf32>
    %get3A_6 = vector.shape_cast %get3A_5 : vector<1x1280x128xf32> to vector<1280x128xf32>
    %get3A_7 = arith.constant 1 : index
    %get3A_8 = arith.constant 0 : index
    %get3A_9 = arith.constant 0 : index
    %get3A_10 = vector.load %arg0[%get3A_7, %get3A_8, %get3A_9] : memref<2x1280x128xf32, #tpu.memory_space<vmem>>, vector<1x1280x128xf32>
    %get3A_11 = vector.shape_cast %get3A_10 : vector<1x1280x128xf32> to vector<1280x128xf32>
    %add3A = arith.addf %get3A_6, %get3A_11 : vector<1280x128xf32>
    %get3A_12 = arith.constant 0 : index
    %get3A_13 = arith.constant 0 : index
    %get3A_14 = vector.load %arg1[%get3A_12, %get3A_13] : memref<1280x128xf32, #tpu.memory_space<vmem>>, vector<1280x128xf32>
    %add3A_15 = arith.addf %add3A, %get3A_14 : vector<1280x128xf32>
    %mul3A_16 = arith.mulf %mul3A, %add3A_15 : vector<1280x128xf32>
    %swap3A = arith.constant 0 : index
    %swap3A_17 = arith.constant 0 : index
    %swap3A_18 = vector.load %arg3[%swap3A, %swap3A_17] : memref<1280x128xf32, #tpu.memory_space<vmem>>, vector<1280x128xf32>
    tpu.vector_store %arg3[%swap3A, %swap3A_17], %mul3A_16 {strides = array<i32>} : memref<1280x128xf32, #tpu.memory_space<vmem>>, vector<1280x128xf32>,
    return
  }
}

module attributes {stable_mosaic.version = 14 : i64} {
  func.func @_tc3_kbody(%arg0: memref<2x1280x128xf32, #tpu.memory_space<vmem>>, %arg1: memref<1280x128xf32, #tpu.memory_space<vmem>>, %arg2: memref<1280x128xf32, #tpu.memory_space<vmem>>, %arg3: memref<1x128xf32, #tpu.memory_space<vmem>>, %arg4: memref<1250x128xf32, #tpu.memory_space<vmem>>) attributes {dimension_semantics = [], scalar_prefetch = 0 : i64, scratch_operands = 0 : i64, tpu.core_type = #tpu.core_type<tc>} {
    %get3A = arith.constant 0 : index
    %get3A_0 = arith.constant 0 : index
    %get3A_1 = vector.load %arg2[%get3A, %get3A_0] : memref<1280x128xf32, #tpu.memory_space<vmem>>, vector<1250x128xf32>
    %get3A_2 = arith.constant 0 : index
    %get3A_3 = arith.constant 0 : index
    %get3A_4 = arith.constant 0 : index
    %get3A_5 = vector.load %arg0[%get3A_2, %get3A_3, %get3A_4] : memref<2x1280x128xf32, #tpu.memory_space<vmem>>, vector<1x1250x128xf32>
    %get3A_6 = vector.shape_cast %get3A_5 : vector<1x1250x128xf32> to vector<1250x128xf32>
    %get3A_7 = arith.constant 1 : index
    %get3A_8 = arith.constant 0 : index
    %get3A_9 = arith.constant 0 : index
    %get3A_10 = vector.load %arg0[%get3A_7, %get3A_8, %get3A_9] : memref<2x1280x128xf32, #tpu.memory_space<vmem>>, vector<1x1250x128xf32>
    %get3A_11 = vector.shape_cast %get3A_10 : vector<1x1250x128xf32> to vector<1250x128xf32>
    %add3A = arith.addf %get3A_6, %get3A_11 : vector<1250x128xf32>
    %get3A_12 = arith.constant 0 : index
    %get3A_13 = arith.constant 0 : index
    %get3A_14 = vector.load %arg1[%get3A_12, %get3A_13] : memref<1280x128xf32, #tpu.memory_space<vmem>>, vector<1250x128xf32>
    %add3A_15 = arith.addf %add3A, %get3A_14 : vector<1250x128xf32>
    %mul3A = arith.mulf %get3A_1, %add3A_15 : vector<1250x128xf32>
    %get3A_16 = arith.constant 0 : index
    %get3A_17 = arith.constant 0 : index
    %get3A_18 = vector.load %arg3[%get3A_16, %get3A_17] : memref<1x128xf32, #tpu.memory_space<vmem>>, vector<1x128xf32>
    %add3A_19 = vector.broadcast %get3A_18 : vector<1x128xf32> to vector<1250x128xf32>
    %add3A_20 = arith.addf %mul3A, %add3A_19 : vector<1250x128xf32>
    %swap3A = arith.constant 0 : index
    %swap3A_21 = arith.constant 0 : index
    %swap3A_22 = vector.load %arg4[%swap3A, %swap3A_21] : memref<1250x128xf32, #tpu.memory_space<vmem>>, vector<1250x128xf32>
    tpu.vector_store %arg4[%swap3A, %swap3A_21], %add3A_20 {strides = array<i32>} : memref<1250x128xf32, #tpu.memory_space<vmem>>, vector<1250x128xf32>,
    return
  }
}

</mosaic_0001>

<sc_bundles>
// kernel: kernel.12.cloned.1.call-start
scs
__scs_entry_jumppad:
0x0: {  	(pc) =	sbr.rel $0x88, $3  }
0x1: {  	(tag) =	ssettag $0x0;
	lr =	simm.s32 $0x1  }
0x2: {  	[smem:$0x3F9D] =	sst lr;
	_ =	strace $0xD0000000  }
0x3: {  	_ = 	snop  }
0x4: {  	_ = 	snop  }
0x5: {  	_ = 	snop  }
0x6: {  	_ = 	snop  }
0x7: {  	_ = 	snop  }
__scs_overlays_trampoline_lowered:
0x8: {  	[smem:$0x3FAC] =	sst s0  }
0x9: {  	[smem:$0x3FAD] =	sst s1  }
0xa: {  	[smem:$0x3FAE] =	sst s2  }
0xb: {  	[smem:$0x3FAF] =	sst s3  }
0xc: {  	[smem:$0x3FB0] =	sst s4  }
0xd: {  	[smem:$0x3FB1] =	sst s5  }
0xe: {  	[smem:$0x3FB2] =	sst s6  }
0xf: {  	[smem:$0x3FB3] =	sst s7  }
0x10: {  	[smem:$0x3FB4] =	sst s8  }
0x11: {  	[smem:$0x3FB5] =	sst s9;
	s0 =	simm.s32 @!p0 $0x0  }
0x12: {  	s1 =	sld [smem:$0x3F9B];
	s0 =	simm.s32 @p0 $0x1  }
0x13: {  	[smem:$0x3FB6] =	sst s0;
	s0 =	simm.s32 @!p1 $0x0  }
0x14: {  	s2 =	sld [smem:$0x3F9A];
	s0 =	simm.s32 @p1 $0x1  }
0x15: {  	[smem:$0x3FB7] =	sst s0;
	s0 =	simm.s32 @!p2 $0x0  }
0x16: {  	s3 =	sld [smem:$0x3FDB];
	s0 =	simm.s32 @p2 $0x1  }
0x17: {  	s4 =	simm.s32 $0x1BF5;
	[smem:$0x3FB9] =	sst s0  }
0x18: {  	s0 =	sld [smem:$0x3F9C];
	_ =	swait.ge [sflag:s4], $0x0  }
0x19: {  	s7 =	sld [smem:$0x3F9D]  }
0x1a: {  	s8 =	sadd.s32 $0xFFFFE003, lr  }
0x1b: {  	s9 =	sadd.s32 $0xFFFFFEF7, lr;
	s5 =	simm.s32 $0xFFFFFFFF;
	p2 =	slt.u32 s8, $0xFFFFF086  }
0x1c: {  	p1 =	slt.u32 s9, $0xF7A;
	s5 =	simm.s32 @!p2 $0x0  }
0x1d: {  	s5 =	simm.s32 @p1 $0x1;
	p0 =	seq.s32 s7, s2  }
0x1e: {  	s7 =	smul.u32 @!p0 $0xF7A, s2;
	p2 =	seq.s32 @!p0 s5, $0x0  }
0x1f: {  	s9 =	smul.u32 $0xF7A, s1;
	s8 =	simm.s32 @!p0 $0x1BF5;
	p2 =	por !p2, p0  }
0x20: {  	[sflag:s8] =	ssyncset.s32 @!p0 $0xFFFFF086;
	s6 =	sadd.s32 @!p0 s3, s7;
	s7 =	simm.s32 @!p0 $0x108  }
0x21: {  	s3 =	sadd.s32 s3, s9;
	s6 =	sadd.s32 @!p0 $0x88, s6;
	s7 =	simm.s32 @p2 $0x1082  }
0x22: {  	[simem:s7], [sflag:s8] =	dma.local @!p0 [hbm:s6], $0xF7A  }
0x23: {  	s9 =	sor.u32 $0xD0000000, s2;
	s6 =	simm.s32 $0x108;
	_ =	swait.ge @!p0 [sflag:s8], $0x0  }
0x24: {  	s3 =	sadd.s32 $0x88, s3;
	s6 =	simm.s32 @!p1 $0x1082;
	[sflag:s4] =	ssyncset.s32 $0xFFFFF086  }
0x25: {  	[simem:s6], [sflag:s4] =	dma.local [hbm:s3], $0xF7A  }
0x26: {  	[smem:$0x3F9D] =	sst s1;
	(tag) =	ssettag s2;
	_ =	strace s9  }
0x27: {  	s1 =	sld [smem:$0x3FAD]  }
0x28: {  	s2 =	sld [smem:$0x3FAE]  }
0x29: {  	s4 =	sld [smem:$0x3FB0]  }
0x2a: {  	p0 =	seq.s32 s5, $0x0;
	s5 =	sld [smem:$0x3FB1]  }
0x2b: {  	s6 =	sld [smem:$0x3FB2]  }
0x2c: {  	s7 =	sld [smem:$0x3FB3]  }
0x2d: {  	s3 =	simm.s32 $0x108;
	s8 =	sld [smem:$0x3FB4]  }
0x2e: {  	s3 =	simm.s32 @!p0 $0x1082;
	s9 =	sld [smem:$0x3FB5]  }
0x2f: {  	lr =	sadd.s32 s0, s3;
	s0 =	sld [smem:$0x3FAC]  }
0x30: {  	s3 =	sld [smem:$0x3FAF]  }
0x31: {  	[smem:$0x3FB8] =	sst s10  }
0x32: {  	s10 =	sld [smem:$0x3FB6];
	_ =	sdelay $0x3  }
0x33: {  	p0 =	seq.s32 s10, $0x1;
	s10 =	sld [smem:$0x3FB8];
	_ =	sdelay $0x3  }
0x34: {  	[smem:$0x3FB8] =	sst s10  }
0x35: {  	s10 =	sld [smem:$0x3FB7];
	_ =	sdelay $0x3  }
0x36: {  	p1 =	seq.s32 s10, $0x1;
	s10 =	sld [smem:$0x3FB8];
	_ =	sdelay $0x3  }
0x37: {  	[smem:$0x3FB8] =	sst s10  }
0x38: {  	s10 =	sld [smem:$0x3FB9]  }
0x39: {  	_ = 	snop;
	(pc) =	sbr.ind lr, $3  }
0x3a: {  	_ = 	snop  }
0x3b: {  	_ = 	snop  }
0x3c: {  	p2 =	seq.s32 s10, $0x1;
	s10 =	sld [smem:$0x3FB8]  }
0x3d: {  	_ =	shalt  }
0x3e: {  	_ =	shalt  }
0x3f: {  	_ =	shalt  }
0x40: {  	_ =	shalt  }
0x41: {  	_ =	shalt  }
0x42: {  	_ =	shalt  }
0x43: {  	_ =	shalt  }
0x44: {  	_ =	shalt  }
0x45: {  	_ =	shalt  }
0x46: {  	_ =	shalt  }
0x47: {  	_ =	shalt  }
0x48: {  	_ =	shalt  }
0x49: {  	_ =	shalt  }
0x4a: {  	_ =	shalt  }
0x4b: {  	_ =	shalt  }
0x4c: {  	_ =	shalt  }
0x4d: {  	_ =	shalt  }
0x4e: {  	_ =	shalt  }
0x4f: {  	_ =	shalt  }
0x50: {  	_ =	shalt  }
0x51: {  	_ =	shalt  }
0x52: {  	_ =	shalt  }
0x53: {  	_ =	shalt  }
0x54: {  	_ =	shalt  }
0x55: {  	_ =	shalt  }
0x56: {  	_ =	shalt  }
0x57: {  	_ =	shalt  }
0x58: {  	_ =	shalt  }
0x59: {  	_ =	shalt  }
0x5a: {  	_ =	shalt  }
0x5b: {  	_ =	shalt  }
0x5c: {  	_ =	shalt  }
0x5d: {  	_ =	shalt  }
0x5e: {  	_ =	shalt  }
0x5f: {  	_ =	shalt  }
0x60: {  	_ =	shalt  }
0x61: {  	_ =	shalt  }
0x62: {  	_ =	shalt  }
0x63: {  	_ =	shalt  }
0x64: {  	_ =	shalt  }
0x65: {  	_ =	shalt  }
0x66: {  	_ =	shalt  }
0x67: {  	_ =	shalt  }
0x68: {  	_ =	shalt  }
0x69: {  	_ =	shalt  }
0x6a: {  	_ =	shalt  }
0x6b: {  	_ =	shalt  }
0x6c: {  	_ =	shalt  }
0x6d: {  	_ =	shalt  }
0x6e: {  	_ =	shalt  }
0x6f: {  	_ =	shalt  }
0x70: {  	_ =	shalt  }
0x71: {  	_ =	shalt  }
0x72: {  	_ =	shalt  }
0x73: {  	_ =	shalt  }
0x74: {  	_ =	shalt  }
0x75: {  	_ =	shalt  }
0x76: {  	_ =	shalt  }
0x77: {  	_ =	shalt  }
0x78: {  	_ =	shalt  }
0x79: {  	_ =	shalt  }
0x7a: {  	_ =	shalt  }
0x7b: {  	_ =	shalt  }
0x7c: {  	_ =	shalt  }
0x7d: {  	_ =	shalt  }
0x7e: {  	_ =	shalt  }
0x7f: {  	_ =	shalt  }
0x80: {  	_ =	shalt  }
0x81: {  	_ =	shalt  }
0x82: {  	_ =	shalt  }
0x83: {  	_ =	shalt  }
0x84: {  	_ =	shalt  }
0x85: {  	_ =	shalt  }
0x86: {  	_ =	shalt  }
0x87: {  	_ =	shalt  }
.Lfunc_end0:
.L_simem_size_0:
called_computation.1_lowered:
.L_overlay_start_0:
0x88: {  	s2 =	sld [smem:$0x3FD9]  }
0x89: {  	s3 =	sld [smem:$0x3FFE];
	_ =	sdelay $0x1  }
0x8a: {  	s1 =	srdreg.scid  }
0x8b: {  	s0 =	sand.u32 $0x1, s1  }
0x8c: {  	s17 =	sshll.u32 s0, $0xA;
	s2 =	sadd.s32 s3, s2  }
0x8d: {  	s2 =	sadd.s32 s2, s17  }
0x8e: {  	[smem:$0x3FC4] =	sst s2  }
0x8f: {  	_ = 	snop  }
0x90: {  	s2 =	sld [smem:$0x3FD0];
	(tm) =	ssettm $0x1  }
0x91: {  	s18 =	sld [smem:$0x3FFB];
	_ =	sdelay $0x3  }
0x92: {  	_ =	strace s18  }
0x93: {  	s3 =	sld [smem:$0x3FFC];
	_ =	sdelay $0x3  }
0x94: {  	_ =	strace s3  }
0x95: {  	s3 =	sld [smem:$0x3FFD];
	_ =	sdelay $0x3  }
0x96: {  	_ =	strace s3  }
0x97: {  	_ =	strace $0x8FFFFFFF  }
0x98: {  	s19 =	sld [smem:$0x3FDB];
	_ =	sdelay $0x1  }
0x99: {  	s4 =	simm.s32 $_scs_section_size  }
0x9a: {  	s5 =	simm.s32 $_size__tile_overlayer_lowered;
	s6 =	simm.s32 $_tile_overlayer_lowered  }
0x9b: {  	s22 =	simm.s32 $0x1BFF;
	s21 =	sshll.u32 s6, $0x1;
	s3 =	sadd.s32 s4, s19  }
0x9c: {  	s7 =	simm.s32 $0x0;
	s20 =	sshll.u32 s5, $0x1;
	s5 =	sadd.s32 s21, s3  }
0x9d: {  	[timem:s7], [sflag:s22] =	dma.local [hbm:s5], s20  }
0x9e: {  	_ =	swait.ge [sflag:s22], s20  }
0x9f: {  	s4 =	ssub.s32 $0x0, s20;
	[sflag:s22] =	ssyncset.done $0x0  }
0xa0: {  	[sflag:s22] =	ssyncadd.s32 s4;
	_ =	sdelay $0x1  }
0xa1: {  	s23 =	simm.s32 $0x1B8B  }
0xa2: {  	_ =	swait.ge [sflag:s23], $0x1  }
0xa3: {  	[sflag:s23] =	ssyncset.done $0x0  }
0xa4: {  	s25 =	simm.s32 $0x1B8E;
	s24 =	sld [smem:$0x3FFE];
	[sflag:s23] =	ssyncadd.s32 $0xFFFFFFFF  }
0xa5: {  	s26 =	simm.s32 $execute0_lowered;
	[smem:$0x3FD2] =	sst s25  }
0xa6: {  	s5 =	sshll.u32 s26, $0x1;
	_ =	strace $0x80000049;
	[dreg:$0x1] =	wrdreg $0xFFFFFFFF  }
0xa7: {  	s28 =	simm.s32 $_size_execute0_lowered;
	s3 =	sadd.s32 s3, s5;
	[dreg:$0x0] =	wrdreg $0x0  }
0xa8: {  	s5 =	sshll.u32 s28, $0x1;
	[dreg:$0x2] =	wrdreg s3  }
0xa9: {  	[dreg:$0x3] =	wrdreg s5  }
0xaa: {  	[dreg:$0x4] =	wrdreg $0xC0  }
0xab: {  	_ =	task [dreg:s7], $0x5FFFF  }
0xac: {  	[dreg:$0x1] =	wrdreg $0xFFFFFFFF  }
0xad: {  	[dreg:$0x0] =	wrdreg $0x60  }
0xae: {  	[dreg:$0x2] =	wrdreg s24  }
0xaf: {  	[dreg:$0x3] =	wrdreg s2  }
0xb0: {  	[dreg:$0x4] =	wrdreg $0xD8000  }
0xb1: {  	[dreg:$0x5] =	wrdreg $0x100000  }
0xb2: {  	[dreg:$0x6] =	wrdreg $0x9  }
0xb3: {  	_ =	task.clear_ibuf [dreg:s7], $0x7FFFF;
	_ =	strace $0x90000049  }
0xb4: {  	s29 =	simm.s32 $0x9;
	_ =	strace $0x8000004B  }
0xb5: {  	_ =	swait.ge [sflag:s29], $0x1  }
0xb6: {  	[sflag:s29] =	ssyncadd.s32 $0xFFFFFFFF  }
0xb7: {  	_ =	strace $0x9000004B  }
0xb8: {  	_ =	sfence  }
0xb9: {  	s30 =	sld [smem:$0x0];
	_ =	sdelay $0x2  }
0xba: {  	s31 =	sshll.u32 s1, $0xD;
	s1 =	sshrl.u32 s1, $0x2  }
0xbb: {  	s3 =	sand.u32 $0x4000, s31;
	s1 =	sadd.s32 s1, s30  }
0xbc: {  	s0 =	sor.u32 s3, s0;
	s1 =	sshll.u32 s1, $0x11  }
0xbd: {  	s0 =	sor.u32 s1, s0  }
0xbe: {  	s0 =	sadd.s32 $0x8F2B, s0  }
0xbf: {  	[sflag:s0] =	ssyncadd.remote.s32 $0x1  }
0xc0: {  	_ =	sfence.sel $0xFFFF  }
0xc1: {  	[dreg:$0x0] =	wrdreg $0xFFFFFFFF;
	(pc) =	sbr.abs _section_cstart, $3  }
0xc2: {  	[dreg:$0x1] =	wrdreg $0xFFFFFFFF  }
0xc3: {  	_ =	task.clear_ibuf [dreg:s7], $0x2FFFF;
	_ =	strace $0x9FFFFFFF  }
0xc4: {  	(tm) =	ssettm $0x7FFFFFFF  }
0xc5: {  	_ =	shalt  }
tec
execute0_lowered:
.L_overlay_start_1:
0x0: {  	(tag) =	ssettag $0x1  }
0x1: {  	s0 =	rddreg [dreg:$0x0]  }
0x2: {  	s3 =	rddreg [dreg:$0x2]  }
0x3: {  	s4 =	rddreg [dreg:$0x3]  }
0x4: {  	s5 =	simm.s32 $0x0;
	s10 =	stileid.u32;
	s2 =	srdreg.scid  }
0x5: {  	s17 =	simm.s32 $0x1;
	s18 =	simm.s32 $0x2;
	s1 =	smul.u32 $0x2800, s10  }
0x6: {  	s19 =	simm.s32 $0x80;
	s20 =	simm.s32 $0x0;
	s6 =	smul.u32 $0x48, s10  }
0x7: {  	[smem:$0x7FF] =	sst s5;
	s2 =	sand.u32 $0x1, s2;
	s8 =	smul.u32 $0x58, s10  }
0x8: {  	p0 =	seq.s32 s2, $0x0;
	s9 =	smul.u32 $0x28000, s2;
	_ =	strace $0x8000004A  }
0x9: {  	s22 =	ssub.s32 $0x2, s2;
	s7 =	sshrl.u32 s1, $0x3;
	s6 =	sadd.s32 $0x580, s6  }
0xa: {  	s25 =	sshrl.u32 s22, $0x1;
	s14 =	sadd.s32 s1, s3;
	s11 =	sadd.s32 s7, s0  }
0xb: {  	s6 =	smov.u32 @p0 s8;
	s21 =	sadd.s32 s1, s9;
	s13 =	ssub.s32 s22, s25  }
0xc: {  	s8 =	sshll.u32 s10, $0x6;
	s1 =	sadd.s32 s1, s4;
	s15 =	sshrl.u32 s14, $0x3  }
0xd: {  	s14 =	simm.s32 $0x3;
	s6 =	sshll.u32 s6, $0x4;
	s29 =	sadd.s32 $0x16800, s11  }
0xe: {  	s24 =	sshrl.u32 s21, $0x3;
	s30 =	smax.u32 s13, $0x1;
	[dreg:$0x7] =	wrdreg s29  }
0xf: {  	s31 =	sshrl.u32 s1, $0x3;
	s23 =	sadd.s32 s6, s0;
	[dreg:$0x9] =	wrdreg s30  }
0x10: {  	s10 =	sor.u32 $0x1C02, s8;
	[dreg:$0xa] =	wrdreg s31;
	s26 =	sadd.s32 $0x2800, s23  }
0x11: {  	s0 =	sadd.s32 s24, s0;
	s28 =	sadd.s32 $0xC800, s23;
	[dreg:$0x5] =	wrdreg s26  }
0x12: {  	s6 =	simm.s32 $0xB;
	s0 =	sadd.s32 $0x1B800, s0;
	[dreg:$0x6] =	wrdreg s28  }
0x13: {  	s6 =	simm.s32 @!p0 $0x9;
	p0 =	sne.s32 s2, $0x0;
	[dreg:$0x8] =	wrdreg s0  }
.LBB2_1:
0x14: {  	s0 =	rddreg [dreg:$0x5]  }
0x15: {  	[tilespmem:s5], [sflag:$0x1] =	stream.linear.gather [hbm4b:s0+s5], $0x2C00, $0x38;
	[tilespmem:$0x12800] =	vst v63  }
0x16: {  	s31 =	rddreg [dreg:$0x6];
	s1 =	simm.s32 $0x2C00  }
0x17: {  	[tilespmem:s1], [sflag:$0x1] =	stream.linear.gather [hbm4b:s31+s5], $0x2C00, $0x38;
	[tilespmem:$0x12800] =	vst v63  }
0x18: {  	s1 =	rddreg [dreg:$0x1]  }
0x19: {  	[spmem:s15], [sflag:s10] =	dma.local [hbm:s1], $0x500  }
0x1a: {  	s0 =	rddreg [dreg:$0x7]  }
0x1b: {  	s2 =	rddreg [dreg:$0xa]  }
0x1c: {  	[spmem:s2], [sflag:s10] =	dma.local [hbm:s0], $0x500  }
0x1d: {  	_ =	swait.ge [sflag:s17], $0x2C00  }
0x1e: {  	[sflag:s17] =	ssyncset.done $0x0  }
0x1f: {  	[sflag:s17] =	ssyncadd.s32 $0xFFFFD400  }
0x20: {  	_ =	swait.ge [sflag:s17], $0x2C00  }
0x21: {  	[sflag:s17] =	ssyncset.done $0x0  }
0x22: {  	[sflag:s17] =	ssyncadd.s32 $0xFFFFD400  }
0x23: {  	_ =	swait.ge [sflag:s18], $0x500  }
0x24: {  	[sflag:s18] =	ssyncset.done $0x0  }
0x25: {  	[sflag:s18] =	ssyncadd.s32 $0xFFFFFB00  }
0x26: {  	_ =	swait.ge [sflag:s18], $0x500  }
0x27: {  	[sflag:s18] =	ssyncset.done $0x0  }
0x28: {  	[sflag:s18] =	ssyncadd.s32 $0xFFFFFB00  }
0x29: {  	s7 =	simm.s32 $0x5800;
	[bflag:$0x0] =	sbarrier.arrive $0xFFFF  }
0x2a: {  	[tilespmem:s7], [sflag:$0x1] =	stream.indirect.gather [spmem:s4], $0x10, s5, s19, $0xb8;
	[tilespmem:$0x12800] =	vst v63  }
0x2b: {  	s9 =	simm.s32 $0x6000  }
0x2c: {  	[tilespmem:s9], [sflag:$0x1] =	stream.indirect.gather [spmem:s4], $0x10, s19, s19, $0xb8;
	[tilespmem:$0x12800] =	vst v63  }
0x2d: {  	s11 =	simm.s32 $0x100;
	s12 =	simm.s32 $0x6800  }
0x2e: {  	[tilespmem:s12], [sflag:$0x1] =	stream.indirect.gather [spmem:s4], $0x10, s11, s19, $0xb8;
	[tilespmem:$0x12800] =	vst v63  }
0x2f: {  	s13 =	simm.s32 $0x180;
	s16 =	simm.s32 $0x7000  }
0x30: {  	[tilespmem:s16], [sflag:$0x1] =	stream.indirect.gather [spmem:s4], $0x10, s13, s19, $0xb8;
	[tilespmem:$0x12800] =	vst v63  }
0x31: {  	s21 =	simm.s32 $0x200;
	s22 =	simm.s32 $0x7800  }
0x32: {  	[tilespmem:s22], [sflag:$0x1] =	stream.indirect.gather [spmem:s4], $0x10, s21, s19, $0xb8;
	[tilespmem:$0x12800] =	vst v63  }
0x33: {  	s23 =	simm.s32 $0x280;
	s24 =	simm.s32 $0x8000  }
0x34: {  	[tilespmem:s24], [sflag:$0x1] =	stream.indirect.gather [spmem:s4], $0x10, s23, s19, $0xb8;
	[tilespmem:$0x12800] =	vst v63  }
0x35: {  	s25 =	simm.s32 $0x300;
	s26 =	simm.s32 $0x8800;
	p1 =	sle.u32 s6, $0xFFFFFFFF  }
0x36: {  	[tilespmem:s26], [sflag:$0x1] =	stream.indirect.gather [spmem:s4], $0x10, s25, s19, $0xb8;
	[tilespmem:$0x12800] =	vst v63  }
0x37: {  	s28 =	simm.s32 $0x380;
	s31 =	simm.s32 $0x9000;
	s21 =	simm.s32 @!p1 $0x2  }
0x38: {  	[tilespmem:s31], [sflag:$0x1] =	stream.indirect.gather [spmem:s4], $0x10, s28, s19, $0xb8;
	[tilespmem:$0x12800] =	vst v63  }
0x39: {  	_ =	swait.ge @!p1 [sflag:s21], $0x800  }
0x3a: {  	[sflag:s21] =	ssyncset.done @!p1 $0x0  }
0x3b: {  	[sflag:s21] =	ssyncadd.s32 @!p1 $0xFFFFF800  }
0x3c: {  	_ =	swait.ge @!p1 [sflag:s21], $0x800  }
0x3d: {  	[sflag:s21] =	ssyncset.done @!p1 $0x0  }
0x3e: {  	[sflag:s21] =	ssyncadd.s32 @!p1 $0xFFFFF800  }
0x3f: {  	_ =	swait.ge @!p1 [sflag:s21], $0x800  }
0x40: {  	[sflag:s21] =	ssyncset.done @!p1 $0x0  }
0x41: {  	[sflag:s21] =	ssyncadd.s32 @!p1 $0xFFFFF800  }
0x42: {  	_ =	swait.ge @!p1 [sflag:s21], $0x800  }
0x43: {  	[sflag:s21] =	ssyncset.done @!p1 $0x0  }
0x44: {  	[sflag:s21] =	ssyncadd.s32 @!p1 $0xFFFFF800  }
0x45: {  	_ =	swait.ge @!p1 [sflag:s21], $0x800  }
0x46: {  	[sflag:s21] =	ssyncset.done @!p1 $0x0  }
0x47: {  	[sflag:s21] =	ssyncadd.s32 @!p1 $0xFFFFF800  }
0x48: {  	_ =	swait.ge @!p1 [sflag:s21], $0x800  }
0x49: {  	[sflag:s21] =	ssyncset.done @!p1 $0x0  }
0x4a: {  	[sflag:s21] =	ssyncadd.s32 @!p1 $0xFFFFF800  }
0x4b: {  	_ =	swait.ge @!p1 [sflag:s21], $0x800  }
0x4c: {  	[sflag:s21] =	ssyncset.done @!p1 $0x0  }
0x4d: {  	p2 =	sle.u32 s6, $0x1;
	s22 =	sand.u32 $0x1, s5;
	[sflag:s21] =	ssyncadd.s32 @!p1 $0xFFFFF800  }
0x4e: {  	s23 =	sshll.u32 @!p2 s22, $0xE;
	_ =	swait.ge @!p1 [sflag:s21], $0x800  }
0x4f: {  	s24 =	ssub.s32 @!p2 $0x9800, s23;
	[sflag:s21] =	ssyncset.done @!p1 $0x0  }
0x50: {  	s25 =	simm.s32 @!p2 $0x400;
	[sflag:s21] =	ssyncadd.s32 @!p1 $0xFFFFF800;
	s21 =	simm.s32 @!p2 $0x80  }
0x51: {  	[tilespmem:s24], [sflag:$0x1] =	stream.indirect.gather @!p2 [spmem:s4], $0x10, s25, s21, $0xb8;
	[tilespmem:$0x12800] =	vst v63  }
0x52: {  	s24 =	ssub.s32 @!p2 $0xA000, s23;
	s25 =	simm.s32 @!p2 $0x480  }
0x53: {  	[tilespmem:s24], [sflag:$0x1] =	stream.indirect.gather @!p2 [spmem:s4], $0x10, s25, s21, $0xb8;
	[tilespmem:$0x12800] =	vst v63  }
0x54: {  	s24 =	ssub.s32 @!p2 $0xA800, s23;
	s25 =	simm.s32 @!p2 $0x500  }
0x55: {  	[tilespmem:s24], [sflag:$0x1] =	stream.indirect.gather @!p2 [spmem:s4], $0x10, s25, s21, $0xb8;
	[tilespmem:$0x12800] =	vst v63  }
0x56: {  	s24 =	ssub.s32 @!p2 $0xB000, s23;
	s25 =	simm.s32 @!p2 $0x580  }
0x57: {  	[tilespmem:s24], [sflag:$0x1] =	stream.indirect.gather @!p2 [spmem:s4], $0x10, s25, s21, $0xb8;
	[tilespmem:$0x12800] =	vst v63  }
0x58: {  	s24 =	simm.s32 @!p2 $0x600;
	s25 =	ssub.s32 @!p2 $0xB800, s23  }
0x59: {  	[tilespmem:s25], [sflag:$0x1] =	stream.indirect.gather @!p2 [spmem:s4], $0x10, s24, s21, $0xb8;
	[tilespmem:$0x12800] =	vst v63  }
0x5a: {  	s24 =	sxor.u32 @!p2 $0xC000, s23;
	s25 =	simm.s32 @!p2 $0x680  }
0x5b: {  	[tilespmem:s24], [sflag:$0x1] =	stream.indirect.gather @!p2 [spmem:s4], $0x10, s25, s21, $0xb8;
	[tilespmem:$0x12800] =	vst v63  }
0x5c: {  	p1 =	sle.u32 s6, $0x0;
	s24 =	sxor.u32 @!p2 $0xC800, s23;
	s25 =	simm.s32 @!p2 $0x700  }
0x5d: {  	[tilespmem:s24], [sflag:$0x1] =	stream.indirect.gather @!p2 [spmem:s4], $0x10, s25, s21, $0xb8;
	[tilespmem:$0x12800] =	vst v63  }
0x5e: {  	s23 =	sxor.u32 @!p2 $0xD000, s23;
	s24 =	simm.s32 @!p2 $0x780;
	s25 =	simm.s32 @!p1 $0x1  }
0x5f: {  	[tilespmem:s23], [sflag:$0x1] =	stream.indirect.gather @!p2 [spmem:s4], $0x10, s24, s21, $0xb8;
	[tilespmem:$0x12800] =	vst v63  }
0x60: {  	_ =	swait.ge @!p1 [sflag:s25], $0x800  }
0x61: {  	s26 =	simm.s32 @!p1 $0x80;
	s24 =	sshll.u32 @!p1 s22, $0xE;
	[sflag:s25] =	ssyncset.done @!p1 $0x0  }
0x62: {  	s21 =	simm.s32 @!p1 $0x2C00;
	s22 =	sadd.s32 @!p1 $0x5800, s24;
	[sflag:s25] =	ssyncadd.s32 @!p1 $0xFFFFF800  }
0x63: {  	[spmem:s3] =	stream.indirect.scatter.add.f32 @!p1 [tilespmem:s22], [sflag:$0x2], $0x10, s21, s26, $0xb8;
	[tilespmem:$0x12800] =	vst v63  }
0x64: {  	_ =	swait.ge @!p1 [sflag:s25], $0x800  }
0x65: {  	[sflag:s25] =	ssyncset.done @!p1 $0x0  }
0x66: {  	s21 =	simm.s32 @!p1 $0x2C80;
	s22 =	sadd.s32 @!p1 $0x6000, s24;
	[sflag:s25] =	ssyncadd.s32 @!p1 $0xFFFFF800  }
0x67: {  	[spmem:s3] =	stream.indirect.scatter.add.f32 @!p1 [tilespmem:s22], [sflag:$0x2], $0x10, s21, s26, $0xb8;
	[tilespmem:$0x12800] =	vst v63  }
0x68: {  	_ =	swait.ge @!p1 [sflag:s25], $0x800  }
0x69: {  	[sflag:s25] =	ssyncset.done @!p1 $0x0  }
0x6a: {  	s21 =	simm.s32 @!p1 $0x2D00;
	s22 =	sadd.s32 @!p1 $0x6800, s24;
	[sflag:s25] =	ssyncadd.s32 @!p1 $0xFFFFF800  }
0x6b: {  	[spmem:s3] =	stream.indirect.scatter.add.f32 @!p1 [tilespmem:s22], [sflag:$0x2], $0x10, s21, s26, $0xb8;
	[tilespmem:$0x12800] =	vst v63  }
0x6c: {  	_ =	swait.ge @!p1 [sflag:s25], $0x800  }
0x6d: {  	[sflag:s25] =	ssyncset.done @!p1 $0x0  }
0x6e: {  	s21 =	simm.s32 @!p1 $0x2D80;
	s22 =	sadd.s32 @!p1 $0x7000, s24;
	[sflag:s25] =	ssyncadd.s32 @!p1 $0xFFFFF800  }
0x6f: {  	[spmem:s3] =	stream.indirect.scatter.add.f32 @!p1 [tilespmem:s22], [sflag:$0x2], $0x10, s21, s26, $0xb8;
	[tilespmem:$0x12800] =	vst v63  }
0x70: {  	_ =	swait.ge @!p1 [sflag:s25], $0x800  }
0x71: {  	[sflag:s25] =	ssyncset.done @!p1 $0x0  }
0x72: {  	s21 =	simm.s32 @!p1 $0x2E00;
	s22 =	sadd.s32 @!p1 $0x7800, s24;
	[sflag:s25] =	ssyncadd.s32 @!p1 $0xFFFFF800  }
0x73: {  	[spmem:s3] =	stream.indirect.scatter.add.f32 @!p1 [tilespmem:s22], [sflag:$0x2], $0x10, s21, s26, $0xb8;
	[tilespmem:$0x12800] =	vst v63  }
0x74: {  	_ =	swait.ge @!p1 [sflag:s25], $0x800  }
0x75: {  	p3 =	sle.u32 s6, $0x0;
	[sflag:s25] =	ssyncset.done @!p1 $0x0  }
0x76: {  	s21 =	simm.s32 @!p1 $0x2E80;
	s22 =	sor.u32 @!p1 $0x8000, s24;
	[sflag:s25] =	ssyncadd.s32 @!p1 $0xFFFFF800  }
0x77: {  	[spmem:s3] =	stream.indirect.scatter.add.f32 @!p1 [tilespmem:s22], [sflag:$0x2], $0x10, s21, s26, $0xb8;
	[tilespmem:$0x12800] =	vst v63  }
0x78: {  	s30 =	simm.s32 @!p1 $0x2F80;
	s23 =	simm.s32 $0x2000;
	_ =	swait.ge @!p1 [sflag:s25], $0x800  }
0x79: {  	s28 =	sor.u32 @!p1 $0x8800, s24;
	s29 =	sor.u32 @!p1 $0x9000, s24;
	[sflag:s25] =	ssyncset.done @!p1 $0x0  }
0x7a: {  	s24 =	simm.s32 $0x1;
	s22 =	simm.s32 @!p1 $0x2F00;
	[sflag:s25] =	ssyncadd.s32 @!p1 $0xFFFFF800  }
0x7b: {  	[spmem:s3] =	stream.indirect.scatter.add.f32 @!p1 [tilespmem:s28], [sflag:$0x2], $0x10, s22, s26, $0xb8;
	[tilespmem:$0x12800] =	vst v63  }
0x7c: {  	s21 =	simm.s32 $0x1000;
	s22 =	simm.s32 $0x1;
	_ =	swait.ge @!p1 [sflag:s25], $0x800  }
.LBB2_2:
0x7d: {  	s31 =	simm.s32 @!p3 $0x2  }
0x7e: {  	[sflag:s25] =	ssyncset.done @!p1 $0x0;
	s28 =	smov.u32 s23;
	s23 =	sadd.s32 $0x1000, s23  }
0x7f: {  	p2 =	sne.s32 s23, $0xB000;
	[sflag:s25] =	ssyncadd.s32 @!p1 $0xFFFFF800  }
0x80: {  	[spmem:s3] =	stream.indirect.scatter.add.f32 @!p1 [tilespmem:s29], [sflag:$0x2], $0x10, s30, s26, $0xb8;
	[tilespmem:$0x12800] =	vst v63  }
0x81: {  	_ =	swait.ge @!p3 [sflag:s31], $0x800  }
0x82: {  	[sflag:s31] =	ssyncset.done @!p3 $0x0  }
0x83: {  	[sflag:s31] =	ssyncadd.s32 @!p3 $0xFFFFF800  }
0x84: {  	_ =	swait.ge @!p3 [sflag:s31], $0x800  }
0x85: {  	[sflag:s31] =	ssyncset.done @!p3 $0x0  }
0x86: {  	[sflag:s31] =	ssyncadd.s32 @!p3 $0xFFFFF800  }
0x87: {  	_ =	swait.ge @!p3 [sflag:s31], $0x800  }
0x88: {  	[sflag:s31] =	ssyncset.done @!p3 $0x0  }
0x89: {  	[sflag:s31] =	ssyncadd.s32 @!p3 $0xFFFFF800  }
0x8a: {  	_ =	swait.ge @!p3 [sflag:s31], $0x800  }
0x8b: {  	[sflag:s31] =	ssyncset.done @!p3 $0x0  }
0x8c: {  	[sflag:s31] =	ssyncadd.s32 @!p3 $0xFFFFF800  }
0x8d: {  	_ =	swait.ge @!p3 [sflag:s31], $0x800  }
0x8e: {  	[sflag:s31] =	ssyncset.done @!p3 $0x0  }
0x8f: {  	[sflag:s31] =	ssyncadd.s32 @!p3 $0xFFFFF800  }
0x90: {  	_ =	swait.ge @!p3 [sflag:s31], $0x800  }
0x91: {  	[sflag:s31] =	ssyncset.done @!p3 $0x0  }
0x92: {  	[sflag:s31] =	ssyncadd.s32 @!p3 $0xFFFFF800  }
0x93: {  	_ =	swait.ge @!p3 [sflag:s31], $0x800  }
0x94: {  	s22 =	sadd.s32 $0x1, s22;
	p1 =	sge.u32 s24, s6;
	[sflag:s31] =	ssyncset.done @!p3 $0x0  }
0x95: {  	p4 =	sge.u32 s22, s6;
	s24 =	sand.u32 $0x1, s24;
	[sflag:s31] =	ssyncadd.s32 @!p3 $0xFFFFF800  }
0x96: {  	s26 =	sshra.s32 @!p4 s21, $0x2;
	s25 =	sshll.u32 @!p4 s24, $0xE;
	_ =	swait.ge @!p3 [sflag:s31], $0x800  }
0x97: {  	s30 =	sadd.s32 @!p4 $0x400, s26;
	s29 =	ssub.s32 @!p4 $0x9800, s25;
	[sflag:s31] =	ssyncset.done @!p3 $0x0  }
0x98: {  	s0 =	simm.s32 @!p4 $0x80;
	[sflag:s31] =	ssyncadd.s32 @!p3 $0xFFFFF800;
	s31 =	ssub.s32 @!p4 $0xA000, s25  }
0x99: {  	[tilespmem:s29], [sflag:$0x1] =	stream.indirect.gather @!p4 [spmem:s4], $0x10, s30, s0, $0xb8;
	[tilespmem:$0x12800] =	vst v63  }
0x9a: {  	s2 =	sadd.s32 @!p4 $0x500, s26;
	s29 =	sadd.s32 @!p4 $0x480, s26;
	s30 =	ssub.s32 @!p4 $0xA800, s25  }
0x9b: {  	[tilespmem:s31], [sflag:$0x1] =	stream.indirect.gather @!p4 [spmem:s4], $0x10, s29, s0, $0xb8;
	[tilespmem:$0x12800] =	vst v63  }
0x9c: {  	s1 =	sadd.s32 @!p4 $0x600, s26;
	s29 =	ssub.s32 @!p4 $0xB000, s25;
	s31 =	sadd.s32 @!p4 $0x580, s26  }
0x9d: {  	[tilespmem:s30], [sflag:$0x1] =	stream.indirect.gather @!p4 [spmem:s4], $0x10, s2, s0, $0xb8;
	[tilespmem:$0x12800] =	vst v63  }
0x9e: {  	s7 =	sadd.s32 @!p4 $0x680, s26;
	s2 =	ssub.s32 @!p4 $0xB800, s25;
	s30 =	sxor.u32 @!p4 $0xC000, s25  }
0x9f: {  	[tilespmem:s29], [sflag:$0x1] =	stream.indirect.gather @!p4 [spmem:s4], $0x10, s31, s0, $0xb8;
	[tilespmem:$0x12800] =	vst v63  }
0xa0: {  	s11 =	sadd.s32 @!p4 $0x700, s26;
	s9 =	sxor.u32 @!p4 $0xC800, s25;
	s12 =	sxor.u32 @!p4 $0xD000, s25  }
0xa1: {  	[tilespmem:s2], [sflag:$0x1] =	stream.indirect.gather @!p4 [spmem:s4], $0x10, s1, s0, $0xb8;
	[tilespmem:$0x12800] =	vst v63  }
0xa2: {  	s31 =	sshll.u32 @!p1 s24, $0xE;
	s1 =	sadd.s32 @!p4 $0x780, s26;
	s2 =	sshra.s32 @!p1 s21, $0x2  }
0xa3: {  	[tilespmem:s30], [sflag:$0x1] =	stream.indirect.gather @!p4 [spmem:s4], $0x10, s7, s0, $0xb8;
	[tilespmem:$0x12800] =	vst v63  }
0xa4: {  	s29 =	sor.u32 @!p1 $0x9000, s31;
	s13 =	sadd.s32 @!p1 $0x2C80, s2;
	s7 =	sadd.s32 @!p1 $0x2C00, s2  }
0xa5: {  	[tilespmem:s9], [sflag:$0x1] =	stream.indirect.gather @!p4 [spmem:s4], $0x10, s11, s0, $0xb8;
	[tilespmem:$0x12800] =	vst v63  }
0xa6: {  	s25 =	simm.s32 @!p1 $0x1;
	s9 =	sadd.s32 @!p1 $0x2D00, s2;
	s11 =	sadd.s32 @!p1 $0x2D80, s2  }
0xa7: {  	[tilespmem:s12], [sflag:$0x1] =	stream.indirect.gather @!p4 [spmem:s4], $0x10, s1, s0, $0xb8;
	[tilespmem:$0x12800] =	vst v63  }
0xa8: {  	s0 =	sadd.s32 @!p1 $0x2E00, s2;
	s1 =	sadd.s32 @!p1 $0x2E80, s2;
	_ =	swait.ge @!p1 [sflag:s25], $0x800  }
0xa9: {  	s26 =	simm.s32 @!p1 $0x80;
	s12 =	sadd.s32 @!p1 $0x5800, s31;
	[sflag:s25] =	ssyncset.done @!p1 $0x0  }
0xaa: {  	s16 =	sadd.s32 @!p1 $0x2F00, s2;
	s30 =	sadd.s32 @!p1 $0x2F80, s2;
	[sflag:s25] =	ssyncadd.s32 @!p1 $0xFFFFF800  }
0xab: {  	[spmem:s3] =	stream.indirect.scatter.add.f32 @!p1 [tilespmem:s12], [sflag:$0x2], $0x10, s7, s26, $0xb8;
	[tilespmem:$0x12800] =	vst v63  }
0xac: {  	s24 =	smov.u32 s22;
	s21 =	smov.u32 s28;
	_ =	swait.ge @!p1 [sflag:s25], $0x800  }
0xad: {  	s2 =	sadd.s32 @!p1 $0x6000, s31;
	[sflag:s25] =	ssyncset.done @!p1 $0x0  }
0xae: {  	[sflag:s25] =	ssyncadd.s32 @!p1 $0xFFFFF800  }
0xaf: {  	[spmem:s3] =	stream.indirect.scatter.add.f32 @!p1 [tilespmem:s2], [sflag:$0x2], $0x10, s13, s26, $0xb8;
	[tilespmem:$0x12800] =	vst v63  }
0xb0: {  	_ =	swait.ge @!p1 [sflag:s25], $0x800  }
0xb1: {  	s2 =	sadd.s32 @!p1 $0x6800, s31;
	[sflag:s25] =	ssyncset.done @!p1 $0x0  }
0xb2: {  	[sflag:s25] =	ssyncadd.s32 @!p1 $0xFFFFF800  }
0xb3: {  	[spmem:s3] =	stream.indirect.scatter.add.f32 @!p1 [tilespmem:s2], [sflag:$0x2], $0x10, s9, s26, $0xb8;
	[tilespmem:$0x12800] =	vst v63  }
0xb4: {  	_ =	swait.ge @!p1 [sflag:s25], $0x800  }
0xb5: {  	s2 =	sadd.s32 @!p1 $0x7000, s31;
	[sflag:s25] =	ssyncset.done @!p1 $0x0  }
0xb6: {  	[sflag:s25] =	ssyncadd.s32 @!p1 $0xFFFFF800  }
0xb7: {  	[spmem:s3] =	stream.indirect.scatter.add.f32 @!p1 [tilespmem:s2], [sflag:$0x2], $0x10, s11, s26, $0xb8;
	[tilespmem:$0x12800] =	vst v63  }
0xb8: {  	_ =	swait.ge @!p1 [sflag:s25], $0x800  }
0xb9: {  	s2 =	sadd.s32 @!p1 $0x7800, s31;
	[sflag:s25] =	ssyncset.done @!p1 $0x0  }
0xba: {  	[sflag:s25] =	ssyncadd.s32 @!p1 $0xFFFFF800  }
0xbb: {  	[spmem:s3] =	stream.indirect.scatter.add.f32 @!p1 [tilespmem:s2], [sflag:$0x2], $0x10, s0, s26, $0xb8;
	[tilespmem:$0x12800] =	vst v63  }
0xbc: {  	_ =	swait.ge @!p1 [sflag:s25], $0x800  }
0xbd: {  	s0 =	sor.u32 @!p1 $0x8000, s31;
	[sflag:s25] =	ssyncset.done @!p1 $0x0  }
0xbe: {  	[sflag:s25] =	ssyncadd.s32 @!p1 $0xFFFFF800  }
0xbf: {  	[spmem:s3] =	stream.indirect.scatter.add.f32 @!p1 [tilespmem:s0], [sflag:$0x2], $0x10, s1, s26, $0xb8;
	[tilespmem:$0x12800] =	vst v63  }
.Ltmp0:
0xc0: {  	_ =	swait.ge @!p1 [sflag:s25], $0x800;
	(pc) =	sbr.rel @p2 .LBB2_2-.Ltmp0, $4  }
0xc1: {  	s0 =	sor.u32 @!p1 $0x8800, s31;
	[sflag:s25] =	ssyncset.done @!p1 $0x0  }
0xc2: {  	s1 =	sadd.s32 $0xFFFFFFFF, s22;
	[sflag:s25] =	ssyncadd.s32 @!p1 $0xFFFFF800  }
0xc3: {  	[spmem:s3] =	stream.indirect.scatter.add.f32 @!p1 [tilespmem:s0], [sflag:$0x2], $0x10, s16, s26, $0xb8;
	[tilespmem:$0x12800] =	vst v63  }
0xc4: {  	p3 =	sge.u32 s1, s6;
	_ =	swait.ge @!p1 [sflag:s25], $0x800  }
0xc5: {  	[sflag:s25] =	ssyncset.done @!p1 $0x0  }
0xc6: {  	s0 =	simm.s32 @!p3 $0x2;
	[sflag:s25] =	ssyncadd.s32 @!p1 $0xFFFFF800  }
0xc7: {  	[spmem:s3] =	stream.indirect.scatter.add.f32 @!p1 [tilespmem:s29], [sflag:$0x2], $0x10, s30, s26, $0xb8;
	[tilespmem:$0x12800] =	vst v63  }
0xc8: {  	_ =	swait.ge @!p3 [sflag:s0], $0x800  }
0xc9: {  	[sflag:s0] =	ssyncset.done @!p3 $0x0  }
0xca: {  	[sflag:s0] =	ssyncadd.s32 @!p3 $0xFFFFF800  }
0xcb: {  	_ =	swait.ge @!p3 [sflag:s0], $0x800  }
0xcc: {  	[sflag:s0] =	ssyncset.done @!p3 $0x0  }
0xcd: {  	[sflag:s0] =	ssyncadd.s32 @!p3 $0xFFFFF800  }
0xce: {  	_ =	swait.ge @!p3 [sflag:s0], $0x800  }
0xcf: {  	[sflag:s0] =	ssyncset.done @!p3 $0x0  }
0xd0: {  	[sflag:s0] =	ssyncadd.s32 @!p3 $0xFFFFF800  }
0xd1: {  	_ =	swait.ge @!p3 [sflag:s0], $0x800  }
0xd2: {  	[sflag:s0] =	ssyncset.done @!p3 $0x0  }
0xd3: {  	[sflag:s0] =	ssyncadd.s32 @!p3 $0xFFFFF800  }
0xd4: {  	_ =	swait.ge @!p3 [sflag:s0], $0x800  }
0xd5: {  	[sflag:s0] =	ssyncset.done @!p3 $0x0  }
0xd6: {  	[sflag:s0] =	ssyncadd.s32 @!p3 $0xFFFFF800  }
0xd7: {  	_ =	swait.ge @!p3 [sflag:s0], $0x800  }
0xd8: {  	[sflag:s0] =	ssyncset.done @!p3 $0x0  }
0xd9: {  	[sflag:s0] =	ssyncadd.s32 @!p3 $0xFFFFF800  }
0xda: {  	_ =	swait.ge @!p3 [sflag:s0], $0x800  }
0xdb: {  	s1 =	sadd.s32 $0x1, s22;
	[sflag:s0] =	ssyncset.done @!p3 $0x0  }
0xdc: {  	s2 =	sand.u32 $0x1, s24;
	p2 =	sge.u32 s1, s6;
	[sflag:s0] =	ssyncadd.s32 @!p3 $0xFFFFF800  }
0xdd: {  	s1 =	sshll.u32 @!p2 s2, $0xE;
	_ =	swait.ge @!p3 [sflag:s0], $0x800  }
0xde: {  	s7 =	sshra.s32 @!p2 s21, $0x2;
	s9 =	ssub.s32 @!p2 $0x9800, s1;
	[sflag:s0] =	ssyncset.done @!p3 $0x0  }
0xdf: {  	s11 =	sadd.s32 @!p2 $0x400, s7;
	[sflag:s0] =	ssyncadd.s32 @!p3 $0xFFFFF800;
	s0 =	simm.s32 @!p2 $0x80  }
0xe0: {  	[tilespmem:s9], [sflag:$0x1] =	stream.indirect.gather @!p2 [spmem:s4], $0x10, s11, s0, $0xb8;
	[tilespmem:$0x12800] =	vst v63  }
0xe1: {  	s9 =	ssub.s32 @!p2 $0xA000, s1;
	s11 =	sadd.s32 @!p2 $0x480, s7  }
0xe2: {  	[tilespmem:s9], [sflag:$0x1] =	stream.indirect.gather @!p2 [spmem:s4], $0x10, s11, s0, $0xb8;
	[tilespmem:$0x12800] =	vst v63  }
0xe3: {  	s9 =	ssub.s32 @!p2 $0xA800, s1;
	s11 =	sadd.s32 @!p2 $0x500, s7  }
0xe4: {  	[tilespmem:s9], [sflag:$0x1] =	stream.indirect.gather @!p2 [spmem:s4], $0x10, s11, s0, $0xb8;
	[tilespmem:$0x12800] =	vst v63  }
0xe5: {  	s9 =	ssub.s32 @!p2 $0xB000, s1;
	s11 =	sadd.s32 @!p2 $0x580, s7  }
0xe6: {  	[tilespmem:s9], [sflag:$0x1] =	stream.indirect.gather @!p2 [spmem:s4], $0x10, s11, s0, $0xb8;
	[tilespmem:$0x12800] =	vst v63  }
0xe7: {  	s9 =	sadd.s32 @!p2 $0x600, s7;
	s11 =	ssub.s32 @!p2 $0xB800, s1  }
0xe8: {  	[tilespmem:s11], [sflag:$0x1] =	stream.indirect.gather @!p2 [spmem:s4], $0x10, s9, s0, $0xb8;
	[tilespmem:$0x12800] =	vst v63  }
0xe9: {  	s9 =	sxor.u32 @!p2 $0xC000, s1;
	s11 =	sadd.s32 @!p2 $0x680, s7  }
0xea: {  	[tilespmem:s9], [sflag:$0x1] =	stream.indirect.gather @!p2 [spmem:s4], $0x10, s11, s0, $0xb8;
	[tilespmem:$0x12800] =	vst v63  }
0xeb: {  	p1 =	sge.u32 s24, s6;
	s9 =	sxor.u32 @!p2 $0xC800, s1;
	s11 =	sadd.s32 @!p2 $0x700, s7  }
0xec: {  	[tilespmem:s9], [sflag:$0x1] =	stream.indirect.gather @!p2 [spmem:s4], $0x10, s11, s0, $0xb8;
	[tilespmem:$0x12800] =	vst v63  }
0xed: {  	s1 =	sxor.u32 @!p2 $0xD000, s1;
	s7 =	sadd.s32 @!p2 $0x780, s7;
	s9 =	simm.s32 @!p1 $0x1  }
0xee: {  	[tilespmem:s1], [sflag:$0x1] =	stream.indirect.gather @!p2 [spmem:s4], $0x10, s7, s0, $0xb8;
	[tilespmem:$0x12800] =	vst v63  }
0xef: {  	s11 =	simm.s32 @!p1 $0x80;
	_ =	swait.ge @!p1 [sflag:s9], $0x800  }
0xf0: {  	s0 =	sshra.s32 @!p1 s21, $0x2;
	s1 =	sshll.u32 @!p1 s2, $0xE;
	[sflag:s9] =	ssyncset.done @!p1 $0x0  }
0xf1: {  	s2 =	sadd.s32 @!p1 $0x2C00, s0;
	s7 =	sadd.s32 @!p1 $0x5800, s1;
	[sflag:s9] =	ssyncadd.s32 @!p1 $0xFFFFF800  }
0xf2: {  	[spmem:s3] =	stream.indirect.scatter.add.f32 @!p1 [tilespmem:s7], [sflag:$0x2], $0x10, s2, s11, $0xb8;
	[tilespmem:$0x12800] =	vst v63  }
0xf3: {  	_ =	swait.ge @!p1 [sflag:s9], $0x800  }
0xf4: {  	[sflag:s9] =	ssyncset.done @!p1 $0x0  }
0xf5: {  	s2 =	sadd.s32 @!p1 $0x2C80, s0;
	s7 =	sadd.s32 @!p1 $0x6000, s1;
	[sflag:s9] =	ssyncadd.s32 @!p1 $0xFFFFF800  }
0xf6: {  	[spmem:s3] =	stream.indirect.scatter.add.f32 @!p1 [tilespmem:s7], [sflag:$0x2], $0x10, s2, s11, $0xb8;
	[tilespmem:$0x12800] =	vst v63  }
0xf7: {  	_ =	swait.ge @!p1 [sflag:s9], $0x800  }
0xf8: {  	[sflag:s9] =	ssyncset.done @!p1 $0x0  }
0xf9: {  	s2 =	sadd.s32 @!p1 $0x2D00, s0;
	s7 =	sadd.s32 @!p1 $0x6800, s1;
	[sflag:s9] =	ssyncadd.s32 @!p1 $0xFFFFF800  }
0xfa: {  	[spmem:s3] =	stream.indirect.scatter.add.f32 @!p1 [tilespmem:s7], [sflag:$0x2], $0x10, s2, s11, $0xb8;
	[tilespmem:$0x12800] =	vst v63  }
0xfb: {  	_ =	swait.ge @!p1 [sflag:s9], $0x800  }
0xfc: {  	[sflag:s9] =	ssyncset.done @!p1 $0x0  }
0xfd: {  	s2 =	sadd.s32 @!p1 $0x2D80, s0;
	s7 =	sadd.s32 @!p1 $0x7000, s1;
	[sflag:s9] =	ssyncadd.s32 @!p1 $0xFFFFF800  }
0xfe: {  	[spmem:s3] =	stream.indirect.scatter.add.f32 @!p1 [tilespmem:s7], [sflag:$0x2], $0x10, s2, s11, $0xb8;
	[tilespmem:$0x12800] =	vst v63  }
0xff: {  	_ =	swait.ge @!p1 [sflag:s9], $0x800  }
0x100: {  	[sflag:s9] =	ssyncset.done @!p1 $0x0  }
0x101: {  	s2 =	sadd.s32 @!p1 $0x2E00, s0;
	s7 =	sadd.s32 @!p1 $0x7800, s1;
	[sflag:s9] =	ssyncadd.s32 @!p1 $0xFFFFF800  }
0x102: {  	[spmem:s3] =	stream.indirect.scatter.add.f32 @!p1 [tilespmem:s7], [sflag:$0x2], $0x10, s2, s11, $0xb8;
	[tilespmem:$0x12800] =	vst v63  }
0x103: {  	_ =	swait.ge @!p1 [sflag:s9], $0x800  }
0x104: {  	[sflag:s9] =	ssyncset.done @!p1 $0x0  }
0x105: {  	s2 =	sadd.s32 @!p1 $0x2E80, s0;
	s7 =	sor.u32 @!p1 $0x8000, s1;
	[sflag:s9] =	ssyncadd.s32 @!p1 $0xFFFFF800  }
0x106: {  	[spmem:s3] =	stream.indirect.scatter.add.f32 @!p1 [tilespmem:s7], [sflag:$0x2], $0x10, s2, s11, $0xb8;
	[tilespmem:$0x12800] =	vst v63  }
0x107: {  	_ =	swait.ge @!p1 [sflag:s9], $0x800  }
0x108: {  	[sflag:s9] =	ssyncset.done @!p1 $0x0  }
0x109: {  	s2 =	sadd.s32 @!p1 $0x2F00, s0;
	s7 =	sor.u32 @!p1 $0x8800, s1;
	[sflag:s9] =	ssyncadd.s32 @!p1 $0xFFFFF800  }
0x10a: {  	[spmem:s3] =	stream.indirect.scatter.add.f32 @!p1 [tilespmem:s7], [sflag:$0x2], $0x10, s2, s11, $0xb8;
	[tilespmem:$0x12800] =	vst v63  }
0x10b: {  	_ =	swait.ge @!p1 [sflag:s9], $0x800  }
0x10c: {  	[sflag:s9] =	ssyncset.done @!p1 $0x0  }
0x10d: {  	s1 =	sor.u32 @!p1 $0x9000, s1;
	s0 =	sadd.s32 @!p1 $0x2F80, s0;
	[sflag:s9] =	ssyncadd.s32 @!p1 $0xFFFFF800  }
0x10e: {  	[spmem:s3] =	stream.indirect.scatter.add.f32 @!p1 [tilespmem:s1], [sflag:$0x2], $0x10, s0, s11, $0xb8;
	[tilespmem:$0x12800] =	vst v63  }
0x10f: {  	s0 =	simm.s32 @!p0 $0x2  }
0x110: {  	_ =	swait.ge @!p0 [sflag:s0], $0x800  }
0x111: {  	[sflag:s0] =	ssyncset.done @!p0 $0x0  }
0x112: {  	[sflag:s0] =	ssyncadd.s32 @!p0 $0xFFFFF800  }
0x113: {  	_ =	swait.ge @!p0 [sflag:s0], $0x800  }
0x114: {  	[sflag:s0] =	ssyncset.done @!p0 $0x0  }
0x115: {  	[sflag:s0] =	ssyncadd.s32 @!p0 $0xFFFFF800  }
0x116: {  	_ =	swait.ge @!p0 [sflag:s0], $0x800  }
0x117: {  	[sflag:s0] =	ssyncset.done @!p0 $0x0  }
0x118: {  	[sflag:s0] =	ssyncadd.s32 @!p0 $0xFFFFF800  }
0x119: {  	_ =	swait.ge @!p0 [sflag:s0], $0x800  }
0x11a: {  	[sflag:s0] =	ssyncset.done @!p0 $0x0  }
0x11b: {  	[sflag:s0] =	ssyncadd.s32 @!p0 $0xFFFFF800  }
0x11c: {  	_ =	swait.ge @!p0 [sflag:s0], $0x800  }
0x11d: {  	[sflag:s0] =	ssyncset.done @!p0 $0x0  }
0x11e: {  	[sflag:s0] =	ssyncadd.s32 @!p0 $0xFFFFF800  }
0x11f: {  	_ =	swait.ge @!p0 [sflag:s0], $0x800  }
0x120: {  	[sflag:s0] =	ssyncset.done @!p0 $0x0  }
0x121: {  	[sflag:s0] =	ssyncadd.s32 @!p0 $0xFFFFF800  }
0x122: {  	_ =	swait.ge @!p0 [sflag:s0], $0x800  }
0x123: {  	[sflag:s0] =	ssyncset.done @!p0 $0x0  }
0x124: {  	[sflag:s0] =	ssyncadd.s32 @!p0 $0xFFFFF800  }
0x125: {  	_ =	swait.ge @!p0 [sflag:s0], $0x800  }
0x126: {  	[sflag:s0] =	ssyncset.done @!p0 $0x0  }
0x127: {  	[sflag:s0] =	ssyncadd.s32 @!p0 $0xFFFFF800  }
0x128: {  	[bflag:$0x0] =	sbarrier.arrive $0xFFFF  }
0x129: {  	s29 =	sor.u32 $0x1C03, s8;
	s30 =	rddreg [dreg:$0x8]  }
0x12a: {  	[hbm:s30], [sflag:s29] =	dma.local [spmem:s15], $0x500  }
0x12b: {  	_ =	swait.ge [sflag:s14], $0x500  }
0x12c: {  	s20 =	sadd.s32 $0x1, s20;
	s31 =	rddreg [dreg:$0x9]  }
0x12d: {  	p1 =	sne.s32 s20, s31  }
.Ltmp1:
0x12e: {  	_ = 	snop;
	(pc) =	sbr.rel @p1 .LBB2_1-.Ltmp1, $3  }
0x12f: {  	_ =	sdelay $0x1  }
0x130: {  	[sflag:s14] =	ssyncset.done $0x0  }
0x131: {  	[sflag:s14] =	ssyncadd.s32 $0xFFFFFB00  }
0x132: {  	_ =	sfence.sel $0x180000  }
0x133: {  	[bflag:$0x0] =	sbarrier.arrive $0xFFFF  }
0x134: {  	_ =	strace $0x9000004A  }
0x135: {  	s0 =	stileid.u32;
	[bflag:$0x2] =	sbarrier.arrive $0xFFFF  }
0x136: {  	p0 =	sne.s32 s0, $0x0;
	s0 =	rddreg [dreg:$0x4]  }
0x137: {  	s0 =	sadd.s32 @!p0 $0x100000, s0  }
0x138: {  	[sflag:s0] =	ssyncadd.tile.s32 @!p0 $0x1;
	_ =	shalt  }
.Lfunc_end2:
_tile_overlayer_lowered:
.L_overlay_start_2:
0x139: {  	(tag) =	ssettag $0x2  }
0x13a: {  	s0 =	rddreg [dreg:$0x0];
	s2 =	stileid.u32  }
0x13b: {  	s1 =	rddreg [dreg:$0x1];
	p0 =	sne.s32 s2, $0x0  }
0x13c: {  	s3 =	rddreg [dreg:$0x2];
	[bflag:$0x3] =	sbarrier.arrive $0xFFFF;
	s2 =	simm.s32 @!p0 $0x1C03  }
0x13d: {  	[timem:s3], [sflag:s2] =	dma.local @!p0 [hbm:s0], s1  }
0x13e: {  	s0 =	simm.s32 @!p0 $0x3  }
0x13f: {  	_ =	swait.ge @!p0 [sflag:s0], s1  }
0x140: {  	s1 =	ssub.s32 @!p0 $0x0, s1;
	[sflag:s0] =	ssyncset.done @!p0 $0x0  }
0x141: {  	[sflag:s0] =	ssyncadd.s32 @!p0 s1  }
0x142: {  	[bflag:$0x3] =	sbarrier.arrive $0xFFFF  }
0x143: {  	_ =	shalt  }

// kernel: kernel.15.cloned.1.call-start
scs
__scs_entry_jumppad:
0x0: {  	(pc) =	sbr.rel $0x88, $3  }
0x1: {  	(tag) =	ssettag $0x0;
	lr =	simm.s32 $0x1  }
0x2: {  	[smem:$0x3F9D] =	sst lr;
	_ =	strace $0xD0000000  }
0x3: {  	_ = 	snop  }
0x4: {  	_ = 	snop  }
0x5: {  	_ = 	snop  }
0x6: {  	_ = 	snop  }
0x7: {  	_ = 	snop  }
__scs_overlays_trampoline_lowered:
0x8: {  	[smem:$0x3FAC] =	sst s0  }
0x9: {  	[smem:$0x3FAD] =	sst s1  }
0xa: {  	[smem:$0x3FAE] =	sst s2  }
0xb: {  	[smem:$0x3FAF] =	sst s3  }
0xc: {  	[smem:$0x3FB0] =	sst s4  }
0xd: {  	[smem:$0x3FB1] =	sst s5  }
0xe: {  	[smem:$0x3FB2] =	sst s6  }
0xf: {  	[smem:$0x3FB3] =	sst s7  }
0x10: {  	[smem:$0x3FB4] =	sst s8  }
0x11: {  	[smem:$0x3FB5] =	sst s9;
	s0 =	simm.s32 @!p0 $0x0  }
0x12: {  	s1 =	sld [smem:$0x3F9B];
	s0 =	simm.s32 @p0 $0x1  }
0x13: {  	[smem:$0x3FB6] =	sst s0;
	s0 =	simm.s32 @!p1 $0x0  }
0x14: {  	s2 =	sld [smem:$0x3F9A];
	s0 =	simm.s32 @p1 $0x1  }
0x15: {  	[smem:$0x3FB7] =	sst s0;
	s0 =	simm.s32 @!p2 $0x0  }
0x16: {  	s3 =	sld [smem:$0x3FDB];
	s0 =	simm.s32 @p2 $0x1  }
0x17: {  	s4 =	simm.s32 $0x1BF5;
	[smem:$0x3FB9] =	sst s0  }
0x18: {  	s0 =	sld [smem:$0x3F9C];
	_ =	swait.ge [sflag:s4], $0x0  }
0x19: {  	s7 =	sld [smem:$0x3F9D]  }
0x1a: {  	s8 =	sadd.s32 $0xFFFFE003, lr  }
0x1b: {  	s9 =	sadd.s32 $0xFFFFFEF7, lr;
	s5 =	simm.s32 $0xFFFFFFFF;
	p2 =	slt.u32 s8, $0xFFFFF086  }
0x1c: {  	p1 =	slt.u32 s9, $0xF7A;
	s5 =	simm.s32 @!p2 $0x0  }
0x1d: {  	s5 =	simm.s32 @p1 $0x1;
	p0 =	seq.s32 s7, s2  }
0x1e: {  	s7 =	smul.u32 @!p0 $0xF7A, s2;
	p2 =	seq.s32 @!p0 s5, $0x0  }
0x1f: {  	s9 =	smul.u32 $0xF7A, s1;
	s8 =	simm.s32 @!p0 $0x1BF5;
	p2 =	por !p2, p0  }
0x20: {  	[sflag:s8] =	ssyncset.s32 @!p0 $0xFFFFF086;
	s6 =	sadd.s32 @!p0 s3, s7;
	s7 =	simm.s32 @!p0 $0x108  }
0x21: {  	s3 =	sadd.s32 s3, s9;
	s6 =	sadd.s32 @!p0 $0x88, s6;
	s7 =	simm.s32 @p2 $0x1082  }
0x22: {  	[simem:s7], [sflag:s8] =	dma.local @!p0 [hbm:s6], $0xF7A  }
0x23: {  	s9 =	sor.u32 $0xD0000000, s2;
	s6 =	simm.s32 $0x108;
	_ =	swait.ge @!p0 [sflag:s8], $0x0  }
0x24: {  	s3 =	sadd.s32 $0x88, s3;
	s6 =	simm.s32 @!p1 $0x1082;
	[sflag:s4] =	ssyncset.s32 $0xFFFFF086  }
0x25: {  	[simem:s6], [sflag:s4] =	dma.local [hbm:s3], $0xF7A  }
0x26: {  	[smem:$0x3F9D] =	sst s1;
	(tag) =	ssettag s2;
	_ =	strace s9  }
0x27: {  	s1 =	sld [smem:$0x3FAD]  }
0x28: {  	s2 =	sld [smem:$0x3FAE]  }
0x29: {  	s4 =	sld [smem:$0x3FB0]  }
0x2a: {  	p0 =	seq.s32 s5, $0x0;
	s5 =	sld [smem:$0x3FB1]  }
0x2b: {  	s6 =	sld [smem:$0x3FB2]  }
0x2c: {  	s7 =	sld [smem:$0x3FB3]  }
0x2d: {  	s3 =	simm.s32 $0x108;
	s8 =	sld [smem:$0x3FB4]  }
0x2e: {  	s3 =	simm.s32 @!p0 $0x1082;
	s9 =	sld [smem:$0x3FB5]  }
0x2f: {  	lr =	sadd.s32 s0, s3;
	s0 =	sld [smem:$0x3FAC]  }
0x30: {  	s3 =	sld [smem:$0x3FAF]  }
0x31: {  	[smem:$0x3FB8] =	sst s10  }
0x32: {  	s10 =	sld [smem:$0x3FB6];
	_ =	sdelay $0x3  }
0x33: {  	p0 =	seq.s32 s10, $0x1;
	s10 =	sld [smem:$0x3FB8];
	_ =	sdelay $0x3  }
0x34: {  	[smem:$0x3FB8] =	sst s10  }
0x35: {  	s10 =	sld [smem:$0x3FB7];
	_ =	sdelay $0x3  }
0x36: {  	p1 =	seq.s32 s10, $0x1;
	s10 =	sld [smem:$0x3FB8];
	_ =	sdelay $0x3  }
0x37: {  	[smem:$0x3FB8] =	sst s10  }
0x38: {  	s10 =	sld [smem:$0x3FB9]  }
0x39: {  	_ = 	snop;
	(pc) =	sbr.ind lr, $3  }
0x3a: {  	_ = 	snop  }
0x3b: {  	_ = 	snop  }
0x3c: {  	p2 =	seq.s32 s10, $0x1;
	s10 =	sld [smem:$0x3FB8]  }
0x3d: {  	_ =	shalt  }
0x3e: {  	_ =	shalt  }
0x3f: {  	_ =	shalt  }
0x40: {  	_ =	shalt  }
0x41: {  	_ =	shalt  }
0x42: {  	_ =	shalt  }
0x43: {  	_ =	shalt  }
0x44: {  	_ =	shalt  }
0x45: {  	_ =	shalt  }
0x46: {  	_ =	shalt  }
0x47: {  	_ =	shalt  }
0x48: {  	_ =	shalt  }
0x49: {  	_ =	shalt  }
0x4a: {  	_ =	shalt  }
0x4b: {  	_ =	shalt  }
0x4c: {  	_ =	shalt  }
0x4d: {  	_ =	shalt  }
0x4e: {  	_ =	shalt  }
0x4f: {  	_ =	shalt  }
0x50: {  	_ =	shalt  }
0x51: {  	_ =	shalt  }
0x52: {  	_ =	shalt  }
0x53: {  	_ =	shalt  }
0x54: {  	_ =	shalt  }
0x55: {  	_ =	shalt  }
0x56: {  	_ =	shalt  }
0x57: {  	_ =	shalt  }
0x58: {  	_ =	shalt  }
0x59: {  	_ =	shalt  }
0x5a: {  	_ =	shalt  }
0x5b: {  	_ =	shalt  }
0x5c: {  	_ =	shalt  }
0x5d: {  	_ =	shalt  }
0x5e: {  	_ =	shalt  }
0x5f: {  	_ =	shalt  }
0x60: {  	_ =	shalt  }
0x61: {  	_ =	shalt  }
0x62: {  	_ =	shalt  }
0x63: {  	_ =	shalt  }
0x64: {  	_ =	shalt  }
0x65: {  	_ =	shalt  }
0x66: {  	_ =	shalt  }
0x67: {  	_ =	shalt  }
0x68: {  	_ =	shalt  }
0x69: {  	_ =	shalt  }
0x6a: {  	_ =	shalt  }
0x6b: {  	_ =	shalt  }
0x6c: {  	_ =	shalt  }
0x6d: {  	_ =	shalt  }
0x6e: {  	_ =	shalt  }
0x6f: {  	_ =	shalt  }
0x70: {  	_ =	shalt  }
0x71: {  	_ =	shalt  }
0x72: {  	_ =	shalt  }
0x73: {  	_ =	shalt  }
0x74: {  	_ =	shalt  }
0x75: {  	_ =	shalt  }
0x76: {  	_ =	shalt  }
0x77: {  	_ =	shalt  }
0x78: {  	_ =	shalt  }
0x79: {  	_ =	shalt  }
0x7a: {  	_ =	shalt  }
0x7b: {  	_ =	shalt  }
0x7c: {  	_ =	shalt  }
0x7d: {  	_ =	shalt  }
0x7e: {  	_ =	shalt  }
0x7f: {  	_ =	shalt  }
0x80: {  	_ =	shalt  }
0x81: {  	_ =	shalt  }
0x82: {  	_ =	shalt  }
0x83: {  	_ =	shalt  }
0x84: {  	_ =	shalt  }
0x85: {  	_ =	shalt  }
0x86: {  	_ =	shalt  }
0x87: {  	_ =	shalt  }
.Lfunc_end0:
.L_simem_size_0:
called_computation.2_lowered:
.L_overlay_start_0:
0x88: {  	s2 =	sld [smem:$0x3FD9]  }
0x89: {  	s3 =	sld [smem:$0x3FFE];
	_ =	sdelay $0x1  }
0x8a: {  	s1 =	srdreg.scid  }
0x8b: {  	s0 =	sand.u32 $0x1, s1  }
0x8c: {  	s17 =	sshll.u32 s0, $0xA;
	s2 =	sadd.s32 s3, s2  }
0x8d: {  	s2 =	sadd.s32 s2, s17  }
0x8e: {  	[smem:$0x3FC4] =	sst s2  }
0x8f: {  	_ = 	snop  }
0x90: {  	s2 =	sld [smem:$0x3FD0];
	(tm) =	ssettm $0x1  }
0x91: {  	s18 =	sld [smem:$0x3FFB];
	_ =	sdelay $0x3  }
0x92: {  	_ =	strace s18  }
0x93: {  	s3 =	sld [smem:$0x3FFC];
	_ =	sdelay $0x3  }
0x94: {  	_ =	strace s3  }
0x95: {  	s3 =	sld [smem:$0x3FFD];
	_ =	sdelay $0x3  }
0x96: {  	_ =	strace s3  }
0x97: {  	_ =	strace $0x8FFFFFFF  }
0x98: {  	s19 =	sld [smem:$0x3FDB];
	_ =	sdelay $0x1  }
0x99: {  	s4 =	simm.s32 $_scs_section_size  }
0x9a: {  	s5 =	simm.s32 $_size__tile_overlayer_lowered;
	s6 =	simm.s32 $_tile_overlayer_lowered  }
0x9b: {  	s22 =	simm.s32 $0x1BFF;
	s21 =	sshll.u32 s6, $0x1;
	s3 =	sadd.s32 s4, s19  }
0x9c: {  	s7 =	simm.s32 $0x0;
	s20 =	sshll.u32 s5, $0x1;
	s5 =	sadd.s32 s21, s3  }
0x9d: {  	[timem:s7], [sflag:s22] =	dma.local [hbm:s5], s20  }
0x9e: {  	_ =	swait.ge [sflag:s22], s20  }
0x9f: {  	s4 =	ssub.s32 $0x0, s20;
	[sflag:s22] =	ssyncset.done $0x0  }
0xa0: {  	[sflag:s22] =	ssyncadd.s32 s4;
	_ =	sdelay $0x1  }
0xa1: {  	s23 =	simm.s32 $0x1B8B  }
0xa2: {  	_ =	swait.ge [sflag:s23], $0x1  }
0xa3: {  	[sflag:s23] =	ssyncset.done $0x0  }
0xa4: {  	s25 =	simm.s32 $0x1B8E;
	s24 =	sld [smem:$0x3FFE];
	[sflag:s23] =	ssyncadd.s32 $0xFFFFFFFF  }
0xa5: {  	s26 =	simm.s32 $execute0_lowered;
	[smem:$0x3FD2] =	sst s25  }
0xa6: {  	s5 =	sshll.u32 s26, $0x1;
	_ =	strace $0x8000004C;
	[dreg:$0x1] =	wrdreg $0xFFFFFFFF  }
0xa7: {  	s28 =	simm.s32 $_size_execute0_lowered;
	s3 =	sadd.s32 s3, s5;
	[dreg:$0x0] =	wrdreg $0x0  }
0xa8: {  	s5 =	sshll.u32 s28, $0x1;
	[dreg:$0x2] =	wrdreg s3  }
0xa9: {  	[dreg:$0x3] =	wrdreg s5  }
0xaa: {  	[dreg:$0x4] =	wrdreg $0xC0  }
0xab: {  	_ =	task [dreg:s7], $0x5FFFF  }
0xac: {  	[dreg:$0x1] =	wrdreg $0xFFFFFFFF  }
0xad: {  	[dreg:$0x0] =	wrdreg $0x60  }
0xae: {  	[dreg:$0x2] =	wrdreg s24  }
0xaf: {  	[dreg:$0x3] =	wrdreg s2  }
0xb0: {  	[dreg:$0x4] =	wrdreg $0xD8000  }
0xb1: {  	[dreg:$0x5] =	wrdreg $0x100000  }
0xb2: {  	[dreg:$0x6] =	wrdreg $0x9  }
0xb3: {  	_ =	task.clear_ibuf [dreg:s7], $0x7FFFF;
	_ =	strace $0x9000004C  }
0xb4: {  	s29 =	simm.s32 $0x9;
	_ =	strace $0x8000004E  }
0xb5: {  	_ =	swait.ge [sflag:s29], $0x1  }
0xb6: {  	[sflag:s29] =	ssyncadd.s32 $0xFFFFFFFF  }
0xb7: {  	_ =	strace $0x9000004E  }
0xb8: {  	_ =	sfence  }
0xb9: {  	s30 =	sld [smem:$0x0];
	_ =	sdelay $0x2  }
0xba: {  	s31 =	sshll.u32 s1, $0xD;
	s1 =	sshrl.u32 s1, $0x2  }
0xbb: {  	s3 =	sand.u32 $0x4000, s31;
	s1 =	sadd.s32 s1, s30  }
0xbc: {  	s0 =	sor.u32 s3, s0;
	s1 =	sshll.u32 s1, $0x11  }
0xbd: {  	s0 =	sor.u32 s1, s0  }
0xbe: {  	s0 =	sadd.s32 $0x8F2B, s0  }
0xbf: {  	[sflag:s0] =	ssyncadd.remote.s32 $0x1  }
0xc0: {  	_ =	sfence.sel $0xFFFF  }
0xc1: {  	[dreg:$0x0] =	wrdreg $0xFFFFFFFF;
	(pc) =	sbr.abs _section_cstart, $3  }
0xc2: {  	[dreg:$0x1] =	wrdreg $0xFFFFFFFF  }
0xc3: {  	_ =	task.clear_ibuf [dreg:s7], $0x2FFFF;
	_ =	strace $0x9FFFFFFF  }
0xc4: {  	(tm) =	ssettm $0x7FFFFFFF  }
0xc5: {  	_ =	shalt  }
tec
execute0_lowered:
.L_overlay_start_1:
0x0: {  	(tag) =	ssettag $0x1  }
0x1: {  	s0 =	rddreg [dreg:$0x0]  }
0x2: {  	s3 =	rddreg [dreg:$0x2]  }
0x3: {  	s4 =	rddreg [dreg:$0x3]  }
0x4: {  	s5 =	simm.s32 $0x0;
	s10 =	stileid.u32;
	s2 =	srdreg.scid  }
0x5: {  	s17 =	simm.s32 $0x1;
	s18 =	simm.s32 $0x2;
	s1 =	smul.u32 $0x2800, s10  }
0x6: {  	s19 =	simm.s32 $0x80;
	s20 =	simm.s32 $0x0;
	s6 =	smul.u32 $0x48, s10  }
0x7: {  	[smem:$0x7FF] =	sst s5;
	s2 =	sand.u32 $0x1, s2;
	s8 =	smul.u32 $0x58, s10  }
0x8: {  	p0 =	seq.s32 s2, $0x0;
	s9 =	smul.u32 $0x28000, s2;
	_ =	strace $0x8000004D  }
0x9: {  	s22 =	ssub.s32 $0x2, s2;
	s7 =	sshrl.u32 s1, $0x3;
	s6 =	sadd.s32 $0x580, s6  }
0xa: {  	s25 =	sshrl.u32 s22, $0x1;
	s14 =	sadd.s32 s1, s3;
	s11 =	sadd.s32 s7, s0  }
0xb: {  	s6 =	smov.u32 @p0 s8;
	s21 =	sadd.s32 s1, s9;
	s13 =	ssub.s32 s22, s25  }
0xc: {  	s8 =	sshll.u32 s10, $0x6;
	s1 =	sadd.s32 s1, s4;
	s15 =	sshrl.u32 s14, $0x3  }
0xd: {  	s14 =	simm.s32 $0x3;
	s6 =	sshll.u32 s6, $0x4;
	s29 =	sadd.s32 $0x16800, s11  }
0xe: {  	s24 =	sshrl.u32 s21, $0x3;
	s30 =	smax.u32 s13, $0x1;
	[dreg:$0x7] =	wrdreg s29  }
0xf: {  	s31 =	sshrl.u32 s1, $0x3;
	s23 =	sadd.s32 s6, s0;
	[dreg:$0x9] =	wrdreg s30  }
0x10: {  	s10 =	sor.u32 $0x1C02, s8;
	[dreg:$0xa] =	wrdreg s31;
	s26 =	sadd.s32 $0x2800, s23  }
0x11: {  	s0 =	sadd.s32 s24, s0;
	s28 =	sadd.s32 $0xC800, s23;
	[dreg:$0x5] =	wrdreg s26  }
0x12: {  	s6 =	simm.s32 $0xB;
	s0 =	sadd.s32 $0x1B800, s0;
	[dreg:$0x6] =	wrdreg s28  }
0x13: {  	s6 =	simm.s32 @!p0 $0x9;
	p0 =	sne.s32 s2, $0x0;
	[dreg:$0x8] =	wrdreg s0  }
.LBB2_1:
0x14: {  	s0 =	rddreg [dreg:$0x5]  }
0x15: {  	[tilespmem:s5], [sflag:$0x1] =	stream.linear.gather [hbm4b:s0+s5], $0x2C00, $0x38;
	[tilespmem:$0x12800] =	vst v63  }
0x16: {  	s31 =	rddreg [dreg:$0x6];
	s1 =	simm.s32 $0x2C00  }
0x17: {  	[tilespmem:s1], [sflag:$0x1] =	stream.linear.gather [hbm4b:s31+s5], $0x2C00, $0x38;
	[tilespmem:$0x12800] =	vst v63  }
0x18: {  	s1 =	rddreg [dreg:$0x1]  }
0x19: {  	[spmem:s15], [sflag:s10] =	dma.local [hbm:s1], $0x500  }
0x1a: {  	s0 =	rddreg [dreg:$0x7]  }
0x1b: {  	s2 =	rddreg [dreg:$0xa]  }
0x1c: {  	[spmem:s2], [sflag:s10] =	dma.local [hbm:s0], $0x500  }
0x1d: {  	_ =	swait.ge [sflag:s17], $0x2C00  }
0x1e: {  	[sflag:s17] =	ssyncset.done $0x0  }
0x1f: {  	[sflag:s17] =	ssyncadd.s32 $0xFFFFD400  }
0x20: {  	_ =	swait.ge [sflag:s17], $0x2C00  }
0x21: {  	[sflag:s17] =	ssyncset.done $0x0  }
0x22: {  	[sflag:s17] =	ssyncadd.s32 $0xFFFFD400  }
0x23: {  	_ =	swait.ge [sflag:s18], $0x500  }
0x24: {  	[sflag:s18] =	ssyncset.done $0x0  }
0x25: {  	[sflag:s18] =	ssyncadd.s32 $0xFFFFFB00  }
0x26: {  	_ =	swait.ge [sflag:s18], $0x500  }
0x27: {  	[sflag:s18] =	ssyncset.done $0x0  }
0x28: {  	[sflag:s18] =	ssyncadd.s32 $0xFFFFFB00  }
0x29: {  	s7 =	simm.s32 $0x5800;
	[bflag:$0x0] =	sbarrier.arrive $0xFFFF  }
0x2a: {  	[tilespmem:s7], [sflag:$0x1] =	stream.indirect.gather [spmem:s4], $0x10, s5, s19, $0xb8;
	[tilespmem:$0x12800] =	vst v63  }
0x2b: {  	s9 =	simm.s32 $0x6000  }
0x2c: {  	[tilespmem:s9], [sflag:$0x1] =	stream.indirect.gather [spmem:s4], $0x10, s19, s19, $0xb8;
	[tilespmem:$0x12800] =	vst v63  }
0x2d: {  	s11 =	simm.s32 $0x100;
	s12 =	simm.s32 $0x6800  }
0x2e: {  	[tilespmem:s12], [sflag:$0x1] =	stream.indirect.gather [spmem:s4], $0x10, s11, s19, $0xb8;
	[tilespmem:$0x12800] =	vst v63  }
0x2f: {  	s13 =	simm.s32 $0x180;
	s16 =	simm.s32 $0x7000  }
0x30: {  	[tilespmem:s16], [sflag:$0x1] =	stream.indirect.gather [spmem:s4], $0x10, s13, s19, $0xb8;
	[tilespmem:$0x12800] =	vst v63  }
0x31: {  	s21 =	simm.s32 $0x200;
	s22 =	simm.s32 $0x7800  }
0x32: {  	[tilespmem:s22], [sflag:$0x1] =	stream.indirect.gather [spmem:s4], $0x10, s21, s19, $0xb8;
	[tilespmem:$0x12800] =	vst v63  }
0x33: {  	s23 =	simm.s32 $0x280;
	s24 =	simm.s32 $0x8000  }
0x34: {  	[tilespmem:s24], [sflag:$0x1] =	stream.indirect.gather [spmem:s4], $0x10, s23, s19, $0xb8;
	[tilespmem:$0x12800] =	vst v63  }
0x35: {  	s25 =	simm.s32 $0x300;
	s26 =	simm.s32 $0x8800;
	p1 =	sle.u32 s6, $0xFFFFFFFF  }
0x36: {  	[tilespmem:s26], [sflag:$0x1] =	stream.indirect.gather [spmem:s4], $0x10, s25, s19, $0xb8;
	[tilespmem:$0x12800] =	vst v63  }
0x37: {  	s28 =	simm.s32 $0x380;
	s31 =	simm.s32 $0x9000;
	s21 =	simm.s32 @!p1 $0x2  }
0x38: {  	[tilespmem:s31], [sflag:$0x1] =	stream.indirect.gather [spmem:s4], $0x10, s28, s19, $0xb8;
	[tilespmem:$0x12800] =	vst v63  }
0x39: {  	_ =	swait.ge @!p1 [sflag:s21], $0x800  }
0x3a: {  	[sflag:s21] =	ssyncset.done @!p1 $0x0  }
0x3b: {  	[sflag:s21] =	ssyncadd.s32 @!p1 $0xFFFFF800  }
0x3c: {  	_ =	swait.ge @!p1 [sflag:s21], $0x800  }
0x3d: {  	[sflag:s21] =	ssyncset.done @!p1 $0x0  }
0x3e: {  	[sflag:s21] =	ssyncadd.s32 @!p1 $0xFFFFF800  }
0x3f: {  	_ =	swait.ge @!p1 [sflag:s21], $0x800  }
0x40: {  	[sflag:s21] =	ssyncset.done @!p1 $0x0  }
0x41: {  	[sflag:s21] =	ssyncadd.s32 @!p1 $0xFFFFF800  }
0x42: {  	_ =	swait.ge @!p1 [sflag:s21], $0x800  }
0x43: {  	[sflag:s21] =	ssyncset.done @!p1 $0x0  }
0x44: {  	[sflag:s21] =	ssyncadd.s32 @!p1 $0xFFFFF800  }
0x45: {  	_ =	swait.ge @!p1 [sflag:s21], $0x800  }
0x46: {  	[sflag:s21] =	ssyncset.done @!p1 $0x0  }
0x47: {  	[sflag:s21] =	ssyncadd.s32 @!p1 $0xFFFFF800  }
0x48: {  	_ =	swait.ge @!p1 [sflag:s21], $0x800  }
0x49: {  	[sflag:s21] =	ssyncset.done @!p1 $0x0  }
0x4a: {  	[sflag:s21] =	ssyncadd.s32 @!p1 $0xFFFFF800  }
0x4b: {  	_ =	swait.ge @!p1 [sflag:s21], $0x800  }
0x4c: {  	[sflag:s21] =	ssyncset.done @!p1 $0x0  }
0x4d: {  	p2 =	sle.u32 s6, $0x1;
	s22 =	sand.u32 $0x1, s5;
	[sflag:s21] =	ssyncadd.s32 @!p1 $0xFFFFF800  }
0x4e: {  	s23 =	sshll.u32 @!p2 s22, $0xE;
	_ =	swait.ge @!p1 [sflag:s21], $0x800  }
0x4f: {  	s24 =	ssub.s32 @!p2 $0x9800, s23;
	[sflag:s21] =	ssyncset.done @!p1 $0x0  }
0x50: {  	s25 =	simm.s32 @!p2 $0x400;
	[sflag:s21] =	ssyncadd.s32 @!p1 $0xFFFFF800;
	s21 =	simm.s32 @!p2 $0x80  }
0x51: {  	[tilespmem:s24], [sflag:$0x1] =	stream.indirect.gather @!p2 [spmem:s4], $0x10, s25, s21, $0xb8;
	[tilespmem:$0x12800] =	vst v63  }
0x52: {  	s24 =	ssub.s32 @!p2 $0xA000, s23;
	s25 =	simm.s32 @!p2 $0x480  }
0x53: {  	[tilespmem:s24], [sflag:$0x1] =	stream.indirect.gather @!p2 [spmem:s4], $0x10, s25, s21, $0xb8;
	[tilespmem:$0x12800] =	vst v63  }
0x54: {  	s24 =	ssub.s32 @!p2 $0xA800, s23;
	s25 =	simm.s32 @!p2 $0x500  }
0x55: {  	[tilespmem:s24], [sflag:$0x1] =	stream.indirect.gather @!p2 [spmem:s4], $0x10, s25, s21, $0xb8;
	[tilespmem:$0x12800] =	vst v63  }
0x56: {  	s24 =	ssub.s32 @!p2 $0xB000, s23;
	s25 =	simm.s32 @!p2 $0x580  }
0x57: {  	[tilespmem:s24], [sflag:$0x1] =	stream.indirect.gather @!p2 [spmem:s4], $0x10, s25, s21, $0xb8;
	[tilespmem:$0x12800] =	vst v63  }
0x58: {  	s24 =	simm.s32 @!p2 $0x600;
	s25 =	ssub.s32 @!p2 $0xB800, s23  }
0x59: {  	[tilespmem:s25], [sflag:$0x1] =	stream.indirect.gather @!p2 [spmem:s4], $0x10, s24, s21, $0xb8;
	[tilespmem:$0x12800] =	vst v63  }
0x5a: {  	s24 =	sxor.u32 @!p2 $0xC000, s23;
	s25 =	simm.s32 @!p2 $0x680  }
0x5b: {  	[tilespmem:s24], [sflag:$0x1] =	stream.indirect.gather @!p2 [spmem:s4], $0x10, s25, s21, $0xb8;
	[tilespmem:$0x12800] =	vst v63  }
0x5c: {  	p1 =	sle.u32 s6, $0x0;
	s24 =	sxor.u32 @!p2 $0xC800, s23;
	s25 =	simm.s32 @!p2 $0x700  }
0x5d: {  	[tilespmem:s24], [sflag:$0x1] =	stream.indirect.gather @!p2 [spmem:s4], $0x10, s25, s21, $0xb8;
	[tilespmem:$0x12800] =	vst v63  }
0x5e: {  	s23 =	sxor.u32 @!p2 $0xD000, s23;
	s24 =	simm.s32 @!p2 $0x780;
	s25 =	simm.s32 @!p1 $0x1  }
0x5f: {  	[tilespmem:s23], [sflag:$0x1] =	stream.indirect.gather @!p2 [spmem:s4], $0x10, s24, s21, $0xb8;
	[tilespmem:$0x12800] =	vst v63  }
0x60: {  	_ =	swait.ge @!p1 [sflag:s25], $0x800  }
0x61: {  	s26 =	simm.s32 @!p1 $0x80;
	s24 =	sshll.u32 @!p1 s22, $0xE;
	[sflag:s25] =	ssyncset.done @!p1 $0x0  }
0x62: {  	s21 =	simm.s32 @!p1 $0x2C00;
	s22 =	sadd.s32 @!p1 $0x5800, s24;
	[sflag:s25] =	ssyncadd.s32 @!p1 $0xFFFFF800  }
0x63: {  	[spmem:s3] =	stream.indirect.scatter.add.f32 @!p1 [tilespmem:s22], [sflag:$0x2], $0x10, s21, s26, $0xb8;
	[tilespmem:$0x12800] =	vst v63  }
0x64: {  	_ =	swait.ge @!p1 [sflag:s25], $0x800  }
0x65: {  	[sflag:s25] =	ssyncset.done @!p1 $0x0  }
0x66: {  	s21 =	simm.s32 @!p1 $0x2C80;
	s22 =	sadd.s32 @!p1 $0x6000, s24;
	[sflag:s25] =	ssyncadd.s32 @!p1 $0xFFFFF800  }
0x67: {  	[spmem:s3] =	stream.indirect.scatter.add.f32 @!p1 [tilespmem:s22], [sflag:$0x2], $0x10, s21, s26, $0xb8;
	[tilespmem:$0x12800] =	vst v63  }
0x68: {  	_ =	swait.ge @!p1 [sflag:s25], $0x800  }
0x69: {  	[sflag:s25] =	ssyncset.done @!p1 $0x0  }
0x6a: {  	s21 =	simm.s32 @!p1 $0x2D00;
	s22 =	sadd.s32 @!p1 $0x6800, s24;
	[sflag:s25] =	ssyncadd.s32 @!p1 $0xFFFFF800  }
0x6b: {  	[spmem:s3] =	stream.indirect.scatter.add.f32 @!p1 [tilespmem:s22], [sflag:$0x2], $0x10, s21, s26, $0xb8;
	[tilespmem:$0x12800] =	vst v63  }
0x6c: {  	_ =	swait.ge @!p1 [sflag:s25], $0x800  }
0x6d: {  	[sflag:s25] =	ssyncset.done @!p1 $0x0  }
0x6e: {  	s21 =	simm.s32 @!p1 $0x2D80;
	s22 =	sadd.s32 @!p1 $0x7000, s24;
	[sflag:s25] =	ssyncadd.s32 @!p1 $0xFFFFF800  }
0x6f: {  	[spmem:s3] =	stream.indirect.scatter.add.f32 @!p1 [tilespmem:s22], [sflag:$0x2], $0x10, s21, s26, $0xb8;
	[tilespmem:$0x12800] =	vst v63  }
0x70: {  	_ =	swait.ge @!p1 [sflag:s25], $0x800  }
0x71: {  	[sflag:s25] =	ssyncset.done @!p1 $0x0  }
0x72: {  	s21 =	simm.s32 @!p1 $0x2E00;
	s22 =	sadd.s32 @!p1 $0x7800, s24;
	[sflag:s25] =	ssyncadd.s32 @!p1 $0xFFFFF800  }
0x73: {  	[spmem:s3] =	stream.indirect.scatter.add.f32 @!p1 [tilespmem:s22], [sflag:$0x2], $0x10, s21, s26, $0xb8;
	[tilespmem:$0x12800] =	vst v63  }
0x74: {  	_ =	swait.ge @!p1 [sflag:s25], $0x800  }
0x75: {  	p3 =	sle.u32 s6, $0x0;
	[sflag:s25] =	ssyncset.done @!p1 $0x0  }
0x76: {  	s21 =	simm.s32 @!p1 $0x2E80;
	s22 =	sor.u32 @!p1 $0x8000, s24;
	[sflag:s25] =	ssyncadd.s32 @!p1 $0xFFFFF800  }
0x77: {  	[spmem:s3] =	stream.indirect.scatter.add.f32 @!p1 [tilespmem:s22], [sflag:$0x2], $0x10, s21, s26, $0xb8;
	[tilespmem:$0x12800] =	vst v63  }
0x78: {  	s30 =	simm.s32 @!p1 $0x2F80;
	s23 =	simm.s32 $0x2000;
	_ =	swait.ge @!p1 [sflag:s25], $0x800  }
0x79: {  	s28 =	sor.u32 @!p1 $0x8800, s24;
	s29 =	sor.u32 @!p1 $0x9000, s24;
	[sflag:s25] =	ssyncset.done @!p1 $0x0  }
0x7a: {  	s24 =	simm.s32 $0x1;
	s22 =	simm.s32 @!p1 $0x2F00;
	[sflag:s25] =	ssyncadd.s32 @!p1 $0xFFFFF800  }
0x7b: {  	[spmem:s3] =	stream.indirect.scatter.add.f32 @!p1 [tilespmem:s28], [sflag:$0x2], $0x10, s22, s26, $0xb8;
	[tilespmem:$0x12800] =	vst v63  }
0x7c: {  	s21 =	simm.s32 $0x1000;
	s22 =	simm.s32 $0x1;
	_ =	swait.ge @!p1 [sflag:s25], $0x800  }
.LBB2_2:
0x7d: {  	s31 =	simm.s32 @!p3 $0x2  }
0x7e: {  	[sflag:s25] =	ssyncset.done @!p1 $0x0;
	s28 =	smov.u32 s23;
	s23 =	sadd.s32 $0x1000, s23  }
0x7f: {  	p2 =	sne.s32 s23, $0xB000;
	[sflag:s25] =	ssyncadd.s32 @!p1 $0xFFFFF800  }
0x80: {  	[spmem:s3] =	stream.indirect.scatter.add.f32 @!p1 [tilespmem:s29], [sflag:$0x2], $0x10, s30, s26, $0xb8;
	[tilespmem:$0x12800] =	vst v63  }
0x81: {  	_ =	swait.ge @!p3 [sflag:s31], $0x800  }
0x82: {  	[sflag:s31] =	ssyncset.done @!p3 $0x0  }
0x83: {  	[sflag:s31] =	ssyncadd.s32 @!p3 $0xFFFFF800  }
0x84: {  	_ =	swait.ge @!p3 [sflag:s31], $0x800  }
0x85: {  	[sflag:s31] =	ssyncset.done @!p3 $0x0  }
0x86: {  	[sflag:s31] =	ssyncadd.s32 @!p3 $0xFFFFF800  }
0x87: {  	_ =	swait.ge @!p3 [sflag:s31], $0x800  }
0x88: {  	[sflag:s31] =	ssyncset.done @!p3 $0x0  }
0x89: {  	[sflag:s31] =	ssyncadd.s32 @!p3 $0xFFFFF800  }
0x8a: {  	_ =	swait.ge @!p3 [sflag:s31], $0x800  }
0x8b: {  	[sflag:s31] =	ssyncset.done @!p3 $0x0  }
0x8c: {  	[sflag:s31] =	ssyncadd.s32 @!p3 $0xFFFFF800  }
0x8d: {  	_ =	swait.ge @!p3 [sflag:s31], $0x800  }
0x8e: {  	[sflag:s31] =	ssyncset.done @!p3 $0x0  }
0x8f: {  	[sflag:s31] =	ssyncadd.s32 @!p3 $0xFFFFF800  }
0x90: {  	_ =	swait.ge @!p3 [sflag:s31], $0x800  }
0x91: {  	[sflag:s31] =	ssyncset.done @!p3 $0x0  }
0x92: {  	[sflag:s31] =	ssyncadd.s32 @!p3 $0xFFFFF800  }
0x93: {  	_ =	swait.ge @!p3 [sflag:s31], $0x800  }
0x94: {  	s22 =	sadd.s32 $0x1, s22;
	p1 =	sge.u32 s24, s6;
	[sflag:s31] =	ssyncset.done @!p3 $0x0  }
0x95: {  	p4 =	sge.u32 s22, s6;
	s24 =	sand.u32 $0x1, s24;
	[sflag:s31] =	ssyncadd.s32 @!p3 $0xFFFFF800  }
0x96: {  	s26 =	sshra.s32 @!p4 s21, $0x2;
	s25 =	sshll.u32 @!p4 s24, $0xE;
	_ =	swait.ge @!p3 [sflag:s31], $0x800  }
0x97: {  	s30 =	sadd.s32 @!p4 $0x400, s26;
	s29 =	ssub.s32 @!p4 $0x9800, s25;
	[sflag:s31] =	ssyncset.done @!p3 $0x0  }
0x98: {  	s0 =	simm.s32 @!p4 $0x80;
	[sflag:s31] =	ssyncadd.s32 @!p3 $0xFFFFF800;
	s31 =	ssub.s32 @!p4 $0xA000, s25  }
0x99: {  	[tilespmem:s29], [sflag:$0x1] =	stream.indirect.gather @!p4 [spmem:s4], $0x10, s30, s0, $0xb8;
	[tilespmem:$0x12800] =	vst v63  }
0x9a: {  	s2 =	sadd.s32 @!p4 $0x500, s26;
	s29 =	sadd.s32 @!p4 $0x480, s26;
	s30 =	ssub.s32 @!p4 $0xA800, s25  }
0x9b: {  	[tilespmem:s31], [sflag:$0x1] =	stream.indirect.gather @!p4 [spmem:s4], $0x10, s29, s0, $0xb8;
	[tilespmem:$0x12800] =	vst v63  }
0x9c: {  	s1 =	sadd.s32 @!p4 $0x600, s26;
	s29 =	ssub.s32 @!p4 $0xB000, s25;
	s31 =	sadd.s32 @!p4 $0x580, s26  }
0x9d: {  	[tilespmem:s30], [sflag:$0x1] =	stream.indirect.gather @!p4 [spmem:s4], $0x10, s2, s0, $0xb8;
	[tilespmem:$0x12800] =	vst v63  }
0x9e: {  	s7 =	sadd.s32 @!p4 $0x680, s26;
	s2 =	ssub.s32 @!p4 $0xB800, s25;
	s30 =	sxor.u32 @!p4 $0xC000, s25  }
0x9f: {  	[tilespmem:s29], [sflag:$0x1] =	stream.indirect.gather @!p4 [spmem:s4], $0x10, s31, s0, $0xb8;
	[tilespmem:$0x12800] =	vst v63  }
0xa0: {  	s11 =	sadd.s32 @!p4 $0x700, s26;
	s9 =	sxor.u32 @!p4 $0xC800, s25;
	s12 =	sxor.u32 @!p4 $0xD000, s25  }
0xa1: {  	[tilespmem:s2], [sflag:$0x1] =	stream.indirect.gather @!p4 [spmem:s4], $0x10, s1, s0, $0xb8;
	[tilespmem:$0x12800] =	vst v63  }
0xa2: {  	s31 =	sshll.u32 @!p1 s24, $0xE;
	s1 =	sadd.s32 @!p4 $0x780, s26;
	s2 =	sshra.s32 @!p1 s21, $0x2  }
0xa3: {  	[tilespmem:s30], [sflag:$0x1] =	stream.indirect.gather @!p4 [spmem:s4], $0x10, s7, s0, $0xb8;
	[tilespmem:$0x12800] =	vst v63  }
0xa4: {  	s29 =	sor.u32 @!p1 $0x9000, s31;
	s13 =	sadd.s32 @!p1 $0x2C80, s2;
	s7 =	sadd.s32 @!p1 $0x2C00, s2  }
0xa5: {  	[tilespmem:s9], [sflag:$0x1] =	stream.indirect.gather @!p4 [spmem:s4], $0x10, s11, s0, $0xb8;
	[tilespmem:$0x12800] =	vst v63  }
0xa6: {  	s25 =	simm.s32 @!p1 $0x1;
	s9 =	sadd.s32 @!p1 $0x2D00, s2;
	s11 =	sadd.s32 @!p1 $0x2D80, s2  }
0xa7: {  	[tilespmem:s12], [sflag:$0x1] =	stream.indirect.gather @!p4 [spmem:s4], $0x10, s1, s0, $0xb8;
	[tilespmem:$0x12800] =	vst v63  }
0xa8: {  	s0 =	sadd.s32 @!p1 $0x2E00, s2;
	s1 =	sadd.s32 @!p1 $0x2E80, s2;
	_ =	swait.ge @!p1 [sflag:s25], $0x800  }
0xa9: {  	s26 =	simm.s32 @!p1 $0x80;
	s12 =	sadd.s32 @!p1 $0x5800, s31;
	[sflag:s25] =	ssyncset.done @!p1 $0x0  }
0xaa: {  	s16 =	sadd.s32 @!p1 $0x2F00, s2;
	s30 =	sadd.s32 @!p1 $0x2F80, s2;
	[sflag:s25] =	ssyncadd.s32 @!p1 $0xFFFFF800  }
0xab: {  	[spmem:s3] =	stream.indirect.scatter.add.f32 @!p1 [tilespmem:s12], [sflag:$0x2], $0x10, s7, s26, $0xb8;
	[tilespmem:$0x12800] =	vst v63  }
0xac: {  	s24 =	smov.u32 s22;
	s21 =	smov.u32 s28;
	_ =	swait.ge @!p1 [sflag:s25], $0x800  }
0xad: {  	s2 =	sadd.s32 @!p1 $0x6000, s31;
	[sflag:s25] =	ssyncset.done @!p1 $0x0  }
0xae: {  	[sflag:s25] =	ssyncadd.s32 @!p1 $0xFFFFF800  }
0xaf: {  	[spmem:s3] =	stream.indirect.scatter.add.f32 @!p1 [tilespmem:s2], [sflag:$0x2], $0x10, s13, s26, $0xb8;
	[tilespmem:$0x12800] =	vst v63  }
0xb0: {  	_ =	swait.ge @!p1 [sflag:s25], $0x800  }
0xb1: {  	s2 =	sadd.s32 @!p1 $0x6800, s31;
	[sflag:s25] =	ssyncset.done @!p1 $0x0  }
0xb2: {  	[sflag:s25] =	ssyncadd.s32 @!p1 $0xFFFFF800  }
0xb3: {  	[spmem:s3] =	stream.indirect.scatter.add.f32 @!p1 [tilespmem:s2], [sflag:$0x2], $0x10, s9, s26, $0xb8;
	[tilespmem:$0x12800] =	vst v63  }
0xb4: {  	_ =	swait.ge @!p1 [sflag:s25], $0x800  }
0xb5: {  	s2 =	sadd.s32 @!p1 $0x7000, s31;
	[sflag:s25] =	ssyncset.done @!p1 $0x0  }
0xb6: {  	[sflag:s25] =	ssyncadd.s32 @!p1 $0xFFFFF800  }
0xb7: {  	[spmem:s3] =	stream.indirect.scatter.add.f32 @!p1 [tilespmem:s2], [sflag:$0x2], $0x10, s11, s26, $0xb8;
	[tilespmem:$0x12800] =	vst v63  }
0xb8: {  	_ =	swait.ge @!p1 [sflag:s25], $0x800  }
0xb9: {  	s2 =	sadd.s32 @!p1 $0x7800, s31;
	[sflag:s25] =	ssyncset.done @!p1 $0x0  }
0xba: {  	[sflag:s25] =	ssyncadd.s32 @!p1 $0xFFFFF800  }
0xbb: {  	[spmem:s3] =	stream.indirect.scatter.add.f32 @!p1 [tilespmem:s2], [sflag:$0x2], $0x10, s0, s26, $0xb8;
	[tilespmem:$0x12800] =	vst v63  }
0xbc: {  	_ =	swait.ge @!p1 [sflag:s25], $0x800  }
0xbd: {  	s0 =	sor.u32 @!p1 $0x8000, s31;
	[sflag:s25] =	ssyncset.done @!p1 $0x0  }
0xbe: {  	[sflag:s25] =	ssyncadd.s32 @!p1 $0xFFFFF800  }
0xbf: {  	[spmem:s3] =	stream.indirect.scatter.add.f32 @!p1 [tilespmem:s0], [sflag:$0x2], $0x10, s1, s26, $0xb8;
	[tilespmem:$0x12800] =	vst v63  }
.Ltmp0:
0xc0: {  	_ =	swait.ge @!p1 [sflag:s25], $0x800;
	(pc) =	sbr.rel @p2 .LBB2_2-.Ltmp0, $4  }
0xc1: {  	s0 =	sor.u32 @!p1 $0x8800, s31;
	[sflag:s25] =	ssyncset.done @!p1 $0x0  }
0xc2: {  	s1 =	sadd.s32 $0xFFFFFFFF, s22;
	[sflag:s25] =	ssyncadd.s32 @!p1 $0xFFFFF800  }
0xc3: {  	[spmem:s3] =	stream.indirect.scatter.add.f32 @!p1 [tilespmem:s0], [sflag:$0x2], $0x10, s16, s26, $0xb8;
	[tilespmem:$0x12800] =	vst v63  }
0xc4: {  	p3 =	sge.u32 s1, s6;
	_ =	swait.ge @!p1 [sflag:s25], $0x800  }
0xc5: {  	[sflag:s25] =	ssyncset.done @!p1 $0x0  }
0xc6: {  	s0 =	simm.s32 @!p3 $0x2;
	[sflag:s25] =	ssyncadd.s32 @!p1 $0xFFFFF800  }
0xc7: {  	[spmem:s3] =	stream.indirect.scatter.add.f32 @!p1 [tilespmem:s29], [sflag:$0x2], $0x10, s30, s26, $0xb8;
	[tilespmem:$0x12800] =	vst v63  }
0xc8: {  	_ =	swait.ge @!p3 [sflag:s0], $0x800  }
0xc9: {  	[sflag:s0] =	ssyncset.done @!p3 $0x0  }
0xca: {  	[sflag:s0] =	ssyncadd.s32 @!p3 $0xFFFFF800  }
0xcb: {  	_ =	swait.ge @!p3 [sflag:s0], $0x800  }
0xcc: {  	[sflag:s0] =	ssyncset.done @!p3 $0x0  }
0xcd: {  	[sflag:s0] =	ssyncadd.s32 @!p3 $0xFFFFF800  }
0xce: {  	_ =	swait.ge @!p3 [sflag:s0], $0x800  }
0xcf: {  	[sflag:s0] =	ssyncset.done @!p3 $0x0  }
0xd0: {  	[sflag:s0] =	ssyncadd.s32 @!p3 $0xFFFFF800  }
0xd1: {  	_ =	swait.ge @!p3 [sflag:s0], $0x800  }
0xd2: {  	[sflag:s0] =	ssyncset.done @!p3 $0x0  }
0xd3: {  	[sflag:s0] =	ssyncadd.s32 @!p3 $0xFFFFF800  }
0xd4: {  	_ =	swait.ge @!p3 [sflag:s0], $0x800  }
0xd5: {  	[sflag:s0] =	ssyncset.done @!p3 $0x0  }
0xd6: {  	[sflag:s0] =	ssyncadd.s32 @!p3 $0xFFFFF800  }
0xd7: {  	_ =	swait.ge @!p3 [sflag:s0], $0x800  }
0xd8: {  	[sflag:s0] =	ssyncset.done @!p3 $0x0  }
0xd9: {  	[sflag:s0] =	ssyncadd.s32 @!p3 $0xFFFFF800  }
0xda: {  	_ =	swait.ge @!p3 [sflag:s0], $0x800  }
0xdb: {  	s1 =	sadd.s32 $0x1, s22;
	[sflag:s0] =	ssyncset.done @!p3 $0x0  }
0xdc: {  	s2 =	sand.u32 $0x1, s24;
	p2 =	sge.u32 s1, s6;
	[sflag:s0] =	ssyncadd.s32 @!p3 $0xFFFFF800  }
0xdd: {  	s1 =	sshll.u32 @!p2 s2, $0xE;
	_ =	swait.ge @!p3 [sflag:s0], $0x800  }
0xde: {  	s7 =	sshra.s32 @!p2 s21, $0x2;
	s9 =	ssub.s32 @!p2 $0x9800, s1;
	[sflag:s0] =	ssyncset.done @!p3 $0x0  }
0xdf: {  	s11 =	sadd.s32 @!p2 $0x400, s7;
	[sflag:s0] =	ssyncadd.s32 @!p3 $0xFFFFF800;
	s0 =	simm.s32 @!p2 $0x80  }
0xe0: {  	[tilespmem:s9], [sflag:$0x1] =	stream.indirect.gather @!p2 [spmem:s4], $0x10, s11, s0, $0xb8;
	[tilespmem:$0x12800] =	vst v63  }
0xe1: {  	s9 =	ssub.s32 @!p2 $0xA000, s1;
	s11 =	sadd.s32 @!p2 $0x480, s7  }
0xe2: {  	[tilespmem:s9], [sflag:$0x1] =	stream.indirect.gather @!p2 [spmem:s4], $0x10, s11, s0, $0xb8;
	[tilespmem:$0x12800] =	vst v63  }
0xe3: {  	s9 =	ssub.s32 @!p2 $0xA800, s1;
	s11 =	sadd.s32 @!p2 $0x500, s7  }
0xe4: {  	[tilespmem:s9], [sflag:$0x1] =	stream.indirect.gather @!p2 [spmem:s4], $0x10, s11, s0, $0xb8;
	[tilespmem:$0x12800] =	vst v63  }
0xe5: {  	s9 =	ssub.s32 @!p2 $0xB000, s1;
	s11 =	sadd.s32 @!p2 $0x580, s7  }
0xe6: {  	[tilespmem:s9], [sflag:$0x1] =	stream.indirect.gather @!p2 [spmem:s4], $0x10, s11, s0, $0xb8;
	[tilespmem:$0x12800] =	vst v63  }
0xe7: {  	s9 =	sadd.s32 @!p2 $0x600, s7;
	s11 =	ssub.s32 @!p2 $0xB800, s1  }
0xe8: {  	[tilespmem:s11], [sflag:$0x1] =	stream.indirect.gather @!p2 [spmem:s4], $0x10, s9, s0, $0xb8;
	[tilespmem:$0x12800] =	vst v63  }
0xe9: {  	s9 =	sxor.u32 @!p2 $0xC000, s1;
	s11 =	sadd.s32 @!p2 $0x680, s7  }
0xea: {  	[tilespmem:s9], [sflag:$0x1] =	stream.indirect.gather @!p2 [spmem:s4], $0x10, s11, s0, $0xb8;
	[tilespmem:$0x12800] =	vst v63  }
0xeb: {  	p1 =	sge.u32 s24, s6;
	s9 =	sxor.u32 @!p2 $0xC800, s1;
	s11 =	sadd.s32 @!p2 $0x700, s7  }
0xec: {  	[tilespmem:s9], [sflag:$0x1] =	stream.indirect.gather @!p2 [spmem:s4], $0x10, s11, s0, $0xb8;
	[tilespmem:$0x12800] =	vst v63  }
0xed: {  	s1 =	sxor.u32 @!p2 $0xD000, s1;
	s7 =	sadd.s32 @!p2 $0x780, s7;
	s9 =	simm.s32 @!p1 $0x1  }
0xee: {  	[tilespmem:s1], [sflag:$0x1] =	stream.indirect.gather @!p2 [spmem:s4], $0x10, s7, s0, $0xb8;
	[tilespmem:$0x12800] =	vst v63  }
0xef: {  	s11 =	simm.s32 @!p1 $0x80;
	_ =	swait.ge @!p1 [sflag:s9], $0x800  }
0xf0: {  	s0 =	sshra.s32 @!p1 s21, $0x2;
	s1 =	sshll.u32 @!p1 s2, $0xE;
	[sflag:s9] =	ssyncset.done @!p1 $0x0  }
0xf1: {  	s2 =	sadd.s32 @!p1 $0x2C00, s0;
	s7 =	sadd.s32 @!p1 $0x5800, s1;
	[sflag:s9] =	ssyncadd.s32 @!p1 $0xFFFFF800  }
0xf2: {  	[spmem:s3] =	stream.indirect.scatter.add.f32 @!p1 [tilespmem:s7], [sflag:$0x2], $0x10, s2, s11, $0xb8;
	[tilespmem:$0x12800] =	vst v63  }
0xf3: {  	_ =	swait.ge @!p1 [sflag:s9], $0x800  }
0xf4: {  	[sflag:s9] =	ssyncset.done @!p1 $0x0  }
0xf5: {  	s2 =	sadd.s32 @!p1 $0x2C80, s0;
	s7 =	sadd.s32 @!p1 $0x6000, s1;
	[sflag:s9] =	ssyncadd.s32 @!p1 $0xFFFFF800  }
0xf6: {  	[spmem:s3] =	stream.indirect.scatter.add.f32 @!p1 [tilespmem:s7], [sflag:$0x2], $0x10, s2, s11, $0xb8;
	[tilespmem:$0x12800] =	vst v63  }
0xf7: {  	_ =	swait.ge @!p1 [sflag:s9], $0x800  }
0xf8: {  	[sflag:s9] =	ssyncset.done @!p1 $0x0  }
0xf9: {  	s2 =	sadd.s32 @!p1 $0x2D00, s0;
	s7 =	sadd.s32 @!p1 $0x6800, s1;
	[sflag:s9] =	ssyncadd.s32 @!p1 $0xFFFFF800  }
0xfa: {  	[spmem:s3] =	stream.indirect.scatter.add.f32 @!p1 [tilespmem:s7], [sflag:$0x2], $0x10, s2, s11, $0xb8;
	[tilespmem:$0x12800] =	vst v63  }
0xfb: {  	_ =	swait.ge @!p1 [sflag:s9], $0x800  }
0xfc: {  	[sflag:s9] =	ssyncset.done @!p1 $0x0  }
0xfd: {  	s2 =	sadd.s32 @!p1 $0x2D80, s0;
	s7 =	sadd.s32 @!p1 $0x7000, s1;
	[sflag:s9] =	ssyncadd.s32 @!p1 $0xFFFFF800  }
0xfe: {  	[spmem:s3] =	stream.indirect.scatter.add.f32 @!p1 [tilespmem:s7], [sflag:$0x2], $0x10, s2, s11, $0xb8;
	[tilespmem:$0x12800] =	vst v63  }
0xff: {  	_ =	swait.ge @!p1 [sflag:s9], $0x800  }
0x100: {  	[sflag:s9] =	ssyncset.done @!p1 $0x0  }
0x101: {  	s2 =	sadd.s32 @!p1 $0x2E00, s0;
	s7 =	sadd.s32 @!p1 $0x7800, s1;
	[sflag:s9] =	ssyncadd.s32 @!p1 $0xFFFFF800  }
0x102: {  	[spmem:s3] =	stream.indirect.scatter.add.f32 @!p1 [tilespmem:s7], [sflag:$0x2], $0x10, s2, s11, $0xb8;
	[tilespmem:$0x12800] =	vst v63  }
0x103: {  	_ =	swait.ge @!p1 [sflag:s9], $0x800  }
0x104: {  	[sflag:s9] =	ssyncset.done @!p1 $0x0  }
0x105: {  	s2 =	sadd.s32 @!p1 $0x2E80, s0;
	s7 =	sor.u32 @!p1 $0x8000, s1;
	[sflag:s9] =	ssyncadd.s32 @!p1 $0xFFFFF800  }
0x106: {  	[spmem:s3] =	stream.indirect.scatter.add.f32 @!p1 [tilespmem:s7], [sflag:$0x2], $0x10, s2, s11, $0xb8;
	[tilespmem:$0x12800] =	vst v63  }
0x107: {  	_ =	swait.ge @!p1 [sflag:s9], $0x800  }
0x108: {  	[sflag:s9] =	ssyncset.done @!p1 $0x0  }
0x109: {  	s2 =	sadd.s32 @!p1 $0x2F00, s0;
	s7 =	sor.u32 @!p1 $0x8800, s1;
	[sflag:s9] =	ssyncadd.s32 @!p1 $0xFFFFF800  }
0x10a: {  	[spmem:s3] =	stream.indirect.scatter.add.f32 @!p1 [tilespmem:s7], [sflag:$0x2], $0x10, s2, s11, $0xb8;
	[tilespmem:$0x12800] =	vst v63  }
0x10b: {  	_ =	swait.ge @!p1 [sflag:s9], $0x800  }
0x10c: {  	[sflag:s9] =	ssyncset.done @!p1 $0x0  }
0x10d: {  	s1 =	sor.u32 @!p1 $0x9000, s1;
	s0 =	sadd.s32 @!p1 $0x2F80, s0;
	[sflag:s9] =	ssyncadd.s32 @!p1 $0xFFFFF800  }
0x10e: {  	[spmem:s3] =	stream.indirect.scatter.add.f32 @!p1 [tilespmem:s1], [sflag:$0x2], $0x10, s0, s11, $0xb8;
	[tilespmem:$0x12800] =	vst v63  }
0x10f: {  	s0 =	simm.s32 @!p0 $0x2  }
0x110: {  	_ =	swait.ge @!p0 [sflag:s0], $0x800  }
0x111: {  	[sflag:s0] =	ssyncset.done @!p0 $0x0  }
0x112: {  	[sflag:s0] =	ssyncadd.s32 @!p0 $0xFFFFF800  }
0x113: {  	_ =	swait.ge @!p0 [sflag:s0], $0x800  }
0x114: {  	[sflag:s0] =	ssyncset.done @!p0 $0x0  }
0x115: {  	[sflag:s0] =	ssyncadd.s32 @!p0 $0xFFFFF800  }
0x116: {  	_ =	swait.ge @!p0 [sflag:s0], $0x800  }
0x117: {  	[sflag:s0] =	ssyncset.done @!p0 $0x0  }
0x118: {  	[sflag:s0] =	ssyncadd.s32 @!p0 $0xFFFFF800  }
0x119: {  	_ =	swait.ge @!p0 [sflag:s0], $0x800  }
0x11a: {  	[sflag:s0] =	ssyncset.done @!p0 $0x0  }
0x11b: {  	[sflag:s0] =	ssyncadd.s32 @!p0 $0xFFFFF800  }
0x11c: {  	_ =	swait.ge @!p0 [sflag:s0], $0x800  }
0x11d: {  	[sflag:s0] =	ssyncset.done @!p0 $0x0  }
0x11e: {  	[sflag:s0] =	ssyncadd.s32 @!p0 $0xFFFFF800  }
0x11f: {  	_ =	swait.ge @!p0 [sflag:s0], $0x800  }
0x120: {  	[sflag:s0] =	ssyncset.done @!p0 $0x0  }
0x121: {  	[sflag:s0] =	ssyncadd.s32 @!p0 $0xFFFFF800  }
0x122: {  	_ =	swait.ge @!p0 [sflag:s0], $0x800  }
0x123: {  	[sflag:s0] =	ssyncset.done @!p0 $0x0  }
0x124: {  	[sflag:s0] =	ssyncadd.s32 @!p0 $0xFFFFF800  }
0x125: {  	_ =	swait.ge @!p0 [sflag:s0], $0x800  }
0x126: {  	[sflag:s0] =	ssyncset.done @!p0 $0x0  }
0x127: {  	[sflag:s0] =	ssyncadd.s32 @!p0 $0xFFFFF800  }
0x128: {  	[bflag:$0x0] =	sbarrier.arrive $0xFFFF  }
0x129: {  	s29 =	sor.u32 $0x1C03, s8;
	s30 =	rddreg [dreg:$0x8]  }
0x12a: {  	[hbm:s30], [sflag:s29] =	dma.local [spmem:s15], $0x500  }
0x12b: {  	_ =	swait.ge [sflag:s14], $0x500  }
0x12c: {  	s20 =	sadd.s32 $0x1, s20;
	s31 =	rddreg [dreg:$0x9]  }
0x12d: {  	p1 =	sne.s32 s20, s31  }
.Ltmp1:
0x12e: {  	_ = 	snop;
	(pc) =	sbr.rel @p1 .LBB2_1-.Ltmp1, $3  }
0x12f: {  	_ =	sdelay $0x1  }
0x130: {  	[sflag:s14] =	ssyncset.done $0x0  }
0x131: {  	[sflag:s14] =	ssyncadd.s32 $0xFFFFFB00  }
0x132: {  	_ =	sfence.sel $0x180000  }
0x133: {  	[bflag:$0x0] =	sbarrier.arrive $0xFFFF  }
0x134: {  	_ =	strace $0x9000004D  }
0x135: {  	s0 =	stileid.u32;
	[bflag:$0x2] =	sbarrier.arrive $0xFFFF  }
0x136: {  	p0 =	sne.s32 s0, $0x0;
	s0 =	rddreg [dreg:$0x4]  }
0x137: {  	s0 =	sadd.s32 @!p0 $0x100000, s0  }
0x138: {  	[sflag:s0] =	ssyncadd.tile.s32 @!p0 $0x1;
	_ =	shalt  }
.Lfunc_end2:
_tile_overlayer_lowered:
.L_overlay_start_2:
0x139: {  	(tag) =	ssettag $0x2  }
0x13a: {  	s0 =	rddreg [dreg:$0x0];
	s2 =	stileid.u32  }
0x13b: {  	s1 =	rddreg [dreg:$0x1];
	p0 =	sne.s32 s2, $0x0  }
0x13c: {  	s3 =	rddreg [dreg:$0x2];
	[bflag:$0x3] =	sbarrier.arrive $0xFFFF;
	s2 =	simm.s32 @!p0 $0x1C03  }
0x13d: {  	[timem:s3], [sflag:s2] =	dma.local @!p0 [hbm:s0], s1  }
0x13e: {  	s0 =	simm.s32 @!p0 $0x3  }
0x13f: {  	_ =	swait.ge @!p0 [sflag:s0], s1  }
0x140: {  	s1 =	ssub.s32 @!p0 $0x0, s1;
	[sflag:s0] =	ssyncset.done @!p0 $0x0  }
0x141: {  	[sflag:s0] =	ssyncadd.s32 @!p0 s1  }
0x142: {  	[bflag:$0x3] =	sbarrier.arrive $0xFFFF  }
0x143: {  	_ =	shalt  }

// kernel: kernel.9.cloned.1.call-start
scs
__scs_entry_jumppad:
0x0: {  	(pc) =	sbr.rel $0x88, $3  }
0x1: {  	(tag) =	ssettag $0x0;
	lr =	simm.s32 $0x1  }
0x2: {  	[smem:$0x3F9D] =	sst lr;
	_ =	strace $0xD0000000  }
0x3: {  	_ = 	snop  }
0x4: {  	_ = 	snop  }
0x5: {  	_ = 	snop  }
0x6: {  	_ = 	snop  }
0x7: {  	_ = 	snop  }
__scs_overlays_trampoline_lowered:
0x8: {  	[smem:$0x3FAC] =	sst s0  }
0x9: {  	[smem:$0x3FAD] =	sst s1  }
0xa: {  	[smem:$0x3FAE] =	sst s2  }
0xb: {  	[smem:$0x3FAF] =	sst s3  }
0xc: {  	[smem:$0x3FB0] =	sst s4  }
0xd: {  	[smem:$0x3FB1] =	sst s5  }
0xe: {  	[smem:$0x3FB2] =	sst s6  }
0xf: {  	[smem:$0x3FB3] =	sst s7  }
0x10: {  	[smem:$0x3FB4] =	sst s8  }
0x11: {  	[smem:$0x3FB5] =	sst s9;
	s0 =	simm.s32 @!p0 $0x0  }
0x12: {  	s1 =	sld [smem:$0x3F9B];
	s0 =	simm.s32 @p0 $0x1  }
0x13: {  	[smem:$0x3FB6] =	sst s0;
	s0 =	simm.s32 @!p1 $0x0  }
0x14: {  	s2 =	sld [smem:$0x3F9A];
	s0 =	simm.s32 @p1 $0x1  }
0x15: {  	[smem:$0x3FB7] =	sst s0;
	s0 =	simm.s32 @!p2 $0x0  }
0x16: {  	s3 =	sld [smem:$0x3FDB];
	s0 =	simm.s32 @p2 $0x1  }
0x17: {  	s4 =	simm.s32 $0x1BF5;
	[smem:$0x3FB9] =	sst s0  }
0x18: {  	s0 =	sld [smem:$0x3F9C];
	_ =	swait.ge [sflag:s4], $0x0  }
0x19: {  	s7 =	sld [smem:$0x3F9D]  }
0x1a: {  	s8 =	sadd.s32 $0xFFFFE003, lr  }
0x1b: {  	s9 =	sadd.s32 $0xFFFFFEF7, lr;
	s5 =	simm.s32 $0xFFFFFFFF;
	p2 =	slt.u32 s8, $0xFFFFF086  }
0x1c: {  	p1 =	slt.u32 s9, $0xF7A;
	s5 =	simm.s32 @!p2 $0x0  }
0x1d: {  	s5 =	simm.s32 @p1 $0x1;
	p0 =	seq.s32 s7, s2  }
0x1e: {  	s7 =	smul.u32 @!p0 $0xF7A, s2;
	p2 =	seq.s32 @!p0 s5, $0x0  }
0x1f: {  	s9 =	smul.u32 $0xF7A, s1;
	s8 =	simm.s32 @!p0 $0x1BF5;
	p2 =	por !p2, p0  }
0x20: {  	[sflag:s8] =	ssyncset.s32 @!p0 $0xFFFFF086;
	s6 =	sadd.s32 @!p0 s3, s7;
	s7 =	simm.s32 @!p0 $0x108  }
0x21: {  	s3 =	sadd.s32 s3, s9;
	s6 =	sadd.s32 @!p0 $0x88, s6;
	s7 =	simm.s32 @p2 $0x1082  }
0x22: {  	[simem:s7], [sflag:s8] =	dma.local @!p0 [hbm:s6], $0xF7A  }
0x23: {  	s9 =	sor.u32 $0xD0000000, s2;
	s6 =	simm.s32 $0x108;
	_ =	swait.ge @!p0 [sflag:s8], $0x0  }
0x24: {  	s3 =	sadd.s32 $0x88, s3;
	s6 =	simm.s32 @!p1 $0x1082;
	[sflag:s4] =	ssyncset.s32 $0xFFFFF086  }
0x25: {  	[simem:s6], [sflag:s4] =	dma.local [hbm:s3], $0xF7A  }
0x26: {  	[smem:$0x3F9D] =	sst s1;
	(tag) =	ssettag s2;
	_ =	strace s9  }
0x27: {  	s1 =	sld [smem:$0x3FAD]  }
0x28: {  	s2 =	sld [smem:$0x3FAE]  }
0x29: {  	s4 =	sld [smem:$0x3FB0]  }
0x2a: {  	p0 =	seq.s32 s5, $0x0;
	s5 =	sld [smem:$0x3FB1]  }
0x2b: {  	s6 =	sld [smem:$0x3FB2]  }
0x2c: {  	s7 =	sld [smem:$0x3FB3]  }
0x2d: {  	s3 =	simm.s32 $0x108;
	s8 =	sld [smem:$0x3FB4]  }
0x2e: {  	s3 =	simm.s32 @!p0 $0x1082;
	s9 =	sld [smem:$0x3FB5]  }
0x2f: {  	lr =	sadd.s32 s0, s3;
	s0 =	sld [smem:$0x3FAC]  }
0x30: {  	s3 =	sld [smem:$0x3FAF]  }
0x31: {  	[smem:$0x3FB8] =	sst s10  }
0x32: {  	s10 =	sld [smem:$0x3FB6];
	_ =	sdelay $0x3  }
0x33: {  	p0 =	seq.s32 s10, $0x1;
	s10 =	sld [smem:$0x3FB8];
	_ =	sdelay $0x3  }
0x34: {  	[smem:$0x3FB8] =	sst s10  }
0x35: {  	s10 =	sld [smem:$0x3FB7];
	_ =	sdelay $0x3  }
0x36: {  	p1 =	seq.s32 s10, $0x1;
	s10 =	sld [smem:$0x3FB8];
	_ =	sdelay $0x3  }
0x37: {  	[smem:$0x3FB8] =	sst s10  }
0x38: {  	s10 =	sld [smem:$0x3FB9]  }
0x39: {  	_ = 	snop;
	(pc) =	sbr.ind lr, $3  }
0x3a: {  	_ = 	snop  }
0x3b: {  	_ = 	snop  }
0x3c: {  	p2 =	seq.s32 s10, $0x1;
	s10 =	sld [smem:$0x3FB8]  }
0x3d: {  	_ =	shalt  }
0x3e: {  	_ =	shalt  }
0x3f: {  	_ =	shalt  }
0x40: {  	_ =	shalt  }
0x41: {  	_ =	shalt  }
0x42: {  	_ =	shalt  }
0x43: {  	_ =	shalt  }
0x44: {  	_ =	shalt  }
0x45: {  	_ =	shalt  }
0x46: {  	_ =	shalt  }
0x47: {  	_ =	shalt  }
0x48: {  	_ =	shalt  }
0x49: {  	_ =	shalt  }
0x4a: {  	_ =	shalt  }
0x4b: {  	_ =	shalt  }
0x4c: {  	_ =	shalt  }
0x4d: {  	_ =	shalt  }
0x4e: {  	_ =	shalt  }
0x4f: {  	_ =	shalt  }
0x50: {  	_ =	shalt  }
0x51: {  	_ =	shalt  }
0x52: {  	_ =	shalt  }
0x53: {  	_ =	shalt  }
0x54: {  	_ =	shalt  }
0x55: {  	_ =	shalt  }
0x56: {  	_ =	shalt  }
0x57: {  	_ =	shalt  }
0x58: {  	_ =	shalt  }
0x59: {  	_ =	shalt  }
0x5a: {  	_ =	shalt  }
0x5b: {  	_ =	shalt  }
0x5c: {  	_ =	shalt  }
0x5d: {  	_ =	shalt  }
0x5e: {  	_ =	shalt  }
0x5f: {  	_ =	shalt  }
0x60: {  	_ =	shalt  }
0x61: {  	_ =	shalt  }
0x62: {  	_ =	shalt  }
0x63: {  	_ =	shalt  }
0x64: {  	_ =	shalt  }
0x65: {  	_ =	shalt  }
0x66: {  	_ =	shalt  }
0x67: {  	_ =	shalt  }
0x68: {  	_ =	shalt  }
0x69: {  	_ =	shalt  }
0x6a: {  	_ =	shalt  }
0x6b: {  	_ =	shalt  }
0x6c: {  	_ =	shalt  }
0x6d: {  	_ =	shalt  }
0x6e: {  	_ =	shalt  }
0x6f: {  	_ =	shalt  }
0x70: {  	_ =	shalt  }
0x71: {  	_ =	shalt  }
0x72: {  	_ =	shalt  }
0x73: {  	_ =	shalt  }
0x74: {  	_ =	shalt  }
0x75: {  	_ =	shalt  }
0x76: {  	_ =	shalt  }
0x77: {  	_ =	shalt  }
0x78: {  	_ =	shalt  }
0x79: {  	_ =	shalt  }
0x7a: {  	_ =	shalt  }
0x7b: {  	_ =	shalt  }
0x7c: {  	_ =	shalt  }
0x7d: {  	_ =	shalt  }
0x7e: {  	_ =	shalt  }
0x7f: {  	_ =	shalt  }
0x80: {  	_ =	shalt  }
0x81: {  	_ =	shalt  }
0x82: {  	_ =	shalt  }
0x83: {  	_ =	shalt  }
0x84: {  	_ =	shalt  }
0x85: {  	_ =	shalt  }
0x86: {  	_ =	shalt  }
0x87: {  	_ =	shalt  }
.Lfunc_end0:
.L_simem_size_0:
called_computation_lowered:
.L_overlay_start_0:
0x88: {  	s2 =	sld [smem:$0x3FD9]  }
0x89: {  	s3 =	sld [smem:$0x3FFE];
	_ =	sdelay $0x1  }
0x8a: {  	s1 =	srdreg.scid  }
0x8b: {  	s0 =	sand.u32 $0x1, s1  }
0x8c: {  	s17 =	sshll.u32 s0, $0xA;
	s2 =	sadd.s32 s3, s2  }
0x8d: {  	s2 =	sadd.s32 s2, s17  }
0x8e: {  	[smem:$0x3FC4] =	sst s2  }
0x8f: {  	_ = 	snop  }
0x90: {  	s2 =	sld [smem:$0x3FD0];
	(tm) =	ssettm $0x1  }
0x91: {  	s18 =	sld [smem:$0x3FFB];
	_ =	sdelay $0x3  }
0x92: {  	_ =	strace s18  }
0x93: {  	s3 =	sld [smem:$0x3FFC];
	_ =	sdelay $0x3  }
0x94: {  	_ =	strace s3  }
0x95: {  	s3 =	sld [smem:$0x3FFD];
	_ =	sdelay $0x3  }
0x96: {  	_ =	strace s3  }
0x97: {  	_ =	strace $0x8FFFFFFF  }
0x98: {  	s19 =	sld [smem:$0x3FDB];
	_ =	sdelay $0x1  }
0x99: {  	s4 =	simm.s32 $_scs_section_size  }
0x9a: {  	s5 =	simm.s32 $_size__tile_overlayer_lowered;
	s6 =	simm.s32 $_tile_overlayer_lowered  }
0x9b: {  	s22 =	simm.s32 $0x1BFF;
	s21 =	sshll.u32 s6, $0x1;
	s3 =	sadd.s32 s4, s19  }
0x9c: {  	s7 =	simm.s32 $0x0;
	s20 =	sshll.u32 s5, $0x1;
	s5 =	sadd.s32 s21, s3  }
0x9d: {  	[timem:s7], [sflag:s22] =	dma.local [hbm:s5], s20  }
0x9e: {  	_ =	swait.ge [sflag:s22], s20  }
0x9f: {  	s4 =	ssub.s32 $0x0, s20;
	[sflag:s22] =	ssyncset.done $0x0  }
0xa0: {  	[sflag:s22] =	ssyncadd.s32 s4;
	_ =	sdelay $0x1  }
0xa1: {  	s23 =	simm.s32 $0x1B8B  }
0xa2: {  	_ =	swait.ge [sflag:s23], $0x1  }
0xa3: {  	[sflag:s23] =	ssyncset.done $0x0  }
0xa4: {  	s25 =	simm.s32 $0x1B8E;
	s24 =	sld [smem:$0x3FFE];
	[sflag:s23] =	ssyncadd.s32 $0xFFFFFFFF  }
0xa5: {  	s26 =	simm.s32 $execute0_lowered;
	[smem:$0x3FD2] =	sst s25  }
0xa6: {  	s5 =	sshll.u32 s26, $0x1;
	_ =	strace $0x80000046;
	[dreg:$0x1] =	wrdreg $0xFFFFFFFF  }
0xa7: {  	s28 =	simm.s32 $_size_execute0_lowered;
	s3 =	sadd.s32 s3, s5;
	[dreg:$0x0] =	wrdreg $0x0  }
0xa8: {  	s5 =	sshll.u32 s28, $0x1;
	[dreg:$0x2] =	wrdreg s3  }
0xa9: {  	[dreg:$0x3] =	wrdreg s5  }
0xaa: {  	[dreg:$0x4] =	wrdreg $0xC0  }
0xab: {  	_ =	task [dreg:s7], $0x5FFFF  }
0xac: {  	[dreg:$0x1] =	wrdreg $0xFFFFFFFF  }
0xad: {  	[dreg:$0x0] =	wrdreg $0x60  }
0xae: {  	[dreg:$0x2] =	wrdreg s24  }
0xaf: {  	[dreg:$0x3] =	wrdreg s2  }
0xb0: {  	[dreg:$0x4] =	wrdreg $0x3C000  }
0xb1: {  	[dreg:$0x5] =	wrdreg $0x9  }
0xb2: {  	_ =	task.clear_ibuf [dreg:s7], $0x6FFFF;
	_ =	strace $0x90000046  }
0xb3: {  	s29 =	simm.s32 $0x9;
	_ =	strace $0x80000048  }
0xb4: {  	_ =	swait.ge [sflag:s29], $0x1  }
0xb5: {  	[sflag:s29] =	ssyncadd.s32 $0xFFFFFFFF  }
0xb6: {  	_ =	strace $0x90000048  }
0xb7: {  	_ =	sfence  }
0xb8: {  	s30 =	sld [smem:$0x0];
	_ =	sdelay $0x2  }
0xb9: {  	s31 =	sshll.u32 s1, $0xD;
	s1 =	sshrl.u32 s1, $0x2  }
0xba: {  	s3 =	sand.u32 $0x4000, s31;
	s1 =	sadd.s32 s1, s30  }
0xbb: {  	s0 =	sor.u32 s3, s0;
	s1 =	sshll.u32 s1, $0x11  }
0xbc: {  	s0 =	sor.u32 s1, s0  }
0xbd: {  	s0 =	sadd.s32 $0x8F2B, s0  }
0xbe: {  	[sflag:s0] =	ssyncadd.remote.s32 $0x1  }
0xbf: {  	_ =	sfence.sel $0xFFFF  }
0xc0: {  	[dreg:$0x0] =	wrdreg $0xFFFFFFFF;
	(pc) =	sbr.abs _section_cstart, $3  }
0xc1: {  	[dreg:$0x1] =	wrdreg $0xFFFFFFFF  }
0xc2: {  	_ =	task.clear_ibuf [dreg:s7], $0x2FFFF;
	_ =	strace $0x9FFFFFFF  }
0xc3: {  	(tm) =	ssettm $0x7FFFFFFF  }
tec
execute0_lowered:
.L_overlay_start_1:
0x0: {  	(tag) =	ssettag $0x1  }
0x1: {  	s6 =	rddreg [dreg:$0x0]  }
0x2: {  	s2 =	rddreg [dreg:$0x1]  }
0x3: {  	s3 =	rddreg [dreg:$0x2]  }
0x4: {  	s0 =	stileid.u32;
	s4 =	srdreg.scid  }
0x5: {  	s1 =	rddreg [dreg:$0x3];
	s13 =	simm.s32 $0x1;
	s5 =	smul.u32 $0x38, s0  }
0x6: {  	s16 =	simm.s32 $0x0;
	s14 =	sand.u32 $0x1, s4;
	s7 =	smul.u32 $0x68, s0  }
0x7: {  	s8 =	smul.u32 $0x2800, s0;
	s4 =	simm.s32 $0x0;
	s15 =	sshll.u32 s0, $0x6  }
0x8: {  	p0 =	seq.s32 s14, $0x0;
	s30 =	smul.u32 $0x28000, s14;
	[smem:$0x7FF] =	sst s4  }
0x9: {  	s10 =	ssub.s32 $0x2, s14;
	s5 =	sadd.s32 $0x680, s5;
	_ =	strace $0x80000047  }
0xa: {  	s31 =	sshrl.u32 s10, $0x1;
	s12 =	sadd.s32 s8, s3;
	s5 =	smov.u32 @p0 s7  }
0xb: {  	s7 =	sadd.s32 s8, s30;
	s10 =	ssub.s32 s10, s31;
	s5 =	sshll.u32 s5, $0x4  }
0xc: {  	s8 =	sor.u32 $0x1C01, s15;
	s7 =	sshrl.u32 s7, $0x3;
	s9 =	sadd.s32 s5, s6  }
0xd: {  	s5 =	sadd.s32 $0x16800, s6;
	s11 =	sadd.s32 s7, s6;
	s6 =	simm.s32 $0xD  }
0xe: {  	s12 =	sshrl.u32 s12, $0x3;
	s10 =	smax.u32 s10, $0x1;
	s6 =	simm.s32 @!p0 $0x7  }
0xf: {  	s7 =	sadd.s32 $0xC800, s9;
	s9 =	sadd.s32 $0x16A00, s11;
	s11 =	simm.s32 $0x3400  }
0x10: {  	p0 =	sne.s32 s14, $0x0;
	s14 =	sor.u32 $0x1C02, s15;
	s15 =	simm.s32 $0x2  }
.LBB2_1:
0x11: {  	[tilespmem:s4], [sflag:$0x1] =	stream.linear.gather [hbm4b:s7+s4], $0x3400, $0x38;
	[tilespmem:$0x6400] =	vst v63  }
0x12: {  	_ = 	snop  }
0x13: {  	[tilespmem:s11], [sflag:$0x1] =	stream.linear.gather [hbm4b:s5+s4], $0x800, $0x38;
	[tilespmem:$0x6400] =	vst v63  }
0x14: {  	[spmem:s12], [sflag:s8] =	dma.local [hbm:s2], $0x500  }
0x15: {  	_ =	swait.ge [sflag:s13], $0x3400  }
0x16: {  	[sflag:s13] =	ssyncset.done $0x0  }
0x17: {  	[sflag:s13] =	ssyncadd.s32 $0xFFFFCC00  }
0x18: {  	_ =	swait.ge [sflag:s13], $0x800  }
0x19: {  	[sflag:s13] =	ssyncset.done $0x0  }
0x1a: {  	[sflag:s13] =	ssyncadd.s32 $0xFFFFF800  }
0x1b: {  	_ =	swait.ge [sflag:s13], $0x500  }
0x1c: {  	p2 =	sle.u32 s6, $0x0;
	[sflag:s13] =	ssyncset.done $0x0  }
0x1d: {  	s17 =	simm.s32 @!p2 $0x0;
	[sflag:s13] =	ssyncadd.s32 $0xFFFFFB00  }
0x1e: {  	s18 =	simm.s32 @!p2 $0x80;
	s19 =	simm.s32 @!p2 $0x3400;
	[bflag:$0x0] =	sbarrier.arrive $0xFFFF  }
0x1f: {  	[spmem:s3] =	stream.indirect.scatter.add.f32 @!p2 [tilespmem:s19], [sflag:$0x1], $0x10, s17, s18, $0xb8;
	[tilespmem:$0x6400] =	vst v63  }
0x20: {  	s17 =	simm.s32 @!p2 $0x80  }
0x21: {  	[spmem:s3] =	stream.indirect.scatter.add.f32 @!p2 [tilespmem:s19], [sflag:$0x1], $0x10, s17, s18, $0xb8;
	[tilespmem:$0x6400] =	vst v63  }
0x22: {  	s17 =	simm.s32 @!p2 $0x100  }
0x23: {  	[spmem:s3] =	stream.indirect.scatter.add.f32 @!p2 [tilespmem:s19], [sflag:$0x1], $0x10, s17, s18, $0xb8;
	[tilespmem:$0x6400] =	vst v63  }
0x24: {  	s17 =	simm.s32 @!p2 $0x180  }
0x25: {  	[spmem:s3] =	stream.indirect.scatter.add.f32 @!p2 [tilespmem:s19], [sflag:$0x1], $0x10, s17, s18, $0xb8;
	[tilespmem:$0x6400] =	vst v63  }
0x26: {  	s17 =	simm.s32 @!p2 $0x200  }
0x27: {  	[spmem:s3] =	stream.indirect.scatter.add.f32 @!p2 [tilespmem:s19], [sflag:$0x1], $0x10, s17, s18, $0xb8;
	[tilespmem:$0x6400] =	vst v63  }
0x28: {  	s17 =	simm.s32 @!p2 $0x280  }
0x29: {  	[spmem:s3] =	stream.indirect.scatter.add.f32 @!p2 [tilespmem:s19], [sflag:$0x1], $0x10, s17, s18, $0xb8;
	[tilespmem:$0x6400] =	vst v63  }
0x2a: {  	s17 =	simm.s32 @!p2 $0x300  }
0x2b: {  	[spmem:s3] =	stream.indirect.scatter.add.f32 @!p2 [tilespmem:s19], [sflag:$0x1], $0x10, s17, s18, $0xb8;
	[tilespmem:$0x6400] =	vst v63  }
0x2c: {  	p1 =	sle.u32 s6, $0xFFFFFFFF;
	s17 =	simm.s32 $0x380  }
0x2d: {  	[spmem:s3] =	stream.indirect.scatter.add.f32 @!p2 [tilespmem:s19], [sflag:$0x1], $0x10, s17, s18, $0xb8;
	[tilespmem:$0x6400] =	vst v63  }
0x2e: {  	s19 =	simm.s32 @!p1 $0x1  }
0x2f: {  	_ =	swait.ge @!p1 [sflag:s19], $0x800  }
0x30: {  	[sflag:s19] =	ssyncset.done @!p1 $0x0  }
0x31: {  	[sflag:s19] =	ssyncadd.s32 @!p1 $0xFFFFF800  }
0x32: {  	_ =	swait.ge @!p1 [sflag:s19], $0x800  }
0x33: {  	[sflag:s19] =	ssyncset.done @!p1 $0x0  }
0x34: {  	[sflag:s19] =	ssyncadd.s32 @!p1 $0xFFFFF800  }
0x35: {  	_ =	swait.ge @!p1 [sflag:s19], $0x800  }
0x36: {  	[sflag:s19] =	ssyncset.done @!p1 $0x0  }
0x37: {  	[sflag:s19] =	ssyncadd.s32 @!p1 $0xFFFFF800  }
0x38: {  	_ =	swait.ge @!p1 [sflag:s19], $0x800  }
0x39: {  	[sflag:s19] =	ssyncset.done @!p1 $0x0  }
0x3a: {  	[sflag:s19] =	ssyncadd.s32 @!p1 $0xFFFFF800  }
0x3b: {  	_ =	swait.ge @!p1 [sflag:s19], $0x800  }
0x3c: {  	[sflag:s19] =	ssyncset.done @!p1 $0x0  }
0x3d: {  	[sflag:s19] =	ssyncadd.s32 @!p1 $0xFFFFF800  }
0x3e: {  	_ =	swait.ge @!p1 [sflag:s19], $0x800  }
0x3f: {  	p2 =	por $0x1, $0x1;
	[sflag:s19] =	ssyncset.done @!p1 $0x0  }
.Ltmp0:
0x40: {  	[sflag:s19] =	ssyncadd.s32 @!p1 $0xFFFFF800;
	(pc) =	sbr.rel @!p2 .LBB2_3-.Ltmp0, $4  }
0x41: {  	_ =	swait.ge @!p1 [sflag:s19], $0x800  }
0x42: {  	[sflag:s19] =	ssyncset.done @!p1 $0x0  }
0x43: {  	[sflag:s19] =	ssyncadd.s32 @!p1 $0xFFFFF800  }
0x44: {  	s18 =	simm.s32 $0x1;
	_ =	swait.ge @!p1 [sflag:s19], $0x800  }
.LBB2_2:
0x45: {  	[sflag:s19] =	ssyncset.done @!p1 $0x0;
	s17 =	sadd.s32 $0x400, s17  }
0x46: {  	p2 =	sge.u32 s18, s6;
	[sflag:s19] =	ssyncadd.s32 @!p1 $0xFFFFF800  }
0x47: {  	s19 =	sadd.s32 @!p2 $0xFFFFFC80, s17;
	s20 =	simm.s32 @!p2 $0x80;
	s21 =	simm.s32 @!p2 $0x3400  }
0x48: {  	[spmem:s3] =	stream.indirect.scatter.add.f32 @!p2 [tilespmem:s21], [sflag:$0x1], $0x10, s19, s20, $0xb8;
	[tilespmem:$0x6400] =	vst v63  }
0x49: {  	s19 =	sadd.s32 @!p2 $0xFFFFFD00, s17  }
0x4a: {  	[spmem:s3] =	stream.indirect.scatter.add.f32 @!p2 [tilespmem:s21], [sflag:$0x1], $0x10, s19, s20, $0xb8;
	[tilespmem:$0x6400] =	vst v63  }
0x4b: {  	s19 =	sadd.s32 @!p2 $0xFFFFFD80, s17  }
0x4c: {  	[spmem:s3] =	stream.indirect.scatter.add.f32 @!p2 [tilespmem:s21], [sflag:$0x1], $0x10, s19, s20, $0xb8;
	[tilespmem:$0x6400] =	vst v63  }
0x4d: {  	s19 =	sadd.s32 @!p2 $0xFFFFFE00, s17  }
0x4e: {  	[spmem:s3] =	stream.indirect.scatter.add.f32 @!p2 [tilespmem:s21], [sflag:$0x1], $0x10, s19, s20, $0xb8;
	[tilespmem:$0x6400] =	vst v63  }
0x4f: {  	s19 =	sadd.s32 @!p2 $0xFFFFFE80, s17  }
0x50: {  	[spmem:s3] =	stream.indirect.scatter.add.f32 @!p2 [tilespmem:s21], [sflag:$0x1], $0x10, s19, s20, $0xb8;
	[tilespmem:$0x6400] =	vst v63  }
0x51: {  	s19 =	sadd.s32 @!p2 $0xFFFFFF00, s17  }
0x52: {  	[spmem:s3] =	stream.indirect.scatter.add.f32 @!p2 [tilespmem:s21], [sflag:$0x1], $0x10, s19, s20, $0xb8;
	[tilespmem:$0x6400] =	vst v63  }
0x53: {  	s18 =	sadd.s32 $0xFFFFFFFF, s18;
	s19 =	sadd.s32 @!p2 $0xFFFFFF80, s17  }
0x54: {  	[spmem:s3] =	stream.indirect.scatter.add.f32 @!p2 [tilespmem:s21], [sflag:$0x1], $0x10, s19, s20, $0xb8;
	[tilespmem:$0x6400] =	vst v63  }
0x55: {  	p1 =	sge.u32 s18, s6;
	s18 =	sadd.s32 $0x2, s18  }
0x56: {  	[spmem:s3] =	stream.indirect.scatter.add.f32 @!p2 [tilespmem:s21], [sflag:$0x1], $0x10, s17, s20, $0xb8;
	[tilespmem:$0x6400] =	vst v63  }
0x57: {  	s19 =	simm.s32 @!p1 $0x1;
	p2 =	sne.s32 s18, $0xD  }
0x58: {  	_ =	swait.ge @!p1 [sflag:s19], $0x800  }
0x59: {  	[sflag:s19] =	ssyncset.done @!p1 $0x0  }
0x5a: {  	[sflag:s19] =	ssyncadd.s32 @!p1 $0xFFFFF800  }
0x5b: {  	_ =	swait.ge @!p1 [sflag:s19], $0x800  }
0x5c: {  	[sflag:s19] =	ssyncset.done @!p1 $0x0  }
0x5d: {  	[sflag:s19] =	ssyncadd.s32 @!p1 $0xFFFFF800  }
0x5e: {  	_ =	swait.ge @!p1 [sflag:s19], $0x800  }
0x5f: {  	[sflag:s19] =	ssyncset.done @!p1 $0x0  }
0x60: {  	[sflag:s19] =	ssyncadd.s32 @!p1 $0xFFFFF800  }
0x61: {  	_ =	swait.ge @!p1 [sflag:s19], $0x800  }
0x62: {  	[sflag:s19] =	ssyncset.done @!p1 $0x0  }
0x63: {  	[sflag:s19] =	ssyncadd.s32 @!p1 $0xFFFFF800  }
0x64: {  	_ =	swait.ge @!p1 [sflag:s19], $0x800  }
0x65: {  	[sflag:s19] =	ssyncset.done @!p1 $0x0  }
0x66: {  	[sflag:s19] =	ssyncadd.s32 @!p1 $0xFFFFF800  }
0x67: {  	_ =	swait.ge @!p1 [sflag:s19], $0x800  }
0x68: {  	[sflag:s19] =	ssyncset.done @!p1 $0x0  }
.Ltmp1:
0x69: {  	[sflag:s19] =	ssyncadd.s32 @!p1 $0xFFFFF800;
	(pc) =	sbr.rel @p2 .LBB2_2-.Ltmp1, $4  }
0x6a: {  	_ =	swait.ge @!p1 [sflag:s19], $0x800  }
0x6b: {  	[sflag:s19] =	ssyncset.done @!p1 $0x0  }
0x6c: {  	[sflag:s19] =	ssyncadd.s32 @!p1 $0xFFFFF800  }
0x6d: {  	_ =	swait.ge @!p1 [sflag:s19], $0x800  }
.LBB2_3:
0x6e: {  	[sflag:s19] =	ssyncset.done @!p1 $0x0  }
0x6f: {  	s17 =	simm.s32 @!p0 $0x1;
	[sflag:s19] =	ssyncadd.s32 @!p1 $0xFFFFF800  }
0x70: {  	_ =	swait.ge @!p0 [sflag:s17], $0x800  }
0x71: {  	[sflag:s17] =	ssyncset.done @!p0 $0x0  }
0x72: {  	[sflag:s17] =	ssyncadd.s32 @!p0 $0xFFFFF800  }
0x73: {  	_ =	swait.ge @!p0 [sflag:s17], $0x800  }
0x74: {  	[sflag:s17] =	ssyncset.done @!p0 $0x0  }
0x75: {  	[sflag:s17] =	ssyncadd.s32 @!p0 $0xFFFFF800  }
0x76: {  	_ =	swait.ge @!p0 [sflag:s17], $0x800  }
0x77: {  	[sflag:s17] =	ssyncset.done @!p0 $0x0  }
0x78: {  	[sflag:s17] =	ssyncadd.s32 @!p0 $0xFFFFF800  }
0x79: {  	_ =	swait.ge @!p0 [sflag:s17], $0x800  }
0x7a: {  	[sflag:s17] =	ssyncset.done @!p0 $0x0  }
0x7b: {  	[sflag:s17] =	ssyncadd.s32 @!p0 $0xFFFFF800  }
0x7c: {  	_ =	swait.ge @!p0 [sflag:s17], $0x800  }
0x7d: {  	[sflag:s17] =	ssyncset.done @!p0 $0x0  }
0x7e: {  	[sflag:s17] =	ssyncadd.s32 @!p0 $0xFFFFF800  }
0x7f: {  	_ =	swait.ge @!p0 [sflag:s17], $0x800  }
0x80: {  	[sflag:s17] =	ssyncset.done @!p0 $0x0  }
0x81: {  	[sflag:s17] =	ssyncadd.s32 @!p0 $0xFFFFF800  }
0x82: {  	_ =	swait.ge @!p0 [sflag:s17], $0x800  }
0x83: {  	[sflag:s17] =	ssyncset.done @!p0 $0x0  }
0x84: {  	[sflag:s17] =	ssyncadd.s32 @!p0 $0xFFFFF800  }
0x85: {  	_ =	swait.ge @!p0 [sflag:s17], $0x800  }
0x86: {  	s16 =	sadd.s32 $0x1, s16;
	[sflag:s17] =	ssyncset.done @!p0 $0x0  }
0x87: {  	p1 =	sne.s32 s16, s10;
	[sflag:s17] =	ssyncadd.s32 @!p0 $0xFFFFF800  }
.Ltmp2:
0x88: {  	[bflag:$0x0] =	sbarrier.arrive $0xFFFF;
	(pc) =	sbr.rel @p1 .LBB2_1-.Ltmp2, $4  }
0x89: {  	[hbm:s9], [sflag:s14] =	dma.local [spmem:s12], $0x500  }
0x8a: {  	_ =	swait.ge [sflag:s15], $0x500  }
0x8b: {  	[sflag:s15] =	ssyncset.done $0x0  }
0x8c: {  	[sflag:s15] =	ssyncadd.s32 $0xFFFFFB00  }
0x8d: {  	_ =	sfence.sel $0x180000  }
0x8e: {  	[bflag:$0x0] =	sbarrier.arrive $0xFFFF  }
0x8f: {  	p0 =	sne.s32 s0, $0x0;
	_ =	strace $0x90000047  }
0x90: {  	s0 =	sadd.s32 @!p0 $0x100000, s1;
	[bflag:$0x2] =	sbarrier.arrive $0xFFFF  }
0x91: {  	[sflag:s0] =	ssyncadd.tile.s32 @!p0 $0x1;
	_ =	shalt  }
.Lfunc_end2:
_tile_overlayer_lowered:
.L_overlay_start_2:
0x92: {  	(tag) =	ssettag $0x2  }
0x93: {  	s0 =	rddreg [dreg:$0x0];
	s2 =	stileid.u32  }
0x94: {  	s1 =	rddreg [dreg:$0x1];
	p0 =	sne.s32 s2, $0x0  }
0x95: {  	s3 =	rddreg [dreg:$0x2];
	[bflag:$0x3] =	sbarrier.arrive $0xFFFF;
	s2 =	simm.s32 @!p0 $0x1C02  }
0x96: {  	[timem:s3], [sflag:s2] =	dma.local @!p0 [hbm:s0], s1  }
0x97: {  	s0 =	simm.s32 @!p0 $0x2  }
0x98: {  	_ =	swait.ge @!p0 [sflag:s0], s1  }
0x99: {  	s1 =	ssub.s32 @!p0 $0x0, s1;
	[sflag:s0] =	ssyncset.done @!p0 $0x0  }
0x9a: {  	[sflag:s0] =	ssyncadd.s32 @!p0 s1  }
0x9b: {  	[bflag:$0x3] =	sbarrier.arrive $0xFFFF  }
0x9c: {  	_ =	shalt  }

</sc_bundles>
